<compile_context>
chip_gen: v7x
topology: tpu7x:2x2x1
jax: 0.10.2.dev20260603
libtpu: 0.0.44.dev20260713+nightly
codegen_flags: <defaults>
</compile_context>

<pallas_src>
import functools

import jax
import jax.numpy as jnp
from jax import lax
from jax.experimental import pallas as pl
from jax.experimental.pallas import tpu as pltpu
from jax.experimental.pallas import tpu_sc as plsc

BSZ, SEQ, IN_DIM, PROJ_DIM, Q = 4, 256, 768, 128, 16384
ROWS = BSZ * SEQ
TBL_ROWS = ROWS + 8
ZERO_ROW = ROWS

NC, NS = 2, 16
NW = NC * NS
QPW = Q // NW
QPI = 64
IDX_N = 2 * QPI
ISSUES = QPW // QPI
TOT = 2 * ISSUES
NBUF = 6
LOOKAHEAD = 3

PROJ_BLK = 512


def _proj_body(x_ref, w_ref, b_ref, o_ref):
    o_ref[...] = (
        jnp.dot(x_ref[...], w_ref[...], preferred_element_type=jnp.float32)
        + b_ref[...]
    )


def _project(x2d, W, b2d):
    return pl.pallas_call(
        _proj_body,
        grid=(ROWS // PROJ_BLK,),
        in_specs=[
            pl.BlockSpec((PROJ_BLK, IN_DIM), lambda i: (i, 0)),
            pl.BlockSpec((IN_DIM, PROJ_DIM), lambda i: (0, 0)),
            pl.BlockSpec((1, PROJ_DIM), lambda i: (0, 0)),
        ],
        out_specs=pl.BlockSpec((PROJ_BLK, PROJ_DIM), lambda i: (i, 0)),
        out_shape=jax.ShapeDtypeStruct((ROWS, PROJ_DIM), jnp.float32),
    )(x2d, W, b2d)


def _gather_body(table, s1, e1, qb, s2, e2, out1, out2,
                 tbl_s, zrow, s1v, e1v, qbv, s2v, e2v, idxs, rows,
                 gsems, wsems, ssem):
    sid = lax.axis_index("s")
    wid = sid * NC + lax.axis_index("c")
    qbase = wid * QPW
    rpt = ROWS // NS
    cps = [
        pltpu.async_copy(s1.at[pl.ds(qbase, QPW)], s1v, ssem),
        pltpu.async_copy(e1.at[pl.ds(qbase, QPW)], e1v, ssem),
        pltpu.async_copy(qb.at[pl.ds(qbase, QPW)], qbv, ssem),
        pltpu.async_copy(s2.at[pl.ds(qbase, QPW)], s2v, ssem),
        pltpu.async_copy(e2.at[pl.ds(qbase, QPW)], e2v, ssem),
    ]
    pltpu.sync_copy(table.at[pl.ds(sid * rpt, rpt)], tbl_s.at[pl.ds(sid * rpt, rpt)])
    for t in range(PROJ_DIM // 16):
        zrow[pl.ds(t * 16, 16)] = jnp.zeros((16,), jnp.float32)
    pltpu.sync_copy(zrow, tbl_s.at[ZERO_ROW])
    plsc.subcore_barrier()
    for c in cps:
        c.wait()

    plan = [(out1, s1v, e1v) if k < ISSUES else (out2, s2v, e2v) for k in range(TOT)]

    def compute_idx(k):
        b = k % NBUF
        _, sv, ev = plan[k]
        j = k % ISSUES
        for t in range(QPI // 16):
            qo = j * QPI + t * 16
            s = sv[pl.ds(qo, 16)]
            e = ev[pl.ds(qo, 16)]
            bb = qbv[pl.ds(qo, 16)]
            valid = e >= s
            fs = jnp.where(valid, bb * SEQ + s, ZERO_ROW)
            fe = jnp.where(valid, bb * SEQ + e, ZERO_ROW)
            idxs[b][pl.ds(t * 16, 16)] = fs
            idxs[b][pl.ds(QPI + t * 16, 16)] = fe

    def fire_gather(k):
        b = k % NBUF
        return pltpu.async_copy(tbl_s.at[idxs[b]], rows[b], gsems[b])

    def fire_write(k):
        b = k % NBUF
        out_ref, _, _ = plan[k]
        j = k % ISSUES
        qrow = qbase + j * QPI
        c1 = pltpu.async_copy(
            rows[b].at[pl.ds(0, QPI)],
            out_ref.at[pl.ds(qrow, QPI), pl.ds(0, PROJ_DIM)], wsems[b])
        c2 = pltpu.async_copy(
            rows[b].at[pl.ds(QPI, QPI)],
            out_ref.at[pl.ds(qrow, QPI), pl.ds(PROJ_DIM, PROJ_DIM)], wsems[b])
        return (c1, c2)

    gops = [None] * TOT
    wops = [None] * TOT
    for k in range(LOOKAHEAD):
        compute_idx(k)
        gops[k] = fire_gather(k)
    for k in range(TOT):
        nk = k + LOOKAHEAD
        if nk < TOT:
            if nk >= NBUF:
                for c in wops[nk - NBUF]:
                    c.wait()
            compute_idx(nk)
            gops[nk] = fire_gather(nk)
        gops[k].wait()
        wops[k] = fire_write(k)
    for k in range(TOT - NBUF, TOT):
        for c in wops[k]:
            c.wait()


def _span_gather_sc(table, s1, e1, qb, s2, e2):
    mesh = plsc.VectorSubcoreMesh(
        core_axis_name="c", subcore_axis_name="s", num_cores=NC, num_subcores=NS
    )

    def body(table, s1, e1, qb, s2, e2, out1, out2, tbl_s, zrow,
             s1v, e1v, qbv, s2v, e2v, *rest):
        idxs = list(rest[:NBUF])
        rows = list(rest[NBUF:2 * NBUF])
        gsems = list(rest[2 * NBUF:3 * NBUF])
        wsems = list(rest[3 * NBUF:4 * NBUF])
        ssem = rest[4 * NBUF]
        _gather_body(table, s1, e1, qb, s2, e2, out1, out2,
                     tbl_s, zrow, s1v, e1v, qbv, s2v, e2v,
                     idxs, rows, gsems, wsems, ssem)

    f = functools.partial(
        pl.kernel,
        out_type=(
            jax.ShapeDtypeStruct((Q, 2 * PROJ_DIM), jnp.float32),
            jax.ShapeDtypeStruct((Q, 2 * PROJ_DIM), jnp.float32),
        ),
        mesh=mesh,
        scratch_types=(
            [pltpu.VMEM_SHARED((TBL_ROWS, PROJ_DIM), jnp.float32)]
            + [pltpu.VMEM((PROJ_DIM,), jnp.float32)]
            + [pltpu.VMEM((QPW,), jnp.int32)] * 5
            + [pltpu.VMEM((IDX_N,), jnp.int32)] * NBUF
            + [pltpu.VMEM((IDX_N, PROJ_DIM), jnp.float32)] * NBUF
            + [pltpu.SemaphoreType.DMA] * (2 * NBUF + 1)
        ),
    )(body)
    return f(table, s1, e1, qb, s2, e2)


def kernel(flag, encoded_input, start_ids_1, end_ids_1, query_batch_idx,
           start_ids_2, end_ids_2, W, b):
    x2d = encoded_input.reshape(ROWS, IN_DIM)
    table = _project(x2d, W, b.reshape(1, PROJ_DIM))
    s1 = start_ids_1.astype(jnp.int32)
    e1 = end_ids_1.astype(jnp.int32)
    qb = query_batch_idx.astype(jnp.int32)
    s2 = start_ids_2.astype(jnp.int32)
    e2 = end_ids_2.astype(jnp.int32)
    return _span_gather_sc(table, s1, e1, qb, s2, e2)

# --- scband reference (transcript-rebuilt; emitter-appended) ---
"""Pipeline reference for scband-end-point-repr-69750268887124 (READ-ONLY COPY).

The authoritative reference and input builder live on the scoring server;
editing this copy changes nothing except your own understanding.
"""

import jax, jax.numpy as jnp
import numpy as np

BSZ, SEQ, IN_DIM, PROJ_DIM, Q = 4, 256, 768, 128, 16384


def setup_inputs(seed: int = 0) -> dict:
    key = jax.random.key(seed)
    ks = jax.random.split(key, 9)
    encoded_input = jax.random.normal(ks[0], (BSZ, SEQ, IN_DIM), dtype=jnp.float32)
    start_ids_1 = jax.random.randint(ks[1], (Q,), 0, SEQ, dtype=jnp.int64) if jax.config.jax_enable_x64 else jax.random.randint(ks[1], (Q,), 0, SEQ)
    end_ids_1 = jax.random.randint(ks[2], (Q,), 0, SEQ)
    query_batch_idx = jax.random.randint(ks[3], (Q,), 0, BSZ)
    start_ids_2 = jax.random.randint(ks[4], (Q,), 0, SEQ)
    end_ids_2 = jax.random.randint(ks[5], (Q,), 0, SEQ)
    W = jax.random.normal(ks[6], (IN_DIM, PROJ_DIM), dtype=jnp.float32) * 0.02
    b = jnp.zeros((PROJ_DIM,), dtype=jnp.float32)
    return {
        "flag": 1,
        "encoded_input": encoded_input,
        "start_ids_1": start_ids_1,
        "end_ids_1": end_ids_1,
        "query_batch_idx": query_batch_idx,
        "start_ids_2": start_ids_2,
        "end_ids_2": end_ids_2,
        "W": W,
        "b": b,
    }


def _span_gather(enc, batch_idx, s, e):
    # span_repr[b, s, e] = concat(enc[b, s], enc[b, e]) if e >= s else 0
    # (torch code only writes the upper-triangular (e >= s) band of the dense
    #  [bsz, seq, seq, 2*hd] tensor; everything else stays zero)
    h_s = jnp.take_along_axis(enc, s[:, None, None], axis=0) if False else enc[batch_idx, s, :]
    h_e = enc[batch_idx, e, :]
    rep = jnp.concatenate([h_s, h_e], axis=-1)
    valid = (e >= s)[:, None]
    return jnp.where(valid, rep, jnp.zeros_like(rep)).astype(jnp.float32)


def reference(flag, encoded_input, start_ids_1, end_ids_1, query_batch_idx, start_ids_2, end_ids_2, W, b):
    enc = encoded_input @ W + b  # use_proj=True projection
    res1 = _span_gather(enc, query_batch_idx, start_ids_1, end_ids_1)
    res2 = _span_gather(enc, query_batch_idx, start_ids_2, end_ids_2)
    return (res1, res2)

if __name__ == "__main__":
    import jax
    _d = setup_inputs()
    print(jax.jit(kernel)(*tuple(_d.values())))

</pallas_src>

<mosaic_0001>
#map = affine_map<(d0, d1) -> (0, 0)>
#map1 = affine_map<(d0, d1) -> (0)>
module attributes {stable_mosaic.version = 14 : i64} {
  func.func @body(%arg0: i32, %arg1: i32, %arg2: memref<1024x128xf32, #tpu.memory_space<hbm>>, %arg3: memref<16384xi32, #tpu.memory_space<hbm>>, %arg4: memref<16384xi32, #tpu.memory_space<hbm>>, %arg5: memref<16384xi32, #tpu.memory_space<hbm>>, %arg6: memref<16384xi32, #tpu.memory_space<hbm>>, %arg7: memref<16384xi32, #tpu.memory_space<hbm>>, %arg8: memref<16384x256xf32, #tpu.memory_space<hbm>>, %arg9: memref<16384x256xf32, #tpu.memory_space<hbm>>, %arg10: memref<1032x128xf32, #tpu.memory_space<vmem_shared>>, %arg11: memref<128xf32, #tpu.memory_space<vmem>>, %arg12: memref<512xi32, #tpu.memory_space<vmem>>, %arg13: memref<512xi32, #tpu.memory_space<vmem>>, %arg14: memref<512xi32, #tpu.memory_space<vmem>>, %arg15: memref<512xi32, #tpu.memory_space<vmem>>, %arg16: memref<512xi32, #tpu.memory_space<vmem>>, %arg17: memref<128xi32, #tpu.memory_space<vmem>>, %arg18: memref<128xi32, #tpu.memory_space<vmem>>, %arg19: memref<128xi32, #tpu.memory_space<vmem>>, %arg20: memref<128xi32, #tpu.memory_space<vmem>>, %arg21: memref<128xi32, #tpu.memory_space<vmem>>, %arg22: memref<128xi32, #tpu.memory_space<vmem>>, %arg23: memref<128x128xf32, #tpu.memory_space<vmem>>, %arg24: memref<128x128xf32, #tpu.memory_space<vmem>>, %arg25: memref<128x128xf32, #tpu.memory_space<vmem>>, %arg26: memref<128x128xf32, #tpu.memory_space<vmem>>, %arg27: memref<128x128xf32, #tpu.memory_space<vmem>>, %arg28: memref<128x128xf32, #tpu.memory_space<vmem>>, %arg29: memref<!tpu.dma_semaphore, #tpu.memory_space<semaphore_mem>>, %arg30: memref<!tpu.dma_semaphore, #tpu.memory_space<semaphore_mem>>, %arg31: memref<!tpu.dma_semaphore, #tpu.memory_space<semaphore_mem>>, %arg32: memref<!tpu.dma_semaphore, #tpu.memory_space<semaphore_mem>>, %arg33: memref<!tpu.dma_semaphore, #tpu.memory_space<semaphore_mem>>, %arg34: memref<!tpu.dma_semaphore, #tpu.memory_space<semaphore_mem>>, %arg35: memref<!tpu.dma_semaphore, #tpu.memory_space<semaphore_mem>>, %arg36: memref<!tpu.dma_semaphore, #tpu.memory_space<semaphore_mem>>, %arg37: memref<!tpu.dma_semaphore, #tpu.memory_space<semaphore_mem>>, %arg38: memref<!tpu.dma_semaphore, #tpu.memory_space<semaphore_mem>>, %arg39: memref<!tpu.dma_semaphore, #tpu.memory_space<semaphore_mem>>, %arg40: memref<!tpu.dma_semaphore, #tpu.memory_space<semaphore_mem>>, %arg41: memref<!tpu.dma_semaphore, #tpu.memory_space<semaphore_mem>>) attributes {dimension_semantics = [#tpu.dimension_semantics<core_parallel>, #tpu.dimension_semantics<subcore_parallel>], iteration_bounds = array<i64: 2, 16>, scalar_prefetch = 0 : i64, scratch_operands = 32 : i64, tpu.core_type = #tpu.core_type<sc_vector_subcore>, window_params = [{transform_indices = #map}, {transform_indices = #map1}, {transform_indices = #map1}, {transform_indices = #map1}, {transform_indices = #map1}, {transform_indices = #map1}, {transform_indices = #map}, {transform_indices = #map}]} {
    %mul3A = arith.constant 2 : i32
    %mul3A_0 = arith.muli %arg1, %mul3A : i32
    %add3A = arith.addi %mul3A_0, %arg0 : i32
    %mul3A_1 = arith.constant 512 : i32
    %mul3A_2 = arith.muli %add3A, %mul3A_1 : i32
    %dma_start3A = tpu.memref_slice %arg3[%mul3A_2] : memref<16384xi32, #tpu.memory_space<hbm>> -> memref<512xi32, #tpu.memory_space<hbm>>
    %dma_start3A_3 = tpu.memref_slice %arg3[%mul3A_2] : memref<16384xi32, #tpu.memory_space<hbm>> -> memref<512xi32, #tpu.memory_space<hbm>>
    tpu.enqueue_dma source(%dma_start3A_3 : memref<512xi32, #tpu.memory_space<hbm>>) target(%arg12 : memref<512xi32, #tpu.memory_space<vmem>>) target_semaphore(%arg41 : memref<!tpu.dma_semaphore, #tpu.memory_space<semaphore_mem>>)
    %dma_start3A_4 = tpu.memref_slice %arg4[%mul3A_2] : memref<16384xi32, #tpu.memory_space<hbm>> -> memref<512xi32, #tpu.memory_space<hbm>>
    %dma_start3A_5 = tpu.memref_slice %arg4[%mul3A_2] : memref<16384xi32, #tpu.memory_space<hbm>> -> memref<512xi32, #tpu.memory_space<hbm>>
    tpu.enqueue_dma source(%dma_start3A_5 : memref<512xi32, #tpu.memory_space<hbm>>) target(%arg13 : memref<512xi32, #tpu.memory_space<vmem>>) target_semaphore(%arg41 : memref<!tpu.dma_semaphore, #tpu.memory_space<semaphore_mem>>)
    %dma_start3A_6 = tpu.memref_slice %arg5[%mul3A_2] : memref<16384xi32, #tpu.memory_space<hbm>> -> memref<512xi32, #tpu.memory_space<hbm>>
    %dma_start3A_7 = tpu.memref_slice %arg5[%mul3A_2] : memref<16384xi32, #tpu.memory_space<hbm>> -> memref<512xi32, #tpu.memory_space<hbm>>
    tpu.enqueue_dma source(%dma_start3A_7 : memref<512xi32, #tpu.memory_space<hbm>>) target(%arg14 : memref<512xi32, #tpu.memory_space<vmem>>) target_semaphore(%arg41 : memref<!tpu.dma_semaphore, #tpu.memory_space<semaphore_mem>>)
    %dma_start3A_8 = tpu.memref_slice %arg6[%mul3A_2] : memref<16384xi32, #tpu.memory_space<hbm>> -> memref<512xi32, #tpu.memory_space<hbm>>
    %dma_start3A_9 = tpu.memref_slice %arg6[%mul3A_2] : memref<16384xi32, #tpu.memory_space<hbm>> -> memref<512xi32, #tpu.memory_space<hbm>>
    tpu.enqueue_dma source(%dma_start3A_9 : memref<512xi32, #tpu.memory_space<hbm>>) target(%arg15 : memref<512xi32, #tpu.memory_space<vmem>>) target_semaphore(%arg41 : memref<!tpu.dma_semaphore, #tpu.memory_space<semaphore_mem>>)
    %dma_start3A_10 = tpu.memref_slice %arg7[%mul3A_2] : memref<16384xi32, #tpu.memory_space<hbm>> -> memref<512xi32, #tpu.memory_space<hbm>>
    %dma_start3A_11 = tpu.memref_slice %arg7[%mul3A_2] : memref<16384xi32, #tpu.memory_space<hbm>> -> memref<512xi32, #tpu.memory_space<hbm>>
    tpu.enqueue_dma source(%dma_start3A_11 : memref<512xi32, #tpu.memory_space<hbm>>) target(%arg16 : memref<512xi32, #tpu.memory_space<vmem>>) target_semaphore(%arg41 : memref<!tpu.dma_semaphore, #tpu.memory_space<semaphore_mem>>)
    %mul3A_12 = arith.constant 64 : i32
    %mul3A_13 = arith.muli %arg1, %mul3A_12 : i32
    %mul3A_14 = arith.constant 64 : i32
    %mul3A_15 = arith.muli %arg1, %mul3A_14 : i32
    "tpu.region"() ({
      %run_scoped3A_2883 = tpu.sem_alloc : memref<!tpu.dma_semaphore, #tpu.memory_space<semaphore_mem>>
      %dma_start3A_2884 = arith.constant 0 : i32
      %dma_start3A_2885 = tpu.memref_slice %arg10[%mul3A_15, %dma_start3A_2884] : memref<1032x128xf32, #tpu.memory_space<vmem_shared>> -> memref<64x128xf32, #tpu.memory_space<vmem_shared>>
      %dma_start3A_2886 = arith.constant 0 : i32
      %dma_start3A_2887 = tpu.memref_slice %arg2[%mul3A_13, %dma_start3A_2886] : memref<1024x128xf32, #tpu.memory_space<hbm>> -> memref<64x128xf32, #tpu.memory_space<hbm>>
      tpu.enqueue_dma source(%dma_start3A_2887 : memref<64x128xf32, #tpu.memory_space<hbm>>) target(%dma_start3A_2885 : memref<64x128xf32, #tpu.memory_space<vmem_shared>>) target_semaphore(%run_scoped3A_2883 : memref<!tpu.dma_semaphore, #tpu.memory_space<semaphore_mem>>)
      %dma_wait3A_2888 = arith.constant 0 : i32
      %dma_wait3A_2889 = tpu.memref_slice %arg10[%mul3A_15, %dma_wait3A_2888] : memref<1032x128xf32, #tpu.memory_space<vmem_shared>> -> memref<64x128xf32, #tpu.memory_space<vmem_shared>>
      %dma_wait3A_2890 = arith.constant 0 : i32
      %dma_wait3A_2891 = tpu.memref_slice %arg2[%mul3A_13, %dma_wait3A_2890] : memref<1024x128xf32, #tpu.memory_space<hbm>> -> memref<64x128xf32, #tpu.memory_space<hbm>>
      tpu.wait_dma2 semaphore(%run_scoped3A_2883 : memref<!tpu.dma_semaphore, #tpu.memory_space<semaphore_mem>>) src(%dma_wait3A_2891 : memref<64x128xf32, #tpu.memory_space<hbm>>) dst(%dma_wait3A_2889 : memref<64x128xf32, #tpu.memory_space<vmem_shared>>)
      tpu.yield
    }) : () -> ()
    %broadcast_in_dim3A = arith.constant 0.000000e+00 : f32
    %broadcast_in_dim3A_16 = vector.broadcast %broadcast_in_dim3A : f32 to vector<16xf32>
    %swap3A = arith.constant 0 : index
    %swap3A_17 = tpu.vector_load %arg11[%swap3A] {strides = array<i32>} : memref<128xf32, #tpu.memory_space<vmem>>, vector<16xf32>,
    %swap3A_18 = vector.shape_cast %swap3A_17 : vector<16xf32> to vector<16xf32>
    %swap3A_19 = vector.shape_cast %broadcast_in_dim3A_16 : vector<16xf32> to vector<16xf32>
    tpu.vector_store %arg11[%swap3A], %swap3A_19 {strides = array<i32>} : memref<128xf32, #tpu.memory_space<vmem>>, vector<16xf32>,
    %broadcast_in_dim3A_20 = arith.constant 0.000000e+00 : f32
    %broadcast_in_dim3A_21 = vector.broadcast %broadcast_in_dim3A_20 : f32 to vector<16xf32>
    %swap3A_22 = arith.constant 16 : index
    %swap3A_23 = tpu.vector_load %arg11[%swap3A_22] {strides = array<i32>} : memref<128xf32, #tpu.memory_space<vmem>>, vector<16xf32>,
    %swap3A_24 = vector.shape_cast %swap3A_23 : vector<16xf32> to vector<16xf32>
    %swap3A_25 = vector.shape_cast %broadcast_in_dim3A_21 : vector<16xf32> to vector<16xf32>
    tpu.vector_store %arg11[%swap3A_22], %swap3A_25 {strides = array<i32>} : memref<128xf32, #tpu.memory_space<vmem>>, vector<16xf32>,
    %broadcast_in_dim3A_26 = arith.constant 0.000000e+00 : f32
    %broadcast_in_dim3A_27 = vector.broadcast %broadcast_in_dim3A_26 : f32 to vector<16xf32>
    %swap3A_28 = arith.constant 32 : index
    %swap3A_29 = tpu.vector_load %arg11[%swap3A_28] {strides = array<i32>} : memref<128xf32, #tpu.memory_space<vmem>>, vector<16xf32>,
    %swap3A_30 = vector.shape_cast %swap3A_29 : vector<16xf32> to vector<16xf32>
    %swap3A_31 = vector.shape_cast %broadcast_in_dim3A_27 : vector<16xf32> to vector<16xf32>
    tpu.vector_store %arg11[%swap3A_28], %swap3A_31 {strides = array<i32>} : memref<128xf32, #tpu.memory_space<vmem>>, vector<16xf32>,
    %broadcast_in_dim3A_32 = arith.constant 0.000000e+00 : f32
    %broadcast_in_dim3A_33 = vector.broadcast %broadcast_in_dim3A_32 : f32 to vector<16xf32>
    %swap3A_34 = arith.constant 48 : index
    %swap3A_35 = tpu.vector_load %arg11[%swap3A_34] {strides = array<i32>} : memref<128xf32, #tpu.memory_space<vmem>>, vector<16xf32>,
    %swap3A_36 = vector.shape_cast %swap3A_35 : vector<16xf32> to vector<16xf32>
    %swap3A_37 = vector.shape_cast %broadcast_in_dim3A_33 : vector<16xf32> to vector<16xf32>
    tpu.vector_store %arg11[%swap3A_34], %swap3A_37 {strides = array<i32>} : memref<128xf32, #tpu.memory_space<vmem>>, vector<16xf32>,
    %broadcast_in_dim3A_38 = arith.constant 0.000000e+00 : f32
    %broadcast_in_dim3A_39 = vector.broadcast %broadcast_in_dim3A_38 : f32 to vector<16xf32>
    %swap3A_40 = arith.constant 64 : index
    %swap3A_41 = tpu.vector_load %arg11[%swap3A_40] {strides = array<i32>} : memref<128xf32, #tpu.memory_space<vmem>>, vector<16xf32>,
    %swap3A_42 = vector.shape_cast %swap3A_41 : vector<16xf32> to vector<16xf32>
    %swap3A_43 = vector.shape_cast %broadcast_in_dim3A_39 : vector<16xf32> to vector<16xf32>
    tpu.vector_store %arg11[%swap3A_40], %swap3A_43 {strides = array<i32>} : memref<128xf32, #tpu.memory_space<vmem>>, vector<16xf32>,
    %broadcast_in_dim3A_44 = arith.constant 0.000000e+00 : f32
    %broadcast_in_dim3A_45 = vector.broadcast %broadcast_in_dim3A_44 : f32 to vector<16xf32>
    %swap3A_46 = arith.constant 80 : index
    %swap3A_47 = tpu.vector_load %arg11[%swap3A_46] {strides = array<i32>} : memref<128xf32, #tpu.memory_space<vmem>>, vector<16xf32>,
    %swap3A_48 = vector.shape_cast %swap3A_47 : vector<16xf32> to vector<16xf32>
    %swap3A_49 = vector.shape_cast %broadcast_in_dim3A_45 : vector<16xf32> to vector<16xf32>
    tpu.vector_store %arg11[%swap3A_46], %swap3A_49 {strides = array<i32>} : memref<128xf32, #tpu.memory_space<vmem>>, vector<16xf32>,
    %broadcast_in_dim3A_50 = arith.constant 0.000000e+00 : f32
    %broadcast_in_dim3A_51 = vector.broadcast %broadcast_in_dim3A_50 : f32 to vector<16xf32>
    %swap3A_52 = arith.constant 96 : index
    %swap3A_53 = tpu.vector_load %arg11[%swap3A_52] {strides = array<i32>} : memref<128xf32, #tpu.memory_space<vmem>>, vector<16xf32>,
    %swap3A_54 = vector.shape_cast %swap3A_53 : vector<16xf32> to vector<16xf32>
    %swap3A_55 = vector.shape_cast %broadcast_in_dim3A_51 : vector<16xf32> to vector<16xf32>
    tpu.vector_store %arg11[%swap3A_52], %swap3A_55 {strides = array<i32>} : memref<128xf32, #tpu.memory_space<vmem>>, vector<16xf32>,
    %broadcast_in_dim3A_56 = arith.constant 0.000000e+00 : f32
    %broadcast_in_dim3A_57 = vector.broadcast %broadcast_in_dim3A_56 : f32 to vector<16xf32>
    %swap3A_58 = arith.constant 112 : index
    %swap3A_59 = tpu.vector_load %arg11[%swap3A_58] {strides = array<i32>} : memref<128xf32, #tpu.memory_space<vmem>>, vector<16xf32>,
    %swap3A_60 = vector.shape_cast %swap3A_59 : vector<16xf32> to vector<16xf32>
    %swap3A_61 = vector.shape_cast %broadcast_in_dim3A_57 : vector<16xf32> to vector<16xf32>
    tpu.vector_store %arg11[%swap3A_58], %swap3A_61 {strides = array<i32>} : memref<128xf32, #tpu.memory_space<vmem>>, vector<16xf32>,
    %run_scoped3A = arith.constant 1024 : i32
    "tpu.region"() ({
      %run_scoped3A_2883 = tpu.sem_alloc : memref<!tpu.dma_semaphore, #tpu.memory_space<semaphore_mem>>
      %dma_start3A_2884 = arith.constant 0 : i32
      %dma_start3A_2885 = tpu.memref_slice %arg10[%run_scoped3A, %dma_start3A_2884] : memref<1032x128xf32, #tpu.memory_space<vmem_shared>> -> memref<1x128xf32, #tpu.memory_space<vmem_shared>>
      %dma_start3A_2886 = tpu.memref_squeeze %dma_start3A_2885 : memref<1x128xf32, #tpu.memory_space<vmem_shared>> -> memref<128xf32, #tpu.memory_space<vmem_shared>>
      %dma_start3A_2887 = arith.constant 0 : i32
      %dma_start3A_2888 = tpu.memref_slice %arg10[%run_scoped3A, %dma_start3A_2887] : memref<1032x128xf32, #tpu.memory_space<vmem_shared>> -> memref<1x128xf32, #tpu.memory_space<vmem_shared>>
      %dma_start3A_2889 = tpu.memref_squeeze %dma_start3A_2888 : memref<1x128xf32, #tpu.memory_space<vmem_shared>> -> memref<128xf32, #tpu.memory_space<vmem_shared>>
      tpu.enqueue_dma source(%arg11 : memref<128xf32, #tpu.memory_space<vmem>>) target(%dma_start3A_2889 : memref<128xf32, #tpu.memory_space<vmem_shared>>) target_semaphore(%run_scoped3A_2883 : memref<!tpu.dma_semaphore, #tpu.memory_space<semaphore_mem>>)
      %dma_wait3A_2890 = arith.constant 0 : i32
      %dma_wait3A_2891 = tpu.memref_slice %arg10[%run_scoped3A, %dma_wait3A_2890] : memref<1032x128xf32, #tpu.memory_space<vmem_shared>> -> memref<1x128xf32, #tpu.memory_space<vmem_shared>>
      %dma_wait3A_2892 = tpu.memref_squeeze %dma_wait3A_2891 : memref<1x128xf32, #tpu.memory_space<vmem_shared>> -> memref<128xf32, #tpu.memory_space<vmem_shared>>
      %dma_wait3A_2893 = arith.constant 0 : i32
      %dma_wait3A_2894 = tpu.memref_slice %arg10[%run_scoped3A, %dma_wait3A_2893] : memref<1032x128xf32, #tpu.memory_space<vmem_shared>> -> memref<1x128xf32, #tpu.memory_space<vmem_shared>>
      %dma_wait3A_2895 = tpu.memref_squeeze %dma_wait3A_2894 : memref<1x128xf32, #tpu.memory_space<vmem_shared>> -> memref<128xf32, #tpu.memory_space<vmem_shared>>
      tpu.wait_dma2 semaphore(%run_scoped3A_2883 : memref<!tpu.dma_semaphore, #tpu.memory_space<semaphore_mem>>) src(%arg11 : memref<128xf32, #tpu.memory_space<vmem>>) dst(%dma_wait3A_2895 : memref<128xf32, #tpu.memory_space<vmem_shared>>)
      tpu.yield
    }) : () -> ()
    %barrier3A = arith.constant 0 : index
    tpu.barrier barrier_id(%barrier3A)
    %dma_wait3A = tpu.memref_slice %arg3[%mul3A_2] : memref<16384xi32, #tpu.memory_space<hbm>> -> memref<512xi32, #tpu.memory_space<hbm>>
    %dma_wait3A_62 = tpu.memref_slice %arg3[%mul3A_2] : memref<16384xi32, #tpu.memory_space<hbm>> -> memref<512xi32, #tpu.memory_space<hbm>>
    tpu.wait_dma2 semaphore(%arg41 : memref<!tpu.dma_semaphore, #tpu.memory_space<semaphore_mem>>) src(%dma_wait3A_62 : memref<512xi32, #tpu.memory_space<hbm>>) dst(%arg12 : memref<512xi32, #tpu.memory_space<vmem>>)
    %dma_wait3A_63 = tpu.memref_slice %arg4[%mul3A_2] : memref<16384xi32, #tpu.memory_space<hbm>> -> memref<512xi32, #tpu.memory_space<hbm>>
    %dma_wait3A_64 = tpu.memref_slice %arg4[%mul3A_2] : memref<16384xi32, #tpu.memory_space<hbm>> -> memref<512xi32, #tpu.memory_space<hbm>>
    tpu.wait_dma2 semaphore(%arg41 : memref<!tpu.dma_semaphore, #tpu.memory_space<semaphore_mem>>) src(%dma_wait3A_64 : memref<512xi32, #tpu.memory_space<hbm>>) dst(%arg13 : memref<512xi32, #tpu.memory_space<vmem>>)
    %dma_wait3A_65 = tpu.memref_slice %arg5[%mul3A_2] : memref<16384xi32, #tpu.memory_space<hbm>> -> memref<512xi32, #tpu.memory_space<hbm>>
    %dma_wait3A_66 = tpu.memref_slice %arg5[%mul3A_2] : memref<16384xi32, #tpu.memory_space<hbm>> -> memref<512xi32, #tpu.memory_space<hbm>>
    tpu.wait_dma2 semaphore(%arg41 : memref<!tpu.dma_semaphore, #tpu.memory_space<semaphore_mem>>) src(%dma_wait3A_66 : memref<512xi32, #tpu.memory_space<hbm>>) dst(%arg14 : memref<512xi32, #tpu.memory_space<vmem>>)
    %dma_wait3A_67 = tpu.memref_slice %arg6[%mul3A_2] : memref<16384xi32, #tpu.memory_space<hbm>> -> memref<512xi32, #tpu.memory_space<hbm>>
    %dma_wait3A_68 = tpu.memref_slice %arg6[%mul3A_2] : memref<16384xi32, #tpu.memory_space<hbm>> -> memref<512xi32, #tpu.memory_space<hbm>>
    tpu.wait_dma2 semaphore(%arg41 : memref<!tpu.dma_semaphore, #tpu.memory_space<semaphore_mem>>) src(%dma_wait3A_68 : memref<512xi32, #tpu.memory_space<hbm>>) dst(%arg15 : memref<512xi32, #tpu.memory_space<vmem>>)
    %dma_wait3A_69 = tpu.memref_slice %arg7[%mul3A_2] : memref<16384xi32, #tpu.memory_space<hbm>> -> memref<512xi32, #tpu.memory_space<hbm>>
    %dma_wait3A_70 = tpu.memref_slice %arg7[%mul3A_2] : memref<16384xi32, #tpu.memory_space<hbm>> -> memref<512xi32, #tpu.memory_space<hbm>>
    tpu.wait_dma2 semaphore(%arg41 : memref<!tpu.dma_semaphore, #tpu.memory_space<semaphore_mem>>) src(%dma_wait3A_70 : memref<512xi32, #tpu.memory_space<hbm>>) dst(%arg16 : memref<512xi32, #tpu.memory_space<vmem>>)
    %get3A = arith.constant 0 : index
    %get3A_71 = tpu.vector_load %arg12[%get3A] {strides = array<i32>} : memref<512xi32, #tpu.memory_space<vmem>>, vector<16xi32>,
    %get3A_72 = vector.shape_cast %get3A_71 : vector<16xi32> to vector<16xi32>
    %get3A_73 = arith.constant 0 : index
    %get3A_74 = tpu.vector_load %arg13[%get3A_73] {strides = array<i32>} : memref<512xi32, #tpu.memory_space<vmem>>, vector<16xi32>,
    %get3A_75 = vector.shape_cast %get3A_74 : vector<16xi32> to vector<16xi32>
    %get3A_76 = arith.constant 0 : index
    %get3A_77 = tpu.vector_load %arg14[%get3A_76] {strides = array<i32>} : memref<512xi32, #tpu.memory_space<vmem>>, vector<16xi32>,
    %get3A_78 = vector.shape_cast %get3A_77 : vector<16xi32> to vector<16xi32>
    %ge3A = arith.cmpi sge, %get3A_75, %get3A_72 : vector<16xi32>
    %mul3A_79 = arith.constant 256 : i32
    %mul3A_80 = vector.broadcast %mul3A_79 : i32 to vector<16xi32>
    %mul3A_81 = arith.muli %get3A_78, %mul3A_80 : vector<16xi32>
    %add3A_82 = arith.addi %mul3A_81, %get3A_72 : vector<16xi32>
    %jit3A = arith.constant 1024 : i32
    %broadcast_in_dim3A_83 = vector.broadcast %jit3A : i32 to vector<16xi32>
    %select_n3A = arith.select %ge3A, %add3A_82, %broadcast_in_dim3A_83 : vector<16xi1>, vector<16xi32>
    %mul3A_84 = arith.constant 256 : i32
    %mul3A_85 = vector.broadcast %mul3A_84 : i32 to vector<16xi32>
    %mul3A_86 = arith.muli %get3A_78, %mul3A_85 : vector<16xi32>
    %add3A_87 = arith.addi %mul3A_86, %get3A_75 : vector<16xi32>
    %jit3A_88 = arith.constant 1024 : i32
    %broadcast_in_dim3A_89 = vector.broadcast %jit3A_88 : i32 to vector<16xi32>
    %select_n3A_90 = arith.select %ge3A, %add3A_87, %broadcast_in_dim3A_89 : vector<16xi1>, vector<16xi32>
    %swap3A_91 = arith.constant 0 : index
    %swap3A_92 = tpu.vector_load %arg17[%swap3A_91] {strides = array<i32>} : memref<128xi32, #tpu.memory_space<vmem>>, vector<16xi32>,
    %swap3A_93 = vector.shape_cast %swap3A_92 : vector<16xi32> to vector<16xi32>
    %swap3A_94 = vector.shape_cast %select_n3A : vector<16xi32> to vector<16xi32>
    tpu.vector_store %arg17[%swap3A_91], %swap3A_94 {strides = array<i32>} : memref<128xi32, #tpu.memory_space<vmem>>, vector<16xi32>,
    %swap3A_95 = arith.constant 64 : index
    %swap3A_96 = tpu.vector_load %arg17[%swap3A_95] {strides = array<i32>} : memref<128xi32, #tpu.memory_space<vmem>>, vector<16xi32>,
    %swap3A_97 = vector.shape_cast %swap3A_96 : vector<16xi32> to vector<16xi32>
    %swap3A_98 = vector.shape_cast %select_n3A_90 : vector<16xi32> to vector<16xi32>
    tpu.vector_store %arg17[%swap3A_95], %swap3A_98 {strides = array<i32>} : memref<128xi32, #tpu.memory_space<vmem>>, vector<16xi32>,
    %get3A_99 = arith.constant 16 : index
    %get3A_100 = tpu.vector_load %arg12[%get3A_99] {strides = array<i32>} : memref<512xi32, #tpu.memory_space<vmem>>, vector<16xi32>,
    %get3A_101 = vector.shape_cast %get3A_100 : vector<16xi32> to vector<16xi32>
    %get3A_102 = arith.constant 16 : index
    %get3A_103 = tpu.vector_load %arg13[%get3A_102] {strides = array<i32>} : memref<512xi32, #tpu.memory_space<vmem>>, vector<16xi32>,
    %get3A_104 = vector.shape_cast %get3A_103 : vector<16xi32> to vector<16xi32>
    %get3A_105 = arith.constant 16 : index
    %get3A_106 = tpu.vector_load %arg14[%get3A_105] {strides = array<i32>} : memref<512xi32, #tpu.memory_space<vmem>>, vector<16xi32>,
    %get3A_107 = vector.shape_cast %get3A_106 : vector<16xi32> to vector<16xi32>
    %ge3A_108 = arith.cmpi sge, %get3A_104, %get3A_101 : vector<16xi32>
    %mul3A_109 = arith.constant 256 : i32
    %mul3A_110 = vector.broadcast %mul3A_109 : i32 to vector<16xi32>
    %mul3A_111 = arith.muli %get3A_107, %mul3A_110 : vector<16xi32>
    %add3A_112 = arith.addi %mul3A_111, %get3A_101 : vector<16xi32>
    %jit3A_113 = arith.constant 1024 : i32
    %broadcast_in_dim3A_114 = vector.broadcast %jit3A_113 : i32 to vector<16xi32>
    %select_n3A_115 = arith.select %ge3A_108, %add3A_112, %broadcast_in_dim3A_114 : vector<16xi1>, vector<16xi32>
    %mul3A_116 = arith.constant 256 : i32
    %mul3A_117 = vector.broadcast %mul3A_116 : i32 to vector<16xi32>
    %mul3A_118 = arith.muli %get3A_107, %mul3A_117 : vector<16xi32>
    %add3A_119 = arith.addi %mul3A_118, %get3A_104 : vector<16xi32>
    %jit3A_120 = arith.constant 1024 : i32
    %broadcast_in_dim3A_121 = vector.broadcast %jit3A_120 : i32 to vector<16xi32>
    %select_n3A_122 = arith.select %ge3A_108, %add3A_119, %broadcast_in_dim3A_121 : vector<16xi1>, vector<16xi32>
    %swap3A_123 = arith.constant 16 : index
    %swap3A_124 = tpu.vector_load %arg17[%swap3A_123] {strides = array<i32>} : memref<128xi32, #tpu.memory_space<vmem>>, vector<16xi32>,
    %swap3A_125 = vector.shape_cast %swap3A_124 : vector<16xi32> to vector<16xi32>
    %swap3A_126 = vector.shape_cast %select_n3A_115 : vector<16xi32> to vector<16xi32>
    tpu.vector_store %arg17[%swap3A_123], %swap3A_126 {strides = array<i32>} : memref<128xi32, #tpu.memory_space<vmem>>, vector<16xi32>,
    %swap3A_127 = arith.constant 80 : index
    %swap3A_128 = tpu.vector_load %arg17[%swap3A_127] {strides = array<i32>} : memref<128xi32, #tpu.memory_space<vmem>>, vector<16xi32>,
    %swap3A_129 = vector.shape_cast %swap3A_128 : vector<16xi32> to vector<16xi32>
    %swap3A_130 = vector.shape_cast %select_n3A_122 : vector<16xi32> to vector<16xi32>
    tpu.vector_store %arg17[%swap3A_127], %swap3A_130 {strides = array<i32>} : memref<128xi32, #tpu.memory_space<vmem>>, vector<16xi32>,
    %get3A_131 = arith.constant 32 : index
    %get3A_132 = tpu.vector_load %arg12[%get3A_131] {strides = array<i32>} : memref<512xi32, #tpu.memory_space<vmem>>, vector<16xi32>,
    %get3A_133 = vector.shape_cast %get3A_132 : vector<16xi32> to vector<16xi32>
    %get3A_134 = arith.constant 32 : index
    %get3A_135 = tpu.vector_load %arg13[%get3A_134] {strides = array<i32>} : memref<512xi32, #tpu.memory_space<vmem>>, vector<16xi32>,
    %get3A_136 = vector.shape_cast %get3A_135 : vector<16xi32> to vector<16xi32>
    %get3A_137 = arith.constant 32 : index
    %get3A_138 = tpu.vector_load %arg14[%get3A_137] {strides = array<i32>} : memref<512xi32, #tpu.memory_space<vmem>>, vector<16xi32>,
    %get3A_139 = vector.shape_cast %get3A_138 : vector<16xi32> to vector<16xi32>
    %ge3A_140 = arith.cmpi sge, %get3A_136, %get3A_133 : vector<16xi32>
    %mul3A_141 = arith.constant 256 : i32
    %mul3A_142 = vector.broadcast %mul3A_141 : i32 to vector<16xi32>
    %mul3A_143 = arith.muli %get3A_139, %mul3A_142 : vector<16xi32>
    %add3A_144 = arith.addi %mul3A_143, %get3A_133 : vector<16xi32>
    %jit3A_145 = arith.constant 1024 : i32
    %broadcast_in_dim3A_146 = vector.broadcast %jit3A_145 : i32 to vector<16xi32>
    %select_n3A_147 = arith.select %ge3A_140, %add3A_144, %broadcast_in_dim3A_146 : vector<16xi1>, vector<16xi32>
    %mul3A_148 = arith.constant 256 : i32
    %mul3A_149 = vector.broadcast %mul3A_148 : i32 to vector<16xi32>
    %mul3A_150 = arith.muli %get3A_139, %mul3A_149 : vector<16xi32>
    %add3A_151 = arith.addi %mul3A_150, %get3A_136 : vector<16xi32>
    %jit3A_152 = arith.constant 1024 : i32
    %broadcast_in_dim3A_153 = vector.broadcast %jit3A_152 : i32 to vector<16xi32>
    %select_n3A_154 = arith.select %ge3A_140, %add3A_151, %broadcast_in_dim3A_153 : vector<16xi1>, vector<16xi32>
    %swap3A_155 = arith.constant 32 : index
    %swap3A_156 = tpu.vector_load %arg17[%swap3A_155] {strides = array<i32>} : memref<128xi32, #tpu.memory_space<vmem>>, vector<16xi32>,
    %swap3A_157 = vector.shape_cast %swap3A_156 : vector<16xi32> to vector<16xi32>
    %swap3A_158 = vector.shape_cast %select_n3A_147 : vector<16xi32> to vector<16xi32>
    tpu.vector_store %arg17[%swap3A_155], %swap3A_158 {strides = array<i32>} : memref<128xi32, #tpu.memory_space<vmem>>, vector<16xi32>,
    %swap3A_159 = arith.constant 96 : index
    %swap3A_160 = tpu.vector_load %arg17[%swap3A_159] {strides = array<i32>} : memref<128xi32, #tpu.memory_space<vmem>>, vector<16xi32>,
    %swap3A_161 = vector.shape_cast %swap3A_160 : vector<16xi32> to vector<16xi32>
    %swap3A_162 = vector.shape_cast %select_n3A_154 : vector<16xi32> to vector<16xi32>
    tpu.vector_store %arg17[%swap3A_159], %swap3A_162 {strides = array<i32>} : memref<128xi32, #tpu.memory_space<vmem>>, vector<16xi32>,
    %get3A_163 = arith.constant 48 : index
    %get3A_164 = tpu.vector_load %arg12[%get3A_163] {strides = array<i32>} : memref<512xi32, #tpu.memory_space<vmem>>, vector<16xi32>,
    %get3A_165 = vector.shape_cast %get3A_164 : vector<16xi32> to vector<16xi32>
    %get3A_166 = arith.constant 48 : index
    %get3A_167 = tpu.vector_load %arg13[%get3A_166] {strides = array<i32>} : memref<512xi32, #tpu.memory_space<vmem>>, vector<16xi32>,
    %get3A_168 = vector.shape_cast %get3A_167 : vector<16xi32> to vector<16xi32>
    %get3A_169 = arith.constant 48 : index
    %get3A_170 = tpu.vector_load %arg14[%get3A_169] {strides = array<i32>} : memref<512xi32, #tpu.memory_space<vmem>>, vector<16xi32>,
    %get3A_171 = vector.shape_cast %get3A_170 : vector<16xi32> to vector<16xi32>
    %ge3A_172 = arith.cmpi sge, %get3A_168, %get3A_165 : vector<16xi32>
    %mul3A_173 = arith.constant 256 : i32
    %mul3A_174 = vector.broadcast %mul3A_173 : i32 to vector<16xi32>
    %mul3A_175 = arith.muli %get3A_171, %mul3A_174 : vector<16xi32>
    %add3A_176 = arith.addi %mul3A_175, %get3A_165 : vector<16xi32>
    %jit3A_177 = arith.constant 1024 : i32
    %broadcast_in_dim3A_178 = vector.broadcast %jit3A_177 : i32 to vector<16xi32>
    %select_n3A_179 = arith.select %ge3A_172, %add3A_176, %broadcast_in_dim3A_178 : vector<16xi1>, vector<16xi32>
    %mul3A_180 = arith.constant 256 : i32
    %mul3A_181 = vector.broadcast %mul3A_180 : i32 to vector<16xi32>
    %mul3A_182 = arith.muli %get3A_171, %mul3A_181 : vector<16xi32>
    %add3A_183 = arith.addi %mul3A_182, %get3A_168 : vector<16xi32>
    %jit3A_184 = arith.constant 1024 : i32
    %broadcast_in_dim3A_185 = vector.broadcast %jit3A_184 : i32 to vector<16xi32>
    %select_n3A_186 = arith.select %ge3A_172, %add3A_183, %broadcast_in_dim3A_185 : vector<16xi1>, vector<16xi32>
    %swap3A_187 = arith.constant 48 : index
    %swap3A_188 = tpu.vector_load %arg17[%swap3A_187] {strides = array<i32>} : memref<128xi32, #tpu.memory_space<vmem>>, vector<16xi32>,
    %swap3A_189 = vector.shape_cast %swap3A_188 : vector<16xi32> to vector<16xi32>
    %swap3A_190 = vector.shape_cast %select_n3A_179 : vector<16xi32> to vector<16xi32>
    tpu.vector_store %arg17[%swap3A_187], %swap3A_190 {strides = array<i32>} : memref<128xi32, #tpu.memory_space<vmem>>, vector<16xi32>,
    %swap3A_191 = arith.constant 112 : index
    %swap3A_192 = tpu.vector_load %arg17[%swap3A_191] {strides = array<i32>} : memref<128xi32, #tpu.memory_space<vmem>>, vector<16xi32>,
    %swap3A_193 = vector.shape_cast %swap3A_192 : vector<16xi32> to vector<16xi32>
    %swap3A_194 = vector.shape_cast %select_n3A_186 : vector<16xi32> to vector<16xi32>
    tpu.vector_store %arg17[%swap3A_191], %swap3A_194 {strides = array<i32>} : memref<128xi32, #tpu.memory_space<vmem>>, vector<16xi32>,
    %dma_start3A_195 = arith.constant 0 : i32
    %dma_start3A_196 = arith.constant 0 : i32
    %dma_start3A_197 = tpu.memref_slice %arg10[%dma_start3A_195, %dma_start3A_196] : memref<1032x128xf32, #tpu.memory_space<vmem_shared>> -> memref<1032x128xf32, #tpu.memory_space<vmem_shared>>
    tpu.enqueue_indirect_dma source(%dma_start3A_197 : memref<1032x128xf32, #tpu.memory_space<vmem_shared>>) target(%arg23 : memref<128x128xf32, #tpu.memory_space<vmem>>) offsets(%arg17 : memref<128xi32, #tpu.memory_space<vmem>>) semaphore(%arg29 : memref<!tpu.dma_semaphore, #tpu.memory_space<semaphore_mem>>)
    %get3A_198 = arith.constant 64 : index
    %get3A_199 = tpu.vector_load %arg12[%get3A_198] {strides = array<i32>} : memref<512xi32, #tpu.memory_space<vmem>>, vector<16xi32>,
    %get3A_200 = vector.shape_cast %get3A_199 : vector<16xi32> to vector<16xi32>
    %get3A_201 = arith.constant 64 : index
    %get3A_202 = tpu.vector_load %arg13[%get3A_201] {strides = array<i32>} : memref<512xi32, #tpu.memory_space<vmem>>, vector<16xi32>,
    %get3A_203 = vector.shape_cast %get3A_202 : vector<16xi32> to vector<16xi32>
    %get3A_204 = arith.constant 64 : index
    %get3A_205 = tpu.vector_load %arg14[%get3A_204] {strides = array<i32>} : memref<512xi32, #tpu.memory_space<vmem>>, vector<16xi32>,
    %get3A_206 = vector.shape_cast %get3A_205 : vector<16xi32> to vector<16xi32>
    %ge3A_207 = arith.cmpi sge, %get3A_203, %get3A_200 : vector<16xi32>
    %mul3A_208 = arith.constant 256 : i32
    %mul3A_209 = vector.broadcast %mul3A_208 : i32 to vector<16xi32>
    %mul3A_210 = arith.muli %get3A_206, %mul3A_209 : vector<16xi32>
    %add3A_211 = arith.addi %mul3A_210, %get3A_200 : vector<16xi32>
    %jit3A_212 = arith.constant 1024 : i32
    %broadcast_in_dim3A_213 = vector.broadcast %jit3A_212 : i32 to vector<16xi32>
    %select_n3A_214 = arith.select %ge3A_207, %add3A_211, %broadcast_in_dim3A_213 : vector<16xi1>, vector<16xi32>
    %mul3A_215 = arith.constant 256 : i32
    %mul3A_216 = vector.broadcast %mul3A_215 : i32 to vector<16xi32>
    %mul3A_217 = arith.muli %get3A_206, %mul3A_216 : vector<16xi32>
    %add3A_218 = arith.addi %mul3A_217, %get3A_203 : vector<16xi32>
    %jit3A_219 = arith.constant 1024 : i32
    %broadcast_in_dim3A_220 = vector.broadcast %jit3A_219 : i32 to vector<16xi32>
    %select_n3A_221 = arith.select %ge3A_207, %add3A_218, %broadcast_in_dim3A_220 : vector<16xi1>, vector<16xi32>
    %swap3A_222 = arith.constant 0 : index
    %swap3A_223 = tpu.vector_load %arg18[%swap3A_222] {strides = array<i32>} : memref<128xi32, #tpu.memory_space<vmem>>, vector<16xi32>,
    %swap3A_224 = vector.shape_cast %swap3A_223 : vector<16xi32> to vector<16xi32>
    %swap3A_225 = vector.shape_cast %select_n3A_214 : vector<16xi32> to vector<16xi32>
    tpu.vector_store %arg18[%swap3A_222], %swap3A_225 {strides = array<i32>} : memref<128xi32, #tpu.memory_space<vmem>>, vector<16xi32>,
    %swap3A_226 = arith.constant 64 : index
    %swap3A_227 = tpu.vector_load %arg18[%swap3A_226] {strides = array<i32>} : memref<128xi32, #tpu.memory_space<vmem>>, vector<16xi32>,
    %swap3A_228 = vector.shape_cast %swap3A_227 : vector<16xi32> to vector<16xi32>
    %swap3A_229 = vector.shape_cast %select_n3A_221 : vector<16xi32> to vector<16xi32>
    tpu.vector_store %arg18[%swap3A_226], %swap3A_229 {strides = array<i32>} : memref<128xi32, #tpu.memory_space<vmem>>, vector<16xi32>,
    %get3A_230 = arith.constant 80 : index
    %get3A_231 = tpu.vector_load %arg12[%get3A_230] {strides = array<i32>} : memref<512xi32, #tpu.memory_space<vmem>>, vector<16xi32>,
    %get3A_232 = vector.shape_cast %get3A_231 : vector<16xi32> to vector<16xi32>
    %get3A_233 = arith.constant 80 : index
    %get3A_234 = tpu.vector_load %arg13[%get3A_233] {strides = array<i32>} : memref<512xi32, #tpu.memory_space<vmem>>, vector<16xi32>,
    %get3A_235 = vector.shape_cast %get3A_234 : vector<16xi32> to vector<16xi32>
    %get3A_236 = arith.constant 80 : index
    %get3A_237 = tpu.vector_load %arg14[%get3A_236] {strides = array<i32>} : memref<512xi32, #tpu.memory_space<vmem>>, vector<16xi32>,
    %get3A_238 = vector.shape_cast %get3A_237 : vector<16xi32> to vector<16xi32>
    %ge3A_239 = arith.cmpi sge, %get3A_235, %get3A_232 : vector<16xi32>
    %mul3A_240 = arith.constant 256 : i32
    %mul3A_241 = vector.broadcast %mul3A_240 : i32 to vector<16xi32>
    %mul3A_242 = arith.muli %get3A_238, %mul3A_241 : vector<16xi32>
    %add3A_243 = arith.addi %mul3A_242, %get3A_232 : vector<16xi32>
    %jit3A_244 = arith.constant 1024 : i32
    %broadcast_in_dim3A_245 = vector.broadcast %jit3A_244 : i32 to vector<16xi32>
    %select_n3A_246 = arith.select %ge3A_239, %add3A_243, %broadcast_in_dim3A_245 : vector<16xi1>, vector<16xi32>
    %mul3A_247 = arith.constant 256 : i32
    %mul3A_248 = vector.broadcast %mul3A_247 : i32 to vector<16xi32>
    %mul3A_249 = arith.muli %get3A_238, %mul3A_248 : vector<16xi32>
    %add3A_250 = arith.addi %mul3A_249, %get3A_235 : vector<16xi32>
    %jit3A_251 = arith.constant 1024 : i32
    %broadcast_in_dim3A_252 = vector.broadcast %jit3A_251 : i32 to vector<16xi32>
    %select_n3A_253 = arith.select %ge3A_239, %add3A_250, %broadcast_in_dim3A_252 : vector<16xi1>, vector<16xi32>
    %swap3A_254 = arith.constant 16 : index
    %swap3A_255 = tpu.vector_load %arg18[%swap3A_254] {strides = array<i32>} : memref<128xi32, #tpu.memory_space<vmem>>, vector<16xi32>,
    %swap3A_256 = vector.shape_cast %swap3A_255 : vector<16xi32> to vector<16xi32>
    %swap3A_257 = vector.shape_cast %select_n3A_246 : vector<16xi32> to vector<16xi32>
    tpu.vector_store %arg18[%swap3A_254], %swap3A_257 {strides = array<i32>} : memref<128xi32, #tpu.memory_space<vmem>>, vector<16xi32>,
    %swap3A_258 = arith.constant 80 : index
    %swap3A_259 = tpu.vector_load %arg18[%swap3A_258] {strides = array<i32>} : memref<128xi32, #tpu.memory_space<vmem>>, vector<16xi32>,
    %swap3A_260 = vector.shape_cast %swap3A_259 : vector<16xi32> to vector<16xi32>
    %swap3A_261 = vector.shape_cast %select_n3A_253 : vector<16xi32> to vector<16xi32>
    tpu.vector_store %arg18[%swap3A_258], %swap3A_261 {strides = array<i32>} : memref<128xi32, #tpu.memory_space<vmem>>, vector<16xi32>,
    %get3A_262 = arith.constant 96 : index
    %get3A_263 = tpu.vector_load %arg12[%get3A_262] {strides = array<i32>} : memref<512xi32, #tpu.memory_space<vmem>>, vector<16xi32>,
    %get3A_264 = vector.shape_cast %get3A_263 : vector<16xi32> to vector<16xi32>
    %get3A_265 = arith.constant 96 : index
    %get3A_266 = tpu.vector_load %arg13[%get3A_265] {strides = array<i32>} : memref<512xi32, #tpu.memory_space<vmem>>, vector<16xi32>,
    %get3A_267 = vector.shape_cast %get3A_266 : vector<16xi32> to vector<16xi32>
    %get3A_268 = arith.constant 96 : index
    %get3A_269 = tpu.vector_load %arg14[%get3A_268] {strides = array<i32>} : memref<512xi32, #tpu.memory_space<vmem>>, vector<16xi32>,
    %get3A_270 = vector.shape_cast %get3A_269 : vector<16xi32> to vector<16xi32>
    %ge3A_271 = arith.cmpi sge, %get3A_267, %get3A_264 : vector<16xi32>
    %mul3A_272 = arith.constant 256 : i32
    %mul3A_273 = vector.broadcast %mul3A_272 : i32 to vector<16xi32>
    %mul3A_274 = arith.muli %get3A_270, %mul3A_273 : vector<16xi32>
    %add3A_275 = arith.addi %mul3A_274, %get3A_264 : vector<16xi32>
    %jit3A_276 = arith.constant 1024 : i32
    %broadcast_in_dim3A_277 = vector.broadcast %jit3A_276 : i32 to vector<16xi32>
    %select_n3A_278 = arith.select %ge3A_271, %add3A_275, %broadcast_in_dim3A_277 : vector<16xi1>, vector<16xi32>
    %mul3A_279 = arith.constant 256 : i32
    %mul3A_280 = vector.broadcast %mul3A_279 : i32 to vector<16xi32>
    %mul3A_281 = arith.muli %get3A_270, %mul3A_280 : vector<16xi32>
    %add3A_282 = arith.addi %mul3A_281, %get3A_267 : vector<16xi32>
    %jit3A_283 = arith.constant 1024 : i32
    %broadcast_in_dim3A_284 = vector.broadcast %jit3A_283 : i32 to vector<16xi32>
    %select_n3A_285 = arith.select %ge3A_271, %add3A_282, %broadcast_in_dim3A_284 : vector<16xi1>, vector<16xi32>
    %swap3A_286 = arith.constant 32 : index
    %swap3A_287 = tpu.vector_load %arg18[%swap3A_286] {strides = array<i32>} : memref<128xi32, #tpu.memory_space<vmem>>, vector<16xi32>,
    %swap3A_288 = vector.shape_cast %swap3A_287 : vector<16xi32> to vector<16xi32>
    %swap3A_289 = vector.shape_cast %select_n3A_278 : vector<16xi32> to vector<16xi32>
    tpu.vector_store %arg18[%swap3A_286], %swap3A_289 {strides = array<i32>} : memref<128xi32, #tpu.memory_space<vmem>>, vector<16xi32>,
    %swap3A_290 = arith.constant 96 : index
    %swap3A_291 = tpu.vector_load %arg18[%swap3A_290] {strides = array<i32>} : memref<128xi32, #tpu.memory_space<vmem>>, vector<16xi32>,
    %swap3A_292 = vector.shape_cast %swap3A_291 : vector<16xi32> to vector<16xi32>
    %swap3A_293 = vector.shape_cast %select_n3A_285 : vector<16xi32> to vector<16xi32>
    tpu.vector_store %arg18[%swap3A_290], %swap3A_293 {strides = array<i32>} : memref<128xi32, #tpu.memory_space<vmem>>, vector<16xi32>,
    %get3A_294 = arith.constant 112 : index
    %get3A_295 = tpu.vector_load %arg12[%get3A_294] {strides = array<i32>} : memref<512xi32, #tpu.memory_space<vmem>>, vector<16xi32>,
    %get3A_296 = vector.shape_cast %get3A_295 : vector<16xi32> to vector<16xi32>
    %get3A_297 = arith.constant 112 : index
    %get3A_298 = tpu.vector_load %arg13[%get3A_297] {strides = array<i32>} : memref<512xi32, #tpu.memory_space<vmem>>, vector<16xi32>,
    %get3A_299 = vector.shape_cast %get3A_298 : vector<16xi32> to vector<16xi32>
    %get3A_300 = arith.constant 112 : index
    %get3A_301 = tpu.vector_load %arg14[%get3A_300] {strides = array<i32>} : memref<512xi32, #tpu.memory_space<vmem>>, vector<16xi32>,
    %get3A_302 = vector.shape_cast %get3A_301 : vector<16xi32> to vector<16xi32>
    %ge3A_303 = arith.cmpi sge, %get3A_299, %get3A_296 : vector<16xi32>
    %mul3A_304 = arith.constant 256 : i32
    %mul3A_305 = vector.broadcast %mul3A_304 : i32 to vector<16xi32>
    %mul3A_306 = arith.muli %get3A_302, %mul3A_305 : vector<16xi32>
    %add3A_307 = arith.addi %mul3A_306, %get3A_296 : vector<16xi32>
    %jit3A_308 = arith.constant 1024 : i32
    %broadcast_in_dim3A_309 = vector.broadcast %jit3A_308 : i32 to vector<16xi32>
    %select_n3A_310 = arith.select %ge3A_303, %add3A_307, %broadcast_in_dim3A_309 : vector<16xi1>, vector<16xi32>
    %mul3A_311 = arith.constant 256 : i32
    %mul3A_312 = vector.broadcast %mul3A_311 : i32 to vector<16xi32>
    %mul3A_313 = arith.muli %get3A_302, %mul3A_312 : vector<16xi32>
    %add3A_314 = arith.addi %mul3A_313, %get3A_299 : vector<16xi32>
    %jit3A_315 = arith.constant 1024 : i32
    %broadcast_in_dim3A_316 = vector.broadcast %jit3A_315 : i32 to vector<16xi32>
    %select_n3A_317 = arith.select %ge3A_303, %add3A_314, %broadcast_in_dim3A_316 : vector<16xi1>, vector<16xi32>
    %swap3A_318 = arith.constant 48 : index
    %swap3A_319 = tpu.vector_load %arg18[%swap3A_318] {strides = array<i32>} : memref<128xi32, #tpu.memory_space<vmem>>, vector<16xi32>,
    %swap3A_320 = vector.shape_cast %swap3A_319 : vector<16xi32> to vector<16xi32>
    %swap3A_321 = vector.shape_cast %select_n3A_310 : vector<16xi32> to vector<16xi32>
    tpu.vector_store %arg18[%swap3A_318], %swap3A_321 {strides = array<i32>} : memref<128xi32, #tpu.memory_space<vmem>>, vector<16xi32>,
    %swap3A_322 = arith.constant 112 : index
    %swap3A_323 = tpu.vector_load %arg18[%swap3A_322] {strides = array<i32>} : memref<128xi32, #tpu.memory_space<vmem>>, vector<16xi32>,
    %swap3A_324 = vector.shape_cast %swap3A_323 : vector<16xi32> to vector<16xi32>
    %swap3A_325 = vector.shape_cast %select_n3A_317 : vector<16xi32> to vector<16xi32>
    tpu.vector_store %arg18[%swap3A_322], %swap3A_325 {strides = array<i32>} : memref<128xi32, #tpu.memory_space<vmem>>, vector<16xi32>,
    %dma_start3A_326 = arith.constant 0 : i32
    %dma_start3A_327 = arith.constant 0 : i32
    %dma_start3A_328 = tpu.memref_slice %arg10[%dma_start3A_326, %dma_start3A_327] : memref<1032x128xf32, #tpu.memory_space<vmem_shared>> -> memref<1032x128xf32, #tpu.memory_space<vmem_shared>>
    tpu.enqueue_indirect_dma source(%dma_start3A_328 : memref<1032x128xf32, #tpu.memory_space<vmem_shared>>) target(%arg24 : memref<128x128xf32, #tpu.memory_space<vmem>>) offsets(%arg18 : memref<128xi32, #tpu.memory_space<vmem>>) semaphore(%arg30 : memref<!tpu.dma_semaphore, #tpu.memory_space<semaphore_mem>>)
    %get3A_329 = arith.constant 128 : index
    %get3A_330 = tpu.vector_load %arg12[%get3A_329] {strides = array<i32>} : memref<512xi32, #tpu.memory_space<vmem>>, vector<16xi32>,
    %get3A_331 = vector.shape_cast %get3A_330 : vector<16xi32> to vector<16xi32>
    %get3A_332 = arith.constant 128 : index
    %get3A_333 = tpu.vector_load %arg13[%get3A_332] {strides = array<i32>} : memref<512xi32, #tpu.memory_space<vmem>>, vector<16xi32>,
    %get3A_334 = vector.shape_cast %get3A_333 : vector<16xi32> to vector<16xi32>
    %get3A_335 = arith.constant 128 : index
    %get3A_336 = tpu.vector_load %arg14[%get3A_335] {strides = array<i32>} : memref<512xi32, #tpu.memory_space<vmem>>, vector<16xi32>,
    %get3A_337 = vector.shape_cast %get3A_336 : vector<16xi32> to vector<16xi32>
    %ge3A_338 = arith.cmpi sge, %get3A_334, %get3A_331 : vector<16xi32>
    %mul3A_339 = arith.constant 256 : i32
    %mul3A_340 = vector.broadcast %mul3A_339 : i32 to vector<16xi32>
    %mul3A_341 = arith.muli %get3A_337, %mul3A_340 : vector<16xi32>
    %add3A_342 = arith.addi %mul3A_341, %get3A_331 : vector<16xi32>
    %jit3A_343 = arith.constant 1024 : i32
    %broadcast_in_dim3A_344 = vector.broadcast %jit3A_343 : i32 to vector<16xi32>
    %select_n3A_345 = arith.select %ge3A_338, %add3A_342, %broadcast_in_dim3A_344 : vector<16xi1>, vector<16xi32>
    %mul3A_346 = arith.constant 256 : i32
    %mul3A_347 = vector.broadcast %mul3A_346 : i32 to vector<16xi32>
    %mul3A_348 = arith.muli %get3A_337, %mul3A_347 : vector<16xi32>
    %add3A_349 = arith.addi %mul3A_348, %get3A_334 : vector<16xi32>
    %jit3A_350 = arith.constant 1024 : i32
    %broadcast_in_dim3A_351 = vector.broadcast %jit3A_350 : i32 to vector<16xi32>
    %select_n3A_352 = arith.select %ge3A_338, %add3A_349, %broadcast_in_dim3A_351 : vector<16xi1>, vector<16xi32>
    %swap3A_353 = arith.constant 0 : index
    %swap3A_354 = tpu.vector_load %arg19[%swap3A_353] {strides = array<i32>} : memref<128xi32, #tpu.memory_space<vmem>>, vector<16xi32>,
    %swap3A_355 = vector.shape_cast %swap3A_354 : vector<16xi32> to vector<16xi32>
    %swap3A_356 = vector.shape_cast %select_n3A_345 : vector<16xi32> to vector<16xi32>
    tpu.vector_store %arg19[%swap3A_353], %swap3A_356 {strides = array<i32>} : memref<128xi32, #tpu.memory_space<vmem>>, vector<16xi32>,
    %swap3A_357 = arith.constant 64 : index
    %swap3A_358 = tpu.vector_load %arg19[%swap3A_357] {strides = array<i32>} : memref<128xi32, #tpu.memory_space<vmem>>, vector<16xi32>,
    %swap3A_359 = vector.shape_cast %swap3A_358 : vector<16xi32> to vector<16xi32>
    %swap3A_360 = vector.shape_cast %select_n3A_352 : vector<16xi32> to vector<16xi32>
    tpu.vector_store %arg19[%swap3A_357], %swap3A_360 {strides = array<i32>} : memref<128xi32, #tpu.memory_space<vmem>>, vector<16xi32>,
    %get3A_361 = arith.constant 144 : index
    %get3A_362 = tpu.vector_load %arg12[%get3A_361] {strides = array<i32>} : memref<512xi32, #tpu.memory_space<vmem>>, vector<16xi32>,
    %get3A_363 = vector.shape_cast %get3A_362 : vector<16xi32> to vector<16xi32>
    %get3A_364 = arith.constant 144 : index
    %get3A_365 = tpu.vector_load %arg13[%get3A_364] {strides = array<i32>} : memref<512xi32, #tpu.memory_space<vmem>>, vector<16xi32>,
    %get3A_366 = vector.shape_cast %get3A_365 : vector<16xi32> to vector<16xi32>
    %get3A_367 = arith.constant 144 : index
    %get3A_368 = tpu.vector_load %arg14[%get3A_367] {strides = array<i32>} : memref<512xi32, #tpu.memory_space<vmem>>, vector<16xi32>,
    %get3A_369 = vector.shape_cast %get3A_368 : vector<16xi32> to vector<16xi32>
    %ge3A_370 = arith.cmpi sge, %get3A_366, %get3A_363 : vector<16xi32>
    %mul3A_371 = arith.constant 256 : i32
    %mul3A_372 = vector.broadcast %mul3A_371 : i32 to vector<16xi32>
    %mul3A_373 = arith.muli %get3A_369, %mul3A_372 : vector<16xi32>
    %add3A_374 = arith.addi %mul3A_373, %get3A_363 : vector<16xi32>
    %jit3A_375 = arith.constant 1024 : i32
    %broadcast_in_dim3A_376 = vector.broadcast %jit3A_375 : i32 to vector<16xi32>
    %select_n3A_377 = arith.select %ge3A_370, %add3A_374, %broadcast_in_dim3A_376 : vector<16xi1>, vector<16xi32>
    %mul3A_378 = arith.constant 256 : i32
    %mul3A_379 = vector.broadcast %mul3A_378 : i32 to vector<16xi32>
    %mul3A_380 = arith.muli %get3A_369, %mul3A_379 : vector<16xi32>
    %add3A_381 = arith.addi %mul3A_380, %get3A_366 : vector<16xi32>
    %jit3A_382 = arith.constant 1024 : i32
    %broadcast_in_dim3A_383 = vector.broadcast %jit3A_382 : i32 to vector<16xi32>
    %select_n3A_384 = arith.select %ge3A_370, %add3A_381, %broadcast_in_dim3A_383 : vector<16xi1>, vector<16xi32>
    %swap3A_385 = arith.constant 16 : index
    %swap3A_386 = tpu.vector_load %arg19[%swap3A_385] {strides = array<i32>} : memref<128xi32, #tpu.memory_space<vmem>>, vector<16xi32>,
    %swap3A_387 = vector.shape_cast %swap3A_386 : vector<16xi32> to vector<16xi32>
    %swap3A_388 = vector.shape_cast %select_n3A_377 : vector<16xi32> to vector<16xi32>
    tpu.vector_store %arg19[%swap3A_385], %swap3A_388 {strides = array<i32>} : memref<128xi32, #tpu.memory_space<vmem>>, vector<16xi32>,
    %swap3A_389 = arith.constant 80 : index
    %swap3A_390 = tpu.vector_load %arg19[%swap3A_389] {strides = array<i32>} : memref<128xi32, #tpu.memory_space<vmem>>, vector<16xi32>,
    %swap3A_391 = vector.shape_cast %swap3A_390 : vector<16xi32> to vector<16xi32>
    %swap3A_392 = vector.shape_cast %select_n3A_384 : vector<16xi32> to vector<16xi32>
    tpu.vector_store %arg19[%swap3A_389], %swap3A_392 {strides = array<i32>} : memref<128xi32, #tpu.memory_space<vmem>>, vector<16xi32>,
    %get3A_393 = arith.constant 160 : index
    %get3A_394 = tpu.vector_load %arg12[%get3A_393] {strides = array<i32>} : memref<512xi32, #tpu.memory_space<vmem>>, vector<16xi32>,
    %get3A_395 = vector.shape_cast %get3A_394 : vector<16xi32> to vector<16xi32>
    %get3A_396 = arith.constant 160 : index
    %get3A_397 = tpu.vector_load %arg13[%get3A_396] {strides = array<i32>} : memref<512xi32, #tpu.memory_space<vmem>>, vector<16xi32>,
    %get3A_398 = vector.shape_cast %get3A_397 : vector<16xi32> to vector<16xi32>
    %get3A_399 = arith.constant 160 : index
    %get3A_400 = tpu.vector_load %arg14[%get3A_399] {strides = array<i32>} : memref<512xi32, #tpu.memory_space<vmem>>, vector<16xi32>,
    %get3A_401 = vector.shape_cast %get3A_400 : vector<16xi32> to vector<16xi32>
    %ge3A_402 = arith.cmpi sge, %get3A_398, %get3A_395 : vector<16xi32>
    %mul3A_403 = arith.constant 256 : i32
    %mul3A_404 = vector.broadcast %mul3A_403 : i32 to vector<16xi32>
    %mul3A_405 = arith.muli %get3A_401, %mul3A_404 : vector<16xi32>
    %add3A_406 = arith.addi %mul3A_405, %get3A_395 : vector<16xi32>
    %jit3A_407 = arith.constant 1024 : i32
    %broadcast_in_dim3A_408 = vector.broadcast %jit3A_407 : i32 to vector<16xi32>
    %select_n3A_409 = arith.select %ge3A_402, %add3A_406, %broadcast_in_dim3A_408 : vector<16xi1>, vector<16xi32>
    %mul3A_410 = arith.constant 256 : i32
    %mul3A_411 = vector.broadcast %mul3A_410 : i32 to vector<16xi32>
    %mul3A_412 = arith.muli %get3A_401, %mul3A_411 : vector<16xi32>
    %add3A_413 = arith.addi %mul3A_412, %get3A_398 : vector<16xi32>
    %jit3A_414 = arith.constant 1024 : i32
    %broadcast_in_dim3A_415 = vector.broadcast %jit3A_414 : i32 to vector<16xi32>
    %select_n3A_416 = arith.select %ge3A_402, %add3A_413, %broadcast_in_dim3A_415 : vector<16xi1>, vector<16xi32>
    %swap3A_417 = arith.constant 32 : index
    %swap3A_418 = tpu.vector_load %arg19[%swap3A_417] {strides = array<i32>} : memref<128xi32, #tpu.memory_space<vmem>>, vector<16xi32>,
    %swap3A_419 = vector.shape_cast %swap3A_418 : vector<16xi32> to vector<16xi32>
    %swap3A_420 = vector.shape_cast %select_n3A_409 : vector<16xi32> to vector<16xi32>
    tpu.vector_store %arg19[%swap3A_417], %swap3A_420 {strides = array<i32>} : memref<128xi32, #tpu.memory_space<vmem>>, vector<16xi32>,
    %swap3A_421 = arith.constant 96 : index
    %swap3A_422 = tpu.vector_load %arg19[%swap3A_421] {strides = array<i32>} : memref<128xi32, #tpu.memory_space<vmem>>, vector<16xi32>,
    %swap3A_423 = vector.shape_cast %swap3A_422 : vector<16xi32> to vector<16xi32>
    %swap3A_424 = vector.shape_cast %select_n3A_416 : vector<16xi32> to vector<16xi32>
    tpu.vector_store %arg19[%swap3A_421], %swap3A_424 {strides = array<i32>} : memref<128xi32, #tpu.memory_space<vmem>>, vector<16xi32>,
    %get3A_425 = arith.constant 176 : index
    %get3A_426 = tpu.vector_load %arg12[%get3A_425] {strides = array<i32>} : memref<512xi32, #tpu.memory_space<vmem>>, vector<16xi32>,
    %get3A_427 = vector.shape_cast %get3A_426 : vector<16xi32> to vector<16xi32>
    %get3A_428 = arith.constant 176 : index
    %get3A_429 = tpu.vector_load %arg13[%get3A_428] {strides = array<i32>} : memref<512xi32, #tpu.memory_space<vmem>>, vector<16xi32>,
    %get3A_430 = vector.shape_cast %get3A_429 : vector<16xi32> to vector<16xi32>
    %get3A_431 = arith.constant 176 : index
    %get3A_432 = tpu.vector_load %arg14[%get3A_431] {strides = array<i32>} : memref<512xi32, #tpu.memory_space<vmem>>, vector<16xi32>,
    %get3A_433 = vector.shape_cast %get3A_432 : vector<16xi32> to vector<16xi32>
    %ge3A_434 = arith.cmpi sge, %get3A_430, %get3A_427 : vector<16xi32>
    %mul3A_435 = arith.constant 256 : i32
    %mul3A_436 = vector.broadcast %mul3A_435 : i32 to vector<16xi32>
    %mul3A_437 = arith.muli %get3A_433, %mul3A_436 : vector<16xi32>
    %add3A_438 = arith.addi %mul3A_437, %get3A_427 : vector<16xi32>
    %jit3A_439 = arith.constant 1024 : i32
    %broadcast_in_dim3A_440 = vector.broadcast %jit3A_439 : i32 to vector<16xi32>
    %select_n3A_441 = arith.select %ge3A_434, %add3A_438, %broadcast_in_dim3A_440 : vector<16xi1>, vector<16xi32>
    %mul3A_442 = arith.constant 256 : i32
    %mul3A_443 = vector.broadcast %mul3A_442 : i32 to vector<16xi32>
    %mul3A_444 = arith.muli %get3A_433, %mul3A_443 : vector<16xi32>
    %add3A_445 = arith.addi %mul3A_444, %get3A_430 : vector<16xi32>
    %jit3A_446 = arith.constant 1024 : i32
    %broadcast_in_dim3A_447 = vector.broadcast %jit3A_446 : i32 to vector<16xi32>
    %select_n3A_448 = arith.select %ge3A_434, %add3A_445, %broadcast_in_dim3A_447 : vector<16xi1>, vector<16xi32>
    %swap3A_449 = arith.constant 48 : index
    %swap3A_450 = tpu.vector_load %arg19[%swap3A_449] {strides = array<i32>} : memref<128xi32, #tpu.memory_space<vmem>>, vector<16xi32>,
    %swap3A_451 = vector.shape_cast %swap3A_450 : vector<16xi32> to vector<16xi32>
    %swap3A_452 = vector.shape_cast %select_n3A_441 : vector<16xi32> to vector<16xi32>
    tpu.vector_store %arg19[%swap3A_449], %swap3A_452 {strides = array<i32>} : memref<128xi32, #tpu.memory_space<vmem>>, vector<16xi32>,
    %swap3A_453 = arith.constant 112 : index
    %swap3A_454 = tpu.vector_load %arg19[%swap3A_453] {strides = array<i32>} : memref<128xi32, #tpu.memory_space<vmem>>, vector<16xi32>,
    %swap3A_455 = vector.shape_cast %swap3A_454 : vector<16xi32> to vector<16xi32>
    %swap3A_456 = vector.shape_cast %select_n3A_448 : vector<16xi32> to vector<16xi32>
    tpu.vector_store %arg19[%swap3A_453], %swap3A_456 {strides = array<i32>} : memref<128xi32, #tpu.memory_space<vmem>>, vector<16xi32>,
    %dma_start3A_457 = arith.constant 0 : i32
    %dma_start3A_458 = arith.constant 0 : i32
    %dma_start3A_459 = tpu.memref_slice %arg10[%dma_start3A_457, %dma_start3A_458] : memref<1032x128xf32, #tpu.memory_space<vmem_shared>> -> memref<1032x128xf32, #tpu.memory_space<vmem_shared>>
    tpu.enqueue_indirect_dma source(%dma_start3A_459 : memref<1032x128xf32, #tpu.memory_space<vmem_shared>>) target(%arg25 : memref<128x128xf32, #tpu.memory_space<vmem>>) offsets(%arg19 : memref<128xi32, #tpu.memory_space<vmem>>) semaphore(%arg31 : memref<!tpu.dma_semaphore, #tpu.memory_space<semaphore_mem>>)
    %get3A_460 = arith.constant 192 : index
    %get3A_461 = tpu.vector_load %arg12[%get3A_460] {strides = array<i32>} : memref<512xi32, #tpu.memory_space<vmem>>, vector<16xi32>,
    %get3A_462 = vector.shape_cast %get3A_461 : vector<16xi32> to vector<16xi32>
    %get3A_463 = arith.constant 192 : index
    %get3A_464 = tpu.vector_load %arg13[%get3A_463] {strides = array<i32>} : memref<512xi32, #tpu.memory_space<vmem>>, vector<16xi32>,
    %get3A_465 = vector.shape_cast %get3A_464 : vector<16xi32> to vector<16xi32>
    %get3A_466 = arith.constant 192 : index
    %get3A_467 = tpu.vector_load %arg14[%get3A_466] {strides = array<i32>} : memref<512xi32, #tpu.memory_space<vmem>>, vector<16xi32>,
    %get3A_468 = vector.shape_cast %get3A_467 : vector<16xi32> to vector<16xi32>
    %ge3A_469 = arith.cmpi sge, %get3A_465, %get3A_462 : vector<16xi32>
    %mul3A_470 = arith.constant 256 : i32
    %mul3A_471 = vector.broadcast %mul3A_470 : i32 to vector<16xi32>
    %mul3A_472 = arith.muli %get3A_468, %mul3A_471 : vector<16xi32>
    %add3A_473 = arith.addi %mul3A_472, %get3A_462 : vector<16xi32>
    %jit3A_474 = arith.constant 1024 : i32
    %broadcast_in_dim3A_475 = vector.broadcast %jit3A_474 : i32 to vector<16xi32>
    %select_n3A_476 = arith.select %ge3A_469, %add3A_473, %broadcast_in_dim3A_475 : vector<16xi1>, vector<16xi32>
    %mul3A_477 = arith.constant 256 : i32
    %mul3A_478 = vector.broadcast %mul3A_477 : i32 to vector<16xi32>
    %mul3A_479 = arith.muli %get3A_468, %mul3A_478 : vector<16xi32>
    %add3A_480 = arith.addi %mul3A_479, %get3A_465 : vector<16xi32>
    %jit3A_481 = arith.constant 1024 : i32
    %broadcast_in_dim3A_482 = vector.broadcast %jit3A_481 : i32 to vector<16xi32>
    %select_n3A_483 = arith.select %ge3A_469, %add3A_480, %broadcast_in_dim3A_482 : vector<16xi1>, vector<16xi32>
    %swap3A_484 = arith.constant 0 : index
    %swap3A_485 = tpu.vector_load %arg20[%swap3A_484] {strides = array<i32>} : memref<128xi32, #tpu.memory_space<vmem>>, vector<16xi32>,
    %swap3A_486 = vector.shape_cast %swap3A_485 : vector<16xi32> to vector<16xi32>
    %swap3A_487 = vector.shape_cast %select_n3A_476 : vector<16xi32> to vector<16xi32>
    tpu.vector_store %arg20[%swap3A_484], %swap3A_487 {strides = array<i32>} : memref<128xi32, #tpu.memory_space<vmem>>, vector<16xi32>,
    %swap3A_488 = arith.constant 64 : index
    %swap3A_489 = tpu.vector_load %arg20[%swap3A_488] {strides = array<i32>} : memref<128xi32, #tpu.memory_space<vmem>>, vector<16xi32>,
    %swap3A_490 = vector.shape_cast %swap3A_489 : vector<16xi32> to vector<16xi32>
    %swap3A_491 = vector.shape_cast %select_n3A_483 : vector<16xi32> to vector<16xi32>
    tpu.vector_store %arg20[%swap3A_488], %swap3A_491 {strides = array<i32>} : memref<128xi32, #tpu.memory_space<vmem>>, vector<16xi32>,
    %get3A_492 = arith.constant 208 : index
    %get3A_493 = tpu.vector_load %arg12[%get3A_492] {strides = array<i32>} : memref<512xi32, #tpu.memory_space<vmem>>, vector<16xi32>,
    %get3A_494 = vector.shape_cast %get3A_493 : vector<16xi32> to vector<16xi32>
    %get3A_495 = arith.constant 208 : index
    %get3A_496 = tpu.vector_load %arg13[%get3A_495] {strides = array<i32>} : memref<512xi32, #tpu.memory_space<vmem>>, vector<16xi32>,
    %get3A_497 = vector.shape_cast %get3A_496 : vector<16xi32> to vector<16xi32>
    %get3A_498 = arith.constant 208 : index
    %get3A_499 = tpu.vector_load %arg14[%get3A_498] {strides = array<i32>} : memref<512xi32, #tpu.memory_space<vmem>>, vector<16xi32>,
    %get3A_500 = vector.shape_cast %get3A_499 : vector<16xi32> to vector<16xi32>
    %ge3A_501 = arith.cmpi sge, %get3A_497, %get3A_494 : vector<16xi32>
    %mul3A_502 = arith.constant 256 : i32
    %mul3A_503 = vector.broadcast %mul3A_502 : i32 to vector<16xi32>
    %mul3A_504 = arith.muli %get3A_500, %mul3A_503 : vector<16xi32>
    %add3A_505 = arith.addi %mul3A_504, %get3A_494 : vector<16xi32>
    %jit3A_506 = arith.constant 1024 : i32
    %broadcast_in_dim3A_507 = vector.broadcast %jit3A_506 : i32 to vector<16xi32>
    %select_n3A_508 = arith.select %ge3A_501, %add3A_505, %broadcast_in_dim3A_507 : vector<16xi1>, vector<16xi32>
    %mul3A_509 = arith.constant 256 : i32
    %mul3A_510 = vector.broadcast %mul3A_509 : i32 to vector<16xi32>
    %mul3A_511 = arith.muli %get3A_500, %mul3A_510 : vector<16xi32>
    %add3A_512 = arith.addi %mul3A_511, %get3A_497 : vector<16xi32>
    %jit3A_513 = arith.constant 1024 : i32
    %broadcast_in_dim3A_514 = vector.broadcast %jit3A_513 : i32 to vector<16xi32>
    %select_n3A_515 = arith.select %ge3A_501, %add3A_512, %broadcast_in_dim3A_514 : vector<16xi1>, vector<16xi32>
    %swap3A_516 = arith.constant 16 : index
    %swap3A_517 = tpu.vector_load %arg20[%swap3A_516] {strides = array<i32>} : memref<128xi32, #tpu.memory_space<vmem>>, vector<16xi32>,
    %swap3A_518 = vector.shape_cast %swap3A_517 : vector<16xi32> to vector<16xi32>
    %swap3A_519 = vector.shape_cast %select_n3A_508 : vector<16xi32> to vector<16xi32>
    tpu.vector_store %arg20[%swap3A_516], %swap3A_519 {strides = array<i32>} : memref<128xi32, #tpu.memory_space<vmem>>, vector<16xi32>,
    %swap3A_520 = arith.constant 80 : index
    %swap3A_521 = tpu.vector_load %arg20[%swap3A_520] {strides = array<i32>} : memref<128xi32, #tpu.memory_space<vmem>>, vector<16xi32>,
    %swap3A_522 = vector.shape_cast %swap3A_521 : vector<16xi32> to vector<16xi32>
    %swap3A_523 = vector.shape_cast %select_n3A_515 : vector<16xi32> to vector<16xi32>
    tpu.vector_store %arg20[%swap3A_520], %swap3A_523 {strides = array<i32>} : memref<128xi32, #tpu.memory_space<vmem>>, vector<16xi32>,
    %get3A_524 = arith.constant 224 : index
    %get3A_525 = tpu.vector_load %arg12[%get3A_524] {strides = array<i32>} : memref<512xi32, #tpu.memory_space<vmem>>, vector<16xi32>,
    %get3A_526 = vector.shape_cast %get3A_525 : vector<16xi32> to vector<16xi32>
    %get3A_527 = arith.constant 224 : index
    %get3A_528 = tpu.vector_load %arg13[%get3A_527] {strides = array<i32>} : memref<512xi32, #tpu.memory_space<vmem>>, vector<16xi32>,
    %get3A_529 = vector.shape_cast %get3A_528 : vector<16xi32> to vector<16xi32>
    %get3A_530 = arith.constant 224 : index
    %get3A_531 = tpu.vector_load %arg14[%get3A_530] {strides = array<i32>} : memref<512xi32, #tpu.memory_space<vmem>>, vector<16xi32>,
    %get3A_532 = vector.shape_cast %get3A_531 : vector<16xi32> to vector<16xi32>
    %ge3A_533 = arith.cmpi sge, %get3A_529, %get3A_526 : vector<16xi32>
    %mul3A_534 = arith.constant 256 : i32
    %mul3A_535 = vector.broadcast %mul3A_534 : i32 to vector<16xi32>
    %mul3A_536 = arith.muli %get3A_532, %mul3A_535 : vector<16xi32>
    %add3A_537 = arith.addi %mul3A_536, %get3A_526 : vector<16xi32>
    %jit3A_538 = arith.constant 1024 : i32
    %broadcast_in_dim3A_539 = vector.broadcast %jit3A_538 : i32 to vector<16xi32>
    %select_n3A_540 = arith.select %ge3A_533, %add3A_537, %broadcast_in_dim3A_539 : vector<16xi1>, vector<16xi32>
    %mul3A_541 = arith.constant 256 : i32
    %mul3A_542 = vector.broadcast %mul3A_541 : i32 to vector<16xi32>
    %mul3A_543 = arith.muli %get3A_532, %mul3A_542 : vector<16xi32>
    %add3A_544 = arith.addi %mul3A_543, %get3A_529 : vector<16xi32>
    %jit3A_545 = arith.constant 1024 : i32
    %broadcast_in_dim3A_546 = vector.broadcast %jit3A_545 : i32 to vector<16xi32>
    %select_n3A_547 = arith.select %ge3A_533, %add3A_544, %broadcast_in_dim3A_546 : vector<16xi1>, vector<16xi32>
    %swap3A_548 = arith.constant 32 : index
    %swap3A_549 = tpu.vector_load %arg20[%swap3A_548] {strides = array<i32>} : memref<128xi32, #tpu.memory_space<vmem>>, vector<16xi32>,
    %swap3A_550 = vector.shape_cast %swap3A_549 : vector<16xi32> to vector<16xi32>
    %swap3A_551 = vector.shape_cast %select_n3A_540 : vector<16xi32> to vector<16xi32>
    tpu.vector_store %arg20[%swap3A_548], %swap3A_551 {strides = array<i32>} : memref<128xi32, #tpu.memory_space<vmem>>, vector<16xi32>,
    %swap3A_552 = arith.constant 96 : index
    %swap3A_553 = tpu.vector_load %arg20[%swap3A_552] {strides = array<i32>} : memref<128xi32, #tpu.memory_space<vmem>>, vector<16xi32>,
    %swap3A_554 = vector.shape_cast %swap3A_553 : vector<16xi32> to vector<16xi32>
    %swap3A_555 = vector.shape_cast %select_n3A_547 : vector<16xi32> to vector<16xi32>
    tpu.vector_store %arg20[%swap3A_552], %swap3A_555 {strides = array<i32>} : memref<128xi32, #tpu.memory_space<vmem>>, vector<16xi32>,
    %get3A_556 = arith.constant 240 : index
    %get3A_557 = tpu.vector_load %arg12[%get3A_556] {strides = array<i32>} : memref<512xi32, #tpu.memory_space<vmem>>, vector<16xi32>,
    %get3A_558 = vector.shape_cast %get3A_557 : vector<16xi32> to vector<16xi32>
    %get3A_559 = arith.constant 240 : index
    %get3A_560 = tpu.vector_load %arg13[%get3A_559] {strides = array<i32>} : memref<512xi32, #tpu.memory_space<vmem>>, vector<16xi32>,
    %get3A_561 = vector.shape_cast %get3A_560 : vector<16xi32> to vector<16xi32>
    %get3A_562 = arith.constant 240 : index
    %get3A_563 = tpu.vector_load %arg14[%get3A_562] {strides = array<i32>} : memref<512xi32, #tpu.memory_space<vmem>>, vector<16xi32>,
    %get3A_564 = vector.shape_cast %get3A_563 : vector<16xi32> to vector<16xi32>
    %ge3A_565 = arith.cmpi sge, %get3A_561, %get3A_558 : vector<16xi32>
    %mul3A_566 = arith.constant 256 : i32
    %mul3A_567 = vector.broadcast %mul3A_566 : i32 to vector<16xi32>
    %mul3A_568 = arith.muli %get3A_564, %mul3A_567 : vector<16xi32>
    %add3A_569 = arith.addi %mul3A_568, %get3A_558 : vector<16xi32>
    %jit3A_570 = arith.constant 1024 : i32
    %broadcast_in_dim3A_571 = vector.broadcast %jit3A_570 : i32 to vector<16xi32>
    %select_n3A_572 = arith.select %ge3A_565, %add3A_569, %broadcast_in_dim3A_571 : vector<16xi1>, vector<16xi32>
    %mul3A_573 = arith.constant 256 : i32
    %mul3A_574 = vector.broadcast %mul3A_573 : i32 to vector<16xi32>
    %mul3A_575 = arith.muli %get3A_564, %mul3A_574 : vector<16xi32>
    %add3A_576 = arith.addi %mul3A_575, %get3A_561 : vector<16xi32>
    %jit3A_577 = arith.constant 1024 : i32
    %broadcast_in_dim3A_578 = vector.broadcast %jit3A_577 : i32 to vector<16xi32>
    %select_n3A_579 = arith.select %ge3A_565, %add3A_576, %broadcast_in_dim3A_578 : vector<16xi1>, vector<16xi32>
    %swap3A_580 = arith.constant 48 : index
    %swap3A_581 = tpu.vector_load %arg20[%swap3A_580] {strides = array<i32>} : memref<128xi32, #tpu.memory_space<vmem>>, vector<16xi32>,
    %swap3A_582 = vector.shape_cast %swap3A_581 : vector<16xi32> to vector<16xi32>
    %swap3A_583 = vector.shape_cast %select_n3A_572 : vector<16xi32> to vector<16xi32>
    tpu.vector_store %arg20[%swap3A_580], %swap3A_583 {strides = array<i32>} : memref<128xi32, #tpu.memory_space<vmem>>, vector<16xi32>,
    %swap3A_584 = arith.constant 112 : index
    %swap3A_585 = tpu.vector_load %arg20[%swap3A_584] {strides = array<i32>} : memref<128xi32, #tpu.memory_space<vmem>>, vector<16xi32>,
    %swap3A_586 = vector.shape_cast %swap3A_585 : vector<16xi32> to vector<16xi32>
    %swap3A_587 = vector.shape_cast %select_n3A_579 : vector<16xi32> to vector<16xi32>
    tpu.vector_store %arg20[%swap3A_584], %swap3A_587 {strides = array<i32>} : memref<128xi32, #tpu.memory_space<vmem>>, vector<16xi32>,
    %dma_start3A_588 = arith.constant 0 : i32
    %dma_start3A_589 = arith.constant 0 : i32
    %dma_start3A_590 = tpu.memref_slice %arg10[%dma_start3A_588, %dma_start3A_589] : memref<1032x128xf32, #tpu.memory_space<vmem_shared>> -> memref<1032x128xf32, #tpu.memory_space<vmem_shared>>
    tpu.enqueue_indirect_dma source(%dma_start3A_590 : memref<1032x128xf32, #tpu.memory_space<vmem_shared>>) target(%arg26 : memref<128x128xf32, #tpu.memory_space<vmem>>) offsets(%arg20 : memref<128xi32, #tpu.memory_space<vmem>>) semaphore(%arg32 : memref<!tpu.dma_semaphore, #tpu.memory_space<semaphore_mem>>)
    %dma_wait3A_591 = arith.constant 0 : i32
    %dma_wait3A_592 = arith.constant 0 : i32
    %dma_wait3A_593 = tpu.memref_slice %arg10[%dma_wait3A_591, %dma_wait3A_592] : memref<1032x128xf32, #tpu.memory_space<vmem_shared>> -> memref<1032x128xf32, #tpu.memory_space<vmem_shared>>
    tpu.wait_indirect_dma semaphore(%arg29 : memref<!tpu.dma_semaphore, #tpu.memory_space<semaphore_mem>>) src(%dma_wait3A_593 : memref<1032x128xf32, #tpu.memory_space<vmem_shared>>) dst(%arg23 : memref<128x128xf32, #tpu.memory_space<vmem>>)
    %add3A_594 = arith.constant 0 : i32
    %add3A_595 = arith.addi %mul3A_2, %add3A_594 : i32
    %dma_start3A_596 = arith.constant 0 : i32
    %dma_start3A_597 = arith.constant 0 : i32
    %dma_start3A_598 = tpu.memref_slice %arg23[%dma_start3A_596, %dma_start3A_597] : memref<128x128xf32, #tpu.memory_space<vmem>> -> memref<64x128xf32, #tpu.memory_space<vmem>>
    %dma_start3A_599 = arith.constant 0 : i32
    %dma_start3A_600 = tpu.memref_slice %arg8[%add3A_595, %dma_start3A_599] : memref<16384x256xf32, #tpu.memory_space<hbm>> -> memref<64x128xf32, #tpu.memory_space<hbm>>
    %dma_start3A_601 = arith.constant 0 : i32
    %dma_start3A_602 = tpu.memref_slice %arg8[%add3A_595, %dma_start3A_601] : memref<16384x256xf32, #tpu.memory_space<hbm>> -> memref<64x128xf32, #tpu.memory_space<hbm>>
    %dma_start3A_603 = arith.constant 0 : i32
    %dma_start3A_604 = arith.constant 0 : i32
    %dma_start3A_605 = tpu.memref_slice %arg23[%dma_start3A_603, %dma_start3A_604] : memref<128x128xf32, #tpu.memory_space<vmem>> -> memref<64x128xf32, #tpu.memory_space<vmem>>
    tpu.enqueue_dma source(%dma_start3A_605 : memref<64x128xf32, #tpu.memory_space<vmem>>) target(%dma_start3A_602 : memref<64x128xf32, #tpu.memory_space<hbm>>) target_semaphore(%arg35 : memref<!tpu.dma_semaphore, #tpu.memory_space<semaphore_mem>>)
    %dma_start3A_606 = arith.constant 64 : i32
    %dma_start3A_607 = arith.constant 0 : i32
    %dma_start3A_608 = tpu.memref_slice %arg23[%dma_start3A_606, %dma_start3A_607] : memref<128x128xf32, #tpu.memory_space<vmem>> -> memref<64x128xf32, #tpu.memory_space<vmem>>
    %dma_start3A_609 = arith.constant 128 : i32
    %dma_start3A_610 = tpu.memref_slice %arg8[%add3A_595, %dma_start3A_609] : memref<16384x256xf32, #tpu.memory_space<hbm>> -> memref<64x128xf32, #tpu.memory_space<hbm>>
    %dma_start3A_611 = arith.constant 128 : i32
    %dma_start3A_612 = tpu.memref_slice %arg8[%add3A_595, %dma_start3A_611] : memref<16384x256xf32, #tpu.memory_space<hbm>> -> memref<64x128xf32, #tpu.memory_space<hbm>>
    %dma_start3A_613 = arith.constant 64 : i32
    %dma_start3A_614 = arith.constant 0 : i32
    %dma_start3A_615 = tpu.memref_slice %arg23[%dma_start3A_613, %dma_start3A_614] : memref<128x128xf32, #tpu.memory_space<vmem>> -> memref<64x128xf32, #tpu.memory_space<vmem>>
    tpu.enqueue_dma source(%dma_start3A_615 : memref<64x128xf32, #tpu.memory_space<vmem>>) target(%dma_start3A_612 : memref<64x128xf32, #tpu.memory_space<hbm>>) target_semaphore(%arg35 : memref<!tpu.dma_semaphore, #tpu.memory_space<semaphore_mem>>)
    %get3A_616 = arith.constant 256 : index
    %get3A_617 = tpu.vector_load %arg12[%get3A_616] {strides = array<i32>} : memref<512xi32, #tpu.memory_space<vmem>>, vector<16xi32>,
    %get3A_618 = vector.shape_cast %get3A_617 : vector<16xi32> to vector<16xi32>
    %get3A_619 = arith.constant 256 : index
    %get3A_620 = tpu.vector_load %arg13[%get3A_619] {strides = array<i32>} : memref<512xi32, #tpu.memory_space<vmem>>, vector<16xi32>,
    %get3A_621 = vector.shape_cast %get3A_620 : vector<16xi32> to vector<16xi32>
    %get3A_622 = arith.constant 256 : index
    %get3A_623 = tpu.vector_load %arg14[%get3A_622] {strides = array<i32>} : memref<512xi32, #tpu.memory_space<vmem>>, vector<16xi32>,
    %get3A_624 = vector.shape_cast %get3A_623 : vector<16xi32> to vector<16xi32>
    %ge3A_625 = arith.cmpi sge, %get3A_621, %get3A_618 : vector<16xi32>
    %mul3A_626 = arith.constant 256 : i32
    %mul3A_627 = vector.broadcast %mul3A_626 : i32 to vector<16xi32>
    %mul3A_628 = arith.muli %get3A_624, %mul3A_627 : vector<16xi32>
    %add3A_629 = arith.addi %mul3A_628, %get3A_618 : vector<16xi32>
    %jit3A_630 = arith.constant 1024 : i32
    %broadcast_in_dim3A_631 = vector.broadcast %jit3A_630 : i32 to vector<16xi32>
    %select_n3A_632 = arith.select %ge3A_625, %add3A_629, %broadcast_in_dim3A_631 : vector<16xi1>, vector<16xi32>
    %mul3A_633 = arith.constant 256 : i32
    %mul3A_634 = vector.broadcast %mul3A_633 : i32 to vector<16xi32>
    %mul3A_635 = arith.muli %get3A_624, %mul3A_634 : vector<16xi32>
    %add3A_636 = arith.addi %mul3A_635, %get3A_621 : vector<16xi32>
    %jit3A_637 = arith.constant 1024 : i32
    %broadcast_in_dim3A_638 = vector.broadcast %jit3A_637 : i32 to vector<16xi32>
    %select_n3A_639 = arith.select %ge3A_625, %add3A_636, %broadcast_in_dim3A_638 : vector<16xi1>, vector<16xi32>
    %swap3A_640 = arith.constant 0 : index
    %swap3A_641 = tpu.vector_load %arg21[%swap3A_640] {strides = array<i32>} : memref<128xi32, #tpu.memory_space<vmem>>, vector<16xi32>,
    %swap3A_642 = vector.shape_cast %swap3A_641 : vector<16xi32> to vector<16xi32>
    %swap3A_643 = vector.shape_cast %select_n3A_632 : vector<16xi32> to vector<16xi32>
    tpu.vector_store %arg21[%swap3A_640], %swap3A_643 {strides = array<i32>} : memref<128xi32, #tpu.memory_space<vmem>>, vector<16xi32>,
    %swap3A_644 = arith.constant 64 : index
    %swap3A_645 = tpu.vector_load %arg21[%swap3A_644] {strides = array<i32>} : memref<128xi32, #tpu.memory_space<vmem>>, vector<16xi32>,
    %swap3A_646 = vector.shape_cast %swap3A_645 : vector<16xi32> to vector<16xi32>
    %swap3A_647 = vector.shape_cast %select_n3A_639 : vector<16xi32> to vector<16xi32>
    tpu.vector_store %arg21[%swap3A_644], %swap3A_647 {strides = array<i32>} : memref<128xi32, #tpu.memory_space<vmem>>, vector<16xi32>,
    %get3A_648 = arith.constant 272 : index
    %get3A_649 = tpu.vector_load %arg12[%get3A_648] {strides = array<i32>} : memref<512xi32, #tpu.memory_space<vmem>>, vector<16xi32>,
    %get3A_650 = vector.shape_cast %get3A_649 : vector<16xi32> to vector<16xi32>
    %get3A_651 = arith.constant 272 : index
    %get3A_652 = tpu.vector_load %arg13[%get3A_651] {strides = array<i32>} : memref<512xi32, #tpu.memory_space<vmem>>, vector<16xi32>,
    %get3A_653 = vector.shape_cast %get3A_652 : vector<16xi32> to vector<16xi32>
    %get3A_654 = arith.constant 272 : index
    %get3A_655 = tpu.vector_load %arg14[%get3A_654] {strides = array<i32>} : memref<512xi32, #tpu.memory_space<vmem>>, vector<16xi32>,
    %get3A_656 = vector.shape_cast %get3A_655 : vector<16xi32> to vector<16xi32>
    %ge3A_657 = arith.cmpi sge, %get3A_653, %get3A_650 : vector<16xi32>
    %mul3A_658 = arith.constant 256 : i32
    %mul3A_659 = vector.broadcast %mul3A_658 : i32 to vector<16xi32>
    %mul3A_660 = arith.muli %get3A_656, %mul3A_659 : vector<16xi32>
    %add3A_661 = arith.addi %mul3A_660, %get3A_650 : vector<16xi32>
    %jit3A_662 = arith.constant 1024 : i32
    %broadcast_in_dim3A_663 = vector.broadcast %jit3A_662 : i32 to vector<16xi32>
    %select_n3A_664 = arith.select %ge3A_657, %add3A_661, %broadcast_in_dim3A_663 : vector<16xi1>, vector<16xi32>
    %mul3A_665 = arith.constant 256 : i32
    %mul3A_666 = vector.broadcast %mul3A_665 : i32 to vector<16xi32>
    %mul3A_667 = arith.muli %get3A_656, %mul3A_666 : vector<16xi32>
    %add3A_668 = arith.addi %mul3A_667, %get3A_653 : vector<16xi32>
    %jit3A_669 = arith.constant 1024 : i32
    %broadcast_in_dim3A_670 = vector.broadcast %jit3A_669 : i32 to vector<16xi32>
    %select_n3A_671 = arith.select %ge3A_657, %add3A_668, %broadcast_in_dim3A_670 : vector<16xi1>, vector<16xi32>
    %swap3A_672 = arith.constant 16 : index
    %swap3A_673 = tpu.vector_load %arg21[%swap3A_672] {strides = array<i32>} : memref<128xi32, #tpu.memory_space<vmem>>, vector<16xi32>,
    %swap3A_674 = vector.shape_cast %swap3A_673 : vector<16xi32> to vector<16xi32>
    %swap3A_675 = vector.shape_cast %select_n3A_664 : vector<16xi32> to vector<16xi32>
    tpu.vector_store %arg21[%swap3A_672], %swap3A_675 {strides = array<i32>} : memref<128xi32, #tpu.memory_space<vmem>>, vector<16xi32>,
    %swap3A_676 = arith.constant 80 : index
    %swap3A_677 = tpu.vector_load %arg21[%swap3A_676] {strides = array<i32>} : memref<128xi32, #tpu.memory_space<vmem>>, vector<16xi32>,
    %swap3A_678 = vector.shape_cast %swap3A_677 : vector<16xi32> to vector<16xi32>
    %swap3A_679 = vector.shape_cast %select_n3A_671 : vector<16xi32> to vector<16xi32>
    tpu.vector_store %arg21[%swap3A_676], %swap3A_679 {strides = array<i32>} : memref<128xi32, #tpu.memory_space<vmem>>, vector<16xi32>,
    %get3A_680 = arith.constant 288 : index
    %get3A_681 = tpu.vector_load %arg12[%get3A_680] {strides = array<i32>} : memref<512xi32, #tpu.memory_space<vmem>>, vector<16xi32>,
    %get3A_682 = vector.shape_cast %get3A_681 : vector<16xi32> to vector<16xi32>
    %get3A_683 = arith.constant 288 : index
    %get3A_684 = tpu.vector_load %arg13[%get3A_683] {strides = array<i32>} : memref<512xi32, #tpu.memory_space<vmem>>, vector<16xi32>,
    %get3A_685 = vector.shape_cast %get3A_684 : vector<16xi32> to vector<16xi32>
    %get3A_686 = arith.constant 288 : index
    %get3A_687 = tpu.vector_load %arg14[%get3A_686] {strides = array<i32>} : memref<512xi32, #tpu.memory_space<vmem>>, vector<16xi32>,
    %get3A_688 = vector.shape_cast %get3A_687 : vector<16xi32> to vector<16xi32>
    %ge3A_689 = arith.cmpi sge, %get3A_685, %get3A_682 : vector<16xi32>
    %mul3A_690 = arith.constant 256 : i32
    %mul3A_691 = vector.broadcast %mul3A_690 : i32 to vector<16xi32>
    %mul3A_692 = arith.muli %get3A_688, %mul3A_691 : vector<16xi32>
    %add3A_693 = arith.addi %mul3A_692, %get3A_682 : vector<16xi32>
    %jit3A_694 = arith.constant 1024 : i32
    %broadcast_in_dim3A_695 = vector.broadcast %jit3A_694 : i32 to vector<16xi32>
    %select_n3A_696 = arith.select %ge3A_689, %add3A_693, %broadcast_in_dim3A_695 : vector<16xi1>, vector<16xi32>
    %mul3A_697 = arith.constant 256 : i32
    %mul3A_698 = vector.broadcast %mul3A_697 : i32 to vector<16xi32>
    %mul3A_699 = arith.muli %get3A_688, %mul3A_698 : vector<16xi32>
    %add3A_700 = arith.addi %mul3A_699, %get3A_685 : vector<16xi32>
    %jit3A_701 = arith.constant 1024 : i32
    %broadcast_in_dim3A_702 = vector.broadcast %jit3A_701 : i32 to vector<16xi32>
    %select_n3A_703 = arith.select %ge3A_689, %add3A_700, %broadcast_in_dim3A_702 : vector<16xi1>, vector<16xi32>
    %swap3A_704 = arith.constant 32 : index
    %swap3A_705 = tpu.vector_load %arg21[%swap3A_704] {strides = array<i32>} : memref<128xi32, #tpu.memory_space<vmem>>, vector<16xi32>,
    %swap3A_706 = vector.shape_cast %swap3A_705 : vector<16xi32> to vector<16xi32>
    %swap3A_707 = vector.shape_cast %select_n3A_696 : vector<16xi32> to vector<16xi32>
    tpu.vector_store %arg21[%swap3A_704], %swap3A_707 {strides = array<i32>} : memref<128xi32, #tpu.memory_space<vmem>>, vector<16xi32>,
    %swap3A_708 = arith.constant 96 : index
    %swap3A_709 = tpu.vector_load %arg21[%swap3A_708] {strides = array<i32>} : memref<128xi32, #tpu.memory_space<vmem>>, vector<16xi32>,
    %swap3A_710 = vector.shape_cast %swap3A_709 : vector<16xi32> to vector<16xi32>
    %swap3A_711 = vector.shape_cast %select_n3A_703 : vector<16xi32> to vector<16xi32>
    tpu.vector_store %arg21[%swap3A_708], %swap3A_711 {strides = array<i32>} : memref<128xi32, #tpu.memory_space<vmem>>, vector<16xi32>,
    %get3A_712 = arith.constant 304 : index
    %get3A_713 = tpu.vector_load %arg12[%get3A_712] {strides = array<i32>} : memref<512xi32, #tpu.memory_space<vmem>>, vector<16xi32>,
    %get3A_714 = vector.shape_cast %get3A_713 : vector<16xi32> to vector<16xi32>
    %get3A_715 = arith.constant 304 : index
    %get3A_716 = tpu.vector_load %arg13[%get3A_715] {strides = array<i32>} : memref<512xi32, #tpu.memory_space<vmem>>, vector<16xi32>,
    %get3A_717 = vector.shape_cast %get3A_716 : vector<16xi32> to vector<16xi32>
    %get3A_718 = arith.constant 304 : index
    %get3A_719 = tpu.vector_load %arg14[%get3A_718] {strides = array<i32>} : memref<512xi32, #tpu.memory_space<vmem>>, vector<16xi32>,
    %get3A_720 = vector.shape_cast %get3A_719 : vector<16xi32> to vector<16xi32>
    %ge3A_721 = arith.cmpi sge, %get3A_717, %get3A_714 : vector<16xi32>
    %mul3A_722 = arith.constant 256 : i32
    %mul3A_723 = vector.broadcast %mul3A_722 : i32 to vector<16xi32>
    %mul3A_724 = arith.muli %get3A_720, %mul3A_723 : vector<16xi32>
    %add3A_725 = arith.addi %mul3A_724, %get3A_714 : vector<16xi32>
    %jit3A_726 = arith.constant 1024 : i32
    %broadcast_in_dim3A_727 = vector.broadcast %jit3A_726 : i32 to vector<16xi32>
    %select_n3A_728 = arith.select %ge3A_721, %add3A_725, %broadcast_in_dim3A_727 : vector<16xi1>, vector<16xi32>
    %mul3A_729 = arith.constant 256 : i32
    %mul3A_730 = vector.broadcast %mul3A_729 : i32 to vector<16xi32>
    %mul3A_731 = arith.muli %get3A_720, %mul3A_730 : vector<16xi32>
    %add3A_732 = arith.addi %mul3A_731, %get3A_717 : vector<16xi32>
    %jit3A_733 = arith.constant 1024 : i32
    %broadcast_in_dim3A_734 = vector.broadcast %jit3A_733 : i32 to vector<16xi32>
    %select_n3A_735 = arith.select %ge3A_721, %add3A_732, %broadcast_in_dim3A_734 : vector<16xi1>, vector<16xi32>
    %swap3A_736 = arith.constant 48 : index
    %swap3A_737 = tpu.vector_load %arg21[%swap3A_736] {strides = array<i32>} : memref<128xi32, #tpu.memory_space<vmem>>, vector<16xi32>,
    %swap3A_738 = vector.shape_cast %swap3A_737 : vector<16xi32> to vector<16xi32>
    %swap3A_739 = vector.shape_cast %select_n3A_728 : vector<16xi32> to vector<16xi32>
    tpu.vector_store %arg21[%swap3A_736], %swap3A_739 {strides = array<i32>} : memref<128xi32, #tpu.memory_space<vmem>>, vector<16xi32>,
    %swap3A_740 = arith.constant 112 : index
    %swap3A_741 = tpu.vector_load %arg21[%swap3A_740] {strides = array<i32>} : memref<128xi32, #tpu.memory_space<vmem>>, vector<16xi32>,
    %swap3A_742 = vector.shape_cast %swap3A_741 : vector<16xi32> to vector<16xi32>
    %swap3A_743 = vector.shape_cast %select_n3A_735 : vector<16xi32> to vector<16xi32>
    tpu.vector_store %arg21[%swap3A_740], %swap3A_743 {strides = array<i32>} : memref<128xi32, #tpu.memory_space<vmem>>, vector<16xi32>,
    %dma_start3A_744 = arith.constant 0 : i32
    %dma_start3A_745 = arith.constant 0 : i32
    %dma_start3A_746 = tpu.memref_slice %arg10[%dma_start3A_744, %dma_start3A_745] : memref<1032x128xf32, #tpu.memory_space<vmem_shared>> -> memref<1032x128xf32, #tpu.memory_space<vmem_shared>>
    tpu.enqueue_indirect_dma source(%dma_start3A_746 : memref<1032x128xf32, #tpu.memory_space<vmem_shared>>) target(%arg27 : memref<128x128xf32, #tpu.memory_space<vmem>>) offsets(%arg21 : memref<128xi32, #tpu.memory_space<vmem>>) semaphore(%arg33 : memref<!tpu.dma_semaphore, #tpu.memory_space<semaphore_mem>>)
    %dma_wait3A_747 = arith.constant 0 : i32
    %dma_wait3A_748 = arith.constant 0 : i32
    %dma_wait3A_749 = tpu.memref_slice %arg10[%dma_wait3A_747, %dma_wait3A_748] : memref<1032x128xf32, #tpu.memory_space<vmem_shared>> -> memref<1032x128xf32, #tpu.memory_space<vmem_shared>>
    tpu.wait_indirect_dma semaphore(%arg30 : memref<!tpu.dma_semaphore, #tpu.memory_space<semaphore_mem>>) src(%dma_wait3A_749 : memref<1032x128xf32, #tpu.memory_space<vmem_shared>>) dst(%arg24 : memref<128x128xf32, #tpu.memory_space<vmem>>)
    %add3A_750 = arith.constant 64 : i32
    %add3A_751 = arith.addi %mul3A_2, %add3A_750 : i32
    %dma_start3A_752 = arith.constant 0 : i32
    %dma_start3A_753 = arith.constant 0 : i32
    %dma_start3A_754 = tpu.memref_slice %arg24[%dma_start3A_752, %dma_start3A_753] : memref<128x128xf32, #tpu.memory_space<vmem>> -> memref<64x128xf32, #tpu.memory_space<vmem>>
    %dma_start3A_755 = arith.constant 0 : i32
    %dma_start3A_756 = tpu.memref_slice %arg8[%add3A_751, %dma_start3A_755] : memref<16384x256xf32, #tpu.memory_space<hbm>> -> memref<64x128xf32, #tpu.memory_space<hbm>>
    %dma_start3A_757 = arith.constant 0 : i32
    %dma_start3A_758 = tpu.memref_slice %arg8[%add3A_751, %dma_start3A_757] : memref<16384x256xf32, #tpu.memory_space<hbm>> -> memref<64x128xf32, #tpu.memory_space<hbm>>
    %dma_start3A_759 = arith.constant 0 : i32
    %dma_start3A_760 = arith.constant 0 : i32
    %dma_start3A_761 = tpu.memref_slice %arg24[%dma_start3A_759, %dma_start3A_760] : memref<128x128xf32, #tpu.memory_space<vmem>> -> memref<64x128xf32, #tpu.memory_space<vmem>>
    tpu.enqueue_dma source(%dma_start3A_761 : memref<64x128xf32, #tpu.memory_space<vmem>>) target(%dma_start3A_758 : memref<64x128xf32, #tpu.memory_space<hbm>>) target_semaphore(%arg36 : memref<!tpu.dma_semaphore, #tpu.memory_space<semaphore_mem>>)
    %dma_start3A_762 = arith.constant 64 : i32
    %dma_start3A_763 = arith.constant 0 : i32
    %dma_start3A_764 = tpu.memref_slice %arg24[%dma_start3A_762, %dma_start3A_763] : memref<128x128xf32, #tpu.memory_space<vmem>> -> memref<64x128xf32, #tpu.memory_space<vmem>>
    %dma_start3A_765 = arith.constant 128 : i32
    %dma_start3A_766 = tpu.memref_slice %arg8[%add3A_751, %dma_start3A_765] : memref<16384x256xf32, #tpu.memory_space<hbm>> -> memref<64x128xf32, #tpu.memory_space<hbm>>
    %dma_start3A_767 = arith.constant 128 : i32
    %dma_start3A_768 = tpu.memref_slice %arg8[%add3A_751, %dma_start3A_767] : memref<16384x256xf32, #tpu.memory_space<hbm>> -> memref<64x128xf32, #tpu.memory_space<hbm>>
    %dma_start3A_769 = arith.constant 64 : i32
    %dma_start3A_770 = arith.constant 0 : i32
    %dma_start3A_771 = tpu.memref_slice %arg24[%dma_start3A_769, %dma_start3A_770] : memref<128x128xf32, #tpu.memory_space<vmem>> -> memref<64x128xf32, #tpu.memory_space<vmem>>
    tpu.enqueue_dma source(%dma_start3A_771 : memref<64x128xf32, #tpu.memory_space<vmem>>) target(%dma_start3A_768 : memref<64x128xf32, #tpu.memory_space<hbm>>) target_semaphore(%arg36 : memref<!tpu.dma_semaphore, #tpu.memory_space<semaphore_mem>>)
    %get3A_772 = arith.constant 320 : index
    %get3A_773 = tpu.vector_load %arg12[%get3A_772] {strides = array<i32>} : memref<512xi32, #tpu.memory_space<vmem>>, vector<16xi32>,
    %get3A_774 = vector.shape_cast %get3A_773 : vector<16xi32> to vector<16xi32>
    %get3A_775 = arith.constant 320 : index
    %get3A_776 = tpu.vector_load %arg13[%get3A_775] {strides = array<i32>} : memref<512xi32, #tpu.memory_space<vmem>>, vector<16xi32>,
    %get3A_777 = vector.shape_cast %get3A_776 : vector<16xi32> to vector<16xi32>
    %get3A_778 = arith.constant 320 : index
    %get3A_779 = tpu.vector_load %arg14[%get3A_778] {strides = array<i32>} : memref<512xi32, #tpu.memory_space<vmem>>, vector<16xi32>,
    %get3A_780 = vector.shape_cast %get3A_779 : vector<16xi32> to vector<16xi32>
    %ge3A_781 = arith.cmpi sge, %get3A_777, %get3A_774 : vector<16xi32>
    %mul3A_782 = arith.constant 256 : i32
    %mul3A_783 = vector.broadcast %mul3A_782 : i32 to vector<16xi32>
    %mul3A_784 = arith.muli %get3A_780, %mul3A_783 : vector<16xi32>
    %add3A_785 = arith.addi %mul3A_784, %get3A_774 : vector<16xi32>
    %jit3A_786 = arith.constant 1024 : i32
    %broadcast_in_dim3A_787 = vector.broadcast %jit3A_786 : i32 to vector<16xi32>
    %select_n3A_788 = arith.select %ge3A_781, %add3A_785, %broadcast_in_dim3A_787 : vector<16xi1>, vector<16xi32>
    %mul3A_789 = arith.constant 256 : i32
    %mul3A_790 = vector.broadcast %mul3A_789 : i32 to vector<16xi32>
    %mul3A_791 = arith.muli %get3A_780, %mul3A_790 : vector<16xi32>
    %add3A_792 = arith.addi %mul3A_791, %get3A_777 : vector<16xi32>
    %jit3A_793 = arith.constant 1024 : i32
    %broadcast_in_dim3A_794 = vector.broadcast %jit3A_793 : i32 to vector<16xi32>
    %select_n3A_795 = arith.select %ge3A_781, %add3A_792, %broadcast_in_dim3A_794 : vector<16xi1>, vector<16xi32>
    %swap3A_796 = arith.constant 0 : index
    %swap3A_797 = tpu.vector_load %arg22[%swap3A_796] {strides = array<i32>} : memref<128xi32, #tpu.memory_space<vmem>>, vector<16xi32>,
    %swap3A_798 = vector.shape_cast %swap3A_797 : vector<16xi32> to vector<16xi32>
    %swap3A_799 = vector.shape_cast %select_n3A_788 : vector<16xi32> to vector<16xi32>
    tpu.vector_store %arg22[%swap3A_796], %swap3A_799 {strides = array<i32>} : memref<128xi32, #tpu.memory_space<vmem>>, vector<16xi32>,
    %swap3A_800 = arith.constant 64 : index
    %swap3A_801 = tpu.vector_load %arg22[%swap3A_800] {strides = array<i32>} : memref<128xi32, #tpu.memory_space<vmem>>, vector<16xi32>,
    %swap3A_802 = vector.shape_cast %swap3A_801 : vector<16xi32> to vector<16xi32>
    %swap3A_803 = vector.shape_cast %select_n3A_795 : vector<16xi32> to vector<16xi32>
    tpu.vector_store %arg22[%swap3A_800], %swap3A_803 {strides = array<i32>} : memref<128xi32, #tpu.memory_space<vmem>>, vector<16xi32>,
    %get3A_804 = arith.constant 336 : index
    %get3A_805 = tpu.vector_load %arg12[%get3A_804] {strides = array<i32>} : memref<512xi32, #tpu.memory_space<vmem>>, vector<16xi32>,
    %get3A_806 = vector.shape_cast %get3A_805 : vector<16xi32> to vector<16xi32>
    %get3A_807 = arith.constant 336 : index
    %get3A_808 = tpu.vector_load %arg13[%get3A_807] {strides = array<i32>} : memref<512xi32, #tpu.memory_space<vmem>>, vector<16xi32>,
    %get3A_809 = vector.shape_cast %get3A_808 : vector<16xi32> to vector<16xi32>
    %get3A_810 = arith.constant 336 : index
    %get3A_811 = tpu.vector_load %arg14[%get3A_810] {strides = array<i32>} : memref<512xi32, #tpu.memory_space<vmem>>, vector<16xi32>,
    %get3A_812 = vector.shape_cast %get3A_811 : vector<16xi32> to vector<16xi32>
    %ge3A_813 = arith.cmpi sge, %get3A_809, %get3A_806 : vector<16xi32>
    %mul3A_814 = arith.constant 256 : i32
    %mul3A_815 = vector.broadcast %mul3A_814 : i32 to vector<16xi32>
    %mul3A_816 = arith.muli %get3A_812, %mul3A_815 : vector<16xi32>
    %add3A_817 = arith.addi %mul3A_816, %get3A_806 : vector<16xi32>
    %jit3A_818 = arith.constant 1024 : i32
    %broadcast_in_dim3A_819 = vector.broadcast %jit3A_818 : i32 to vector<16xi32>
    %select_n3A_820 = arith.select %ge3A_813, %add3A_817, %broadcast_in_dim3A_819 : vector<16xi1>, vector<16xi32>
    %mul3A_821 = arith.constant 256 : i32
    %mul3A_822 = vector.broadcast %mul3A_821 : i32 to vector<16xi32>
    %mul3A_823 = arith.muli %get3A_812, %mul3A_822 : vector<16xi32>
    %add3A_824 = arith.addi %mul3A_823, %get3A_809 : vector<16xi32>
    %jit3A_825 = arith.constant 1024 : i32
    %broadcast_in_dim3A_826 = vector.broadcast %jit3A_825 : i32 to vector<16xi32>
    %select_n3A_827 = arith.select %ge3A_813, %add3A_824, %broadcast_in_dim3A_826 : vector<16xi1>, vector<16xi32>
    %swap3A_828 = arith.constant 16 : index
    %swap3A_829 = tpu.vector_load %arg22[%swap3A_828] {strides = array<i32>} : memref<128xi32, #tpu.memory_space<vmem>>, vector<16xi32>,
    %swap3A_830 = vector.shape_cast %swap3A_829 : vector<16xi32> to vector<16xi32>
    %swap3A_831 = vector.shape_cast %select_n3A_820 : vector<16xi32> to vector<16xi32>
    tpu.vector_store %arg22[%swap3A_828], %swap3A_831 {strides = array<i32>} : memref<128xi32, #tpu.memory_space<vmem>>, vector<16xi32>,
    %swap3A_832 = arith.constant 80 : index
    %swap3A_833 = tpu.vector_load %arg22[%swap3A_832] {strides = array<i32>} : memref<128xi32, #tpu.memory_space<vmem>>, vector<16xi32>,
    %swap3A_834 = vector.shape_cast %swap3A_833 : vector<16xi32> to vector<16xi32>
    %swap3A_835 = vector.shape_cast %select_n3A_827 : vector<16xi32> to vector<16xi32>
    tpu.vector_store %arg22[%swap3A_832], %swap3A_835 {strides = array<i32>} : memref<128xi32, #tpu.memory_space<vmem>>, vector<16xi32>,
    %get3A_836 = arith.constant 352 : index
    %get3A_837 = tpu.vector_load %arg12[%get3A_836] {strides = array<i32>} : memref<512xi32, #tpu.memory_space<vmem>>, vector<16xi32>,
    %get3A_838 = vector.shape_cast %get3A_837 : vector<16xi32> to vector<16xi32>
    %get3A_839 = arith.constant 352 : index
    %get3A_840 = tpu.vector_load %arg13[%get3A_839] {strides = array<i32>} : memref<512xi32, #tpu.memory_space<vmem>>, vector<16xi32>,
    %get3A_841 = vector.shape_cast %get3A_840 : vector<16xi32> to vector<16xi32>
    %get3A_842 = arith.constant 352 : index
    %get3A_843 = tpu.vector_load %arg14[%get3A_842] {strides = array<i32>} : memref<512xi32, #tpu.memory_space<vmem>>, vector<16xi32>,
    %get3A_844 = vector.shape_cast %get3A_843 : vector<16xi32> to vector<16xi32>
    %ge3A_845 = arith.cmpi sge, %get3A_841, %get3A_838 : vector<16xi32>
    %mul3A_846 = arith.constant 256 : i32
    %mul3A_847 = vector.broadcast %mul3A_846 : i32 to vector<16xi32>
    %mul3A_848 = arith.muli %get3A_844, %mul3A_847 : vector<16xi32>
    %add3A_849 = arith.addi %mul3A_848, %get3A_838 : vector<16xi32>
    %jit3A_850 = arith.constant 1024 : i32
    %broadcast_in_dim3A_851 = vector.broadcast %jit3A_850 : i32 to vector<16xi32>
    %select_n3A_852 = arith.select %ge3A_845, %add3A_849, %broadcast_in_dim3A_851 : vector<16xi1>, vector<16xi32>
    %mul3A_853 = arith.constant 256 : i32
    %mul3A_854 = vector.broadcast %mul3A_853 : i32 to vector<16xi32>
    %mul3A_855 = arith.muli %get3A_844, %mul3A_854 : vector<16xi32>
    %add3A_856 = arith.addi %mul3A_855, %get3A_841 : vector<16xi32>
    %jit3A_857 = arith.constant 1024 : i32
    %broadcast_in_dim3A_858 = vector.broadcast %jit3A_857 : i32 to vector<16xi32>
    %select_n3A_859 = arith.select %ge3A_845, %add3A_856, %broadcast_in_dim3A_858 : vector<16xi1>, vector<16xi32>
    %swap3A_860 = arith.constant 32 : index
    %swap3A_861 = tpu.vector_load %arg22[%swap3A_860] {strides = array<i32>} : memref<128xi32, #tpu.memory_space<vmem>>, vector<16xi32>,
    %swap3A_862 = vector.shape_cast %swap3A_861 : vector<16xi32> to vector<16xi32>
    %swap3A_863 = vector.shape_cast %select_n3A_852 : vector<16xi32> to vector<16xi32>
    tpu.vector_store %arg22[%swap3A_860], %swap3A_863 {strides = array<i32>} : memref<128xi32, #tpu.memory_space<vmem>>, vector<16xi32>,
    %swap3A_864 = arith.constant 96 : index
    %swap3A_865 = tpu.vector_load %arg22[%swap3A_864] {strides = array<i32>} : memref<128xi32, #tpu.memory_space<vmem>>, vector<16xi32>,
    %swap3A_866 = vector.shape_cast %swap3A_865 : vector<16xi32> to vector<16xi32>
    %swap3A_867 = vector.shape_cast %select_n3A_859 : vector<16xi32> to vector<16xi32>
    tpu.vector_store %arg22[%swap3A_864], %swap3A_867 {strides = array<i32>} : memref<128xi32, #tpu.memory_space<vmem>>, vector<16xi32>,
    %get3A_868 = arith.constant 368 : index
    %get3A_869 = tpu.vector_load %arg12[%get3A_868] {strides = array<i32>} : memref<512xi32, #tpu.memory_space<vmem>>, vector<16xi32>,
    %get3A_870 = vector.shape_cast %get3A_869 : vector<16xi32> to vector<16xi32>
    %get3A_871 = arith.constant 368 : index
    %get3A_872 = tpu.vector_load %arg13[%get3A_871] {strides = array<i32>} : memref<512xi32, #tpu.memory_space<vmem>>, vector<16xi32>,
    %get3A_873 = vector.shape_cast %get3A_872 : vector<16xi32> to vector<16xi32>
    %get3A_874 = arith.constant 368 : index
    %get3A_875 = tpu.vector_load %arg14[%get3A_874] {strides = array<i32>} : memref<512xi32, #tpu.memory_space<vmem>>, vector<16xi32>,
    %get3A_876 = vector.shape_cast %get3A_875 : vector<16xi32> to vector<16xi32>
    %ge3A_877 = arith.cmpi sge, %get3A_873, %get3A_870 : vector<16xi32>
    %mul3A_878 = arith.constant 256 : i32
    %mul3A_879 = vector.broadcast %mul3A_878 : i32 to vector<16xi32>
    %mul3A_880 = arith.muli %get3A_876, %mul3A_879 : vector<16xi32>
    %add3A_881 = arith.addi %mul3A_880, %get3A_870 : vector<16xi32>
    %jit3A_882 = arith.constant 1024 : i32
    %broadcast_in_dim3A_883 = vector.broadcast %jit3A_882 : i32 to vector<16xi32>
    %select_n3A_884 = arith.select %ge3A_877, %add3A_881, %broadcast_in_dim3A_883 : vector<16xi1>, vector<16xi32>
    %mul3A_885 = arith.constant 256 : i32
    %mul3A_886 = vector.broadcast %mul3A_885 : i32 to vector<16xi32>
    %mul3A_887 = arith.muli %get3A_876, %mul3A_886 : vector<16xi32>
    %add3A_888 = arith.addi %mul3A_887, %get3A_873 : vector<16xi32>
    %jit3A_889 = arith.constant 1024 : i32
    %broadcast_in_dim3A_890 = vector.broadcast %jit3A_889 : i32 to vector<16xi32>
    %select_n3A_891 = arith.select %ge3A_877, %add3A_888, %broadcast_in_dim3A_890 : vector<16xi1>, vector<16xi32>
    %swap3A_892 = arith.constant 48 : index
    %swap3A_893 = tpu.vector_load %arg22[%swap3A_892] {strides = array<i32>} : memref<128xi32, #tpu.memory_space<vmem>>, vector<16xi32>,
    %swap3A_894 = vector.shape_cast %swap3A_893 : vector<16xi32> to vector<16xi32>
    %swap3A_895 = vector.shape_cast %select_n3A_884 : vector<16xi32> to vector<16xi32>
    tpu.vector_store %arg22[%swap3A_892], %swap3A_895 {strides = array<i32>} : memref<128xi32, #tpu.memory_space<vmem>>, vector<16xi32>,
    %swap3A_896 = arith.constant 112 : index
    %swap3A_897 = tpu.vector_load %arg22[%swap3A_896] {strides = array<i32>} : memref<128xi32, #tpu.memory_space<vmem>>, vector<16xi32>,
    %swap3A_898 = vector.shape_cast %swap3A_897 : vector<16xi32> to vector<16xi32>
    %swap3A_899 = vector.shape_cast %select_n3A_891 : vector<16xi32> to vector<16xi32>
    tpu.vector_store %arg22[%swap3A_896], %swap3A_899 {strides = array<i32>} : memref<128xi32, #tpu.memory_space<vmem>>, vector<16xi32>,
    %dma_start3A_900 = arith.constant 0 : i32
    %dma_start3A_901 = arith.constant 0 : i32
    %dma_start3A_902 = tpu.memref_slice %arg10[%dma_start3A_900, %dma_start3A_901] : memref<1032x128xf32, #tpu.memory_space<vmem_shared>> -> memref<1032x128xf32, #tpu.memory_space<vmem_shared>>
    tpu.enqueue_indirect_dma source(%dma_start3A_902 : memref<1032x128xf32, #tpu.memory_space<vmem_shared>>) target(%arg28 : memref<128x128xf32, #tpu.memory_space<vmem>>) offsets(%arg22 : memref<128xi32, #tpu.memory_space<vmem>>) semaphore(%arg34 : memref<!tpu.dma_semaphore, #tpu.memory_space<semaphore_mem>>)
    %dma_wait3A_903 = arith.constant 0 : i32
    %dma_wait3A_904 = arith.constant 0 : i32
    %dma_wait3A_905 = tpu.memref_slice %arg10[%dma_wait3A_903, %dma_wait3A_904] : memref<1032x128xf32, #tpu.memory_space<vmem_shared>> -> memref<1032x128xf32, #tpu.memory_space<vmem_shared>>
    tpu.wait_indirect_dma semaphore(%arg31 : memref<!tpu.dma_semaphore, #tpu.memory_space<semaphore_mem>>) src(%dma_wait3A_905 : memref<1032x128xf32, #tpu.memory_space<vmem_shared>>) dst(%arg25 : memref<128x128xf32, #tpu.memory_space<vmem>>)
    %add3A_906 = arith.constant 128 : i32
    %add3A_907 = arith.addi %mul3A_2, %add3A_906 : i32
    %dma_start3A_908 = arith.constant 0 : i32
    %dma_start3A_909 = arith.constant 0 : i32
    %dma_start3A_910 = tpu.memref_slice %arg25[%dma_start3A_908, %dma_start3A_909] : memref<128x128xf32, #tpu.memory_space<vmem>> -> memref<64x128xf32, #tpu.memory_space<vmem>>
    %dma_start3A_911 = arith.constant 0 : i32
    %dma_start3A_912 = tpu.memref_slice %arg8[%add3A_907, %dma_start3A_911] : memref<16384x256xf32, #tpu.memory_space<hbm>> -> memref<64x128xf32, #tpu.memory_space<hbm>>
    %dma_start3A_913 = arith.constant 0 : i32
    %dma_start3A_914 = tpu.memref_slice %arg8[%add3A_907, %dma_start3A_913] : memref<16384x256xf32, #tpu.memory_space<hbm>> -> memref<64x128xf32, #tpu.memory_space<hbm>>
    %dma_start3A_915 = arith.constant 0 : i32
    %dma_start3A_916 = arith.constant 0 : i32
    %dma_start3A_917 = tpu.memref_slice %arg25[%dma_start3A_915, %dma_start3A_916] : memref<128x128xf32, #tpu.memory_space<vmem>> -> memref<64x128xf32, #tpu.memory_space<vmem>>
    tpu.enqueue_dma source(%dma_start3A_917 : memref<64x128xf32, #tpu.memory_space<vmem>>) target(%dma_start3A_914 : memref<64x128xf32, #tpu.memory_space<hbm>>) target_semaphore(%arg37 : memref<!tpu.dma_semaphore, #tpu.memory_space<semaphore_mem>>)
    %dma_start3A_918 = arith.constant 64 : i32
    %dma_start3A_919 = arith.constant 0 : i32
    %dma_start3A_920 = tpu.memref_slice %arg25[%dma_start3A_918, %dma_start3A_919] : memref<128x128xf32, #tpu.memory_space<vmem>> -> memref<64x128xf32, #tpu.memory_space<vmem>>
    %dma_start3A_921 = arith.constant 128 : i32
    %dma_start3A_922 = tpu.memref_slice %arg8[%add3A_907, %dma_start3A_921] : memref<16384x256xf32, #tpu.memory_space<hbm>> -> memref<64x128xf32, #tpu.memory_space<hbm>>
    %dma_start3A_923 = arith.constant 128 : i32
    %dma_start3A_924 = tpu.memref_slice %arg8[%add3A_907, %dma_start3A_923] : memref<16384x256xf32, #tpu.memory_space<hbm>> -> memref<64x128xf32, #tpu.memory_space<hbm>>
    %dma_start3A_925 = arith.constant 64 : i32
    %dma_start3A_926 = arith.constant 0 : i32
    %dma_start3A_927 = tpu.memref_slice %arg25[%dma_start3A_925, %dma_start3A_926] : memref<128x128xf32, #tpu.memory_space<vmem>> -> memref<64x128xf32, #tpu.memory_space<vmem>>
    tpu.enqueue_dma source(%dma_start3A_927 : memref<64x128xf32, #tpu.memory_space<vmem>>) target(%dma_start3A_924 : memref<64x128xf32, #tpu.memory_space<hbm>>) target_semaphore(%arg37 : memref<!tpu.dma_semaphore, #tpu.memory_space<semaphore_mem>>)
    %dma_wait3A_928 = arith.constant 0 : i32
    %dma_wait3A_929 = arith.constant 0 : i32
    %dma_wait3A_930 = tpu.memref_slice %arg23[%dma_wait3A_928, %dma_wait3A_929] : memref<128x128xf32, #tpu.memory_space<vmem>> -> memref<64x128xf32, #tpu.memory_space<vmem>>
    %dma_wait3A_931 = arith.constant 0 : i32
    %dma_wait3A_932 = tpu.memref_slice %arg8[%add3A_595, %dma_wait3A_931] : memref<16384x256xf32, #tpu.memory_space<hbm>> -> memref<64x128xf32, #tpu.memory_space<hbm>>
    %dma_wait3A_933 = arith.constant 0 : i32
    %dma_wait3A_934 = tpu.memref_slice %arg8[%add3A_595, %dma_wait3A_933] : memref<16384x256xf32, #tpu.memory_space<hbm>> -> memref<64x128xf32, #tpu.memory_space<hbm>>
    %dma_wait3A_935 = arith.constant 0 : i32
    %dma_wait3A_936 = arith.constant 0 : i32
    %dma_wait3A_937 = tpu.memref_slice %arg23[%dma_wait3A_935, %dma_wait3A_936] : memref<128x128xf32, #tpu.memory_space<vmem>> -> memref<64x128xf32, #tpu.memory_space<vmem>>
    tpu.wait_dma2 semaphore(%arg35 : memref<!tpu.dma_semaphore, #tpu.memory_space<semaphore_mem>>) src(%dma_wait3A_937 : memref<64x128xf32, #tpu.memory_space<vmem>>) dst(%dma_wait3A_934 : memref<64x128xf32, #tpu.memory_space<hbm>>)
    %dma_wait3A_938 = arith.constant 64 : i32
    %dma_wait3A_939 = arith.constant 0 : i32
    %dma_wait3A_940 = tpu.memref_slice %arg23[%dma_wait3A_938, %dma_wait3A_939] : memref<128x128xf32, #tpu.memory_space<vmem>> -> memref<64x128xf32, #tpu.memory_space<vmem>>
    %dma_wait3A_941 = arith.constant 128 : i32
    %dma_wait3A_942 = tpu.memref_slice %arg8[%add3A_595, %dma_wait3A_941] : memref<16384x256xf32, #tpu.memory_space<hbm>> -> memref<64x128xf32, #tpu.memory_space<hbm>>
    %dma_wait3A_943 = arith.constant 128 : i32
    %dma_wait3A_944 = tpu.memref_slice %arg8[%add3A_595, %dma_wait3A_943] : memref<16384x256xf32, #tpu.memory_space<hbm>> -> memref<64x128xf32, #tpu.memory_space<hbm>>
    %dma_wait3A_945 = arith.constant 64 : i32
    %dma_wait3A_946 = arith.constant 0 : i32
    %dma_wait3A_947 = tpu.memref_slice %arg23[%dma_wait3A_945, %dma_wait3A_946] : memref<128x128xf32, #tpu.memory_space<vmem>> -> memref<64x128xf32, #tpu.memory_space<vmem>>
    tpu.wait_dma2 semaphore(%arg35 : memref<!tpu.dma_semaphore, #tpu.memory_space<semaphore_mem>>) src(%dma_wait3A_947 : memref<64x128xf32, #tpu.memory_space<vmem>>) dst(%dma_wait3A_944 : memref<64x128xf32, #tpu.memory_space<hbm>>)
    %get3A_948 = arith.constant 384 : index
    %get3A_949 = tpu.vector_load %arg12[%get3A_948] {strides = array<i32>} : memref<512xi32, #tpu.memory_space<vmem>>, vector<16xi32>,
    %get3A_950 = vector.shape_cast %get3A_949 : vector<16xi32> to vector<16xi32>
    %get3A_951 = arith.constant 384 : index
    %get3A_952 = tpu.vector_load %arg13[%get3A_951] {strides = array<i32>} : memref<512xi32, #tpu.memory_space<vmem>>, vector<16xi32>,
    %get3A_953 = vector.shape_cast %get3A_952 : vector<16xi32> to vector<16xi32>
    %get3A_954 = arith.constant 384 : index
    %get3A_955 = tpu.vector_load %arg14[%get3A_954] {strides = array<i32>} : memref<512xi32, #tpu.memory_space<vmem>>, vector<16xi32>,
    %get3A_956 = vector.shape_cast %get3A_955 : vector<16xi32> to vector<16xi32>
    %ge3A_957 = arith.cmpi sge, %get3A_953, %get3A_950 : vector<16xi32>
    %mul3A_958 = arith.constant 256 : i32
    %mul3A_959 = vector.broadcast %mul3A_958 : i32 to vector<16xi32>
    %mul3A_960 = arith.muli %get3A_956, %mul3A_959 : vector<16xi32>
    %add3A_961 = arith.addi %mul3A_960, %get3A_950 : vector<16xi32>
    %jit3A_962 = arith.constant 1024 : i32
    %broadcast_in_dim3A_963 = vector.broadcast %jit3A_962 : i32 to vector<16xi32>
    %select_n3A_964 = arith.select %ge3A_957, %add3A_961, %broadcast_in_dim3A_963 : vector<16xi1>, vector<16xi32>
    %mul3A_965 = arith.constant 256 : i32
    %mul3A_966 = vector.broadcast %mul3A_965 : i32 to vector<16xi32>
    %mul3A_967 = arith.muli %get3A_956, %mul3A_966 : vector<16xi32>
    %add3A_968 = arith.addi %mul3A_967, %get3A_953 : vector<16xi32>
    %jit3A_969 = arith.constant 1024 : i32
    %broadcast_in_dim3A_970 = vector.broadcast %jit3A_969 : i32 to vector<16xi32>
    %select_n3A_971 = arith.select %ge3A_957, %add3A_968, %broadcast_in_dim3A_970 : vector<16xi1>, vector<16xi32>
    %swap3A_972 = arith.constant 0 : index
    %swap3A_973 = tpu.vector_load %arg17[%swap3A_972] {strides = array<i32>} : memref<128xi32, #tpu.memory_space<vmem>>, vector<16xi32>,
    %swap3A_974 = vector.shape_cast %swap3A_973 : vector<16xi32> to vector<16xi32>
    %swap3A_975 = vector.shape_cast %select_n3A_964 : vector<16xi32> to vector<16xi32>
    tpu.vector_store %arg17[%swap3A_972], %swap3A_975 {strides = array<i32>} : memref<128xi32, #tpu.memory_space<vmem>>, vector<16xi32>,
    %swap3A_976 = arith.constant 64 : index
    %swap3A_977 = tpu.vector_load %arg17[%swap3A_976] {strides = array<i32>} : memref<128xi32, #tpu.memory_space<vmem>>, vector<16xi32>,
    %swap3A_978 = vector.shape_cast %swap3A_977 : vector<16xi32> to vector<16xi32>
    %swap3A_979 = vector.shape_cast %select_n3A_971 : vector<16xi32> to vector<16xi32>
    tpu.vector_store %arg17[%swap3A_976], %swap3A_979 {strides = array<i32>} : memref<128xi32, #tpu.memory_space<vmem>>, vector<16xi32>,
    %get3A_980 = arith.constant 400 : index
    %get3A_981 = tpu.vector_load %arg12[%get3A_980] {strides = array<i32>} : memref<512xi32, #tpu.memory_space<vmem>>, vector<16xi32>,
    %get3A_982 = vector.shape_cast %get3A_981 : vector<16xi32> to vector<16xi32>
    %get3A_983 = arith.constant 400 : index
    %get3A_984 = tpu.vector_load %arg13[%get3A_983] {strides = array<i32>} : memref<512xi32, #tpu.memory_space<vmem>>, vector<16xi32>,
    %get3A_985 = vector.shape_cast %get3A_984 : vector<16xi32> to vector<16xi32>
    %get3A_986 = arith.constant 400 : index
    %get3A_987 = tpu.vector_load %arg14[%get3A_986] {strides = array<i32>} : memref<512xi32, #tpu.memory_space<vmem>>, vector<16xi32>,
    %get3A_988 = vector.shape_cast %get3A_987 : vector<16xi32> to vector<16xi32>
    %ge3A_989 = arith.cmpi sge, %get3A_985, %get3A_982 : vector<16xi32>
    %mul3A_990 = arith.constant 256 : i32
    %mul3A_991 = vector.broadcast %mul3A_990 : i32 to vector<16xi32>
    %mul3A_992 = arith.muli %get3A_988, %mul3A_991 : vector<16xi32>
    %add3A_993 = arith.addi %mul3A_992, %get3A_982 : vector<16xi32>
    %jit3A_994 = arith.constant 1024 : i32
    %broadcast_in_dim3A_995 = vector.broadcast %jit3A_994 : i32 to vector<16xi32>
    %select_n3A_996 = arith.select %ge3A_989, %add3A_993, %broadcast_in_dim3A_995 : vector<16xi1>, vector<16xi32>
    %mul3A_997 = arith.constant 256 : i32
    %mul3A_998 = vector.broadcast %mul3A_997 : i32 to vector<16xi32>
    %mul3A_999 = arith.muli %get3A_988, %mul3A_998 : vector<16xi32>
    %add3A_1000 = arith.addi %mul3A_999, %get3A_985 : vector<16xi32>
    %jit3A_1001 = arith.constant 1024 : i32
    %broadcast_in_dim3A_1002 = vector.broadcast %jit3A_1001 : i32 to vector<16xi32>
    %select_n3A_1003 = arith.select %ge3A_989, %add3A_1000, %broadcast_in_dim3A_1002 : vector<16xi1>, vector<16xi32>
    %swap3A_1004 = arith.constant 16 : index
    %swap3A_1005 = tpu.vector_load %arg17[%swap3A_1004] {strides = array<i32>} : memref<128xi32, #tpu.memory_space<vmem>>, vector<16xi32>,
    %swap3A_1006 = vector.shape_cast %swap3A_1005 : vector<16xi32> to vector<16xi32>
    %swap3A_1007 = vector.shape_cast %select_n3A_996 : vector<16xi32> to vector<16xi32>
    tpu.vector_store %arg17[%swap3A_1004], %swap3A_1007 {strides = array<i32>} : memref<128xi32, #tpu.memory_space<vmem>>, vector<16xi32>,
    %swap3A_1008 = arith.constant 80 : index
    %swap3A_1009 = tpu.vector_load %arg17[%swap3A_1008] {strides = array<i32>} : memref<128xi32, #tpu.memory_space<vmem>>, vector<16xi32>,
    %swap3A_1010 = vector.shape_cast %swap3A_1009 : vector<16xi32> to vector<16xi32>
    %swap3A_1011 = vector.shape_cast %select_n3A_1003 : vector<16xi32> to vector<16xi32>
    tpu.vector_store %arg17[%swap3A_1008], %swap3A_1011 {strides = array<i32>} : memref<128xi32, #tpu.memory_space<vmem>>, vector<16xi32>,
    %get3A_1012 = arith.constant 416 : index
    %get3A_1013 = tpu.vector_load %arg12[%get3A_1012] {strides = array<i32>} : memref<512xi32, #tpu.memory_space<vmem>>, vector<16xi32>,
    %get3A_1014 = vector.shape_cast %get3A_1013 : vector<16xi32> to vector<16xi32>
    %get3A_1015 = arith.constant 416 : index
    %get3A_1016 = tpu.vector_load %arg13[%get3A_1015] {strides = array<i32>} : memref<512xi32, #tpu.memory_space<vmem>>, vector<16xi32>,
    %get3A_1017 = vector.shape_cast %get3A_1016 : vector<16xi32> to vector<16xi32>
    %get3A_1018 = arith.constant 416 : index
    %get3A_1019 = tpu.vector_load %arg14[%get3A_1018] {strides = array<i32>} : memref<512xi32, #tpu.memory_space<vmem>>, vector<16xi32>,
    %get3A_1020 = vector.shape_cast %get3A_1019 : vector<16xi32> to vector<16xi32>
    %ge3A_1021 = arith.cmpi sge, %get3A_1017, %get3A_1014 : vector<16xi32>
    %mul3A_1022 = arith.constant 256 : i32
    %mul3A_1023 = vector.broadcast %mul3A_1022 : i32 to vector<16xi32>
    %mul3A_1024 = arith.muli %get3A_1020, %mul3A_1023 : vector<16xi32>
    %add3A_1025 = arith.addi %mul3A_1024, %get3A_1014 : vector<16xi32>
    %jit3A_1026 = arith.constant 1024 : i32
    %broadcast_in_dim3A_1027 = vector.broadcast %jit3A_1026 : i32 to vector<16xi32>
    %select_n3A_1028 = arith.select %ge3A_1021, %add3A_1025, %broadcast_in_dim3A_1027 : vector<16xi1>, vector<16xi32>
    %mul3A_1029 = arith.constant 256 : i32
    %mul3A_1030 = vector.broadcast %mul3A_1029 : i32 to vector<16xi32>
    %mul3A_1031 = arith.muli %get3A_1020, %mul3A_1030 : vector<16xi32>
    %add3A_1032 = arith.addi %mul3A_1031, %get3A_1017 : vector<16xi32>
    %jit3A_1033 = arith.constant 1024 : i32
    %broadcast_in_dim3A_1034 = vector.broadcast %jit3A_1033 : i32 to vector<16xi32>
    %select_n3A_1035 = arith.select %ge3A_1021, %add3A_1032, %broadcast_in_dim3A_1034 : vector<16xi1>, vector<16xi32>
    %swap3A_1036 = arith.constant 32 : index
    %swap3A_1037 = tpu.vector_load %arg17[%swap3A_1036] {strides = array<i32>} : memref<128xi32, #tpu.memory_space<vmem>>, vector<16xi32>,
    %swap3A_1038 = vector.shape_cast %swap3A_1037 : vector<16xi32> to vector<16xi32>
    %swap3A_1039 = vector.shape_cast %select_n3A_1028 : vector<16xi32> to vector<16xi32>
    tpu.vector_store %arg17[%swap3A_1036], %swap3A_1039 {strides = array<i32>} : memref<128xi32, #tpu.memory_space<vmem>>, vector<16xi32>,
    %swap3A_1040 = arith.constant 96 : index
    %swap3A_1041 = tpu.vector_load %arg17[%swap3A_1040] {strides = array<i32>} : memref<128xi32, #tpu.memory_space<vmem>>, vector<16xi32>,
    %swap3A_1042 = vector.shape_cast %swap3A_1041 : vector<16xi32> to vector<16xi32>
    %swap3A_1043 = vector.shape_cast %select_n3A_1035 : vector<16xi32> to vector<16xi32>
    tpu.vector_store %arg17[%swap3A_1040], %swap3A_1043 {strides = array<i32>} : memref<128xi32, #tpu.memory_space<vmem>>, vector<16xi32>,
    %get3A_1044 = arith.constant 432 : index
    %get3A_1045 = tpu.vector_load %arg12[%get3A_1044] {strides = array<i32>} : memref<512xi32, #tpu.memory_space<vmem>>, vector<16xi32>,
    %get3A_1046 = vector.shape_cast %get3A_1045 : vector<16xi32> to vector<16xi32>
    %get3A_1047 = arith.constant 432 : index
    %get3A_1048 = tpu.vector_load %arg13[%get3A_1047] {strides = array<i32>} : memref<512xi32, #tpu.memory_space<vmem>>, vector<16xi32>,
    %get3A_1049 = vector.shape_cast %get3A_1048 : vector<16xi32> to vector<16xi32>
    %get3A_1050 = arith.constant 432 : index
    %get3A_1051 = tpu.vector_load %arg14[%get3A_1050] {strides = array<i32>} : memref<512xi32, #tpu.memory_space<vmem>>, vector<16xi32>,
    %get3A_1052 = vector.shape_cast %get3A_1051 : vector<16xi32> to vector<16xi32>
    %ge3A_1053 = arith.cmpi sge, %get3A_1049, %get3A_1046 : vector<16xi32>
    %mul3A_1054 = arith.constant 256 : i32
    %mul3A_1055 = vector.broadcast %mul3A_1054 : i32 to vector<16xi32>
    %mul3A_1056 = arith.muli %get3A_1052, %mul3A_1055 : vector<16xi32>
    %add3A_1057 = arith.addi %mul3A_1056, %get3A_1046 : vector<16xi32>
    %jit3A_1058 = arith.constant 1024 : i32
    %broadcast_in_dim3A_1059 = vector.broadcast %jit3A_1058 : i32 to vector<16xi32>
    %select_n3A_1060 = arith.select %ge3A_1053, %add3A_1057, %broadcast_in_dim3A_1059 : vector<16xi1>, vector<16xi32>
    %mul3A_1061 = arith.constant 256 : i32
    %mul3A_1062 = vector.broadcast %mul3A_1061 : i32 to vector<16xi32>
    %mul3A_1063 = arith.muli %get3A_1052, %mul3A_1062 : vector<16xi32>
    %add3A_1064 = arith.addi %mul3A_1063, %get3A_1049 : vector<16xi32>
    %jit3A_1065 = arith.constant 1024 : i32
    %broadcast_in_dim3A_1066 = vector.broadcast %jit3A_1065 : i32 to vector<16xi32>
    %select_n3A_1067 = arith.select %ge3A_1053, %add3A_1064, %broadcast_in_dim3A_1066 : vector<16xi1>, vector<16xi32>
    %swap3A_1068 = arith.constant 48 : index
    %swap3A_1069 = tpu.vector_load %arg17[%swap3A_1068] {strides = array<i32>} : memref<128xi32, #tpu.memory_space<vmem>>, vector<16xi32>,
    %swap3A_1070 = vector.shape_cast %swap3A_1069 : vector<16xi32> to vector<16xi32>
    %swap3A_1071 = vector.shape_cast %select_n3A_1060 : vector<16xi32> to vector<16xi32>
    tpu.vector_store %arg17[%swap3A_1068], %swap3A_1071 {strides = array<i32>} : memref<128xi32, #tpu.memory_space<vmem>>, vector<16xi32>,
    %swap3A_1072 = arith.constant 112 : index
    %swap3A_1073 = tpu.vector_load %arg17[%swap3A_1072] {strides = array<i32>} : memref<128xi32, #tpu.memory_space<vmem>>, vector<16xi32>,
    %swap3A_1074 = vector.shape_cast %swap3A_1073 : vector<16xi32> to vector<16xi32>
    %swap3A_1075 = vector.shape_cast %select_n3A_1067 : vector<16xi32> to vector<16xi32>
    tpu.vector_store %arg17[%swap3A_1072], %swap3A_1075 {strides = array<i32>} : memref<128xi32, #tpu.memory_space<vmem>>, vector<16xi32>,
    %dma_start3A_1076 = arith.constant 0 : i32
    %dma_start3A_1077 = arith.constant 0 : i32
    %dma_start3A_1078 = tpu.memref_slice %arg10[%dma_start3A_1076, %dma_start3A_1077] : memref<1032x128xf32, #tpu.memory_space<vmem_shared>> -> memref<1032x128xf32, #tpu.memory_space<vmem_shared>>
    tpu.enqueue_indirect_dma source(%dma_start3A_1078 : memref<1032x128xf32, #tpu.memory_space<vmem_shared>>) target(%arg23 : memref<128x128xf32, #tpu.memory_space<vmem>>) offsets(%arg17 : memref<128xi32, #tpu.memory_space<vmem>>) semaphore(%arg29 : memref<!tpu.dma_semaphore, #tpu.memory_space<semaphore_mem>>)
    %dma_wait3A_1079 = arith.constant 0 : i32
    %dma_wait3A_1080 = arith.constant 0 : i32
    %dma_wait3A_1081 = tpu.memref_slice %arg10[%dma_wait3A_1079, %dma_wait3A_1080] : memref<1032x128xf32, #tpu.memory_space<vmem_shared>> -> memref<1032x128xf32, #tpu.memory_space<vmem_shared>>
    tpu.wait_indirect_dma semaphore(%arg32 : memref<!tpu.dma_semaphore, #tpu.memory_space<semaphore_mem>>) src(%dma_wait3A_1081 : memref<1032x128xf32, #tpu.memory_space<vmem_shared>>) dst(%arg26 : memref<128x128xf32, #tpu.memory_space<vmem>>)
    %add3A_1082 = arith.constant 192 : i32
    %add3A_1083 = arith.addi %mul3A_2, %add3A_1082 : i32
    %dma_start3A_1084 = arith.constant 0 : i32
    %dma_start3A_1085 = arith.constant 0 : i32
    %dma_start3A_1086 = tpu.memref_slice %arg26[%dma_start3A_1084, %dma_start3A_1085] : memref<128x128xf32, #tpu.memory_space<vmem>> -> memref<64x128xf32, #tpu.memory_space<vmem>>
    %dma_start3A_1087 = arith.constant 0 : i32
    %dma_start3A_1088 = tpu.memref_slice %arg8[%add3A_1083, %dma_start3A_1087] : memref<16384x256xf32, #tpu.memory_space<hbm>> -> memref<64x128xf32, #tpu.memory_space<hbm>>
    %dma_start3A_1089 = arith.constant 0 : i32
    %dma_start3A_1090 = tpu.memref_slice %arg8[%add3A_1083, %dma_start3A_1089] : memref<16384x256xf32, #tpu.memory_space<hbm>> -> memref<64x128xf32, #tpu.memory_space<hbm>>
    %dma_start3A_1091 = arith.constant 0 : i32
    %dma_start3A_1092 = arith.constant 0 : i32
    %dma_start3A_1093 = tpu.memref_slice %arg26[%dma_start3A_1091, %dma_start3A_1092] : memref<128x128xf32, #tpu.memory_space<vmem>> -> memref<64x128xf32, #tpu.memory_space<vmem>>
    tpu.enqueue_dma source(%dma_start3A_1093 : memref<64x128xf32, #tpu.memory_space<vmem>>) target(%dma_start3A_1090 : memref<64x128xf32, #tpu.memory_space<hbm>>) target_semaphore(%arg38 : memref<!tpu.dma_semaphore, #tpu.memory_space<semaphore_mem>>)
    %dma_start3A_1094 = arith.constant 64 : i32
    %dma_start3A_1095 = arith.constant 0 : i32
    %dma_start3A_1096 = tpu.memref_slice %arg26[%dma_start3A_1094, %dma_start3A_1095] : memref<128x128xf32, #tpu.memory_space<vmem>> -> memref<64x128xf32, #tpu.memory_space<vmem>>
    %dma_start3A_1097 = arith.constant 128 : i32
    %dma_start3A_1098 = tpu.memref_slice %arg8[%add3A_1083, %dma_start3A_1097] : memref<16384x256xf32, #tpu.memory_space<hbm>> -> memref<64x128xf32, #tpu.memory_space<hbm>>
    %dma_start3A_1099 = arith.constant 128 : i32
    %dma_start3A_1100 = tpu.memref_slice %arg8[%add3A_1083, %dma_start3A_1099] : memref<16384x256xf32, #tpu.memory_space<hbm>> -> memref<64x128xf32, #tpu.memory_space<hbm>>
    %dma_start3A_1101 = arith.constant 64 : i32
    %dma_start3A_1102 = arith.constant 0 : i32
    %dma_start3A_1103 = tpu.memref_slice %arg26[%dma_start3A_1101, %dma_start3A_1102] : memref<128x128xf32, #tpu.memory_space<vmem>> -> memref<64x128xf32, #tpu.memory_space<vmem>>
    tpu.enqueue_dma source(%dma_start3A_1103 : memref<64x128xf32, #tpu.memory_space<vmem>>) target(%dma_start3A_1100 : memref<64x128xf32, #tpu.memory_space<hbm>>) target_semaphore(%arg38 : memref<!tpu.dma_semaphore, #tpu.memory_space<semaphore_mem>>)
    %dma_wait3A_1104 = arith.constant 0 : i32
    %dma_wait3A_1105 = arith.constant 0 : i32
    %dma_wait3A_1106 = tpu.memref_slice %arg24[%dma_wait3A_1104, %dma_wait3A_1105] : memref<128x128xf32, #tpu.memory_space<vmem>> -> memref<64x128xf32, #tpu.memory_space<vmem>>
    %dma_wait3A_1107 = arith.constant 0 : i32
    %dma_wait3A_1108 = tpu.memref_slice %arg8[%add3A_751, %dma_wait3A_1107] : memref<16384x256xf32, #tpu.memory_space<hbm>> -> memref<64x128xf32, #tpu.memory_space<hbm>>
    %dma_wait3A_1109 = arith.constant 0 : i32
    %dma_wait3A_1110 = tpu.memref_slice %arg8[%add3A_751, %dma_wait3A_1109] : memref<16384x256xf32, #tpu.memory_space<hbm>> -> memref<64x128xf32, #tpu.memory_space<hbm>>
    %dma_wait3A_1111 = arith.constant 0 : i32
    %dma_wait3A_1112 = arith.constant 0 : i32
    %dma_wait3A_1113 = tpu.memref_slice %arg24[%dma_wait3A_1111, %dma_wait3A_1112] : memref<128x128xf32, #tpu.memory_space<vmem>> -> memref<64x128xf32, #tpu.memory_space<vmem>>
    tpu.wait_dma2 semaphore(%arg36 : memref<!tpu.dma_semaphore, #tpu.memory_space<semaphore_mem>>) src(%dma_wait3A_1113 : memref<64x128xf32, #tpu.memory_space<vmem>>) dst(%dma_wait3A_1110 : memref<64x128xf32, #tpu.memory_space<hbm>>)
    %dma_wait3A_1114 = arith.constant 64 : i32
    %dma_wait3A_1115 = arith.constant 0 : i32
    %dma_wait3A_1116 = tpu.memref_slice %arg24[%dma_wait3A_1114, %dma_wait3A_1115] : memref<128x128xf32, #tpu.memory_space<vmem>> -> memref<64x128xf32, #tpu.memory_space<vmem>>
    %dma_wait3A_1117 = arith.constant 128 : i32
    %dma_wait3A_1118 = tpu.memref_slice %arg8[%add3A_751, %dma_wait3A_1117] : memref<16384x256xf32, #tpu.memory_space<hbm>> -> memref<64x128xf32, #tpu.memory_space<hbm>>
    %dma_wait3A_1119 = arith.constant 128 : i32
    %dma_wait3A_1120 = tpu.memref_slice %arg8[%add3A_751, %dma_wait3A_1119] : memref<16384x256xf32, #tpu.memory_space<hbm>> -> memref<64x128xf32, #tpu.memory_space<hbm>>
    %dma_wait3A_1121 = arith.constant 64 : i32
    %dma_wait3A_1122 = arith.constant 0 : i32
    %dma_wait3A_1123 = tpu.memref_slice %arg24[%dma_wait3A_1121, %dma_wait3A_1122] : memref<128x128xf32, #tpu.memory_space<vmem>> -> memref<64x128xf32, #tpu.memory_space<vmem>>
    tpu.wait_dma2 semaphore(%arg36 : memref<!tpu.dma_semaphore, #tpu.memory_space<semaphore_mem>>) src(%dma_wait3A_1123 : memref<64x128xf32, #tpu.memory_space<vmem>>) dst(%dma_wait3A_1120 : memref<64x128xf32, #tpu.memory_space<hbm>>)
    %get3A_1124 = arith.constant 448 : index
    %get3A_1125 = tpu.vector_load %arg12[%get3A_1124] {strides = array<i32>} : memref<512xi32, #tpu.memory_space<vmem>>, vector<16xi32>,
    %get3A_1126 = vector.shape_cast %get3A_1125 : vector<16xi32> to vector<16xi32>
    %get3A_1127 = arith.constant 448 : index
    %get3A_1128 = tpu.vector_load %arg13[%get3A_1127] {strides = array<i32>} : memref<512xi32, #tpu.memory_space<vmem>>, vector<16xi32>,
    %get3A_1129 = vector.shape_cast %get3A_1128 : vector<16xi32> to vector<16xi32>
    %get3A_1130 = arith.constant 448 : index
    %get3A_1131 = tpu.vector_load %arg14[%get3A_1130] {strides = array<i32>} : memref<512xi32, #tpu.memory_space<vmem>>, vector<16xi32>,
    %get3A_1132 = vector.shape_cast %get3A_1131 : vector<16xi32> to vector<16xi32>
    %ge3A_1133 = arith.cmpi sge, %get3A_1129, %get3A_1126 : vector<16xi32>
    %mul3A_1134 = arith.constant 256 : i32
    %mul3A_1135 = vector.broadcast %mul3A_1134 : i32 to vector<16xi32>
    %mul3A_1136 = arith.muli %get3A_1132, %mul3A_1135 : vector<16xi32>
    %add3A_1137 = arith.addi %mul3A_1136, %get3A_1126 : vector<16xi32>
    %jit3A_1138 = arith.constant 1024 : i32
    %broadcast_in_dim3A_1139 = vector.broadcast %jit3A_1138 : i32 to vector<16xi32>
    %select_n3A_1140 = arith.select %ge3A_1133, %add3A_1137, %broadcast_in_dim3A_1139 : vector<16xi1>, vector<16xi32>
    %mul3A_1141 = arith.constant 256 : i32
    %mul3A_1142 = vector.broadcast %mul3A_1141 : i32 to vector<16xi32>
    %mul3A_1143 = arith.muli %get3A_1132, %mul3A_1142 : vector<16xi32>
    %add3A_1144 = arith.addi %mul3A_1143, %get3A_1129 : vector<16xi32>
    %jit3A_1145 = arith.constant 1024 : i32
    %broadcast_in_dim3A_1146 = vector.broadcast %jit3A_1145 : i32 to vector<16xi32>
    %select_n3A_1147 = arith.select %ge3A_1133, %add3A_1144, %broadcast_in_dim3A_1146 : vector<16xi1>, vector<16xi32>
    %swap3A_1148 = arith.constant 0 : index
    %swap3A_1149 = tpu.vector_load %arg18[%swap3A_1148] {strides = array<i32>} : memref<128xi32, #tpu.memory_space<vmem>>, vector<16xi32>,
    %swap3A_1150 = vector.shape_cast %swap3A_1149 : vector<16xi32> to vector<16xi32>
    %swap3A_1151 = vector.shape_cast %select_n3A_1140 : vector<16xi32> to vector<16xi32>
    tpu.vector_store %arg18[%swap3A_1148], %swap3A_1151 {strides = array<i32>} : memref<128xi32, #tpu.memory_space<vmem>>, vector<16xi32>,
    %swap3A_1152 = arith.constant 64 : index
    %swap3A_1153 = tpu.vector_load %arg18[%swap3A_1152] {strides = array<i32>} : memref<128xi32, #tpu.memory_space<vmem>>, vector<16xi32>,
    %swap3A_1154 = vector.shape_cast %swap3A_1153 : vector<16xi32> to vector<16xi32>
    %swap3A_1155 = vector.shape_cast %select_n3A_1147 : vector<16xi32> to vector<16xi32>
    tpu.vector_store %arg18[%swap3A_1152], %swap3A_1155 {strides = array<i32>} : memref<128xi32, #tpu.memory_space<vmem>>, vector<16xi32>,
    %get3A_1156 = arith.constant 464 : index
    %get3A_1157 = tpu.vector_load %arg12[%get3A_1156] {strides = array<i32>} : memref<512xi32, #tpu.memory_space<vmem>>, vector<16xi32>,
    %get3A_1158 = vector.shape_cast %get3A_1157 : vector<16xi32> to vector<16xi32>
    %get3A_1159 = arith.constant 464 : index
    %get3A_1160 = tpu.vector_load %arg13[%get3A_1159] {strides = array<i32>} : memref<512xi32, #tpu.memory_space<vmem>>, vector<16xi32>,
    %get3A_1161 = vector.shape_cast %get3A_1160 : vector<16xi32> to vector<16xi32>
    %get3A_1162 = arith.constant 464 : index
    %get3A_1163 = tpu.vector_load %arg14[%get3A_1162] {strides = array<i32>} : memref<512xi32, #tpu.memory_space<vmem>>, vector<16xi32>,
    %get3A_1164 = vector.shape_cast %get3A_1163 : vector<16xi32> to vector<16xi32>
    %ge3A_1165 = arith.cmpi sge, %get3A_1161, %get3A_1158 : vector<16xi32>
    %mul3A_1166 = arith.constant 256 : i32
    %mul3A_1167 = vector.broadcast %mul3A_1166 : i32 to vector<16xi32>
    %mul3A_1168 = arith.muli %get3A_1164, %mul3A_1167 : vector<16xi32>
    %add3A_1169 = arith.addi %mul3A_1168, %get3A_1158 : vector<16xi32>
    %jit3A_1170 = arith.constant 1024 : i32
    %broadcast_in_dim3A_1171 = vector.broadcast %jit3A_1170 : i32 to vector<16xi32>
    %select_n3A_1172 = arith.select %ge3A_1165, %add3A_1169, %broadcast_in_dim3A_1171 : vector<16xi1>, vector<16xi32>
    %mul3A_1173 = arith.constant 256 : i32
    %mul3A_1174 = vector.broadcast %mul3A_1173 : i32 to vector<16xi32>
    %mul3A_1175 = arith.muli %get3A_1164, %mul3A_1174 : vector<16xi32>
    %add3A_1176 = arith.addi %mul3A_1175, %get3A_1161 : vector<16xi32>
    %jit3A_1177 = arith.constant 1024 : i32
    %broadcast_in_dim3A_1178 = vector.broadcast %jit3A_1177 : i32 to vector<16xi32>
    %select_n3A_1179 = arith.select %ge3A_1165, %add3A_1176, %broadcast_in_dim3A_1178 : vector<16xi1>, vector<16xi32>
    %swap3A_1180 = arith.constant 16 : index
    %swap3A_1181 = tpu.vector_load %arg18[%swap3A_1180] {strides = array<i32>} : memref<128xi32, #tpu.memory_space<vmem>>, vector<16xi32>,
    %swap3A_1182 = vector.shape_cast %swap3A_1181 : vector<16xi32> to vector<16xi32>
    %swap3A_1183 = vector.shape_cast %select_n3A_1172 : vector<16xi32> to vector<16xi32>
    tpu.vector_store %arg18[%swap3A_1180], %swap3A_1183 {strides = array<i32>} : memref<128xi32, #tpu.memory_space<vmem>>, vector<16xi32>,
    %swap3A_1184 = arith.constant 80 : index
    %swap3A_1185 = tpu.vector_load %arg18[%swap3A_1184] {strides = array<i32>} : memref<128xi32, #tpu.memory_space<vmem>>, vector<16xi32>,
    %swap3A_1186 = vector.shape_cast %swap3A_1185 : vector<16xi32> to vector<16xi32>
    %swap3A_1187 = vector.shape_cast %select_n3A_1179 : vector<16xi32> to vector<16xi32>
    tpu.vector_store %arg18[%swap3A_1184], %swap3A_1187 {strides = array<i32>} : memref<128xi32, #tpu.memory_space<vmem>>, vector<16xi32>,
    %get3A_1188 = arith.constant 480 : index
    %get3A_1189 = tpu.vector_load %arg12[%get3A_1188] {strides = array<i32>} : memref<512xi32, #tpu.memory_space<vmem>>, vector<16xi32>,
    %get3A_1190 = vector.shape_cast %get3A_1189 : vector<16xi32> to vector<16xi32>
    %get3A_1191 = arith.constant 480 : index
    %get3A_1192 = tpu.vector_load %arg13[%get3A_1191] {strides = array<i32>} : memref<512xi32, #tpu.memory_space<vmem>>, vector<16xi32>,
    %get3A_1193 = vector.shape_cast %get3A_1192 : vector<16xi32> to vector<16xi32>
    %get3A_1194 = arith.constant 480 : index
    %get3A_1195 = tpu.vector_load %arg14[%get3A_1194] {strides = array<i32>} : memref<512xi32, #tpu.memory_space<vmem>>, vector<16xi32>,
    %get3A_1196 = vector.shape_cast %get3A_1195 : vector<16xi32> to vector<16xi32>
    %ge3A_1197 = arith.cmpi sge, %get3A_1193, %get3A_1190 : vector<16xi32>
    %mul3A_1198 = arith.constant 256 : i32
    %mul3A_1199 = vector.broadcast %mul3A_1198 : i32 to vector<16xi32>
    %mul3A_1200 = arith.muli %get3A_1196, %mul3A_1199 : vector<16xi32>
    %add3A_1201 = arith.addi %mul3A_1200, %get3A_1190 : vector<16xi32>
    %jit3A_1202 = arith.constant 1024 : i32
    %broadcast_in_dim3A_1203 = vector.broadcast %jit3A_1202 : i32 to vector<16xi32>
    %select_n3A_1204 = arith.select %ge3A_1197, %add3A_1201, %broadcast_in_dim3A_1203 : vector<16xi1>, vector<16xi32>
    %mul3A_1205 = arith.constant 256 : i32
    %mul3A_1206 = vector.broadcast %mul3A_1205 : i32 to vector<16xi32>
    %mul3A_1207 = arith.muli %get3A_1196, %mul3A_1206 : vector<16xi32>
    %add3A_1208 = arith.addi %mul3A_1207, %get3A_1193 : vector<16xi32>
    %jit3A_1209 = arith.constant 1024 : i32
    %broadcast_in_dim3A_1210 = vector.broadcast %jit3A_1209 : i32 to vector<16xi32>
    %select_n3A_1211 = arith.select %ge3A_1197, %add3A_1208, %broadcast_in_dim3A_1210 : vector<16xi1>, vector<16xi32>
    %swap3A_1212 = arith.constant 32 : index
    %swap3A_1213 = tpu.vector_load %arg18[%swap3A_1212] {strides = array<i32>} : memref<128xi32, #tpu.memory_space<vmem>>, vector<16xi32>,
    %swap3A_1214 = vector.shape_cast %swap3A_1213 : vector<16xi32> to vector<16xi32>
    %swap3A_1215 = vector.shape_cast %select_n3A_1204 : vector<16xi32> to vector<16xi32>
    tpu.vector_store %arg18[%swap3A_1212], %swap3A_1215 {strides = array<i32>} : memref<128xi32, #tpu.memory_space<vmem>>, vector<16xi32>,
    %swap3A_1216 = arith.constant 96 : index
    %swap3A_1217 = tpu.vector_load %arg18[%swap3A_1216] {strides = array<i32>} : memref<128xi32, #tpu.memory_space<vmem>>, vector<16xi32>,
    %swap3A_1218 = vector.shape_cast %swap3A_1217 : vector<16xi32> to vector<16xi32>
    %swap3A_1219 = vector.shape_cast %select_n3A_1211 : vector<16xi32> to vector<16xi32>
    tpu.vector_store %arg18[%swap3A_1216], %swap3A_1219 {strides = array<i32>} : memref<128xi32, #tpu.memory_space<vmem>>, vector<16xi32>,
    %get3A_1220 = arith.constant 496 : index
    %get3A_1221 = tpu.vector_load %arg12[%get3A_1220] {strides = array<i32>} : memref<512xi32, #tpu.memory_space<vmem>>, vector<16xi32>,
    %get3A_1222 = vector.shape_cast %get3A_1221 : vector<16xi32> to vector<16xi32>
    %get3A_1223 = arith.constant 496 : index
    %get3A_1224 = tpu.vector_load %arg13[%get3A_1223] {strides = array<i32>} : memref<512xi32, #tpu.memory_space<vmem>>, vector<16xi32>,
    %get3A_1225 = vector.shape_cast %get3A_1224 : vector<16xi32> to vector<16xi32>
    %get3A_1226 = arith.constant 496 : index
    %get3A_1227 = tpu.vector_load %arg14[%get3A_1226] {strides = array<i32>} : memref<512xi32, #tpu.memory_space<vmem>>, vector<16xi32>,
    %get3A_1228 = vector.shape_cast %get3A_1227 : vector<16xi32> to vector<16xi32>
    %ge3A_1229 = arith.cmpi sge, %get3A_1225, %get3A_1222 : vector<16xi32>
    %mul3A_1230 = arith.constant 256 : i32
    %mul3A_1231 = vector.broadcast %mul3A_1230 : i32 to vector<16xi32>
    %mul3A_1232 = arith.muli %get3A_1228, %mul3A_1231 : vector<16xi32>
    %add3A_1233 = arith.addi %mul3A_1232, %get3A_1222 : vector<16xi32>
    %jit3A_1234 = arith.constant 1024 : i32
    %broadcast_in_dim3A_1235 = vector.broadcast %jit3A_1234 : i32 to vector<16xi32>
    %select_n3A_1236 = arith.select %ge3A_1229, %add3A_1233, %broadcast_in_dim3A_1235 : vector<16xi1>, vector<16xi32>
    %mul3A_1237 = arith.constant 256 : i32
    %mul3A_1238 = vector.broadcast %mul3A_1237 : i32 to vector<16xi32>
    %mul3A_1239 = arith.muli %get3A_1228, %mul3A_1238 : vector<16xi32>
    %add3A_1240 = arith.addi %mul3A_1239, %get3A_1225 : vector<16xi32>
    %jit3A_1241 = arith.constant 1024 : i32
    %broadcast_in_dim3A_1242 = vector.broadcast %jit3A_1241 : i32 to vector<16xi32>
    %select_n3A_1243 = arith.select %ge3A_1229, %add3A_1240, %broadcast_in_dim3A_1242 : vector<16xi1>, vector<16xi32>
    %swap3A_1244 = arith.constant 48 : index
    %swap3A_1245 = tpu.vector_load %arg18[%swap3A_1244] {strides = array<i32>} : memref<128xi32, #tpu.memory_space<vmem>>, vector<16xi32>,
    %swap3A_1246 = vector.shape_cast %swap3A_1245 : vector<16xi32> to vector<16xi32>
    %swap3A_1247 = vector.shape_cast %select_n3A_1236 : vector<16xi32> to vector<16xi32>
    tpu.vector_store %arg18[%swap3A_1244], %swap3A_1247 {strides = array<i32>} : memref<128xi32, #tpu.memory_space<vmem>>, vector<16xi32>,
    %swap3A_1248 = arith.constant 112 : index
    %swap3A_1249 = tpu.vector_load %arg18[%swap3A_1248] {strides = array<i32>} : memref<128xi32, #tpu.memory_space<vmem>>, vector<16xi32>,
    %swap3A_1250 = vector.shape_cast %swap3A_1249 : vector<16xi32> to vector<16xi32>
    %swap3A_1251 = vector.shape_cast %select_n3A_1243 : vector<16xi32> to vector<16xi32>
    tpu.vector_store %arg18[%swap3A_1248], %swap3A_1251 {strides = array<i32>} : memref<128xi32, #tpu.memory_space<vmem>>, vector<16xi32>,
    %dma_start3A_1252 = arith.constant 0 : i32
    %dma_start3A_1253 = arith.constant 0 : i32
    %dma_start3A_1254 = tpu.memref_slice %arg10[%dma_start3A_1252, %dma_start3A_1253] : memref<1032x128xf32, #tpu.memory_space<vmem_shared>> -> memref<1032x128xf32, #tpu.memory_space<vmem_shared>>
    tpu.enqueue_indirect_dma source(%dma_start3A_1254 : memref<1032x128xf32, #tpu.memory_space<vmem_shared>>) target(%arg24 : memref<128x128xf32, #tpu.memory_space<vmem>>) offsets(%arg18 : memref<128xi32, #tpu.memory_space<vmem>>) semaphore(%arg30 : memref<!tpu.dma_semaphore, #tpu.memory_space<semaphore_mem>>)
    %dma_wait3A_1255 = arith.constant 0 : i32
    %dma_wait3A_1256 = arith.constant 0 : i32
    %dma_wait3A_1257 = tpu.memref_slice %arg10[%dma_wait3A_1255, %dma_wait3A_1256] : memref<1032x128xf32, #tpu.memory_space<vmem_shared>> -> memref<1032x128xf32, #tpu.memory_space<vmem_shared>>
    tpu.wait_indirect_dma semaphore(%arg33 : memref<!tpu.dma_semaphore, #tpu.memory_space<semaphore_mem>>) src(%dma_wait3A_1257 : memref<1032x128xf32, #tpu.memory_space<vmem_shared>>) dst(%arg27 : memref<128x128xf32, #tpu.memory_space<vmem>>)
    %add3A_1258 = arith.constant 256 : i32
    %add3A_1259 = arith.addi %mul3A_2, %add3A_1258 : i32
    %dma_start3A_1260 = arith.constant 0 : i32
    %dma_start3A_1261 = arith.constant 0 : i32
    %dma_start3A_1262 = tpu.memref_slice %arg27[%dma_start3A_1260, %dma_start3A_1261] : memref<128x128xf32, #tpu.memory_space<vmem>> -> memref<64x128xf32, #tpu.memory_space<vmem>>
    %dma_start3A_1263 = arith.constant 0 : i32
    %dma_start3A_1264 = tpu.memref_slice %arg8[%add3A_1259, %dma_start3A_1263] : memref<16384x256xf32, #tpu.memory_space<hbm>> -> memref<64x128xf32, #tpu.memory_space<hbm>>
    %dma_start3A_1265 = arith.constant 0 : i32
    %dma_start3A_1266 = tpu.memref_slice %arg8[%add3A_1259, %dma_start3A_1265] : memref<16384x256xf32, #tpu.memory_space<hbm>> -> memref<64x128xf32, #tpu.memory_space<hbm>>
    %dma_start3A_1267 = arith.constant 0 : i32
    %dma_start3A_1268 = arith.constant 0 : i32
    %dma_start3A_1269 = tpu.memref_slice %arg27[%dma_start3A_1267, %dma_start3A_1268] : memref<128x128xf32, #tpu.memory_space<vmem>> -> memref<64x128xf32, #tpu.memory_space<vmem>>
    tpu.enqueue_dma source(%dma_start3A_1269 : memref<64x128xf32, #tpu.memory_space<vmem>>) target(%dma_start3A_1266 : memref<64x128xf32, #tpu.memory_space<hbm>>) target_semaphore(%arg39 : memref<!tpu.dma_semaphore, #tpu.memory_space<semaphore_mem>>)
    %dma_start3A_1270 = arith.constant 64 : i32
    %dma_start3A_1271 = arith.constant 0 : i32
    %dma_start3A_1272 = tpu.memref_slice %arg27[%dma_start3A_1270, %dma_start3A_1271] : memref<128x128xf32, #tpu.memory_space<vmem>> -> memref<64x128xf32, #tpu.memory_space<vmem>>
    %dma_start3A_1273 = arith.constant 128 : i32
    %dma_start3A_1274 = tpu.memref_slice %arg8[%add3A_1259, %dma_start3A_1273] : memref<16384x256xf32, #tpu.memory_space<hbm>> -> memref<64x128xf32, #tpu.memory_space<hbm>>
    %dma_start3A_1275 = arith.constant 128 : i32
    %dma_start3A_1276 = tpu.memref_slice %arg8[%add3A_1259, %dma_start3A_1275] : memref<16384x256xf32, #tpu.memory_space<hbm>> -> memref<64x128xf32, #tpu.memory_space<hbm>>
    %dma_start3A_1277 = arith.constant 64 : i32
    %dma_start3A_1278 = arith.constant 0 : i32
    %dma_start3A_1279 = tpu.memref_slice %arg27[%dma_start3A_1277, %dma_start3A_1278] : memref<128x128xf32, #tpu.memory_space<vmem>> -> memref<64x128xf32, #tpu.memory_space<vmem>>
    tpu.enqueue_dma source(%dma_start3A_1279 : memref<64x128xf32, #tpu.memory_space<vmem>>) target(%dma_start3A_1276 : memref<64x128xf32, #tpu.memory_space<hbm>>) target_semaphore(%arg39 : memref<!tpu.dma_semaphore, #tpu.memory_space<semaphore_mem>>)
    %dma_wait3A_1280 = arith.constant 0 : i32
    %dma_wait3A_1281 = arith.constant 0 : i32
    %dma_wait3A_1282 = tpu.memref_slice %arg25[%dma_wait3A_1280, %dma_wait3A_1281] : memref<128x128xf32, #tpu.memory_space<vmem>> -> memref<64x128xf32, #tpu.memory_space<vmem>>
    %dma_wait3A_1283 = arith.constant 0 : i32
    %dma_wait3A_1284 = tpu.memref_slice %arg8[%add3A_907, %dma_wait3A_1283] : memref<16384x256xf32, #tpu.memory_space<hbm>> -> memref<64x128xf32, #tpu.memory_space<hbm>>
    %dma_wait3A_1285 = arith.constant 0 : i32
    %dma_wait3A_1286 = tpu.memref_slice %arg8[%add3A_907, %dma_wait3A_1285] : memref<16384x256xf32, #tpu.memory_space<hbm>> -> memref<64x128xf32, #tpu.memory_space<hbm>>
    %dma_wait3A_1287 = arith.constant 0 : i32
    %dma_wait3A_1288 = arith.constant 0 : i32
    %dma_wait3A_1289 = tpu.memref_slice %arg25[%dma_wait3A_1287, %dma_wait3A_1288] : memref<128x128xf32, #tpu.memory_space<vmem>> -> memref<64x128xf32, #tpu.memory_space<vmem>>
    tpu.wait_dma2 semaphore(%arg37 : memref<!tpu.dma_semaphore, #tpu.memory_space<semaphore_mem>>) src(%dma_wait3A_1289 : memref<64x128xf32, #tpu.memory_space<vmem>>) dst(%dma_wait3A_1286 : memref<64x128xf32, #tpu.memory_space<hbm>>)
    %dma_wait3A_1290 = arith.constant 64 : i32
    %dma_wait3A_1291 = arith.constant 0 : i32
    %dma_wait3A_1292 = tpu.memref_slice %arg25[%dma_wait3A_1290, %dma_wait3A_1291] : memref<128x128xf32, #tpu.memory_space<vmem>> -> memref<64x128xf32, #tpu.memory_space<vmem>>
    %dma_wait3A_1293 = arith.constant 128 : i32
    %dma_wait3A_1294 = tpu.memref_slice %arg8[%add3A_907, %dma_wait3A_1293] : memref<16384x256xf32, #tpu.memory_space<hbm>> -> memref<64x128xf32, #tpu.memory_space<hbm>>
    %dma_wait3A_1295 = arith.constant 128 : i32
    %dma_wait3A_1296 = tpu.memref_slice %arg8[%add3A_907, %dma_wait3A_1295] : memref<16384x256xf32, #tpu.memory_space<hbm>> -> memref<64x128xf32, #tpu.memory_space<hbm>>
    %dma_wait3A_1297 = arith.constant 64 : i32
    %dma_wait3A_1298 = arith.constant 0 : i32
    %dma_wait3A_1299 = tpu.memref_slice %arg25[%dma_wait3A_1297, %dma_wait3A_1298] : memref<128x128xf32, #tpu.memory_space<vmem>> -> memref<64x128xf32, #tpu.memory_space<vmem>>
    tpu.wait_dma2 semaphore(%arg37 : memref<!tpu.dma_semaphore, #tpu.memory_space<semaphore_mem>>) src(%dma_wait3A_1299 : memref<64x128xf32, #tpu.memory_space<vmem>>) dst(%dma_wait3A_1296 : memref<64x128xf32, #tpu.memory_space<hbm>>)
    %get3A_1300 = arith.constant 0 : index
    %get3A_1301 = tpu.vector_load %arg15[%get3A_1300] {strides = array<i32>} : memref<512xi32, #tpu.memory_space<vmem>>, vector<16xi32>,
    %get3A_1302 = vector.shape_cast %get3A_1301 : vector<16xi32> to vector<16xi32>
    %get3A_1303 = arith.constant 0 : index
    %get3A_1304 = tpu.vector_load %arg16[%get3A_1303] {strides = array<i32>} : memref<512xi32, #tpu.memory_space<vmem>>, vector<16xi32>,
    %get3A_1305 = vector.shape_cast %get3A_1304 : vector<16xi32> to vector<16xi32>
    %get3A_1306 = arith.constant 0 : index
    %get3A_1307 = tpu.vector_load %arg14[%get3A_1306] {strides = array<i32>} : memref<512xi32, #tpu.memory_space<vmem>>, vector<16xi32>,
    %get3A_1308 = vector.shape_cast %get3A_1307 : vector<16xi32> to vector<16xi32>
    %ge3A_1309 = arith.cmpi sge, %get3A_1305, %get3A_1302 : vector<16xi32>
    %mul3A_1310 = arith.constant 256 : i32
    %mul3A_1311 = vector.broadcast %mul3A_1310 : i32 to vector<16xi32>
    %mul3A_1312 = arith.muli %get3A_1308, %mul3A_1311 : vector<16xi32>
    %add3A_1313 = arith.addi %mul3A_1312, %get3A_1302 : vector<16xi32>
    %jit3A_1314 = arith.constant 1024 : i32
    %broadcast_in_dim3A_1315 = vector.broadcast %jit3A_1314 : i32 to vector<16xi32>
    %select_n3A_1316 = arith.select %ge3A_1309, %add3A_1313, %broadcast_in_dim3A_1315 : vector<16xi1>, vector<16xi32>
    %mul3A_1317 = arith.constant 256 : i32
    %mul3A_1318 = vector.broadcast %mul3A_1317 : i32 to vector<16xi32>
    %mul3A_1319 = arith.muli %get3A_1308, %mul3A_1318 : vector<16xi32>
    %add3A_1320 = arith.addi %mul3A_1319, %get3A_1305 : vector<16xi32>
    %jit3A_1321 = arith.constant 1024 : i32
    %broadcast_in_dim3A_1322 = vector.broadcast %jit3A_1321 : i32 to vector<16xi32>
    %select_n3A_1323 = arith.select %ge3A_1309, %add3A_1320, %broadcast_in_dim3A_1322 : vector<16xi1>, vector<16xi32>
    %swap3A_1324 = arith.constant 0 : index
    %swap3A_1325 = tpu.vector_load %arg19[%swap3A_1324] {strides = array<i32>} : memref<128xi32, #tpu.memory_space<vmem>>, vector<16xi32>,
    %swap3A_1326 = vector.shape_cast %swap3A_1325 : vector<16xi32> to vector<16xi32>
    %swap3A_1327 = vector.shape_cast %select_n3A_1316 : vector<16xi32> to vector<16xi32>
    tpu.vector_store %arg19[%swap3A_1324], %swap3A_1327 {strides = array<i32>} : memref<128xi32, #tpu.memory_space<vmem>>, vector<16xi32>,
    %swap3A_1328 = arith.constant 64 : index
    %swap3A_1329 = tpu.vector_load %arg19[%swap3A_1328] {strides = array<i32>} : memref<128xi32, #tpu.memory_space<vmem>>, vector<16xi32>,
    %swap3A_1330 = vector.shape_cast %swap3A_1329 : vector<16xi32> to vector<16xi32>
    %swap3A_1331 = vector.shape_cast %select_n3A_1323 : vector<16xi32> to vector<16xi32>
    tpu.vector_store %arg19[%swap3A_1328], %swap3A_1331 {strides = array<i32>} : memref<128xi32, #tpu.memory_space<vmem>>, vector<16xi32>,
    %get3A_1332 = arith.constant 16 : index
    %get3A_1333 = tpu.vector_load %arg15[%get3A_1332] {strides = array<i32>} : memref<512xi32, #tpu.memory_space<vmem>>, vector<16xi32>,
    %get3A_1334 = vector.shape_cast %get3A_1333 : vector<16xi32> to vector<16xi32>
    %get3A_1335 = arith.constant 16 : index
    %get3A_1336 = tpu.vector_load %arg16[%get3A_1335] {strides = array<i32>} : memref<512xi32, #tpu.memory_space<vmem>>, vector<16xi32>,
    %get3A_1337 = vector.shape_cast %get3A_1336 : vector<16xi32> to vector<16xi32>
    %get3A_1338 = arith.constant 16 : index
    %get3A_1339 = tpu.vector_load %arg14[%get3A_1338] {strides = array<i32>} : memref<512xi32, #tpu.memory_space<vmem>>, vector<16xi32>,
    %get3A_1340 = vector.shape_cast %get3A_1339 : vector<16xi32> to vector<16xi32>
    %ge3A_1341 = arith.cmpi sge, %get3A_1337, %get3A_1334 : vector<16xi32>
    %mul3A_1342 = arith.constant 256 : i32
    %mul3A_1343 = vector.broadcast %mul3A_1342 : i32 to vector<16xi32>
    %mul3A_1344 = arith.muli %get3A_1340, %mul3A_1343 : vector<16xi32>
    %add3A_1345 = arith.addi %mul3A_1344, %get3A_1334 : vector<16xi32>
    %jit3A_1346 = arith.constant 1024 : i32
    %broadcast_in_dim3A_1347 = vector.broadcast %jit3A_1346 : i32 to vector<16xi32>
    %select_n3A_1348 = arith.select %ge3A_1341, %add3A_1345, %broadcast_in_dim3A_1347 : vector<16xi1>, vector<16xi32>
    %mul3A_1349 = arith.constant 256 : i32
    %mul3A_1350 = vector.broadcast %mul3A_1349 : i32 to vector<16xi32>
    %mul3A_1351 = arith.muli %get3A_1340, %mul3A_1350 : vector<16xi32>
    %add3A_1352 = arith.addi %mul3A_1351, %get3A_1337 : vector<16xi32>
    %jit3A_1353 = arith.constant 1024 : i32
    %broadcast_in_dim3A_1354 = vector.broadcast %jit3A_1353 : i32 to vector<16xi32>
    %select_n3A_1355 = arith.select %ge3A_1341, %add3A_1352, %broadcast_in_dim3A_1354 : vector<16xi1>, vector<16xi32>
    %swap3A_1356 = arith.constant 16 : index
    %swap3A_1357 = tpu.vector_load %arg19[%swap3A_1356] {strides = array<i32>} : memref<128xi32, #tpu.memory_space<vmem>>, vector<16xi32>,
    %swap3A_1358 = vector.shape_cast %swap3A_1357 : vector<16xi32> to vector<16xi32>
    %swap3A_1359 = vector.shape_cast %select_n3A_1348 : vector<16xi32> to vector<16xi32>
    tpu.vector_store %arg19[%swap3A_1356], %swap3A_1359 {strides = array<i32>} : memref<128xi32, #tpu.memory_space<vmem>>, vector<16xi32>,
    %swap3A_1360 = arith.constant 80 : index
    %swap3A_1361 = tpu.vector_load %arg19[%swap3A_1360] {strides = array<i32>} : memref<128xi32, #tpu.memory_space<vmem>>, vector<16xi32>,
    %swap3A_1362 = vector.shape_cast %swap3A_1361 : vector<16xi32> to vector<16xi32>
    %swap3A_1363 = vector.shape_cast %select_n3A_1355 : vector<16xi32> to vector<16xi32>
    tpu.vector_store %arg19[%swap3A_1360], %swap3A_1363 {strides = array<i32>} : memref<128xi32, #tpu.memory_space<vmem>>, vector<16xi32>,
    %get3A_1364 = arith.constant 32 : index
    %get3A_1365 = tpu.vector_load %arg15[%get3A_1364] {strides = array<i32>} : memref<512xi32, #tpu.memory_space<vmem>>, vector<16xi32>,
    %get3A_1366 = vector.shape_cast %get3A_1365 : vector<16xi32> to vector<16xi32>
    %get3A_1367 = arith.constant 32 : index
    %get3A_1368 = tpu.vector_load %arg16[%get3A_1367] {strides = array<i32>} : memref<512xi32, #tpu.memory_space<vmem>>, vector<16xi32>,
    %get3A_1369 = vector.shape_cast %get3A_1368 : vector<16xi32> to vector<16xi32>
    %get3A_1370 = arith.constant 32 : index
    %get3A_1371 = tpu.vector_load %arg14[%get3A_1370] {strides = array<i32>} : memref<512xi32, #tpu.memory_space<vmem>>, vector<16xi32>,
    %get3A_1372 = vector.shape_cast %get3A_1371 : vector<16xi32> to vector<16xi32>
    %ge3A_1373 = arith.cmpi sge, %get3A_1369, %get3A_1366 : vector<16xi32>
    %mul3A_1374 = arith.constant 256 : i32
    %mul3A_1375 = vector.broadcast %mul3A_1374 : i32 to vector<16xi32>
    %mul3A_1376 = arith.muli %get3A_1372, %mul3A_1375 : vector<16xi32>
    %add3A_1377 = arith.addi %mul3A_1376, %get3A_1366 : vector<16xi32>
    %jit3A_1378 = arith.constant 1024 : i32
    %broadcast_in_dim3A_1379 = vector.broadcast %jit3A_1378 : i32 to vector<16xi32>
    %select_n3A_1380 = arith.select %ge3A_1373, %add3A_1377, %broadcast_in_dim3A_1379 : vector<16xi1>, vector<16xi32>
    %mul3A_1381 = arith.constant 256 : i32
    %mul3A_1382 = vector.broadcast %mul3A_1381 : i32 to vector<16xi32>
    %mul3A_1383 = arith.muli %get3A_1372, %mul3A_1382 : vector<16xi32>
    %add3A_1384 = arith.addi %mul3A_1383, %get3A_1369 : vector<16xi32>
    %jit3A_1385 = arith.constant 1024 : i32
    %broadcast_in_dim3A_1386 = vector.broadcast %jit3A_1385 : i32 to vector<16xi32>
    %select_n3A_1387 = arith.select %ge3A_1373, %add3A_1384, %broadcast_in_dim3A_1386 : vector<16xi1>, vector<16xi32>
    %swap3A_1388 = arith.constant 32 : index
    %swap3A_1389 = tpu.vector_load %arg19[%swap3A_1388] {strides = array<i32>} : memref<128xi32, #tpu.memory_space<vmem>>, vector<16xi32>,
    %swap3A_1390 = vector.shape_cast %swap3A_1389 : vector<16xi32> to vector<16xi32>
    %swap3A_1391 = vector.shape_cast %select_n3A_1380 : vector<16xi32> to vector<16xi32>
    tpu.vector_store %arg19[%swap3A_1388], %swap3A_1391 {strides = array<i32>} : memref<128xi32, #tpu.memory_space<vmem>>, vector<16xi32>,
    %swap3A_1392 = arith.constant 96 : index
    %swap3A_1393 = tpu.vector_load %arg19[%swap3A_1392] {strides = array<i32>} : memref<128xi32, #tpu.memory_space<vmem>>, vector<16xi32>,
    %swap3A_1394 = vector.shape_cast %swap3A_1393 : vector<16xi32> to vector<16xi32>
    %swap3A_1395 = vector.shape_cast %select_n3A_1387 : vector<16xi32> to vector<16xi32>
    tpu.vector_store %arg19[%swap3A_1392], %swap3A_1395 {strides = array<i32>} : memref<128xi32, #tpu.memory_space<vmem>>, vector<16xi32>,
    %get3A_1396 = arith.constant 48 : index
    %get3A_1397 = tpu.vector_load %arg15[%get3A_1396] {strides = array<i32>} : memref<512xi32, #tpu.memory_space<vmem>>, vector<16xi32>,
    %get3A_1398 = vector.shape_cast %get3A_1397 : vector<16xi32> to vector<16xi32>
    %get3A_1399 = arith.constant 48 : index
    %get3A_1400 = tpu.vector_load %arg16[%get3A_1399] {strides = array<i32>} : memref<512xi32, #tpu.memory_space<vmem>>, vector<16xi32>,
    %get3A_1401 = vector.shape_cast %get3A_1400 : vector<16xi32> to vector<16xi32>
    %get3A_1402 = arith.constant 48 : index
    %get3A_1403 = tpu.vector_load %arg14[%get3A_1402] {strides = array<i32>} : memref<512xi32, #tpu.memory_space<vmem>>, vector<16xi32>,
    %get3A_1404 = vector.shape_cast %get3A_1403 : vector<16xi32> to vector<16xi32>
    %ge3A_1405 = arith.cmpi sge, %get3A_1401, %get3A_1398 : vector<16xi32>
    %mul3A_1406 = arith.constant 256 : i32
    %mul3A_1407 = vector.broadcast %mul3A_1406 : i32 to vector<16xi32>
    %mul3A_1408 = arith.muli %get3A_1404, %mul3A_1407 : vector<16xi32>
    %add3A_1409 = arith.addi %mul3A_1408, %get3A_1398 : vector<16xi32>
    %jit3A_1410 = arith.constant 1024 : i32
    %broadcast_in_dim3A_1411 = vector.broadcast %jit3A_1410 : i32 to vector<16xi32>
    %select_n3A_1412 = arith.select %ge3A_1405, %add3A_1409, %broadcast_in_dim3A_1411 : vector<16xi1>, vector<16xi32>
    %mul3A_1413 = arith.constant 256 : i32
    %mul3A_1414 = vector.broadcast %mul3A_1413 : i32 to vector<16xi32>
    %mul3A_1415 = arith.muli %get3A_1404, %mul3A_1414 : vector<16xi32>
    %add3A_1416 = arith.addi %mul3A_1415, %get3A_1401 : vector<16xi32>
    %jit3A_1417 = arith.constant 1024 : i32
    %broadcast_in_dim3A_1418 = vector.broadcast %jit3A_1417 : i32 to vector<16xi32>
    %select_n3A_1419 = arith.select %ge3A_1405, %add3A_1416, %broadcast_in_dim3A_1418 : vector<16xi1>, vector<16xi32>
    %swap3A_1420 = arith.constant 48 : index
    %swap3A_1421 = tpu.vector_load %arg19[%swap3A_1420] {strides = array<i32>} : memref<128xi32, #tpu.memory_space<vmem>>, vector<16xi32>,
    %swap3A_1422 = vector.shape_cast %swap3A_1421 : vector<16xi32> to vector<16xi32>
    %swap3A_1423 = vector.shape_cast %select_n3A_1412 : vector<16xi32> to vector<16xi32>
    tpu.vector_store %arg19[%swap3A_1420], %swap3A_1423 {strides = array<i32>} : memref<128xi32, #tpu.memory_space<vmem>>, vector<16xi32>,
    %swap3A_1424 = arith.constant 112 : index
    %swap3A_1425 = tpu.vector_load %arg19[%swap3A_1424] {strides = array<i32>} : memref<128xi32, #tpu.memory_space<vmem>>, vector<16xi32>,
    %swap3A_1426 = vector.shape_cast %swap3A_1425 : vector<16xi32> to vector<16xi32>
    %swap3A_1427 = vector.shape_cast %select_n3A_1419 : vector<16xi32> to vector<16xi32>
    tpu.vector_store %arg19[%swap3A_1424], %swap3A_1427 {strides = array<i32>} : memref<128xi32, #tpu.memory_space<vmem>>, vector<16xi32>,
    %dma_start3A_1428 = arith.constant 0 : i32
    %dma_start3A_1429 = arith.constant 0 : i32
    %dma_start3A_1430 = tpu.memref_slice %arg10[%dma_start3A_1428, %dma_start3A_1429] : memref<1032x128xf32, #tpu.memory_space<vmem_shared>> -> memref<1032x128xf32, #tpu.memory_space<vmem_shared>>
    tpu.enqueue_indirect_dma source(%dma_start3A_1430 : memref<1032x128xf32, #tpu.memory_space<vmem_shared>>) target(%arg25 : memref<128x128xf32, #tpu.memory_space<vmem>>) offsets(%arg19 : memref<128xi32, #tpu.memory_space<vmem>>) semaphore(%arg31 : memref<!tpu.dma_semaphore, #tpu.memory_space<semaphore_mem>>)
    %dma_wait3A_1431 = arith.constant 0 : i32
    %dma_wait3A_1432 = arith.constant 0 : i32
    %dma_wait3A_1433 = tpu.memref_slice %arg10[%dma_wait3A_1431, %dma_wait3A_1432] : memref<1032x128xf32, #tpu.memory_space<vmem_shared>> -> memref<1032x128xf32, #tpu.memory_space<vmem_shared>>
    tpu.wait_indirect_dma semaphore(%arg34 : memref<!tpu.dma_semaphore, #tpu.memory_space<semaphore_mem>>) src(%dma_wait3A_1433 : memref<1032x128xf32, #tpu.memory_space<vmem_shared>>) dst(%arg28 : memref<128x128xf32, #tpu.memory_space<vmem>>)
    %add3A_1434 = arith.constant 320 : i32
    %add3A_1435 = arith.addi %mul3A_2, %add3A_1434 : i32
    %dma_start3A_1436 = arith.constant 0 : i32
    %dma_start3A_1437 = arith.constant 0 : i32
    %dma_start3A_1438 = tpu.memref_slice %arg28[%dma_start3A_1436, %dma_start3A_1437] : memref<128x128xf32, #tpu.memory_space<vmem>> -> memref<64x128xf32, #tpu.memory_space<vmem>>
    %dma_start3A_1439 = arith.constant 0 : i32
    %dma_start3A_1440 = tpu.memref_slice %arg8[%add3A_1435, %dma_start3A_1439] : memref<16384x256xf32, #tpu.memory_space<hbm>> -> memref<64x128xf32, #tpu.memory_space<hbm>>
    %dma_start3A_1441 = arith.constant 0 : i32
    %dma_start3A_1442 = tpu.memref_slice %arg8[%add3A_1435, %dma_start3A_1441] : memref<16384x256xf32, #tpu.memory_space<hbm>> -> memref<64x128xf32, #tpu.memory_space<hbm>>
    %dma_start3A_1443 = arith.constant 0 : i32
    %dma_start3A_1444 = arith.constant 0 : i32
    %dma_start3A_1445 = tpu.memref_slice %arg28[%dma_start3A_1443, %dma_start3A_1444] : memref<128x128xf32, #tpu.memory_space<vmem>> -> memref<64x128xf32, #tpu.memory_space<vmem>>
    tpu.enqueue_dma source(%dma_start3A_1445 : memref<64x128xf32, #tpu.memory_space<vmem>>) target(%dma_start3A_1442 : memref<64x128xf32, #tpu.memory_space<hbm>>) target_semaphore(%arg40 : memref<!tpu.dma_semaphore, #tpu.memory_space<semaphore_mem>>)
    %dma_start3A_1446 = arith.constant 64 : i32
    %dma_start3A_1447 = arith.constant 0 : i32
    %dma_start3A_1448 = tpu.memref_slice %arg28[%dma_start3A_1446, %dma_start3A_1447] : memref<128x128xf32, #tpu.memory_space<vmem>> -> memref<64x128xf32, #tpu.memory_space<vmem>>
    %dma_start3A_1449 = arith.constant 128 : i32
    %dma_start3A_1450 = tpu.memref_slice %arg8[%add3A_1435, %dma_start3A_1449] : memref<16384x256xf32, #tpu.memory_space<hbm>> -> memref<64x128xf32, #tpu.memory_space<hbm>>
    %dma_start3A_1451 = arith.constant 128 : i32
    %dma_start3A_1452 = tpu.memref_slice %arg8[%add3A_1435, %dma_start3A_1451] : memref<16384x256xf32, #tpu.memory_space<hbm>> -> memref<64x128xf32, #tpu.memory_space<hbm>>
    %dma_start3A_1453 = arith.constant 64 : i32
    %dma_start3A_1454 = arith.constant 0 : i32
    %dma_start3A_1455 = tpu.memref_slice %arg28[%dma_start3A_1453, %dma_start3A_1454] : memref<128x128xf32, #tpu.memory_space<vmem>> -> memref<64x128xf32, #tpu.memory_space<vmem>>
    tpu.enqueue_dma source(%dma_start3A_1455 : memref<64x128xf32, #tpu.memory_space<vmem>>) target(%dma_start3A_1452 : memref<64x128xf32, #tpu.memory_space<hbm>>) target_semaphore(%arg40 : memref<!tpu.dma_semaphore, #tpu.memory_space<semaphore_mem>>)
    %dma_wait3A_1456 = arith.constant 0 : i32
    %dma_wait3A_1457 = arith.constant 0 : i32
    %dma_wait3A_1458 = tpu.memref_slice %arg26[%dma_wait3A_1456, %dma_wait3A_1457] : memref<128x128xf32, #tpu.memory_space<vmem>> -> memref<64x128xf32, #tpu.memory_space<vmem>>
    %dma_wait3A_1459 = arith.constant 0 : i32
    %dma_wait3A_1460 = tpu.memref_slice %arg8[%add3A_1083, %dma_wait3A_1459] : memref<16384x256xf32, #tpu.memory_space<hbm>> -> memref<64x128xf32, #tpu.memory_space<hbm>>
    %dma_wait3A_1461 = arith.constant 0 : i32
    %dma_wait3A_1462 = tpu.memref_slice %arg8[%add3A_1083, %dma_wait3A_1461] : memref<16384x256xf32, #tpu.memory_space<hbm>> -> memref<64x128xf32, #tpu.memory_space<hbm>>
    %dma_wait3A_1463 = arith.constant 0 : i32
    %dma_wait3A_1464 = arith.constant 0 : i32
    %dma_wait3A_1465 = tpu.memref_slice %arg26[%dma_wait3A_1463, %dma_wait3A_1464] : memref<128x128xf32, #tpu.memory_space<vmem>> -> memref<64x128xf32, #tpu.memory_space<vmem>>
    tpu.wait_dma2 semaphore(%arg38 : memref<!tpu.dma_semaphore, #tpu.memory_space<semaphore_mem>>) src(%dma_wait3A_1465 : memref<64x128xf32, #tpu.memory_space<vmem>>) dst(%dma_wait3A_1462 : memref<64x128xf32, #tpu.memory_space<hbm>>)
    %dma_wait3A_1466 = arith.constant 64 : i32
    %dma_wait3A_1467 = arith.constant 0 : i32
    %dma_wait3A_1468 = tpu.memref_slice %arg26[%dma_wait3A_1466, %dma_wait3A_1467] : memref<128x128xf32, #tpu.memory_space<vmem>> -> memref<64x128xf32, #tpu.memory_space<vmem>>
    %dma_wait3A_1469 = arith.constant 128 : i32
    %dma_wait3A_1470 = tpu.memref_slice %arg8[%add3A_1083, %dma_wait3A_1469] : memref<16384x256xf32, #tpu.memory_space<hbm>> -> memref<64x128xf32, #tpu.memory_space<hbm>>
    %dma_wait3A_1471 = arith.constant 128 : i32
    %dma_wait3A_1472 = tpu.memref_slice %arg8[%add3A_1083, %dma_wait3A_1471] : memref<16384x256xf32, #tpu.memory_space<hbm>> -> memref<64x128xf32, #tpu.memory_space<hbm>>
    %dma_wait3A_1473 = arith.constant 64 : i32
    %dma_wait3A_1474 = arith.constant 0 : i32
    %dma_wait3A_1475 = tpu.memref_slice %arg26[%dma_wait3A_1473, %dma_wait3A_1474] : memref<128x128xf32, #tpu.memory_space<vmem>> -> memref<64x128xf32, #tpu.memory_space<vmem>>
    tpu.wait_dma2 semaphore(%arg38 : memref<!tpu.dma_semaphore, #tpu.memory_space<semaphore_mem>>) src(%dma_wait3A_1475 : memref<64x128xf32, #tpu.memory_space<vmem>>) dst(%dma_wait3A_1472 : memref<64x128xf32, #tpu.memory_space<hbm>>)
    %get3A_1476 = arith.constant 64 : index
    %get3A_1477 = tpu.vector_load %arg15[%get3A_1476] {strides = array<i32>} : memref<512xi32, #tpu.memory_space<vmem>>, vector<16xi32>,
    %get3A_1478 = vector.shape_cast %get3A_1477 : vector<16xi32> to vector<16xi32>
    %get3A_1479 = arith.constant 64 : index
    %get3A_1480 = tpu.vector_load %arg16[%get3A_1479] {strides = array<i32>} : memref<512xi32, #tpu.memory_space<vmem>>, vector<16xi32>,
    %get3A_1481 = vector.shape_cast %get3A_1480 : vector<16xi32> to vector<16xi32>
    %get3A_1482 = arith.constant 64 : index
    %get3A_1483 = tpu.vector_load %arg14[%get3A_1482] {strides = array<i32>} : memref<512xi32, #tpu.memory_space<vmem>>, vector<16xi32>,
    %get3A_1484 = vector.shape_cast %get3A_1483 : vector<16xi32> to vector<16xi32>
    %ge3A_1485 = arith.cmpi sge, %get3A_1481, %get3A_1478 : vector<16xi32>
    %mul3A_1486 = arith.constant 256 : i32
    %mul3A_1487 = vector.broadcast %mul3A_1486 : i32 to vector<16xi32>
    %mul3A_1488 = arith.muli %get3A_1484, %mul3A_1487 : vector<16xi32>
    %add3A_1489 = arith.addi %mul3A_1488, %get3A_1478 : vector<16xi32>
    %jit3A_1490 = arith.constant 1024 : i32
    %broadcast_in_dim3A_1491 = vector.broadcast %jit3A_1490 : i32 to vector<16xi32>
    %select_n3A_1492 = arith.select %ge3A_1485, %add3A_1489, %broadcast_in_dim3A_1491 : vector<16xi1>, vector<16xi32>
    %mul3A_1493 = arith.constant 256 : i32
    %mul3A_1494 = vector.broadcast %mul3A_1493 : i32 to vector<16xi32>
    %mul3A_1495 = arith.muli %get3A_1484, %mul3A_1494 : vector<16xi32>
    %add3A_1496 = arith.addi %mul3A_1495, %get3A_1481 : vector<16xi32>
    %jit3A_1497 = arith.constant 1024 : i32
    %broadcast_in_dim3A_1498 = vector.broadcast %jit3A_1497 : i32 to vector<16xi32>
    %select_n3A_1499 = arith.select %ge3A_1485, %add3A_1496, %broadcast_in_dim3A_1498 : vector<16xi1>, vector<16xi32>
    %swap3A_1500 = arith.constant 0 : index
    %swap3A_1501 = tpu.vector_load %arg20[%swap3A_1500] {strides = array<i32>} : memref<128xi32, #tpu.memory_space<vmem>>, vector<16xi32>,
    %swap3A_1502 = vector.shape_cast %swap3A_1501 : vector<16xi32> to vector<16xi32>
    %swap3A_1503 = vector.shape_cast %select_n3A_1492 : vector<16xi32> to vector<16xi32>
    tpu.vector_store %arg20[%swap3A_1500], %swap3A_1503 {strides = array<i32>} : memref<128xi32, #tpu.memory_space<vmem>>, vector<16xi32>,
    %swap3A_1504 = arith.constant 64 : index
    %swap3A_1505 = tpu.vector_load %arg20[%swap3A_1504] {strides = array<i32>} : memref<128xi32, #tpu.memory_space<vmem>>, vector<16xi32>,
    %swap3A_1506 = vector.shape_cast %swap3A_1505 : vector<16xi32> to vector<16xi32>
    %swap3A_1507 = vector.shape_cast %select_n3A_1499 : vector<16xi32> to vector<16xi32>
    tpu.vector_store %arg20[%swap3A_1504], %swap3A_1507 {strides = array<i32>} : memref<128xi32, #tpu.memory_space<vmem>>, vector<16xi32>,
    %get3A_1508 = arith.constant 80 : index
    %get3A_1509 = tpu.vector_load %arg15[%get3A_1508] {strides = array<i32>} : memref<512xi32, #tpu.memory_space<vmem>>, vector<16xi32>,
    %get3A_1510 = vector.shape_cast %get3A_1509 : vector<16xi32> to vector<16xi32>
    %get3A_1511 = arith.constant 80 : index
    %get3A_1512 = tpu.vector_load %arg16[%get3A_1511] {strides = array<i32>} : memref<512xi32, #tpu.memory_space<vmem>>, vector<16xi32>,
    %get3A_1513 = vector.shape_cast %get3A_1512 : vector<16xi32> to vector<16xi32>
    %get3A_1514 = arith.constant 80 : index
    %get3A_1515 = tpu.vector_load %arg14[%get3A_1514] {strides = array<i32>} : memref<512xi32, #tpu.memory_space<vmem>>, vector<16xi32>,
    %get3A_1516 = vector.shape_cast %get3A_1515 : vector<16xi32> to vector<16xi32>
    %ge3A_1517 = arith.cmpi sge, %get3A_1513, %get3A_1510 : vector<16xi32>
    %mul3A_1518 = arith.constant 256 : i32
    %mul3A_1519 = vector.broadcast %mul3A_1518 : i32 to vector<16xi32>
    %mul3A_1520 = arith.muli %get3A_1516, %mul3A_1519 : vector<16xi32>
    %add3A_1521 = arith.addi %mul3A_1520, %get3A_1510 : vector<16xi32>
    %jit3A_1522 = arith.constant 1024 : i32
    %broadcast_in_dim3A_1523 = vector.broadcast %jit3A_1522 : i32 to vector<16xi32>
    %select_n3A_1524 = arith.select %ge3A_1517, %add3A_1521, %broadcast_in_dim3A_1523 : vector<16xi1>, vector<16xi32>
    %mul3A_1525 = arith.constant 256 : i32
    %mul3A_1526 = vector.broadcast %mul3A_1525 : i32 to vector<16xi32>
    %mul3A_1527 = arith.muli %get3A_1516, %mul3A_1526 : vector<16xi32>
    %add3A_1528 = arith.addi %mul3A_1527, %get3A_1513 : vector<16xi32>
    %jit3A_1529 = arith.constant 1024 : i32
    %broadcast_in_dim3A_1530 = vector.broadcast %jit3A_1529 : i32 to vector<16xi32>
    %select_n3A_1531 = arith.select %ge3A_1517, %add3A_1528, %broadcast_in_dim3A_1530 : vector<16xi1>, vector<16xi32>
    %swap3A_1532 = arith.constant 16 : index
    %swap3A_1533 = tpu.vector_load %arg20[%swap3A_1532] {strides = array<i32>} : memref<128xi32, #tpu.memory_space<vmem>>, vector<16xi32>,
    %swap3A_1534 = vector.shape_cast %swap3A_1533 : vector<16xi32> to vector<16xi32>
    %swap3A_1535 = vector.shape_cast %select_n3A_1524 : vector<16xi32> to vector<16xi32>
    tpu.vector_store %arg20[%swap3A_1532], %swap3A_1535 {strides = array<i32>} : memref<128xi32, #tpu.memory_space<vmem>>, vector<16xi32>,
    %swap3A_1536 = arith.constant 80 : index
    %swap3A_1537 = tpu.vector_load %arg20[%swap3A_1536] {strides = array<i32>} : memref<128xi32, #tpu.memory_space<vmem>>, vector<16xi32>,
    %swap3A_1538 = vector.shape_cast %swap3A_1537 : vector<16xi32> to vector<16xi32>
    %swap3A_1539 = vector.shape_cast %select_n3A_1531 : vector<16xi32> to vector<16xi32>
    tpu.vector_store %arg20[%swap3A_1536], %swap3A_1539 {strides = array<i32>} : memref<128xi32, #tpu.memory_space<vmem>>, vector<16xi32>,
    %get3A_1540 = arith.constant 96 : index
    %get3A_1541 = tpu.vector_load %arg15[%get3A_1540] {strides = array<i32>} : memref<512xi32, #tpu.memory_space<vmem>>, vector<16xi32>,
    %get3A_1542 = vector.shape_cast %get3A_1541 : vector<16xi32> to vector<16xi32>
    %get3A_1543 = arith.constant 96 : index
    %get3A_1544 = tpu.vector_load %arg16[%get3A_1543] {strides = array<i32>} : memref<512xi32, #tpu.memory_space<vmem>>, vector<16xi32>,
    %get3A_1545 = vector.shape_cast %get3A_1544 : vector<16xi32> to vector<16xi32>
    %get3A_1546 = arith.constant 96 : index
    %get3A_1547 = tpu.vector_load %arg14[%get3A_1546] {strides = array<i32>} : memref<512xi32, #tpu.memory_space<vmem>>, vector<16xi32>,
    %get3A_1548 = vector.shape_cast %get3A_1547 : vector<16xi32> to vector<16xi32>
    %ge3A_1549 = arith.cmpi sge, %get3A_1545, %get3A_1542 : vector<16xi32>
    %mul3A_1550 = arith.constant 256 : i32
    %mul3A_1551 = vector.broadcast %mul3A_1550 : i32 to vector<16xi32>
    %mul3A_1552 = arith.muli %get3A_1548, %mul3A_1551 : vector<16xi32>
    %add3A_1553 = arith.addi %mul3A_1552, %get3A_1542 : vector<16xi32>
    %jit3A_1554 = arith.constant 1024 : i32
    %broadcast_in_dim3A_1555 = vector.broadcast %jit3A_1554 : i32 to vector<16xi32>
    %select_n3A_1556 = arith.select %ge3A_1549, %add3A_1553, %broadcast_in_dim3A_1555 : vector<16xi1>, vector<16xi32>
    %mul3A_1557 = arith.constant 256 : i32
    %mul3A_1558 = vector.broadcast %mul3A_1557 : i32 to vector<16xi32>
    %mul3A_1559 = arith.muli %get3A_1548, %mul3A_1558 : vector<16xi32>
    %add3A_1560 = arith.addi %mul3A_1559, %get3A_1545 : vector<16xi32>
    %jit3A_1561 = arith.constant 1024 : i32
    %broadcast_in_dim3A_1562 = vector.broadcast %jit3A_1561 : i32 to vector<16xi32>
    %select_n3A_1563 = arith.select %ge3A_1549, %add3A_1560, %broadcast_in_dim3A_1562 : vector<16xi1>, vector<16xi32>
    %swap3A_1564 = arith.constant 32 : index
    %swap3A_1565 = tpu.vector_load %arg20[%swap3A_1564] {strides = array<i32>} : memref<128xi32, #tpu.memory_space<vmem>>, vector<16xi32>,
    %swap3A_1566 = vector.shape_cast %swap3A_1565 : vector<16xi32> to vector<16xi32>
    %swap3A_1567 = vector.shape_cast %select_n3A_1556 : vector<16xi32> to vector<16xi32>
    tpu.vector_store %arg20[%swap3A_1564], %swap3A_1567 {strides = array<i32>} : memref<128xi32, #tpu.memory_space<vmem>>, vector<16xi32>,
    %swap3A_1568 = arith.constant 96 : index
    %swap3A_1569 = tpu.vector_load %arg20[%swap3A_1568] {strides = array<i32>} : memref<128xi32, #tpu.memory_space<vmem>>, vector<16xi32>,
    %swap3A_1570 = vector.shape_cast %swap3A_1569 : vector<16xi32> to vector<16xi32>
    %swap3A_1571 = vector.shape_cast %select_n3A_1563 : vector<16xi32> to vector<16xi32>
    tpu.vector_store %arg20[%swap3A_1568], %swap3A_1571 {strides = array<i32>} : memref<128xi32, #tpu.memory_space<vmem>>, vector<16xi32>,
    %get3A_1572 = arith.constant 112 : index
    %get3A_1573 = tpu.vector_load %arg15[%get3A_1572] {strides = array<i32>} : memref<512xi32, #tpu.memory_space<vmem>>, vector<16xi32>,
    %get3A_1574 = vector.shape_cast %get3A_1573 : vector<16xi32> to vector<16xi32>
    %get3A_1575 = arith.constant 112 : index
    %get3A_1576 = tpu.vector_load %arg16[%get3A_1575] {strides = array<i32>} : memref<512xi32, #tpu.memory_space<vmem>>, vector<16xi32>,
    %get3A_1577 = vector.shape_cast %get3A_1576 : vector<16xi32> to vector<16xi32>
    %get3A_1578 = arith.constant 112 : index
    %get3A_1579 = tpu.vector_load %arg14[%get3A_1578] {strides = array<i32>} : memref<512xi32, #tpu.memory_space<vmem>>, vector<16xi32>,
    %get3A_1580 = vector.shape_cast %get3A_1579 : vector<16xi32> to vector<16xi32>
    %ge3A_1581 = arith.cmpi sge, %get3A_1577, %get3A_1574 : vector<16xi32>
    %mul3A_1582 = arith.constant 256 : i32
    %mul3A_1583 = vector.broadcast %mul3A_1582 : i32 to vector<16xi32>
    %mul3A_1584 = arith.muli %get3A_1580, %mul3A_1583 : vector<16xi32>
    %add3A_1585 = arith.addi %mul3A_1584, %get3A_1574 : vector<16xi32>
    %jit3A_1586 = arith.constant 1024 : i32
    %broadcast_in_dim3A_1587 = vector.broadcast %jit3A_1586 : i32 to vector<16xi32>
    %select_n3A_1588 = arith.select %ge3A_1581, %add3A_1585, %broadcast_in_dim3A_1587 : vector<16xi1>, vector<16xi32>
    %mul3A_1589 = arith.constant 256 : i32
    %mul3A_1590 = vector.broadcast %mul3A_1589 : i32 to vector<16xi32>
    %mul3A_1591 = arith.muli %get3A_1580, %mul3A_1590 : vector<16xi32>
    %add3A_1592 = arith.addi %mul3A_1591, %get3A_1577 : vector<16xi32>
    %jit3A_1593 = arith.constant 1024 : i32
    %broadcast_in_dim3A_1594 = vector.broadcast %jit3A_1593 : i32 to vector<16xi32>
    %select_n3A_1595 = arith.select %ge3A_1581, %add3A_1592, %broadcast_in_dim3A_1594 : vector<16xi1>, vector<16xi32>
    %swap3A_1596 = arith.constant 48 : index
    %swap3A_1597 = tpu.vector_load %arg20[%swap3A_1596] {strides = array<i32>} : memref<128xi32, #tpu.memory_space<vmem>>, vector<16xi32>,
    %swap3A_1598 = vector.shape_cast %swap3A_1597 : vector<16xi32> to vector<16xi32>
    %swap3A_1599 = vector.shape_cast %select_n3A_1588 : vector<16xi32> to vector<16xi32>
    tpu.vector_store %arg20[%swap3A_1596], %swap3A_1599 {strides = array<i32>} : memref<128xi32, #tpu.memory_space<vmem>>, vector<16xi32>,
    %swap3A_1600 = arith.constant 112 : index
    %swap3A_1601 = tpu.vector_load %arg20[%swap3A_1600] {strides = array<i32>} : memref<128xi32, #tpu.memory_space<vmem>>, vector<16xi32>,
    %swap3A_1602 = vector.shape_cast %swap3A_1601 : vector<16xi32> to vector<16xi32>
    %swap3A_1603 = vector.shape_cast %select_n3A_1595 : vector<16xi32> to vector<16xi32>
    tpu.vector_store %arg20[%swap3A_1600], %swap3A_1603 {strides = array<i32>} : memref<128xi32, #tpu.memory_space<vmem>>, vector<16xi32>,
    %dma_start3A_1604 = arith.constant 0 : i32
    %dma_start3A_1605 = arith.constant 0 : i32
    %dma_start3A_1606 = tpu.memref_slice %arg10[%dma_start3A_1604, %dma_start3A_1605] : memref<1032x128xf32, #tpu.memory_space<vmem_shared>> -> memref<1032x128xf32, #tpu.memory_space<vmem_shared>>
    tpu.enqueue_indirect_dma source(%dma_start3A_1606 : memref<1032x128xf32, #tpu.memory_space<vmem_shared>>) target(%arg26 : memref<128x128xf32, #tpu.memory_space<vmem>>) offsets(%arg20 : memref<128xi32, #tpu.memory_space<vmem>>) semaphore(%arg32 : memref<!tpu.dma_semaphore, #tpu.memory_space<semaphore_mem>>)
    %dma_wait3A_1607 = arith.constant 0 : i32
    %dma_wait3A_1608 = arith.constant 0 : i32
    %dma_wait3A_1609 = tpu.memref_slice %arg10[%dma_wait3A_1607, %dma_wait3A_1608] : memref<1032x128xf32, #tpu.memory_space<vmem_shared>> -> memref<1032x128xf32, #tpu.memory_space<vmem_shared>>
    tpu.wait_indirect_dma semaphore(%arg29 : memref<!tpu.dma_semaphore, #tpu.memory_space<semaphore_mem>>) src(%dma_wait3A_1609 : memref<1032x128xf32, #tpu.memory_space<vmem_shared>>) dst(%arg23 : memref<128x128xf32, #tpu.memory_space<vmem>>)
    %add3A_1610 = arith.constant 384 : i32
    %add3A_1611 = arith.addi %mul3A_2, %add3A_1610 : i32
    %dma_start3A_1612 = arith.constant 0 : i32
    %dma_start3A_1613 = arith.constant 0 : i32
    %dma_start3A_1614 = tpu.memref_slice %arg23[%dma_start3A_1612, %dma_start3A_1613] : memref<128x128xf32, #tpu.memory_space<vmem>> -> memref<64x128xf32, #tpu.memory_space<vmem>>
    %dma_start3A_1615 = arith.constant 0 : i32
    %dma_start3A_1616 = tpu.memref_slice %arg8[%add3A_1611, %dma_start3A_1615] : memref<16384x256xf32, #tpu.memory_space<hbm>> -> memref<64x128xf32, #tpu.memory_space<hbm>>
    %dma_start3A_1617 = arith.constant 0 : i32
    %dma_start3A_1618 = tpu.memref_slice %arg8[%add3A_1611, %dma_start3A_1617] : memref<16384x256xf32, #tpu.memory_space<hbm>> -> memref<64x128xf32, #tpu.memory_space<hbm>>
    %dma_start3A_1619 = arith.constant 0 : i32
    %dma_start3A_1620 = arith.constant 0 : i32
    %dma_start3A_1621 = tpu.memref_slice %arg23[%dma_start3A_1619, %dma_start3A_1620] : memref<128x128xf32, #tpu.memory_space<vmem>> -> memref<64x128xf32, #tpu.memory_space<vmem>>
    tpu.enqueue_dma source(%dma_start3A_1621 : memref<64x128xf32, #tpu.memory_space<vmem>>) target(%dma_start3A_1618 : memref<64x128xf32, #tpu.memory_space<hbm>>) target_semaphore(%arg35 : memref<!tpu.dma_semaphore, #tpu.memory_space<semaphore_mem>>)
    %dma_start3A_1622 = arith.constant 64 : i32
    %dma_start3A_1623 = arith.constant 0 : i32
    %dma_start3A_1624 = tpu.memref_slice %arg23[%dma_start3A_1622, %dma_start3A_1623] : memref<128x128xf32, #tpu.memory_space<vmem>> -> memref<64x128xf32, #tpu.memory_space<vmem>>
    %dma_start3A_1625 = arith.constant 128 : i32
    %dma_start3A_1626 = tpu.memref_slice %arg8[%add3A_1611, %dma_start3A_1625] : memref<16384x256xf32, #tpu.memory_space<hbm>> -> memref<64x128xf32, #tpu.memory_space<hbm>>
    %dma_start3A_1627 = arith.constant 128 : i32
    %dma_start3A_1628 = tpu.memref_slice %arg8[%add3A_1611, %dma_start3A_1627] : memref<16384x256xf32, #tpu.memory_space<hbm>> -> memref<64x128xf32, #tpu.memory_space<hbm>>
    %dma_start3A_1629 = arith.constant 64 : i32
    %dma_start3A_1630 = arith.constant 0 : i32
    %dma_start3A_1631 = tpu.memref_slice %arg23[%dma_start3A_1629, %dma_start3A_1630] : memref<128x128xf32, #tpu.memory_space<vmem>> -> memref<64x128xf32, #tpu.memory_space<vmem>>
    tpu.enqueue_dma source(%dma_start3A_1631 : memref<64x128xf32, #tpu.memory_space<vmem>>) target(%dma_start3A_1628 : memref<64x128xf32, #tpu.memory_space<hbm>>) target_semaphore(%arg35 : memref<!tpu.dma_semaphore, #tpu.memory_space<semaphore_mem>>)
    %dma_wait3A_1632 = arith.constant 0 : i32
    %dma_wait3A_1633 = arith.constant 0 : i32
    %dma_wait3A_1634 = tpu.memref_slice %arg27[%dma_wait3A_1632, %dma_wait3A_1633] : memref<128x128xf32, #tpu.memory_space<vmem>> -> memref<64x128xf32, #tpu.memory_space<vmem>>
    %dma_wait3A_1635 = arith.constant 0 : i32
    %dma_wait3A_1636 = tpu.memref_slice %arg8[%add3A_1259, %dma_wait3A_1635] : memref<16384x256xf32, #tpu.memory_space<hbm>> -> memref<64x128xf32, #tpu.memory_space<hbm>>
    %dma_wait3A_1637 = arith.constant 0 : i32
    %dma_wait3A_1638 = tpu.memref_slice %arg8[%add3A_1259, %dma_wait3A_1637] : memref<16384x256xf32, #tpu.memory_space<hbm>> -> memref<64x128xf32, #tpu.memory_space<hbm>>
    %dma_wait3A_1639 = arith.constant 0 : i32
    %dma_wait3A_1640 = arith.constant 0 : i32
    %dma_wait3A_1641 = tpu.memref_slice %arg27[%dma_wait3A_1639, %dma_wait3A_1640] : memref<128x128xf32, #tpu.memory_space<vmem>> -> memref<64x128xf32, #tpu.memory_space<vmem>>
    tpu.wait_dma2 semaphore(%arg39 : memref<!tpu.dma_semaphore, #tpu.memory_space<semaphore_mem>>) src(%dma_wait3A_1641 : memref<64x128xf32, #tpu.memory_space<vmem>>) dst(%dma_wait3A_1638 : memref<64x128xf32, #tpu.memory_space<hbm>>)
    %dma_wait3A_1642 = arith.constant 64 : i32
    %dma_wait3A_1643 = arith.constant 0 : i32
    %dma_wait3A_1644 = tpu.memref_slice %arg27[%dma_wait3A_1642, %dma_wait3A_1643] : memref<128x128xf32, #tpu.memory_space<vmem>> -> memref<64x128xf32, #tpu.memory_space<vmem>>
    %dma_wait3A_1645 = arith.constant 128 : i32
    %dma_wait3A_1646 = tpu.memref_slice %arg8[%add3A_1259, %dma_wait3A_1645] : memref<16384x256xf32, #tpu.memory_space<hbm>> -> memref<64x128xf32, #tpu.memory_space<hbm>>
    %dma_wait3A_1647 = arith.constant 128 : i32
    %dma_wait3A_1648 = tpu.memref_slice %arg8[%add3A_1259, %dma_wait3A_1647] : memref<16384x256xf32, #tpu.memory_space<hbm>> -> memref<64x128xf32, #tpu.memory_space<hbm>>
    %dma_wait3A_1649 = arith.constant 64 : i32
    %dma_wait3A_1650 = arith.constant 0 : i32
    %dma_wait3A_1651 = tpu.memref_slice %arg27[%dma_wait3A_1649, %dma_wait3A_1650] : memref<128x128xf32, #tpu.memory_space<vmem>> -> memref<64x128xf32, #tpu.memory_space<vmem>>
    tpu.wait_dma2 semaphore(%arg39 : memref<!tpu.dma_semaphore, #tpu.memory_space<semaphore_mem>>) src(%dma_wait3A_1651 : memref<64x128xf32, #tpu.memory_space<vmem>>) dst(%dma_wait3A_1648 : memref<64x128xf32, #tpu.memory_space<hbm>>)
    %get3A_1652 = arith.constant 128 : index
    %get3A_1653 = tpu.vector_load %arg15[%get3A_1652] {strides = array<i32>} : memref<512xi32, #tpu.memory_space<vmem>>, vector<16xi32>,
    %get3A_1654 = vector.shape_cast %get3A_1653 : vector<16xi32> to vector<16xi32>
    %get3A_1655 = arith.constant 128 : index
    %get3A_1656 = tpu.vector_load %arg16[%get3A_1655] {strides = array<i32>} : memref<512xi32, #tpu.memory_space<vmem>>, vector<16xi32>,
    %get3A_1657 = vector.shape_cast %get3A_1656 : vector<16xi32> to vector<16xi32>
    %get3A_1658 = arith.constant 128 : index
    %get3A_1659 = tpu.vector_load %arg14[%get3A_1658] {strides = array<i32>} : memref<512xi32, #tpu.memory_space<vmem>>, vector<16xi32>,
    %get3A_1660 = vector.shape_cast %get3A_1659 : vector<16xi32> to vector<16xi32>
    %ge3A_1661 = arith.cmpi sge, %get3A_1657, %get3A_1654 : vector<16xi32>
    %mul3A_1662 = arith.constant 256 : i32
    %mul3A_1663 = vector.broadcast %mul3A_1662 : i32 to vector<16xi32>
    %mul3A_1664 = arith.muli %get3A_1660, %mul3A_1663 : vector<16xi32>
    %add3A_1665 = arith.addi %mul3A_1664, %get3A_1654 : vector<16xi32>
    %jit3A_1666 = arith.constant 1024 : i32
    %broadcast_in_dim3A_1667 = vector.broadcast %jit3A_1666 : i32 to vector<16xi32>
    %select_n3A_1668 = arith.select %ge3A_1661, %add3A_1665, %broadcast_in_dim3A_1667 : vector<16xi1>, vector<16xi32>
    %mul3A_1669 = arith.constant 256 : i32
    %mul3A_1670 = vector.broadcast %mul3A_1669 : i32 to vector<16xi32>
    %mul3A_1671 = arith.muli %get3A_1660, %mul3A_1670 : vector<16xi32>
    %add3A_1672 = arith.addi %mul3A_1671, %get3A_1657 : vector<16xi32>
    %jit3A_1673 = arith.constant 1024 : i32
    %broadcast_in_dim3A_1674 = vector.broadcast %jit3A_1673 : i32 to vector<16xi32>
    %select_n3A_1675 = arith.select %ge3A_1661, %add3A_1672, %broadcast_in_dim3A_1674 : vector<16xi1>, vector<16xi32>
    %swap3A_1676 = arith.constant 0 : index
    %swap3A_1677 = tpu.vector_load %arg21[%swap3A_1676] {strides = array<i32>} : memref<128xi32, #tpu.memory_space<vmem>>, vector<16xi32>,
    %swap3A_1678 = vector.shape_cast %swap3A_1677 : vector<16xi32> to vector<16xi32>
    %swap3A_1679 = vector.shape_cast %select_n3A_1668 : vector<16xi32> to vector<16xi32>
    tpu.vector_store %arg21[%swap3A_1676], %swap3A_1679 {strides = array<i32>} : memref<128xi32, #tpu.memory_space<vmem>>, vector<16xi32>,
    %swap3A_1680 = arith.constant 64 : index
    %swap3A_1681 = tpu.vector_load %arg21[%swap3A_1680] {strides = array<i32>} : memref<128xi32, #tpu.memory_space<vmem>>, vector<16xi32>,
    %swap3A_1682 = vector.shape_cast %swap3A_1681 : vector<16xi32> to vector<16xi32>
    %swap3A_1683 = vector.shape_cast %select_n3A_1675 : vector<16xi32> to vector<16xi32>
    tpu.vector_store %arg21[%swap3A_1680], %swap3A_1683 {strides = array<i32>} : memref<128xi32, #tpu.memory_space<vmem>>, vector<16xi32>,
    %get3A_1684 = arith.constant 144 : index
    %get3A_1685 = tpu.vector_load %arg15[%get3A_1684] {strides = array<i32>} : memref<512xi32, #tpu.memory_space<vmem>>, vector<16xi32>,
    %get3A_1686 = vector.shape_cast %get3A_1685 : vector<16xi32> to vector<16xi32>
    %get3A_1687 = arith.constant 144 : index
    %get3A_1688 = tpu.vector_load %arg16[%get3A_1687] {strides = array<i32>} : memref<512xi32, #tpu.memory_space<vmem>>, vector<16xi32>,
    %get3A_1689 = vector.shape_cast %get3A_1688 : vector<16xi32> to vector<16xi32>
    %get3A_1690 = arith.constant 144 : index
    %get3A_1691 = tpu.vector_load %arg14[%get3A_1690] {strides = array<i32>} : memref<512xi32, #tpu.memory_space<vmem>>, vector<16xi32>,
    %get3A_1692 = vector.shape_cast %get3A_1691 : vector<16xi32> to vector<16xi32>
    %ge3A_1693 = arith.cmpi sge, %get3A_1689, %get3A_1686 : vector<16xi32>
    %mul3A_1694 = arith.constant 256 : i32
    %mul3A_1695 = vector.broadcast %mul3A_1694 : i32 to vector<16xi32>
    %mul3A_1696 = arith.muli %get3A_1692, %mul3A_1695 : vector<16xi32>
    %add3A_1697 = arith.addi %mul3A_1696, %get3A_1686 : vector<16xi32>
    %jit3A_1698 = arith.constant 1024 : i32
    %broadcast_in_dim3A_1699 = vector.broadcast %jit3A_1698 : i32 to vector<16xi32>
    %select_n3A_1700 = arith.select %ge3A_1693, %add3A_1697, %broadcast_in_dim3A_1699 : vector<16xi1>, vector<16xi32>
    %mul3A_1701 = arith.constant 256 : i32
    %mul3A_1702 = vector.broadcast %mul3A_1701 : i32 to vector<16xi32>
    %mul3A_1703 = arith.muli %get3A_1692, %mul3A_1702 : vector<16xi32>
    %add3A_1704 = arith.addi %mul3A_1703, %get3A_1689 : vector<16xi32>
    %jit3A_1705 = arith.constant 1024 : i32
    %broadcast_in_dim3A_1706 = vector.broadcast %jit3A_1705 : i32 to vector<16xi32>
    %select_n3A_1707 = arith.select %ge3A_1693, %add3A_1704, %broadcast_in_dim3A_1706 : vector<16xi1>, vector<16xi32>
    %swap3A_1708 = arith.constant 16 : index
    %swap3A_1709 = tpu.vector_load %arg21[%swap3A_1708] {strides = array<i32>} : memref<128xi32, #tpu.memory_space<vmem>>, vector<16xi32>,
    %swap3A_1710 = vector.shape_cast %swap3A_1709 : vector<16xi32> to vector<16xi32>
    %swap3A_1711 = vector.shape_cast %select_n3A_1700 : vector<16xi32> to vector<16xi32>
    tpu.vector_store %arg21[%swap3A_1708], %swap3A_1711 {strides = array<i32>} : memref<128xi32, #tpu.memory_space<vmem>>, vector<16xi32>,
    %swap3A_1712 = arith.constant 80 : index
    %swap3A_1713 = tpu.vector_load %arg21[%swap3A_1712] {strides = array<i32>} : memref<128xi32, #tpu.memory_space<vmem>>, vector<16xi32>,
    %swap3A_1714 = vector.shape_cast %swap3A_1713 : vector<16xi32> to vector<16xi32>
    %swap3A_1715 = vector.shape_cast %select_n3A_1707 : vector<16xi32> to vector<16xi32>
    tpu.vector_store %arg21[%swap3A_1712], %swap3A_1715 {strides = array<i32>} : memref<128xi32, #tpu.memory_space<vmem>>, vector<16xi32>,
    %get3A_1716 = arith.constant 160 : index
    %get3A_1717 = tpu.vector_load %arg15[%get3A_1716] {strides = array<i32>} : memref<512xi32, #tpu.memory_space<vmem>>, vector<16xi32>,
    %get3A_1718 = vector.shape_cast %get3A_1717 : vector<16xi32> to vector<16xi32>
    %get3A_1719 = arith.constant 160 : index
    %get3A_1720 = tpu.vector_load %arg16[%get3A_1719] {strides = array<i32>} : memref<512xi32, #tpu.memory_space<vmem>>, vector<16xi32>,
    %get3A_1721 = vector.shape_cast %get3A_1720 : vector<16xi32> to vector<16xi32>
    %get3A_1722 = arith.constant 160 : index
    %get3A_1723 = tpu.vector_load %arg14[%get3A_1722] {strides = array<i32>} : memref<512xi32, #tpu.memory_space<vmem>>, vector<16xi32>,
    %get3A_1724 = vector.shape_cast %get3A_1723 : vector<16xi32> to vector<16xi32>
    %ge3A_1725 = arith.cmpi sge, %get3A_1721, %get3A_1718 : vector<16xi32>
    %mul3A_1726 = arith.constant 256 : i32
    %mul3A_1727 = vector.broadcast %mul3A_1726 : i32 to vector<16xi32>
    %mul3A_1728 = arith.muli %get3A_1724, %mul3A_1727 : vector<16xi32>
    %add3A_1729 = arith.addi %mul3A_1728, %get3A_1718 : vector<16xi32>
    %jit3A_1730 = arith.constant 1024 : i32
    %broadcast_in_dim3A_1731 = vector.broadcast %jit3A_1730 : i32 to vector<16xi32>
    %select_n3A_1732 = arith.select %ge3A_1725, %add3A_1729, %broadcast_in_dim3A_1731 : vector<16xi1>, vector<16xi32>
    %mul3A_1733 = arith.constant 256 : i32
    %mul3A_1734 = vector.broadcast %mul3A_1733 : i32 to vector<16xi32>
    %mul3A_1735 = arith.muli %get3A_1724, %mul3A_1734 : vector<16xi32>
    %add3A_1736 = arith.addi %mul3A_1735, %get3A_1721 : vector<16xi32>
    %jit3A_1737 = arith.constant 1024 : i32
    %broadcast_in_dim3A_1738 = vector.broadcast %jit3A_1737 : i32 to vector<16xi32>
    %select_n3A_1739 = arith.select %ge3A_1725, %add3A_1736, %broadcast_in_dim3A_1738 : vector<16xi1>, vector<16xi32>
    %swap3A_1740 = arith.constant 32 : index
    %swap3A_1741 = tpu.vector_load %arg21[%swap3A_1740] {strides = array<i32>} : memref<128xi32, #tpu.memory_space<vmem>>, vector<16xi32>,
    %swap3A_1742 = vector.shape_cast %swap3A_1741 : vector<16xi32> to vector<16xi32>
    %swap3A_1743 = vector.shape_cast %select_n3A_1732 : vector<16xi32> to vector<16xi32>
    tpu.vector_store %arg21[%swap3A_1740], %swap3A_1743 {strides = array<i32>} : memref<128xi32, #tpu.memory_space<vmem>>, vector<16xi32>,
    %swap3A_1744 = arith.constant 96 : index
    %swap3A_1745 = tpu.vector_load %arg21[%swap3A_1744] {strides = array<i32>} : memref<128xi32, #tpu.memory_space<vmem>>, vector<16xi32>,
    %swap3A_1746 = vector.shape_cast %swap3A_1745 : vector<16xi32> to vector<16xi32>
    %swap3A_1747 = vector.shape_cast %select_n3A_1739 : vector<16xi32> to vector<16xi32>
    tpu.vector_store %arg21[%swap3A_1744], %swap3A_1747 {strides = array<i32>} : memref<128xi32, #tpu.memory_space<vmem>>, vector<16xi32>,
    %get3A_1748 = arith.constant 176 : index
    %get3A_1749 = tpu.vector_load %arg15[%get3A_1748] {strides = array<i32>} : memref<512xi32, #tpu.memory_space<vmem>>, vector<16xi32>,
    %get3A_1750 = vector.shape_cast %get3A_1749 : vector<16xi32> to vector<16xi32>
    %get3A_1751 = arith.constant 176 : index
    %get3A_1752 = tpu.vector_load %arg16[%get3A_1751] {strides = array<i32>} : memref<512xi32, #tpu.memory_space<vmem>>, vector<16xi32>,
    %get3A_1753 = vector.shape_cast %get3A_1752 : vector<16xi32> to vector<16xi32>
    %get3A_1754 = arith.constant 176 : index
    %get3A_1755 = tpu.vector_load %arg14[%get3A_1754] {strides = array<i32>} : memref<512xi32, #tpu.memory_space<vmem>>, vector<16xi32>,
    %get3A_1756 = vector.shape_cast %get3A_1755 : vector<16xi32> to vector<16xi32>
    %ge3A_1757 = arith.cmpi sge, %get3A_1753, %get3A_1750 : vector<16xi32>
    %mul3A_1758 = arith.constant 256 : i32
    %mul3A_1759 = vector.broadcast %mul3A_1758 : i32 to vector<16xi32>
    %mul3A_1760 = arith.muli %get3A_1756, %mul3A_1759 : vector<16xi32>
    %add3A_1761 = arith.addi %mul3A_1760, %get3A_1750 : vector<16xi32>
    %jit3A_1762 = arith.constant 1024 : i32
    %broadcast_in_dim3A_1763 = vector.broadcast %jit3A_1762 : i32 to vector<16xi32>
    %select_n3A_1764 = arith.select %ge3A_1757, %add3A_1761, %broadcast_in_dim3A_1763 : vector<16xi1>, vector<16xi32>
    %mul3A_1765 = arith.constant 256 : i32
    %mul3A_1766 = vector.broadcast %mul3A_1765 : i32 to vector<16xi32>
    %mul3A_1767 = arith.muli %get3A_1756, %mul3A_1766 : vector<16xi32>
    %add3A_1768 = arith.addi %mul3A_1767, %get3A_1753 : vector<16xi32>
    %jit3A_1769 = arith.constant 1024 : i32
    %broadcast_in_dim3A_1770 = vector.broadcast %jit3A_1769 : i32 to vector<16xi32>
    %select_n3A_1771 = arith.select %ge3A_1757, %add3A_1768, %broadcast_in_dim3A_1770 : vector<16xi1>, vector<16xi32>
    %swap3A_1772 = arith.constant 48 : index
    %swap3A_1773 = tpu.vector_load %arg21[%swap3A_1772] {strides = array<i32>} : memref<128xi32, #tpu.memory_space<vmem>>, vector<16xi32>,
    %swap3A_1774 = vector.shape_cast %swap3A_1773 : vector<16xi32> to vector<16xi32>
    %swap3A_1775 = vector.shape_cast %select_n3A_1764 : vector<16xi32> to vector<16xi32>
    tpu.vector_store %arg21[%swap3A_1772], %swap3A_1775 {strides = array<i32>} : memref<128xi32, #tpu.memory_space<vmem>>, vector<16xi32>,
    %swap3A_1776 = arith.constant 112 : index
    %swap3A_1777 = tpu.vector_load %arg21[%swap3A_1776] {strides = array<i32>} : memref<128xi32, #tpu.memory_space<vmem>>, vector<16xi32>,
    %swap3A_1778 = vector.shape_cast %swap3A_1777 : vector<16xi32> to vector<16xi32>
    %swap3A_1779 = vector.shape_cast %select_n3A_1771 : vector<16xi32> to vector<16xi32>
    tpu.vector_store %arg21[%swap3A_1776], %swap3A_1779 {strides = array<i32>} : memref<128xi32, #tpu.memory_space<vmem>>, vector<16xi32>,
    %dma_start3A_1780 = arith.constant 0 : i32
    %dma_start3A_1781 = arith.constant 0 : i32
    %dma_start3A_1782 = tpu.memref_slice %arg10[%dma_start3A_1780, %dma_start3A_1781] : memref<1032x128xf32, #tpu.memory_space<vmem_shared>> -> memref<1032x128xf32, #tpu.memory_space<vmem_shared>>
    tpu.enqueue_indirect_dma source(%dma_start3A_1782 : memref<1032x128xf32, #tpu.memory_space<vmem_shared>>) target(%arg27 : memref<128x128xf32, #tpu.memory_space<vmem>>) offsets(%arg21 : memref<128xi32, #tpu.memory_space<vmem>>) semaphore(%arg33 : memref<!tpu.dma_semaphore, #tpu.memory_space<semaphore_mem>>)
    %dma_wait3A_1783 = arith.constant 0 : i32
    %dma_wait3A_1784 = arith.constant 0 : i32
    %dma_wait3A_1785 = tpu.memref_slice %arg10[%dma_wait3A_1783, %dma_wait3A_1784] : memref<1032x128xf32, #tpu.memory_space<vmem_shared>> -> memref<1032x128xf32, #tpu.memory_space<vmem_shared>>
    tpu.wait_indirect_dma semaphore(%arg30 : memref<!tpu.dma_semaphore, #tpu.memory_space<semaphore_mem>>) src(%dma_wait3A_1785 : memref<1032x128xf32, #tpu.memory_space<vmem_shared>>) dst(%arg24 : memref<128x128xf32, #tpu.memory_space<vmem>>)
    %add3A_1786 = arith.constant 448 : i32
    %add3A_1787 = arith.addi %mul3A_2, %add3A_1786 : i32
    %dma_start3A_1788 = arith.constant 0 : i32
    %dma_start3A_1789 = arith.constant 0 : i32
    %dma_start3A_1790 = tpu.memref_slice %arg24[%dma_start3A_1788, %dma_start3A_1789] : memref<128x128xf32, #tpu.memory_space<vmem>> -> memref<64x128xf32, #tpu.memory_space<vmem>>
    %dma_start3A_1791 = arith.constant 0 : i32
    %dma_start3A_1792 = tpu.memref_slice %arg8[%add3A_1787, %dma_start3A_1791] : memref<16384x256xf32, #tpu.memory_space<hbm>> -> memref<64x128xf32, #tpu.memory_space<hbm>>
    %dma_start3A_1793 = arith.constant 0 : i32
    %dma_start3A_1794 = tpu.memref_slice %arg8[%add3A_1787, %dma_start3A_1793] : memref<16384x256xf32, #tpu.memory_space<hbm>> -> memref<64x128xf32, #tpu.memory_space<hbm>>
    %dma_start3A_1795 = arith.constant 0 : i32
    %dma_start3A_1796 = arith.constant 0 : i32
    %dma_start3A_1797 = tpu.memref_slice %arg24[%dma_start3A_1795, %dma_start3A_1796] : memref<128x128xf32, #tpu.memory_space<vmem>> -> memref<64x128xf32, #tpu.memory_space<vmem>>
    tpu.enqueue_dma source(%dma_start3A_1797 : memref<64x128xf32, #tpu.memory_space<vmem>>) target(%dma_start3A_1794 : memref<64x128xf32, #tpu.memory_space<hbm>>) target_semaphore(%arg36 : memref<!tpu.dma_semaphore, #tpu.memory_space<semaphore_mem>>)
    %dma_start3A_1798 = arith.constant 64 : i32
    %dma_start3A_1799 = arith.constant 0 : i32
    %dma_start3A_1800 = tpu.memref_slice %arg24[%dma_start3A_1798, %dma_start3A_1799] : memref<128x128xf32, #tpu.memory_space<vmem>> -> memref<64x128xf32, #tpu.memory_space<vmem>>
    %dma_start3A_1801 = arith.constant 128 : i32
    %dma_start3A_1802 = tpu.memref_slice %arg8[%add3A_1787, %dma_start3A_1801] : memref<16384x256xf32, #tpu.memory_space<hbm>> -> memref<64x128xf32, #tpu.memory_space<hbm>>
    %dma_start3A_1803 = arith.constant 128 : i32
    %dma_start3A_1804 = tpu.memref_slice %arg8[%add3A_1787, %dma_start3A_1803] : memref<16384x256xf32, #tpu.memory_space<hbm>> -> memref<64x128xf32, #tpu.memory_space<hbm>>
    %dma_start3A_1805 = arith.constant 64 : i32
    %dma_start3A_1806 = arith.constant 0 : i32
    %dma_start3A_1807 = tpu.memref_slice %arg24[%dma_start3A_1805, %dma_start3A_1806] : memref<128x128xf32, #tpu.memory_space<vmem>> -> memref<64x128xf32, #tpu.memory_space<vmem>>
    tpu.enqueue_dma source(%dma_start3A_1807 : memref<64x128xf32, #tpu.memory_space<vmem>>) target(%dma_start3A_1804 : memref<64x128xf32, #tpu.memory_space<hbm>>) target_semaphore(%arg36 : memref<!tpu.dma_semaphore, #tpu.memory_space<semaphore_mem>>)
    %dma_wait3A_1808 = arith.constant 0 : i32
    %dma_wait3A_1809 = arith.constant 0 : i32
    %dma_wait3A_1810 = tpu.memref_slice %arg28[%dma_wait3A_1808, %dma_wait3A_1809] : memref<128x128xf32, #tpu.memory_space<vmem>> -> memref<64x128xf32, #tpu.memory_space<vmem>>
    %dma_wait3A_1811 = arith.constant 0 : i32
    %dma_wait3A_1812 = tpu.memref_slice %arg8[%add3A_1435, %dma_wait3A_1811] : memref<16384x256xf32, #tpu.memory_space<hbm>> -> memref<64x128xf32, #tpu.memory_space<hbm>>
    %dma_wait3A_1813 = arith.constant 0 : i32
    %dma_wait3A_1814 = tpu.memref_slice %arg8[%add3A_1435, %dma_wait3A_1813] : memref<16384x256xf32, #tpu.memory_space<hbm>> -> memref<64x128xf32, #tpu.memory_space<hbm>>
    %dma_wait3A_1815 = arith.constant 0 : i32
    %dma_wait3A_1816 = arith.constant 0 : i32
    %dma_wait3A_1817 = tpu.memref_slice %arg28[%dma_wait3A_1815, %dma_wait3A_1816] : memref<128x128xf32, #tpu.memory_space<vmem>> -> memref<64x128xf32, #tpu.memory_space<vmem>>
    tpu.wait_dma2 semaphore(%arg40 : memref<!tpu.dma_semaphore, #tpu.memory_space<semaphore_mem>>) src(%dma_wait3A_1817 : memref<64x128xf32, #tpu.memory_space<vmem>>) dst(%dma_wait3A_1814 : memref<64x128xf32, #tpu.memory_space<hbm>>)
    %dma_wait3A_1818 = arith.constant 64 : i32
    %dma_wait3A_1819 = arith.constant 0 : i32
    %dma_wait3A_1820 = tpu.memref_slice %arg28[%dma_wait3A_1818, %dma_wait3A_1819] : memref<128x128xf32, #tpu.memory_space<vmem>> -> memref<64x128xf32, #tpu.memory_space<vmem>>
    %dma_wait3A_1821 = arith.constant 128 : i32
    %dma_wait3A_1822 = tpu.memref_slice %arg8[%add3A_1435, %dma_wait3A_1821] : memref<16384x256xf32, #tpu.memory_space<hbm>> -> memref<64x128xf32, #tpu.memory_space<hbm>>
    %dma_wait3A_1823 = arith.constant 128 : i32
    %dma_wait3A_1824 = tpu.memref_slice %arg8[%add3A_1435, %dma_wait3A_1823] : memref<16384x256xf32, #tpu.memory_space<hbm>> -> memref<64x128xf32, #tpu.memory_space<hbm>>
    %dma_wait3A_1825 = arith.constant 64 : i32
    %dma_wait3A_1826 = arith.constant 0 : i32
    %dma_wait3A_1827 = tpu.memref_slice %arg28[%dma_wait3A_1825, %dma_wait3A_1826] : memref<128x128xf32, #tpu.memory_space<vmem>> -> memref<64x128xf32, #tpu.memory_space<vmem>>
    tpu.wait_dma2 semaphore(%arg40 : memref<!tpu.dma_semaphore, #tpu.memory_space<semaphore_mem>>) src(%dma_wait3A_1827 : memref<64x128xf32, #tpu.memory_space<vmem>>) dst(%dma_wait3A_1824 : memref<64x128xf32, #tpu.memory_space<hbm>>)
    %get3A_1828 = arith.constant 192 : index
    %get3A_1829 = tpu.vector_load %arg15[%get3A_1828] {strides = array<i32>} : memref<512xi32, #tpu.memory_space<vmem>>, vector<16xi32>,
    %get3A_1830 = vector.shape_cast %get3A_1829 : vector<16xi32> to vector<16xi32>
    %get3A_1831 = arith.constant 192 : index
    %get3A_1832 = tpu.vector_load %arg16[%get3A_1831] {strides = array<i32>} : memref<512xi32, #tpu.memory_space<vmem>>, vector<16xi32>,
    %get3A_1833 = vector.shape_cast %get3A_1832 : vector<16xi32> to vector<16xi32>
    %get3A_1834 = arith.constant 192 : index
    %get3A_1835 = tpu.vector_load %arg14[%get3A_1834] {strides = array<i32>} : memref<512xi32, #tpu.memory_space<vmem>>, vector<16xi32>,
    %get3A_1836 = vector.shape_cast %get3A_1835 : vector<16xi32> to vector<16xi32>
    %ge3A_1837 = arith.cmpi sge, %get3A_1833, %get3A_1830 : vector<16xi32>
    %mul3A_1838 = arith.constant 256 : i32
    %mul3A_1839 = vector.broadcast %mul3A_1838 : i32 to vector<16xi32>
    %mul3A_1840 = arith.muli %get3A_1836, %mul3A_1839 : vector<16xi32>
    %add3A_1841 = arith.addi %mul3A_1840, %get3A_1830 : vector<16xi32>
    %jit3A_1842 = arith.constant 1024 : i32
    %broadcast_in_dim3A_1843 = vector.broadcast %jit3A_1842 : i32 to vector<16xi32>
    %select_n3A_1844 = arith.select %ge3A_1837, %add3A_1841, %broadcast_in_dim3A_1843 : vector<16xi1>, vector<16xi32>
    %mul3A_1845 = arith.constant 256 : i32
    %mul3A_1846 = vector.broadcast %mul3A_1845 : i32 to vector<16xi32>
    %mul3A_1847 = arith.muli %get3A_1836, %mul3A_1846 : vector<16xi32>
    %add3A_1848 = arith.addi %mul3A_1847, %get3A_1833 : vector<16xi32>
    %jit3A_1849 = arith.constant 1024 : i32
    %broadcast_in_dim3A_1850 = vector.broadcast %jit3A_1849 : i32 to vector<16xi32>
    %select_n3A_1851 = arith.select %ge3A_1837, %add3A_1848, %broadcast_in_dim3A_1850 : vector<16xi1>, vector<16xi32>
    %swap3A_1852 = arith.constant 0 : index
    %swap3A_1853 = tpu.vector_load %arg22[%swap3A_1852] {strides = array<i32>} : memref<128xi32, #tpu.memory_space<vmem>>, vector<16xi32>,
    %swap3A_1854 = vector.shape_cast %swap3A_1853 : vector<16xi32> to vector<16xi32>
    %swap3A_1855 = vector.shape_cast %select_n3A_1844 : vector<16xi32> to vector<16xi32>
    tpu.vector_store %arg22[%swap3A_1852], %swap3A_1855 {strides = array<i32>} : memref<128xi32, #tpu.memory_space<vmem>>, vector<16xi32>,
    %swap3A_1856 = arith.constant 64 : index
    %swap3A_1857 = tpu.vector_load %arg22[%swap3A_1856] {strides = array<i32>} : memref<128xi32, #tpu.memory_space<vmem>>, vector<16xi32>,
    %swap3A_1858 = vector.shape_cast %swap3A_1857 : vector<16xi32> to vector<16xi32>
    %swap3A_1859 = vector.shape_cast %select_n3A_1851 : vector<16xi32> to vector<16xi32>
    tpu.vector_store %arg22[%swap3A_1856], %swap3A_1859 {strides = array<i32>} : memref<128xi32, #tpu.memory_space<vmem>>, vector<16xi32>,
    %get3A_1860 = arith.constant 208 : index
    %get3A_1861 = tpu.vector_load %arg15[%get3A_1860] {strides = array<i32>} : memref<512xi32, #tpu.memory_space<vmem>>, vector<16xi32>,
    %get3A_1862 = vector.shape_cast %get3A_1861 : vector<16xi32> to vector<16xi32>
    %get3A_1863 = arith.constant 208 : index
    %get3A_1864 = tpu.vector_load %arg16[%get3A_1863] {strides = array<i32>} : memref<512xi32, #tpu.memory_space<vmem>>, vector<16xi32>,
    %get3A_1865 = vector.shape_cast %get3A_1864 : vector<16xi32> to vector<16xi32>
    %get3A_1866 = arith.constant 208 : index
    %get3A_1867 = tpu.vector_load %arg14[%get3A_1866] {strides = array<i32>} : memref<512xi32, #tpu.memory_space<vmem>>, vector<16xi32>,
    %get3A_1868 = vector.shape_cast %get3A_1867 : vector<16xi32> to vector<16xi32>
    %ge3A_1869 = arith.cmpi sge, %get3A_1865, %get3A_1862 : vector<16xi32>
    %mul3A_1870 = arith.constant 256 : i32
    %mul3A_1871 = vector.broadcast %mul3A_1870 : i32 to vector<16xi32>
    %mul3A_1872 = arith.muli %get3A_1868, %mul3A_1871 : vector<16xi32>
    %add3A_1873 = arith.addi %mul3A_1872, %get3A_1862 : vector<16xi32>
    %jit3A_1874 = arith.constant 1024 : i32
    %broadcast_in_dim3A_1875 = vector.broadcast %jit3A_1874 : i32 to vector<16xi32>
    %select_n3A_1876 = arith.select %ge3A_1869, %add3A_1873, %broadcast_in_dim3A_1875 : vector<16xi1>, vector<16xi32>
    %mul3A_1877 = arith.constant 256 : i32
    %mul3A_1878 = vector.broadcast %mul3A_1877 : i32 to vector<16xi32>
    %mul3A_1879 = arith.muli %get3A_1868, %mul3A_1878 : vector<16xi32>
    %add3A_1880 = arith.addi %mul3A_1879, %get3A_1865 : vector<16xi32>
    %jit3A_1881 = arith.constant 1024 : i32
    %broadcast_in_dim3A_1882 = vector.broadcast %jit3A_1881 : i32 to vector<16xi32>
    %select_n3A_1883 = arith.select %ge3A_1869, %add3A_1880, %broadcast_in_dim3A_1882 : vector<16xi1>, vector<16xi32>
    %swap3A_1884 = arith.constant 16 : index
    %swap3A_1885 = tpu.vector_load %arg22[%swap3A_1884] {strides = array<i32>} : memref<128xi32, #tpu.memory_space<vmem>>, vector<16xi32>,
    %swap3A_1886 = vector.shape_cast %swap3A_1885 : vector<16xi32> to vector<16xi32>
    %swap3A_1887 = vector.shape_cast %select_n3A_1876 : vector<16xi32> to vector<16xi32>
    tpu.vector_store %arg22[%swap3A_1884], %swap3A_1887 {strides = array<i32>} : memref<128xi32, #tpu.memory_space<vmem>>, vector<16xi32>,
    %swap3A_1888 = arith.constant 80 : index
    %swap3A_1889 = tpu.vector_load %arg22[%swap3A_1888] {strides = array<i32>} : memref<128xi32, #tpu.memory_space<vmem>>, vector<16xi32>,
    %swap3A_1890 = vector.shape_cast %swap3A_1889 : vector<16xi32> to vector<16xi32>
    %swap3A_1891 = vector.shape_cast %select_n3A_1883 : vector<16xi32> to vector<16xi32>
    tpu.vector_store %arg22[%swap3A_1888], %swap3A_1891 {strides = array<i32>} : memref<128xi32, #tpu.memory_space<vmem>>, vector<16xi32>,
    %get3A_1892 = arith.constant 224 : index
    %get3A_1893 = tpu.vector_load %arg15[%get3A_1892] {strides = array<i32>} : memref<512xi32, #tpu.memory_space<vmem>>, vector<16xi32>,
    %get3A_1894 = vector.shape_cast %get3A_1893 : vector<16xi32> to vector<16xi32>
    %get3A_1895 = arith.constant 224 : index
    %get3A_1896 = tpu.vector_load %arg16[%get3A_1895] {strides = array<i32>} : memref<512xi32, #tpu.memory_space<vmem>>, vector<16xi32>,
    %get3A_1897 = vector.shape_cast %get3A_1896 : vector<16xi32> to vector<16xi32>
    %get3A_1898 = arith.constant 224 : index
    %get3A_1899 = tpu.vector_load %arg14[%get3A_1898] {strides = array<i32>} : memref<512xi32, #tpu.memory_space<vmem>>, vector<16xi32>,
    %get3A_1900 = vector.shape_cast %get3A_1899 : vector<16xi32> to vector<16xi32>
    %ge3A_1901 = arith.cmpi sge, %get3A_1897, %get3A_1894 : vector<16xi32>
    %mul3A_1902 = arith.constant 256 : i32
    %mul3A_1903 = vector.broadcast %mul3A_1902 : i32 to vector<16xi32>
    %mul3A_1904 = arith.muli %get3A_1900, %mul3A_1903 : vector<16xi32>
    %add3A_1905 = arith.addi %mul3A_1904, %get3A_1894 : vector<16xi32>
    %jit3A_1906 = arith.constant 1024 : i32
    %broadcast_in_dim3A_1907 = vector.broadcast %jit3A_1906 : i32 to vector<16xi32>
    %select_n3A_1908 = arith.select %ge3A_1901, %add3A_1905, %broadcast_in_dim3A_1907 : vector<16xi1>, vector<16xi32>
    %mul3A_1909 = arith.constant 256 : i32
    %mul3A_1910 = vector.broadcast %mul3A_1909 : i32 to vector<16xi32>
    %mul3A_1911 = arith.muli %get3A_1900, %mul3A_1910 : vector<16xi32>
    %add3A_1912 = arith.addi %mul3A_1911, %get3A_1897 : vector<16xi32>
    %jit3A_1913 = arith.constant 1024 : i32
    %broadcast_in_dim3A_1914 = vector.broadcast %jit3A_1913 : i32 to vector<16xi32>
    %select_n3A_1915 = arith.select %ge3A_1901, %add3A_1912, %broadcast_in_dim3A_1914 : vector<16xi1>, vector<16xi32>
    %swap3A_1916 = arith.constant 32 : index
    %swap3A_1917 = tpu.vector_load %arg22[%swap3A_1916] {strides = array<i32>} : memref<128xi32, #tpu.memory_space<vmem>>, vector<16xi32>,
    %swap3A_1918 = vector.shape_cast %swap3A_1917 : vector<16xi32> to vector<16xi32>
    %swap3A_1919 = vector.shape_cast %select_n3A_1908 : vector<16xi32> to vector<16xi32>
    tpu.vector_store %arg22[%swap3A_1916], %swap3A_1919 {strides = array<i32>} : memref<128xi32, #tpu.memory_space<vmem>>, vector<16xi32>,
    %swap3A_1920 = arith.constant 96 : index
    %swap3A_1921 = tpu.vector_load %arg22[%swap3A_1920] {strides = array<i32>} : memref<128xi32, #tpu.memory_space<vmem>>, vector<16xi32>,
    %swap3A_1922 = vector.shape_cast %swap3A_1921 : vector<16xi32> to vector<16xi32>
    %swap3A_1923 = vector.shape_cast %select_n3A_1915 : vector<16xi32> to vector<16xi32>
    tpu.vector_store %arg22[%swap3A_1920], %swap3A_1923 {strides = array<i32>} : memref<128xi32, #tpu.memory_space<vmem>>, vector<16xi32>,
    %get3A_1924 = arith.constant 240 : index
    %get3A_1925 = tpu.vector_load %arg15[%get3A_1924] {strides = array<i32>} : memref<512xi32, #tpu.memory_space<vmem>>, vector<16xi32>,
    %get3A_1926 = vector.shape_cast %get3A_1925 : vector<16xi32> to vector<16xi32>
    %get3A_1927 = arith.constant 240 : index
    %get3A_1928 = tpu.vector_load %arg16[%get3A_1927] {strides = array<i32>} : memref<512xi32, #tpu.memory_space<vmem>>, vector<16xi32>,
    %get3A_1929 = vector.shape_cast %get3A_1928 : vector<16xi32> to vector<16xi32>
    %get3A_1930 = arith.constant 240 : index
    %get3A_1931 = tpu.vector_load %arg14[%get3A_1930] {strides = array<i32>} : memref<512xi32, #tpu.memory_space<vmem>>, vector<16xi32>,
    %get3A_1932 = vector.shape_cast %get3A_1931 : vector<16xi32> to vector<16xi32>
    %ge3A_1933 = arith.cmpi sge, %get3A_1929, %get3A_1926 : vector<16xi32>
    %mul3A_1934 = arith.constant 256 : i32
    %mul3A_1935 = vector.broadcast %mul3A_1934 : i32 to vector<16xi32>
    %mul3A_1936 = arith.muli %get3A_1932, %mul3A_1935 : vector<16xi32>
    %add3A_1937 = arith.addi %mul3A_1936, %get3A_1926 : vector<16xi32>
    %jit3A_1938 = arith.constant 1024 : i32
    %broadcast_in_dim3A_1939 = vector.broadcast %jit3A_1938 : i32 to vector<16xi32>
    %select_n3A_1940 = arith.select %ge3A_1933, %add3A_1937, %broadcast_in_dim3A_1939 : vector<16xi1>, vector<16xi32>
    %mul3A_1941 = arith.constant 256 : i32
    %mul3A_1942 = vector.broadcast %mul3A_1941 : i32 to vector<16xi32>
    %mul3A_1943 = arith.muli %get3A_1932, %mul3A_1942 : vector<16xi32>
    %add3A_1944 = arith.addi %mul3A_1943, %get3A_1929 : vector<16xi32>
    %jit3A_1945 = arith.constant 1024 : i32
    %broadcast_in_dim3A_1946 = vector.broadcast %jit3A_1945 : i32 to vector<16xi32>
    %select_n3A_1947 = arith.select %ge3A_1933, %add3A_1944, %broadcast_in_dim3A_1946 : vector<16xi1>, vector<16xi32>
    %swap3A_1948 = arith.constant 48 : index
    %swap3A_1949 = tpu.vector_load %arg22[%swap3A_1948] {strides = array<i32>} : memref<128xi32, #tpu.memory_space<vmem>>, vector<16xi32>,
    %swap3A_1950 = vector.shape_cast %swap3A_1949 : vector<16xi32> to vector<16xi32>
    %swap3A_1951 = vector.shape_cast %select_n3A_1940 : vector<16xi32> to vector<16xi32>
    tpu.vector_store %arg22[%swap3A_1948], %swap3A_1951 {strides = array<i32>} : memref<128xi32, #tpu.memory_space<vmem>>, vector<16xi32>,
    %swap3A_1952 = arith.constant 112 : index
    %swap3A_1953 = tpu.vector_load %arg22[%swap3A_1952] {strides = array<i32>} : memref<128xi32, #tpu.memory_space<vmem>>, vector<16xi32>,
    %swap3A_1954 = vector.shape_cast %swap3A_1953 : vector<16xi32> to vector<16xi32>
    %swap3A_1955 = vector.shape_cast %select_n3A_1947 : vector<16xi32> to vector<16xi32>
    tpu.vector_store %arg22[%swap3A_1952], %swap3A_1955 {strides = array<i32>} : memref<128xi32, #tpu.memory_space<vmem>>, vector<16xi32>,
    %dma_start3A_1956 = arith.constant 0 : i32
    %dma_start3A_1957 = arith.constant 0 : i32
    %dma_start3A_1958 = tpu.memref_slice %arg10[%dma_start3A_1956, %dma_start3A_1957] : memref<1032x128xf32, #tpu.memory_space<vmem_shared>> -> memref<1032x128xf32, #tpu.memory_space<vmem_shared>>
    tpu.enqueue_indirect_dma source(%dma_start3A_1958 : memref<1032x128xf32, #tpu.memory_space<vmem_shared>>) target(%arg28 : memref<128x128xf32, #tpu.memory_space<vmem>>) offsets(%arg22 : memref<128xi32, #tpu.memory_space<vmem>>) semaphore(%arg34 : memref<!tpu.dma_semaphore, #tpu.memory_space<semaphore_mem>>)
    %dma_wait3A_1959 = arith.constant 0 : i32
    %dma_wait3A_1960 = arith.constant 0 : i32
    %dma_wait3A_1961 = tpu.memref_slice %arg10[%dma_wait3A_1959, %dma_wait3A_1960] : memref<1032x128xf32, #tpu.memory_space<vmem_shared>> -> memref<1032x128xf32, #tpu.memory_space<vmem_shared>>
    tpu.wait_indirect_dma semaphore(%arg31 : memref<!tpu.dma_semaphore, #tpu.memory_space<semaphore_mem>>) src(%dma_wait3A_1961 : memref<1032x128xf32, #tpu.memory_space<vmem_shared>>) dst(%arg25 : memref<128x128xf32, #tpu.memory_space<vmem>>)
    %add3A_1962 = arith.constant 0 : i32
    %add3A_1963 = arith.addi %mul3A_2, %add3A_1962 : i32
    %dma_start3A_1964 = arith.constant 0 : i32
    %dma_start3A_1965 = arith.constant 0 : i32
    %dma_start3A_1966 = tpu.memref_slice %arg25[%dma_start3A_1964, %dma_start3A_1965] : memref<128x128xf32, #tpu.memory_space<vmem>> -> memref<64x128xf32, #tpu.memory_space<vmem>>
    %dma_start3A_1967 = arith.constant 0 : i32
    %dma_start3A_1968 = tpu.memref_slice %arg9[%add3A_1963, %dma_start3A_1967] : memref<16384x256xf32, #tpu.memory_space<hbm>> -> memref<64x128xf32, #tpu.memory_space<hbm>>
    %dma_start3A_1969 = arith.constant 0 : i32
    %dma_start3A_1970 = tpu.memref_slice %arg9[%add3A_1963, %dma_start3A_1969] : memref<16384x256xf32, #tpu.memory_space<hbm>> -> memref<64x128xf32, #tpu.memory_space<hbm>>
    %dma_start3A_1971 = arith.constant 0 : i32
    %dma_start3A_1972 = arith.constant 0 : i32
    %dma_start3A_1973 = tpu.memref_slice %arg25[%dma_start3A_1971, %dma_start3A_1972] : memref<128x128xf32, #tpu.memory_space<vmem>> -> memref<64x128xf32, #tpu.memory_space<vmem>>
    tpu.enqueue_dma source(%dma_start3A_1973 : memref<64x128xf32, #tpu.memory_space<vmem>>) target(%dma_start3A_1970 : memref<64x128xf32, #tpu.memory_space<hbm>>) target_semaphore(%arg37 : memref<!tpu.dma_semaphore, #tpu.memory_space<semaphore_mem>>)
    %dma_start3A_1974 = arith.constant 64 : i32
    %dma_start3A_1975 = arith.constant 0 : i32
    %dma_start3A_1976 = tpu.memref_slice %arg25[%dma_start3A_1974, %dma_start3A_1975] : memref<128x128xf32, #tpu.memory_space<vmem>> -> memref<64x128xf32, #tpu.memory_space<vmem>>
    %dma_start3A_1977 = arith.constant 128 : i32
    %dma_start3A_1978 = tpu.memref_slice %arg9[%add3A_1963, %dma_start3A_1977] : memref<16384x256xf32, #tpu.memory_space<hbm>> -> memref<64x128xf32, #tpu.memory_space<hbm>>
    %dma_start3A_1979 = arith.constant 128 : i32
    %dma_start3A_1980 = tpu.memref_slice %arg9[%add3A_1963, %dma_start3A_1979] : memref<16384x256xf32, #tpu.memory_space<hbm>> -> memref<64x128xf32, #tpu.memory_space<hbm>>
    %dma_start3A_1981 = arith.constant 64 : i32
    %dma_start3A_1982 = arith.constant 0 : i32
    %dma_start3A_1983 = tpu.memref_slice %arg25[%dma_start3A_1981, %dma_start3A_1982] : memref<128x128xf32, #tpu.memory_space<vmem>> -> memref<64x128xf32, #tpu.memory_space<vmem>>
    tpu.enqueue_dma source(%dma_start3A_1983 : memref<64x128xf32, #tpu.memory_space<vmem>>) target(%dma_start3A_1980 : memref<64x128xf32, #tpu.memory_space<hbm>>) target_semaphore(%arg37 : memref<!tpu.dma_semaphore, #tpu.memory_space<semaphore_mem>>)
    %dma_wait3A_1984 = arith.constant 0 : i32
    %dma_wait3A_1985 = arith.constant 0 : i32
    %dma_wait3A_1986 = tpu.memref_slice %arg23[%dma_wait3A_1984, %dma_wait3A_1985] : memref<128x128xf32, #tpu.memory_space<vmem>> -> memref<64x128xf32, #tpu.memory_space<vmem>>
    %dma_wait3A_1987 = arith.constant 0 : i32
    %dma_wait3A_1988 = tpu.memref_slice %arg8[%add3A_1611, %dma_wait3A_1987] : memref<16384x256xf32, #tpu.memory_space<hbm>> -> memref<64x128xf32, #tpu.memory_space<hbm>>
    %dma_wait3A_1989 = arith.constant 0 : i32
    %dma_wait3A_1990 = tpu.memref_slice %arg8[%add3A_1611, %dma_wait3A_1989] : memref<16384x256xf32, #tpu.memory_space<hbm>> -> memref<64x128xf32, #tpu.memory_space<hbm>>
    %dma_wait3A_1991 = arith.constant 0 : i32
    %dma_wait3A_1992 = arith.constant 0 : i32
    %dma_wait3A_1993 = tpu.memref_slice %arg23[%dma_wait3A_1991, %dma_wait3A_1992] : memref<128x128xf32, #tpu.memory_space<vmem>> -> memref<64x128xf32, #tpu.memory_space<vmem>>
    tpu.wait_dma2 semaphore(%arg35 : memref<!tpu.dma_semaphore, #tpu.memory_space<semaphore_mem>>) src(%dma_wait3A_1993 : memref<64x128xf32, #tpu.memory_space<vmem>>) dst(%dma_wait3A_1990 : memref<64x128xf32, #tpu.memory_space<hbm>>)
    %dma_wait3A_1994 = arith.constant 64 : i32
    %dma_wait3A_1995 = arith.constant 0 : i32
    %dma_wait3A_1996 = tpu.memref_slice %arg23[%dma_wait3A_1994, %dma_wait3A_1995] : memref<128x128xf32, #tpu.memory_space<vmem>> -> memref<64x128xf32, #tpu.memory_space<vmem>>
    %dma_wait3A_1997 = arith.constant 128 : i32
    %dma_wait3A_1998 = tpu.memref_slice %arg8[%add3A_1611, %dma_wait3A_1997] : memref<16384x256xf32, #tpu.memory_space<hbm>> -> memref<64x128xf32, #tpu.memory_space<hbm>>
    %dma_wait3A_1999 = arith.constant 128 : i32
    %dma_wait3A_2000 = tpu.memref_slice %arg8[%add3A_1611, %dma_wait3A_1999] : memref<16384x256xf32, #tpu.memory_space<hbm>> -> memref<64x128xf32, #tpu.memory_space<hbm>>
    %dma_wait3A_2001 = arith.constant 64 : i32
    %dma_wait3A_2002 = arith.constant 0 : i32
    %dma_wait3A_2003 = tpu.memref_slice %arg23[%dma_wait3A_2001, %dma_wait3A_2002] : memref<128x128xf32, #tpu.memory_space<vmem>> -> memref<64x128xf32, #tpu.memory_space<vmem>>
    tpu.wait_dma2 semaphore(%arg35 : memref<!tpu.dma_semaphore, #tpu.memory_space<semaphore_mem>>) src(%dma_wait3A_2003 : memref<64x128xf32, #tpu.memory_space<vmem>>) dst(%dma_wait3A_2000 : memref<64x128xf32, #tpu.memory_space<hbm>>)
    %get3A_2004 = arith.constant 256 : index
    %get3A_2005 = tpu.vector_load %arg15[%get3A_2004] {strides = array<i32>} : memref<512xi32, #tpu.memory_space<vmem>>, vector<16xi32>,
    %get3A_2006 = vector.shape_cast %get3A_2005 : vector<16xi32> to vector<16xi32>
    %get3A_2007 = arith.constant 256 : index
    %get3A_2008 = tpu.vector_load %arg16[%get3A_2007] {strides = array<i32>} : memref<512xi32, #tpu.memory_space<vmem>>, vector<16xi32>,
    %get3A_2009 = vector.shape_cast %get3A_2008 : vector<16xi32> to vector<16xi32>
    %get3A_2010 = arith.constant 256 : index
    %get3A_2011 = tpu.vector_load %arg14[%get3A_2010] {strides = array<i32>} : memref<512xi32, #tpu.memory_space<vmem>>, vector<16xi32>,
    %get3A_2012 = vector.shape_cast %get3A_2011 : vector<16xi32> to vector<16xi32>
    %ge3A_2013 = arith.cmpi sge, %get3A_2009, %get3A_2006 : vector<16xi32>
    %mul3A_2014 = arith.constant 256 : i32
    %mul3A_2015 = vector.broadcast %mul3A_2014 : i32 to vector<16xi32>
    %mul3A_2016 = arith.muli %get3A_2012, %mul3A_2015 : vector<16xi32>
    %add3A_2017 = arith.addi %mul3A_2016, %get3A_2006 : vector<16xi32>
    %jit3A_2018 = arith.constant 1024 : i32
    %broadcast_in_dim3A_2019 = vector.broadcast %jit3A_2018 : i32 to vector<16xi32>
    %select_n3A_2020 = arith.select %ge3A_2013, %add3A_2017, %broadcast_in_dim3A_2019 : vector<16xi1>, vector<16xi32>
    %mul3A_2021 = arith.constant 256 : i32
    %mul3A_2022 = vector.broadcast %mul3A_2021 : i32 to vector<16xi32>
    %mul3A_2023 = arith.muli %get3A_2012, %mul3A_2022 : vector<16xi32>
    %add3A_2024 = arith.addi %mul3A_2023, %get3A_2009 : vector<16xi32>
    %jit3A_2025 = arith.constant 1024 : i32
    %broadcast_in_dim3A_2026 = vector.broadcast %jit3A_2025 : i32 to vector<16xi32>
    %select_n3A_2027 = arith.select %ge3A_2013, %add3A_2024, %broadcast_in_dim3A_2026 : vector<16xi1>, vector<16xi32>
    %swap3A_2028 = arith.constant 0 : index
    %swap3A_2029 = tpu.vector_load %arg17[%swap3A_2028] {strides = array<i32>} : memref<128xi32, #tpu.memory_space<vmem>>, vector<16xi32>,
    %swap3A_2030 = vector.shape_cast %swap3A_2029 : vector<16xi32> to vector<16xi32>
    %swap3A_2031 = vector.shape_cast %select_n3A_2020 : vector<16xi32> to vector<16xi32>
    tpu.vector_store %arg17[%swap3A_2028], %swap3A_2031 {strides = array<i32>} : memref<128xi32, #tpu.memory_space<vmem>>, vector<16xi32>,
    %swap3A_2032 = arith.constant 64 : index
    %swap3A_2033 = tpu.vector_load %arg17[%swap3A_2032] {strides = array<i32>} : memref<128xi32, #tpu.memory_space<vmem>>, vector<16xi32>,
    %swap3A_2034 = vector.shape_cast %swap3A_2033 : vector<16xi32> to vector<16xi32>
    %swap3A_2035 = vector.shape_cast %select_n3A_2027 : vector<16xi32> to vector<16xi32>
    tpu.vector_store %arg17[%swap3A_2032], %swap3A_2035 {strides = array<i32>} : memref<128xi32, #tpu.memory_space<vmem>>, vector<16xi32>,
    %get3A_2036 = arith.constant 272 : index
    %get3A_2037 = tpu.vector_load %arg15[%get3A_2036] {strides = array<i32>} : memref<512xi32, #tpu.memory_space<vmem>>, vector<16xi32>,
    %get3A_2038 = vector.shape_cast %get3A_2037 : vector<16xi32> to vector<16xi32>
    %get3A_2039 = arith.constant 272 : index
    %get3A_2040 = tpu.vector_load %arg16[%get3A_2039] {strides = array<i32>} : memref<512xi32, #tpu.memory_space<vmem>>, vector<16xi32>,
    %get3A_2041 = vector.shape_cast %get3A_2040 : vector<16xi32> to vector<16xi32>
    %get3A_2042 = arith.constant 272 : index
    %get3A_2043 = tpu.vector_load %arg14[%get3A_2042] {strides = array<i32>} : memref<512xi32, #tpu.memory_space<vmem>>, vector<16xi32>,
    %get3A_2044 = vector.shape_cast %get3A_2043 : vector<16xi32> to vector<16xi32>
    %ge3A_2045 = arith.cmpi sge, %get3A_2041, %get3A_2038 : vector<16xi32>
    %mul3A_2046 = arith.constant 256 : i32
    %mul3A_2047 = vector.broadcast %mul3A_2046 : i32 to vector<16xi32>
    %mul3A_2048 = arith.muli %get3A_2044, %mul3A_2047 : vector<16xi32>
    %add3A_2049 = arith.addi %mul3A_2048, %get3A_2038 : vector<16xi32>
    %jit3A_2050 = arith.constant 1024 : i32
    %broadcast_in_dim3A_2051 = vector.broadcast %jit3A_2050 : i32 to vector<16xi32>
    %select_n3A_2052 = arith.select %ge3A_2045, %add3A_2049, %broadcast_in_dim3A_2051 : vector<16xi1>, vector<16xi32>
    %mul3A_2053 = arith.constant 256 : i32
    %mul3A_2054 = vector.broadcast %mul3A_2053 : i32 to vector<16xi32>
    %mul3A_2055 = arith.muli %get3A_2044, %mul3A_2054 : vector<16xi32>
    %add3A_2056 = arith.addi %mul3A_2055, %get3A_2041 : vector<16xi32>
    %jit3A_2057 = arith.constant 1024 : i32
    %broadcast_in_dim3A_2058 = vector.broadcast %jit3A_2057 : i32 to vector<16xi32>
    %select_n3A_2059 = arith.select %ge3A_2045, %add3A_2056, %broadcast_in_dim3A_2058 : vector<16xi1>, vector<16xi32>
    %swap3A_2060 = arith.constant 16 : index
    %swap3A_2061 = tpu.vector_load %arg17[%swap3A_2060] {strides = array<i32>} : memref<128xi32, #tpu.memory_space<vmem>>, vector<16xi32>,
    %swap3A_2062 = vector.shape_cast %swap3A_2061 : vector<16xi32> to vector<16xi32>
    %swap3A_2063 = vector.shape_cast %select_n3A_2052 : vector<16xi32> to vector<16xi32>
    tpu.vector_store %arg17[%swap3A_2060], %swap3A_2063 {strides = array<i32>} : memref<128xi32, #tpu.memory_space<vmem>>, vector<16xi32>,
    %swap3A_2064 = arith.constant 80 : index
    %swap3A_2065 = tpu.vector_load %arg17[%swap3A_2064] {strides = array<i32>} : memref<128xi32, #tpu.memory_space<vmem>>, vector<16xi32>,
    %swap3A_2066 = vector.shape_cast %swap3A_2065 : vector<16xi32> to vector<16xi32>
    %swap3A_2067 = vector.shape_cast %select_n3A_2059 : vector<16xi32> to vector<16xi32>
    tpu.vector_store %arg17[%swap3A_2064], %swap3A_2067 {strides = array<i32>} : memref<128xi32, #tpu.memory_space<vmem>>, vector<16xi32>,
    %get3A_2068 = arith.constant 288 : index
    %get3A_2069 = tpu.vector_load %arg15[%get3A_2068] {strides = array<i32>} : memref<512xi32, #tpu.memory_space<vmem>>, vector<16xi32>,
    %get3A_2070 = vector.shape_cast %get3A_2069 : vector<16xi32> to vector<16xi32>
    %get3A_2071 = arith.constant 288 : index
    %get3A_2072 = tpu.vector_load %arg16[%get3A_2071] {strides = array<i32>} : memref<512xi32, #tpu.memory_space<vmem>>, vector<16xi32>,
    %get3A_2073 = vector.shape_cast %get3A_2072 : vector<16xi32> to vector<16xi32>
    %get3A_2074 = arith.constant 288 : index
    %get3A_2075 = tpu.vector_load %arg14[%get3A_2074] {strides = array<i32>} : memref<512xi32, #tpu.memory_space<vmem>>, vector<16xi32>,
    %get3A_2076 = vector.shape_cast %get3A_2075 : vector<16xi32> to vector<16xi32>
    %ge3A_2077 = arith.cmpi sge, %get3A_2073, %get3A_2070 : vector<16xi32>
    %mul3A_2078 = arith.constant 256 : i32
    %mul3A_2079 = vector.broadcast %mul3A_2078 : i32 to vector<16xi32>
    %mul3A_2080 = arith.muli %get3A_2076, %mul3A_2079 : vector<16xi32>
    %add3A_2081 = arith.addi %mul3A_2080, %get3A_2070 : vector<16xi32>
    %jit3A_2082 = arith.constant 1024 : i32
    %broadcast_in_dim3A_2083 = vector.broadcast %jit3A_2082 : i32 to vector<16xi32>
    %select_n3A_2084 = arith.select %ge3A_2077, %add3A_2081, %broadcast_in_dim3A_2083 : vector<16xi1>, vector<16xi32>
    %mul3A_2085 = arith.constant 256 : i32
    %mul3A_2086 = vector.broadcast %mul3A_2085 : i32 to vector<16xi32>
    %mul3A_2087 = arith.muli %get3A_2076, %mul3A_2086 : vector<16xi32>
    %add3A_2088 = arith.addi %mul3A_2087, %get3A_2073 : vector<16xi32>
    %jit3A_2089 = arith.constant 1024 : i32
    %broadcast_in_dim3A_2090 = vector.broadcast %jit3A_2089 : i32 to vector<16xi32>
    %select_n3A_2091 = arith.select %ge3A_2077, %add3A_2088, %broadcast_in_dim3A_2090 : vector<16xi1>, vector<16xi32>
    %swap3A_2092 = arith.constant 32 : index
    %swap3A_2093 = tpu.vector_load %arg17[%swap3A_2092] {strides = array<i32>} : memref<128xi32, #tpu.memory_space<vmem>>, vector<16xi32>,
    %swap3A_2094 = vector.shape_cast %swap3A_2093 : vector<16xi32> to vector<16xi32>
    %swap3A_2095 = vector.shape_cast %select_n3A_2084 : vector<16xi32> to vector<16xi32>
    tpu.vector_store %arg17[%swap3A_2092], %swap3A_2095 {strides = array<i32>} : memref<128xi32, #tpu.memory_space<vmem>>, vector<16xi32>,
    %swap3A_2096 = arith.constant 96 : index
    %swap3A_2097 = tpu.vector_load %arg17[%swap3A_2096] {strides = array<i32>} : memref<128xi32, #tpu.memory_space<vmem>>, vector<16xi32>,
    %swap3A_2098 = vector.shape_cast %swap3A_2097 : vector<16xi32> to vector<16xi32>
    %swap3A_2099 = vector.shape_cast %select_n3A_2091 : vector<16xi32> to vector<16xi32>
    tpu.vector_store %arg17[%swap3A_2096], %swap3A_2099 {strides = array<i32>} : memref<128xi32, #tpu.memory_space<vmem>>, vector<16xi32>,
    %get3A_2100 = arith.constant 304 : index
    %get3A_2101 = tpu.vector_load %arg15[%get3A_2100] {strides = array<i32>} : memref<512xi32, #tpu.memory_space<vmem>>, vector<16xi32>,
    %get3A_2102 = vector.shape_cast %get3A_2101 : vector<16xi32> to vector<16xi32>
    %get3A_2103 = arith.constant 304 : index
    %get3A_2104 = tpu.vector_load %arg16[%get3A_2103] {strides = array<i32>} : memref<512xi32, #tpu.memory_space<vmem>>, vector<16xi32>,
    %get3A_2105 = vector.shape_cast %get3A_2104 : vector<16xi32> to vector<16xi32>
    %get3A_2106 = arith.constant 304 : index
    %get3A_2107 = tpu.vector_load %arg14[%get3A_2106] {strides = array<i32>} : memref<512xi32, #tpu.memory_space<vmem>>, vector<16xi32>,
    %get3A_2108 = vector.shape_cast %get3A_2107 : vector<16xi32> to vector<16xi32>
    %ge3A_2109 = arith.cmpi sge, %get3A_2105, %get3A_2102 : vector<16xi32>
    %mul3A_2110 = arith.constant 256 : i32
    %mul3A_2111 = vector.broadcast %mul3A_2110 : i32 to vector<16xi32>
    %mul3A_2112 = arith.muli %get3A_2108, %mul3A_2111 : vector<16xi32>
    %add3A_2113 = arith.addi %mul3A_2112, %get3A_2102 : vector<16xi32>
    %jit3A_2114 = arith.constant 1024 : i32
    %broadcast_in_dim3A_2115 = vector.broadcast %jit3A_2114 : i32 to vector<16xi32>
    %select_n3A_2116 = arith.select %ge3A_2109, %add3A_2113, %broadcast_in_dim3A_2115 : vector<16xi1>, vector<16xi32>
    %mul3A_2117 = arith.constant 256 : i32
    %mul3A_2118 = vector.broadcast %mul3A_2117 : i32 to vector<16xi32>
    %mul3A_2119 = arith.muli %get3A_2108, %mul3A_2118 : vector<16xi32>
    %add3A_2120 = arith.addi %mul3A_2119, %get3A_2105 : vector<16xi32>
    %jit3A_2121 = arith.constant 1024 : i32
    %broadcast_in_dim3A_2122 = vector.broadcast %jit3A_2121 : i32 to vector<16xi32>
    %select_n3A_2123 = arith.select %ge3A_2109, %add3A_2120, %broadcast_in_dim3A_2122 : vector<16xi1>, vector<16xi32>
    %swap3A_2124 = arith.constant 48 : index
    %swap3A_2125 = tpu.vector_load %arg17[%swap3A_2124] {strides = array<i32>} : memref<128xi32, #tpu.memory_space<vmem>>, vector<16xi32>,
    %swap3A_2126 = vector.shape_cast %swap3A_2125 : vector<16xi32> to vector<16xi32>
    %swap3A_2127 = vector.shape_cast %select_n3A_2116 : vector<16xi32> to vector<16xi32>
    tpu.vector_store %arg17[%swap3A_2124], %swap3A_2127 {strides = array<i32>} : memref<128xi32, #tpu.memory_space<vmem>>, vector<16xi32>,
    %swap3A_2128 = arith.constant 112 : index
    %swap3A_2129 = tpu.vector_load %arg17[%swap3A_2128] {strides = array<i32>} : memref<128xi32, #tpu.memory_space<vmem>>, vector<16xi32>,
    %swap3A_2130 = vector.shape_cast %swap3A_2129 : vector<16xi32> to vector<16xi32>
    %swap3A_2131 = vector.shape_cast %select_n3A_2123 : vector<16xi32> to vector<16xi32>
    tpu.vector_store %arg17[%swap3A_2128], %swap3A_2131 {strides = array<i32>} : memref<128xi32, #tpu.memory_space<vmem>>, vector<16xi32>,
    %dma_start3A_2132 = arith.constant 0 : i32
    %dma_start3A_2133 = arith.constant 0 : i32
    %dma_start3A_2134 = tpu.memref_slice %arg10[%dma_start3A_2132, %dma_start3A_2133] : memref<1032x128xf32, #tpu.memory_space<vmem_shared>> -> memref<1032x128xf32, #tpu.memory_space<vmem_shared>>
    tpu.enqueue_indirect_dma source(%dma_start3A_2134 : memref<1032x128xf32, #tpu.memory_space<vmem_shared>>) target(%arg23 : memref<128x128xf32, #tpu.memory_space<vmem>>) offsets(%arg17 : memref<128xi32, #tpu.memory_space<vmem>>) semaphore(%arg29 : memref<!tpu.dma_semaphore, #tpu.memory_space<semaphore_mem>>)
    %dma_wait3A_2135 = arith.constant 0 : i32
    %dma_wait3A_2136 = arith.constant 0 : i32
    %dma_wait3A_2137 = tpu.memref_slice %arg10[%dma_wait3A_2135, %dma_wait3A_2136] : memref<1032x128xf32, #tpu.memory_space<vmem_shared>> -> memref<1032x128xf32, #tpu.memory_space<vmem_shared>>
    tpu.wait_indirect_dma semaphore(%arg32 : memref<!tpu.dma_semaphore, #tpu.memory_space<semaphore_mem>>) src(%dma_wait3A_2137 : memref<1032x128xf32, #tpu.memory_space<vmem_shared>>) dst(%arg26 : memref<128x128xf32, #tpu.memory_space<vmem>>)
    %add3A_2138 = arith.constant 64 : i32
    %add3A_2139 = arith.addi %mul3A_2, %add3A_2138 : i32
    %dma_start3A_2140 = arith.constant 0 : i32
    %dma_start3A_2141 = arith.constant 0 : i32
    %dma_start3A_2142 = tpu.memref_slice %arg26[%dma_start3A_2140, %dma_start3A_2141] : memref<128x128xf32, #tpu.memory_space<vmem>> -> memref<64x128xf32, #tpu.memory_space<vmem>>
    %dma_start3A_2143 = arith.constant 0 : i32
    %dma_start3A_2144 = tpu.memref_slice %arg9[%add3A_2139, %dma_start3A_2143] : memref<16384x256xf32, #tpu.memory_space<hbm>> -> memref<64x128xf32, #tpu.memory_space<hbm>>
    %dma_start3A_2145 = arith.constant 0 : i32
    %dma_start3A_2146 = tpu.memref_slice %arg9[%add3A_2139, %dma_start3A_2145] : memref<16384x256xf32, #tpu.memory_space<hbm>> -> memref<64x128xf32, #tpu.memory_space<hbm>>
    %dma_start3A_2147 = arith.constant 0 : i32
    %dma_start3A_2148 = arith.constant 0 : i32
    %dma_start3A_2149 = tpu.memref_slice %arg26[%dma_start3A_2147, %dma_start3A_2148] : memref<128x128xf32, #tpu.memory_space<vmem>> -> memref<64x128xf32, #tpu.memory_space<vmem>>
    tpu.enqueue_dma source(%dma_start3A_2149 : memref<64x128xf32, #tpu.memory_space<vmem>>) target(%dma_start3A_2146 : memref<64x128xf32, #tpu.memory_space<hbm>>) target_semaphore(%arg38 : memref<!tpu.dma_semaphore, #tpu.memory_space<semaphore_mem>>)
    %dma_start3A_2150 = arith.constant 64 : i32
    %dma_start3A_2151 = arith.constant 0 : i32
    %dma_start3A_2152 = tpu.memref_slice %arg26[%dma_start3A_2150, %dma_start3A_2151] : memref<128x128xf32, #tpu.memory_space<vmem>> -> memref<64x128xf32, #tpu.memory_space<vmem>>
    %dma_start3A_2153 = arith.constant 128 : i32
    %dma_start3A_2154 = tpu.memref_slice %arg9[%add3A_2139, %dma_start3A_2153] : memref<16384x256xf32, #tpu.memory_space<hbm>> -> memref<64x128xf32, #tpu.memory_space<hbm>>
    %dma_start3A_2155 = arith.constant 128 : i32
    %dma_start3A_2156 = tpu.memref_slice %arg9[%add3A_2139, %dma_start3A_2155] : memref<16384x256xf32, #tpu.memory_space<hbm>> -> memref<64x128xf32, #tpu.memory_space<hbm>>
    %dma_start3A_2157 = arith.constant 64 : i32
    %dma_start3A_2158 = arith.constant 0 : i32
    %dma_start3A_2159 = tpu.memref_slice %arg26[%dma_start3A_2157, %dma_start3A_2158] : memref<128x128xf32, #tpu.memory_space<vmem>> -> memref<64x128xf32, #tpu.memory_space<vmem>>
    tpu.enqueue_dma source(%dma_start3A_2159 : memref<64x128xf32, #tpu.memory_space<vmem>>) target(%dma_start3A_2156 : memref<64x128xf32, #tpu.memory_space<hbm>>) target_semaphore(%arg38 : memref<!tpu.dma_semaphore, #tpu.memory_space<semaphore_mem>>)
    %dma_wait3A_2160 = arith.constant 0 : i32
    %dma_wait3A_2161 = arith.constant 0 : i32
    %dma_wait3A_2162 = tpu.memref_slice %arg24[%dma_wait3A_2160, %dma_wait3A_2161] : memref<128x128xf32, #tpu.memory_space<vmem>> -> memref<64x128xf32, #tpu.memory_space<vmem>>
    %dma_wait3A_2163 = arith.constant 0 : i32
    %dma_wait3A_2164 = tpu.memref_slice %arg8[%add3A_1787, %dma_wait3A_2163] : memref<16384x256xf32, #tpu.memory_space<hbm>> -> memref<64x128xf32, #tpu.memory_space<hbm>>
    %dma_wait3A_2165 = arith.constant 0 : i32
    %dma_wait3A_2166 = tpu.memref_slice %arg8[%add3A_1787, %dma_wait3A_2165] : memref<16384x256xf32, #tpu.memory_space<hbm>> -> memref<64x128xf32, #tpu.memory_space<hbm>>
    %dma_wait3A_2167 = arith.constant 0 : i32
    %dma_wait3A_2168 = arith.constant 0 : i32
    %dma_wait3A_2169 = tpu.memref_slice %arg24[%dma_wait3A_2167, %dma_wait3A_2168] : memref<128x128xf32, #tpu.memory_space<vmem>> -> memref<64x128xf32, #tpu.memory_space<vmem>>
    tpu.wait_dma2 semaphore(%arg36 : memref<!tpu.dma_semaphore, #tpu.memory_space<semaphore_mem>>) src(%dma_wait3A_2169 : memref<64x128xf32, #tpu.memory_space<vmem>>) dst(%dma_wait3A_2166 : memref<64x128xf32, #tpu.memory_space<hbm>>)
    %dma_wait3A_2170 = arith.constant 64 : i32
    %dma_wait3A_2171 = arith.constant 0 : i32
    %dma_wait3A_2172 = tpu.memref_slice %arg24[%dma_wait3A_2170, %dma_wait3A_2171] : memref<128x128xf32, #tpu.memory_space<vmem>> -> memref<64x128xf32, #tpu.memory_space<vmem>>
    %dma_wait3A_2173 = arith.constant 128 : i32
    %dma_wait3A_2174 = tpu.memref_slice %arg8[%add3A_1787, %dma_wait3A_2173] : memref<16384x256xf32, #tpu.memory_space<hbm>> -> memref<64x128xf32, #tpu.memory_space<hbm>>
    %dma_wait3A_2175 = arith.constant 128 : i32
    %dma_wait3A_2176 = tpu.memref_slice %arg8[%add3A_1787, %dma_wait3A_2175] : memref<16384x256xf32, #tpu.memory_space<hbm>> -> memref<64x128xf32, #tpu.memory_space<hbm>>
    %dma_wait3A_2177 = arith.constant 64 : i32
    %dma_wait3A_2178 = arith.constant 0 : i32
    %dma_wait3A_2179 = tpu.memref_slice %arg24[%dma_wait3A_2177, %dma_wait3A_2178] : memref<128x128xf32, #tpu.memory_space<vmem>> -> memref<64x128xf32, #tpu.memory_space<vmem>>
    tpu.wait_dma2 semaphore(%arg36 : memref<!tpu.dma_semaphore, #tpu.memory_space<semaphore_mem>>) src(%dma_wait3A_2179 : memref<64x128xf32, #tpu.memory_space<vmem>>) dst(%dma_wait3A_2176 : memref<64x128xf32, #tpu.memory_space<hbm>>)
    %get3A_2180 = arith.constant 320 : index
    %get3A_2181 = tpu.vector_load %arg15[%get3A_2180] {strides = array<i32>} : memref<512xi32, #tpu.memory_space<vmem>>, vector<16xi32>,
    %get3A_2182 = vector.shape_cast %get3A_2181 : vector<16xi32> to vector<16xi32>
    %get3A_2183 = arith.constant 320 : index
    %get3A_2184 = tpu.vector_load %arg16[%get3A_2183] {strides = array<i32>} : memref<512xi32, #tpu.memory_space<vmem>>, vector<16xi32>,
    %get3A_2185 = vector.shape_cast %get3A_2184 : vector<16xi32> to vector<16xi32>
    %get3A_2186 = arith.constant 320 : index
    %get3A_2187 = tpu.vector_load %arg14[%get3A_2186] {strides = array<i32>} : memref<512xi32, #tpu.memory_space<vmem>>, vector<16xi32>,
    %get3A_2188 = vector.shape_cast %get3A_2187 : vector<16xi32> to vector<16xi32>
    %ge3A_2189 = arith.cmpi sge, %get3A_2185, %get3A_2182 : vector<16xi32>
    %mul3A_2190 = arith.constant 256 : i32
    %mul3A_2191 = vector.broadcast %mul3A_2190 : i32 to vector<16xi32>
    %mul3A_2192 = arith.muli %get3A_2188, %mul3A_2191 : vector<16xi32>
    %add3A_2193 = arith.addi %mul3A_2192, %get3A_2182 : vector<16xi32>
    %jit3A_2194 = arith.constant 1024 : i32
    %broadcast_in_dim3A_2195 = vector.broadcast %jit3A_2194 : i32 to vector<16xi32>
    %select_n3A_2196 = arith.select %ge3A_2189, %add3A_2193, %broadcast_in_dim3A_2195 : vector<16xi1>, vector<16xi32>
    %mul3A_2197 = arith.constant 256 : i32
    %mul3A_2198 = vector.broadcast %mul3A_2197 : i32 to vector<16xi32>
    %mul3A_2199 = arith.muli %get3A_2188, %mul3A_2198 : vector<16xi32>
    %add3A_2200 = arith.addi %mul3A_2199, %get3A_2185 : vector<16xi32>
    %jit3A_2201 = arith.constant 1024 : i32
    %broadcast_in_dim3A_2202 = vector.broadcast %jit3A_2201 : i32 to vector<16xi32>
    %select_n3A_2203 = arith.select %ge3A_2189, %add3A_2200, %broadcast_in_dim3A_2202 : vector<16xi1>, vector<16xi32>
    %swap3A_2204 = arith.constant 0 : index
    %swap3A_2205 = tpu.vector_load %arg18[%swap3A_2204] {strides = array<i32>} : memref<128xi32, #tpu.memory_space<vmem>>, vector<16xi32>,
    %swap3A_2206 = vector.shape_cast %swap3A_2205 : vector<16xi32> to vector<16xi32>
    %swap3A_2207 = vector.shape_cast %select_n3A_2196 : vector<16xi32> to vector<16xi32>
    tpu.vector_store %arg18[%swap3A_2204], %swap3A_2207 {strides = array<i32>} : memref<128xi32, #tpu.memory_space<vmem>>, vector<16xi32>,
    %swap3A_2208 = arith.constant 64 : index
    %swap3A_2209 = tpu.vector_load %arg18[%swap3A_2208] {strides = array<i32>} : memref<128xi32, #tpu.memory_space<vmem>>, vector<16xi32>,
    %swap3A_2210 = vector.shape_cast %swap3A_2209 : vector<16xi32> to vector<16xi32>
    %swap3A_2211 = vector.shape_cast %select_n3A_2203 : vector<16xi32> to vector<16xi32>
    tpu.vector_store %arg18[%swap3A_2208], %swap3A_2211 {strides = array<i32>} : memref<128xi32, #tpu.memory_space<vmem>>, vector<16xi32>,
    %get3A_2212 = arith.constant 336 : index
    %get3A_2213 = tpu.vector_load %arg15[%get3A_2212] {strides = array<i32>} : memref<512xi32, #tpu.memory_space<vmem>>, vector<16xi32>,
    %get3A_2214 = vector.shape_cast %get3A_2213 : vector<16xi32> to vector<16xi32>
    %get3A_2215 = arith.constant 336 : index
    %get3A_2216 = tpu.vector_load %arg16[%get3A_2215] {strides = array<i32>} : memref<512xi32, #tpu.memory_space<vmem>>, vector<16xi32>,
    %get3A_2217 = vector.shape_cast %get3A_2216 : vector<16xi32> to vector<16xi32>
    %get3A_2218 = arith.constant 336 : index
    %get3A_2219 = tpu.vector_load %arg14[%get3A_2218] {strides = array<i32>} : memref<512xi32, #tpu.memory_space<vmem>>, vector<16xi32>,
    %get3A_2220 = vector.shape_cast %get3A_2219 : vector<16xi32> to vector<16xi32>
    %ge3A_2221 = arith.cmpi sge, %get3A_2217, %get3A_2214 : vector<16xi32>
    %mul3A_2222 = arith.constant 256 : i32
    %mul3A_2223 = vector.broadcast %mul3A_2222 : i32 to vector<16xi32>
    %mul3A_2224 = arith.muli %get3A_2220, %mul3A_2223 : vector<16xi32>
    %add3A_2225 = arith.addi %mul3A_2224, %get3A_2214 : vector<16xi32>
    %jit3A_2226 = arith.constant 1024 : i32
    %broadcast_in_dim3A_2227 = vector.broadcast %jit3A_2226 : i32 to vector<16xi32>
    %select_n3A_2228 = arith.select %ge3A_2221, %add3A_2225, %broadcast_in_dim3A_2227 : vector<16xi1>, vector<16xi32>
    %mul3A_2229 = arith.constant 256 : i32
    %mul3A_2230 = vector.broadcast %mul3A_2229 : i32 to vector<16xi32>
    %mul3A_2231 = arith.muli %get3A_2220, %mul3A_2230 : vector<16xi32>
    %add3A_2232 = arith.addi %mul3A_2231, %get3A_2217 : vector<16xi32>
    %jit3A_2233 = arith.constant 1024 : i32
    %broadcast_in_dim3A_2234 = vector.broadcast %jit3A_2233 : i32 to vector<16xi32>
    %select_n3A_2235 = arith.select %ge3A_2221, %add3A_2232, %broadcast_in_dim3A_2234 : vector<16xi1>, vector<16xi32>
    %swap3A_2236 = arith.constant 16 : index
    %swap3A_2237 = tpu.vector_load %arg18[%swap3A_2236] {strides = array<i32>} : memref<128xi32, #tpu.memory_space<vmem>>, vector<16xi32>,
    %swap3A_2238 = vector.shape_cast %swap3A_2237 : vector<16xi32> to vector<16xi32>
    %swap3A_2239 = vector.shape_cast %select_n3A_2228 : vector<16xi32> to vector<16xi32>
    tpu.vector_store %arg18[%swap3A_2236], %swap3A_2239 {strides = array<i32>} : memref<128xi32, #tpu.memory_space<vmem>>, vector<16xi32>,
    %swap3A_2240 = arith.constant 80 : index
    %swap3A_2241 = tpu.vector_load %arg18[%swap3A_2240] {strides = array<i32>} : memref<128xi32, #tpu.memory_space<vmem>>, vector<16xi32>,
    %swap3A_2242 = vector.shape_cast %swap3A_2241 : vector<16xi32> to vector<16xi32>
    %swap3A_2243 = vector.shape_cast %select_n3A_2235 : vector<16xi32> to vector<16xi32>
    tpu.vector_store %arg18[%swap3A_2240], %swap3A_2243 {strides = array<i32>} : memref<128xi32, #tpu.memory_space<vmem>>, vector<16xi32>,
    %get3A_2244 = arith.constant 352 : index
    %get3A_2245 = tpu.vector_load %arg15[%get3A_2244] {strides = array<i32>} : memref<512xi32, #tpu.memory_space<vmem>>, vector<16xi32>,
    %get3A_2246 = vector.shape_cast %get3A_2245 : vector<16xi32> to vector<16xi32>
    %get3A_2247 = arith.constant 352 : index
    %get3A_2248 = tpu.vector_load %arg16[%get3A_2247] {strides = array<i32>} : memref<512xi32, #tpu.memory_space<vmem>>, vector<16xi32>,
    %get3A_2249 = vector.shape_cast %get3A_2248 : vector<16xi32> to vector<16xi32>
    %get3A_2250 = arith.constant 352 : index
    %get3A_2251 = tpu.vector_load %arg14[%get3A_2250] {strides = array<i32>} : memref<512xi32, #tpu.memory_space<vmem>>, vector<16xi32>,
    %get3A_2252 = vector.shape_cast %get3A_2251 : vector<16xi32> to vector<16xi32>
    %ge3A_2253 = arith.cmpi sge, %get3A_2249, %get3A_2246 : vector<16xi32>
    %mul3A_2254 = arith.constant 256 : i32
    %mul3A_2255 = vector.broadcast %mul3A_2254 : i32 to vector<16xi32>
    %mul3A_2256 = arith.muli %get3A_2252, %mul3A_2255 : vector<16xi32>
    %add3A_2257 = arith.addi %mul3A_2256, %get3A_2246 : vector<16xi32>
    %jit3A_2258 = arith.constant 1024 : i32
    %broadcast_in_dim3A_2259 = vector.broadcast %jit3A_2258 : i32 to vector<16xi32>
    %select_n3A_2260 = arith.select %ge3A_2253, %add3A_2257, %broadcast_in_dim3A_2259 : vector<16xi1>, vector<16xi32>
    %mul3A_2261 = arith.constant 256 : i32
    %mul3A_2262 = vector.broadcast %mul3A_2261 : i32 to vector<16xi32>
    %mul3A_2263 = arith.muli %get3A_2252, %mul3A_2262 : vector<16xi32>
    %add3A_2264 = arith.addi %mul3A_2263, %get3A_2249 : vector<16xi32>
    %jit3A_2265 = arith.constant 1024 : i32
    %broadcast_in_dim3A_2266 = vector.broadcast %jit3A_2265 : i32 to vector<16xi32>
    %select_n3A_2267 = arith.select %ge3A_2253, %add3A_2264, %broadcast_in_dim3A_2266 : vector<16xi1>, vector<16xi32>
    %swap3A_2268 = arith.constant 32 : index
    %swap3A_2269 = tpu.vector_load %arg18[%swap3A_2268] {strides = array<i32>} : memref<128xi32, #tpu.memory_space<vmem>>, vector<16xi32>,
    %swap3A_2270 = vector.shape_cast %swap3A_2269 : vector<16xi32> to vector<16xi32>
    %swap3A_2271 = vector.shape_cast %select_n3A_2260 : vector<16xi32> to vector<16xi32>
    tpu.vector_store %arg18[%swap3A_2268], %swap3A_2271 {strides = array<i32>} : memref<128xi32, #tpu.memory_space<vmem>>, vector<16xi32>,
    %swap3A_2272 = arith.constant 96 : index
    %swap3A_2273 = tpu.vector_load %arg18[%swap3A_2272] {strides = array<i32>} : memref<128xi32, #tpu.memory_space<vmem>>, vector<16xi32>,
    %swap3A_2274 = vector.shape_cast %swap3A_2273 : vector<16xi32> to vector<16xi32>
    %swap3A_2275 = vector.shape_cast %select_n3A_2267 : vector<16xi32> to vector<16xi32>
    tpu.vector_store %arg18[%swap3A_2272], %swap3A_2275 {strides = array<i32>} : memref<128xi32, #tpu.memory_space<vmem>>, vector<16xi32>,
    %get3A_2276 = arith.constant 368 : index
    %get3A_2277 = tpu.vector_load %arg15[%get3A_2276] {strides = array<i32>} : memref<512xi32, #tpu.memory_space<vmem>>, vector<16xi32>,
    %get3A_2278 = vector.shape_cast %get3A_2277 : vector<16xi32> to vector<16xi32>
    %get3A_2279 = arith.constant 368 : index
    %get3A_2280 = tpu.vector_load %arg16[%get3A_2279] {strides = array<i32>} : memref<512xi32, #tpu.memory_space<vmem>>, vector<16xi32>,
    %get3A_2281 = vector.shape_cast %get3A_2280 : vector<16xi32> to vector<16xi32>
    %get3A_2282 = arith.constant 368 : index
    %get3A_2283 = tpu.vector_load %arg14[%get3A_2282] {strides = array<i32>} : memref<512xi32, #tpu.memory_space<vmem>>, vector<16xi32>,
    %get3A_2284 = vector.shape_cast %get3A_2283 : vector<16xi32> to vector<16xi32>
    %ge3A_2285 = arith.cmpi sge, %get3A_2281, %get3A_2278 : vector<16xi32>
    %mul3A_2286 = arith.constant 256 : i32
    %mul3A_2287 = vector.broadcast %mul3A_2286 : i32 to vector<16xi32>
    %mul3A_2288 = arith.muli %get3A_2284, %mul3A_2287 : vector<16xi32>
    %add3A_2289 = arith.addi %mul3A_2288, %get3A_2278 : vector<16xi32>
    %jit3A_2290 = arith.constant 1024 : i32
    %broadcast_in_dim3A_2291 = vector.broadcast %jit3A_2290 : i32 to vector<16xi32>
    %select_n3A_2292 = arith.select %ge3A_2285, %add3A_2289, %broadcast_in_dim3A_2291 : vector<16xi1>, vector<16xi32>
    %mul3A_2293 = arith.constant 256 : i32
    %mul3A_2294 = vector.broadcast %mul3A_2293 : i32 to vector<16xi32>
    %mul3A_2295 = arith.muli %get3A_2284, %mul3A_2294 : vector<16xi32>
    %add3A_2296 = arith.addi %mul3A_2295, %get3A_2281 : vector<16xi32>
    %jit3A_2297 = arith.constant 1024 : i32
    %broadcast_in_dim3A_2298 = vector.broadcast %jit3A_2297 : i32 to vector<16xi32>
    %select_n3A_2299 = arith.select %ge3A_2285, %add3A_2296, %broadcast_in_dim3A_2298 : vector<16xi1>, vector<16xi32>
    %swap3A_2300 = arith.constant 48 : index
    %swap3A_2301 = tpu.vector_load %arg18[%swap3A_2300] {strides = array<i32>} : memref<128xi32, #tpu.memory_space<vmem>>, vector<16xi32>,
    %swap3A_2302 = vector.shape_cast %swap3A_2301 : vector<16xi32> to vector<16xi32>
    %swap3A_2303 = vector.shape_cast %select_n3A_2292 : vector<16xi32> to vector<16xi32>
    tpu.vector_store %arg18[%swap3A_2300], %swap3A_2303 {strides = array<i32>} : memref<128xi32, #tpu.memory_space<vmem>>, vector<16xi32>,
    %swap3A_2304 = arith.constant 112 : index
    %swap3A_2305 = tpu.vector_load %arg18[%swap3A_2304] {strides = array<i32>} : memref<128xi32, #tpu.memory_space<vmem>>, vector<16xi32>,
    %swap3A_2306 = vector.shape_cast %swap3A_2305 : vector<16xi32> to vector<16xi32>
    %swap3A_2307 = vector.shape_cast %select_n3A_2299 : vector<16xi32> to vector<16xi32>
    tpu.vector_store %arg18[%swap3A_2304], %swap3A_2307 {strides = array<i32>} : memref<128xi32, #tpu.memory_space<vmem>>, vector<16xi32>,
    %dma_start3A_2308 = arith.constant 0 : i32
    %dma_start3A_2309 = arith.constant 0 : i32
    %dma_start3A_2310 = tpu.memref_slice %arg10[%dma_start3A_2308, %dma_start3A_2309] : memref<1032x128xf32, #tpu.memory_space<vmem_shared>> -> memref<1032x128xf32, #tpu.memory_space<vmem_shared>>
    tpu.enqueue_indirect_dma source(%dma_start3A_2310 : memref<1032x128xf32, #tpu.memory_space<vmem_shared>>) target(%arg24 : memref<128x128xf32, #tpu.memory_space<vmem>>) offsets(%arg18 : memref<128xi32, #tpu.memory_space<vmem>>) semaphore(%arg30 : memref<!tpu.dma_semaphore, #tpu.memory_space<semaphore_mem>>)
    %dma_wait3A_2311 = arith.constant 0 : i32
    %dma_wait3A_2312 = arith.constant 0 : i32
    %dma_wait3A_2313 = tpu.memref_slice %arg10[%dma_wait3A_2311, %dma_wait3A_2312] : memref<1032x128xf32, #tpu.memory_space<vmem_shared>> -> memref<1032x128xf32, #tpu.memory_space<vmem_shared>>
    tpu.wait_indirect_dma semaphore(%arg33 : memref<!tpu.dma_semaphore, #tpu.memory_space<semaphore_mem>>) src(%dma_wait3A_2313 : memref<1032x128xf32, #tpu.memory_space<vmem_shared>>) dst(%arg27 : memref<128x128xf32, #tpu.memory_space<vmem>>)
    %add3A_2314 = arith.constant 128 : i32
    %add3A_2315 = arith.addi %mul3A_2, %add3A_2314 : i32
    %dma_start3A_2316 = arith.constant 0 : i32
    %dma_start3A_2317 = arith.constant 0 : i32
    %dma_start3A_2318 = tpu.memref_slice %arg27[%dma_start3A_2316, %dma_start3A_2317] : memref<128x128xf32, #tpu.memory_space<vmem>> -> memref<64x128xf32, #tpu.memory_space<vmem>>
    %dma_start3A_2319 = arith.constant 0 : i32
    %dma_start3A_2320 = tpu.memref_slice %arg9[%add3A_2315, %dma_start3A_2319] : memref<16384x256xf32, #tpu.memory_space<hbm>> -> memref<64x128xf32, #tpu.memory_space<hbm>>
    %dma_start3A_2321 = arith.constant 0 : i32
    %dma_start3A_2322 = tpu.memref_slice %arg9[%add3A_2315, %dma_start3A_2321] : memref<16384x256xf32, #tpu.memory_space<hbm>> -> memref<64x128xf32, #tpu.memory_space<hbm>>
    %dma_start3A_2323 = arith.constant 0 : i32
    %dma_start3A_2324 = arith.constant 0 : i32
    %dma_start3A_2325 = tpu.memref_slice %arg27[%dma_start3A_2323, %dma_start3A_2324] : memref<128x128xf32, #tpu.memory_space<vmem>> -> memref<64x128xf32, #tpu.memory_space<vmem>>
    tpu.enqueue_dma source(%dma_start3A_2325 : memref<64x128xf32, #tpu.memory_space<vmem>>) target(%dma_start3A_2322 : memref<64x128xf32, #tpu.memory_space<hbm>>) target_semaphore(%arg39 : memref<!tpu.dma_semaphore, #tpu.memory_space<semaphore_mem>>)
    %dma_start3A_2326 = arith.constant 64 : i32
    %dma_start3A_2327 = arith.constant 0 : i32
    %dma_start3A_2328 = tpu.memref_slice %arg27[%dma_start3A_2326, %dma_start3A_2327] : memref<128x128xf32, #tpu.memory_space<vmem>> -> memref<64x128xf32, #tpu.memory_space<vmem>>
    %dma_start3A_2329 = arith.constant 128 : i32
    %dma_start3A_2330 = tpu.memref_slice %arg9[%add3A_2315, %dma_start3A_2329] : memref<16384x256xf32, #tpu.memory_space<hbm>> -> memref<64x128xf32, #tpu.memory_space<hbm>>
    %dma_start3A_2331 = arith.constant 128 : i32
    %dma_start3A_2332 = tpu.memref_slice %arg9[%add3A_2315, %dma_start3A_2331] : memref<16384x256xf32, #tpu.memory_space<hbm>> -> memref<64x128xf32, #tpu.memory_space<hbm>>
    %dma_start3A_2333 = arith.constant 64 : i32
    %dma_start3A_2334 = arith.constant 0 : i32
    %dma_start3A_2335 = tpu.memref_slice %arg27[%dma_start3A_2333, %dma_start3A_2334] : memref<128x128xf32, #tpu.memory_space<vmem>> -> memref<64x128xf32, #tpu.memory_space<vmem>>
    tpu.enqueue_dma source(%dma_start3A_2335 : memref<64x128xf32, #tpu.memory_space<vmem>>) target(%dma_start3A_2332 : memref<64x128xf32, #tpu.memory_space<hbm>>) target_semaphore(%arg39 : memref<!tpu.dma_semaphore, #tpu.memory_space<semaphore_mem>>)
    %dma_wait3A_2336 = arith.constant 0 : i32
    %dma_wait3A_2337 = arith.constant 0 : i32
    %dma_wait3A_2338 = tpu.memref_slice %arg25[%dma_wait3A_2336, %dma_wait3A_2337] : memref<128x128xf32, #tpu.memory_space<vmem>> -> memref<64x128xf32, #tpu.memory_space<vmem>>
    %dma_wait3A_2339 = arith.constant 0 : i32
    %dma_wait3A_2340 = tpu.memref_slice %arg9[%add3A_1963, %dma_wait3A_2339] : memref<16384x256xf32, #tpu.memory_space<hbm>> -> memref<64x128xf32, #tpu.memory_space<hbm>>
    %dma_wait3A_2341 = arith.constant 0 : i32
    %dma_wait3A_2342 = tpu.memref_slice %arg9[%add3A_1963, %dma_wait3A_2341] : memref<16384x256xf32, #tpu.memory_space<hbm>> -> memref<64x128xf32, #tpu.memory_space<hbm>>
    %dma_wait3A_2343 = arith.constant 0 : i32
    %dma_wait3A_2344 = arith.constant 0 : i32
    %dma_wait3A_2345 = tpu.memref_slice %arg25[%dma_wait3A_2343, %dma_wait3A_2344] : memref<128x128xf32, #tpu.memory_space<vmem>> -> memref<64x128xf32, #tpu.memory_space<vmem>>
    tpu.wait_dma2 semaphore(%arg37 : memref<!tpu.dma_semaphore, #tpu.memory_space<semaphore_mem>>) src(%dma_wait3A_2345 : memref<64x128xf32, #tpu.memory_space<vmem>>) dst(%dma_wait3A_2342 : memref<64x128xf32, #tpu.memory_space<hbm>>)
    %dma_wait3A_2346 = arith.constant 64 : i32
    %dma_wait3A_2347 = arith.constant 0 : i32
    %dma_wait3A_2348 = tpu.memref_slice %arg25[%dma_wait3A_2346, %dma_wait3A_2347] : memref<128x128xf32, #tpu.memory_space<vmem>> -> memref<64x128xf32, #tpu.memory_space<vmem>>
    %dma_wait3A_2349 = arith.constant 128 : i32
    %dma_wait3A_2350 = tpu.memref_slice %arg9[%add3A_1963, %dma_wait3A_2349] : memref<16384x256xf32, #tpu.memory_space<hbm>> -> memref<64x128xf32, #tpu.memory_space<hbm>>
    %dma_wait3A_2351 = arith.constant 128 : i32
    %dma_wait3A_2352 = tpu.memref_slice %arg9[%add3A_1963, %dma_wait3A_2351] : memref<16384x256xf32, #tpu.memory_space<hbm>> -> memref<64x128xf32, #tpu.memory_space<hbm>>
    %dma_wait3A_2353 = arith.constant 64 : i32
    %dma_wait3A_2354 = arith.constant 0 : i32
    %dma_wait3A_2355 = tpu.memref_slice %arg25[%dma_wait3A_2353, %dma_wait3A_2354] : memref<128x128xf32, #tpu.memory_space<vmem>> -> memref<64x128xf32, #tpu.memory_space<vmem>>
    tpu.wait_dma2 semaphore(%arg37 : memref<!tpu.dma_semaphore, #tpu.memory_space<semaphore_mem>>) src(%dma_wait3A_2355 : memref<64x128xf32, #tpu.memory_space<vmem>>) dst(%dma_wait3A_2352 : memref<64x128xf32, #tpu.memory_space<hbm>>)
    %get3A_2356 = arith.constant 384 : index
    %get3A_2357 = tpu.vector_load %arg15[%get3A_2356] {strides = array<i32>} : memref<512xi32, #tpu.memory_space<vmem>>, vector<16xi32>,
    %get3A_2358 = vector.shape_cast %get3A_2357 : vector<16xi32> to vector<16xi32>
    %get3A_2359 = arith.constant 384 : index
    %get3A_2360 = tpu.vector_load %arg16[%get3A_2359] {strides = array<i32>} : memref<512xi32, #tpu.memory_space<vmem>>, vector<16xi32>,
    %get3A_2361 = vector.shape_cast %get3A_2360 : vector<16xi32> to vector<16xi32>
    %get3A_2362 = arith.constant 384 : index
    %get3A_2363 = tpu.vector_load %arg14[%get3A_2362] {strides = array<i32>} : memref<512xi32, #tpu.memory_space<vmem>>, vector<16xi32>,
    %get3A_2364 = vector.shape_cast %get3A_2363 : vector<16xi32> to vector<16xi32>
    %ge3A_2365 = arith.cmpi sge, %get3A_2361, %get3A_2358 : vector<16xi32>
    %mul3A_2366 = arith.constant 256 : i32
    %mul3A_2367 = vector.broadcast %mul3A_2366 : i32 to vector<16xi32>
    %mul3A_2368 = arith.muli %get3A_2364, %mul3A_2367 : vector<16xi32>
    %add3A_2369 = arith.addi %mul3A_2368, %get3A_2358 : vector<16xi32>
    %jit3A_2370 = arith.constant 1024 : i32
    %broadcast_in_dim3A_2371 = vector.broadcast %jit3A_2370 : i32 to vector<16xi32>
    %select_n3A_2372 = arith.select %ge3A_2365, %add3A_2369, %broadcast_in_dim3A_2371 : vector<16xi1>, vector<16xi32>
    %mul3A_2373 = arith.constant 256 : i32
    %mul3A_2374 = vector.broadcast %mul3A_2373 : i32 to vector<16xi32>
    %mul3A_2375 = arith.muli %get3A_2364, %mul3A_2374 : vector<16xi32>
    %add3A_2376 = arith.addi %mul3A_2375, %get3A_2361 : vector<16xi32>
    %jit3A_2377 = arith.constant 1024 : i32
    %broadcast_in_dim3A_2378 = vector.broadcast %jit3A_2377 : i32 to vector<16xi32>
    %select_n3A_2379 = arith.select %ge3A_2365, %add3A_2376, %broadcast_in_dim3A_2378 : vector<16xi1>, vector<16xi32>
    %swap3A_2380 = arith.constant 0 : index
    %swap3A_2381 = tpu.vector_load %arg19[%swap3A_2380] {strides = array<i32>} : memref<128xi32, #tpu.memory_space<vmem>>, vector<16xi32>,
    %swap3A_2382 = vector.shape_cast %swap3A_2381 : vector<16xi32> to vector<16xi32>
    %swap3A_2383 = vector.shape_cast %select_n3A_2372 : vector<16xi32> to vector<16xi32>
    tpu.vector_store %arg19[%swap3A_2380], %swap3A_2383 {strides = array<i32>} : memref<128xi32, #tpu.memory_space<vmem>>, vector<16xi32>,
    %swap3A_2384 = arith.constant 64 : index
    %swap3A_2385 = tpu.vector_load %arg19[%swap3A_2384] {strides = array<i32>} : memref<128xi32, #tpu.memory_space<vmem>>, vector<16xi32>,
    %swap3A_2386 = vector.shape_cast %swap3A_2385 : vector<16xi32> to vector<16xi32>
    %swap3A_2387 = vector.shape_cast %select_n3A_2379 : vector<16xi32> to vector<16xi32>
    tpu.vector_store %arg19[%swap3A_2384], %swap3A_2387 {strides = array<i32>} : memref<128xi32, #tpu.memory_space<vmem>>, vector<16xi32>,
    %get3A_2388 = arith.constant 400 : index
    %get3A_2389 = tpu.vector_load %arg15[%get3A_2388] {strides = array<i32>} : memref<512xi32, #tpu.memory_space<vmem>>, vector<16xi32>,
    %get3A_2390 = vector.shape_cast %get3A_2389 : vector<16xi32> to vector<16xi32>
    %get3A_2391 = arith.constant 400 : index
    %get3A_2392 = tpu.vector_load %arg16[%get3A_2391] {strides = array<i32>} : memref<512xi32, #tpu.memory_space<vmem>>, vector<16xi32>,
    %get3A_2393 = vector.shape_cast %get3A_2392 : vector<16xi32> to vector<16xi32>
    %get3A_2394 = arith.constant 400 : index
    %get3A_2395 = tpu.vector_load %arg14[%get3A_2394] {strides = array<i32>} : memref<512xi32, #tpu.memory_space<vmem>>, vector<16xi32>,
    %get3A_2396 = vector.shape_cast %get3A_2395 : vector<16xi32> to vector<16xi32>
    %ge3A_2397 = arith.cmpi sge, %get3A_2393, %get3A_2390 : vector<16xi32>
    %mul3A_2398 = arith.constant 256 : i32
    %mul3A_2399 = vector.broadcast %mul3A_2398 : i32 to vector<16xi32>
    %mul3A_2400 = arith.muli %get3A_2396, %mul3A_2399 : vector<16xi32>
    %add3A_2401 = arith.addi %mul3A_2400, %get3A_2390 : vector<16xi32>
    %jit3A_2402 = arith.constant 1024 : i32
    %broadcast_in_dim3A_2403 = vector.broadcast %jit3A_2402 : i32 to vector<16xi32>
    %select_n3A_2404 = arith.select %ge3A_2397, %add3A_2401, %broadcast_in_dim3A_2403 : vector<16xi1>, vector<16xi32>
    %mul3A_2405 = arith.constant 256 : i32
    %mul3A_2406 = vector.broadcast %mul3A_2405 : i32 to vector<16xi32>
    %mul3A_2407 = arith.muli %get3A_2396, %mul3A_2406 : vector<16xi32>
    %add3A_2408 = arith.addi %mul3A_2407, %get3A_2393 : vector<16xi32>
    %jit3A_2409 = arith.constant 1024 : i32
    %broadcast_in_dim3A_2410 = vector.broadcast %jit3A_2409 : i32 to vector<16xi32>
    %select_n3A_2411 = arith.select %ge3A_2397, %add3A_2408, %broadcast_in_dim3A_2410 : vector<16xi1>, vector<16xi32>
    %swap3A_2412 = arith.constant 16 : index
    %swap3A_2413 = tpu.vector_load %arg19[%swap3A_2412] {strides = array<i32>} : memref<128xi32, #tpu.memory_space<vmem>>, vector<16xi32>,
    %swap3A_2414 = vector.shape_cast %swap3A_2413 : vector<16xi32> to vector<16xi32>
    %swap3A_2415 = vector.shape_cast %select_n3A_2404 : vector<16xi32> to vector<16xi32>
    tpu.vector_store %arg19[%swap3A_2412], %swap3A_2415 {strides = array<i32>} : memref<128xi32, #tpu.memory_space<vmem>>, vector<16xi32>,
    %swap3A_2416 = arith.constant 80 : index
    %swap3A_2417 = tpu.vector_load %arg19[%swap3A_2416] {strides = array<i32>} : memref<128xi32, #tpu.memory_space<vmem>>, vector<16xi32>,
    %swap3A_2418 = vector.shape_cast %swap3A_2417 : vector<16xi32> to vector<16xi32>
    %swap3A_2419 = vector.shape_cast %select_n3A_2411 : vector<16xi32> to vector<16xi32>
    tpu.vector_store %arg19[%swap3A_2416], %swap3A_2419 {strides = array<i32>} : memref<128xi32, #tpu.memory_space<vmem>>, vector<16xi32>,
    %get3A_2420 = arith.constant 416 : index
    %get3A_2421 = tpu.vector_load %arg15[%get3A_2420] {strides = array<i32>} : memref<512xi32, #tpu.memory_space<vmem>>, vector<16xi32>,
    %get3A_2422 = vector.shape_cast %get3A_2421 : vector<16xi32> to vector<16xi32>
    %get3A_2423 = arith.constant 416 : index
    %get3A_2424 = tpu.vector_load %arg16[%get3A_2423] {strides = array<i32>} : memref<512xi32, #tpu.memory_space<vmem>>, vector<16xi32>,
    %get3A_2425 = vector.shape_cast %get3A_2424 : vector<16xi32> to vector<16xi32>
    %get3A_2426 = arith.constant 416 : index
    %get3A_2427 = tpu.vector_load %arg14[%get3A_2426] {strides = array<i32>} : memref<512xi32, #tpu.memory_space<vmem>>, vector<16xi32>,
    %get3A_2428 = vector.shape_cast %get3A_2427 : vector<16xi32> to vector<16xi32>
    %ge3A_2429 = arith.cmpi sge, %get3A_2425, %get3A_2422 : vector<16xi32>
    %mul3A_2430 = arith.constant 256 : i32
    %mul3A_2431 = vector.broadcast %mul3A_2430 : i32 to vector<16xi32>
    %mul3A_2432 = arith.muli %get3A_2428, %mul3A_2431 : vector<16xi32>
    %add3A_2433 = arith.addi %mul3A_2432, %get3A_2422 : vector<16xi32>
    %jit3A_2434 = arith.constant 1024 : i32
    %broadcast_in_dim3A_2435 = vector.broadcast %jit3A_2434 : i32 to vector<16xi32>
    %select_n3A_2436 = arith.select %ge3A_2429, %add3A_2433, %broadcast_in_dim3A_2435 : vector<16xi1>, vector<16xi32>
    %mul3A_2437 = arith.constant 256 : i32
    %mul3A_2438 = vector.broadcast %mul3A_2437 : i32 to vector<16xi32>
    %mul3A_2439 = arith.muli %get3A_2428, %mul3A_2438 : vector<16xi32>
    %add3A_2440 = arith.addi %mul3A_2439, %get3A_2425 : vector<16xi32>
    %jit3A_2441 = arith.constant 1024 : i32
    %broadcast_in_dim3A_2442 = vector.broadcast %jit3A_2441 : i32 to vector<16xi32>
    %select_n3A_2443 = arith.select %ge3A_2429, %add3A_2440, %broadcast_in_dim3A_2442 : vector<16xi1>, vector<16xi32>
    %swap3A_2444 = arith.constant 32 : index
    %swap3A_2445 = tpu.vector_load %arg19[%swap3A_2444] {strides = array<i32>} : memref<128xi32, #tpu.memory_space<vmem>>, vector<16xi32>,
    %swap3A_2446 = vector.shape_cast %swap3A_2445 : vector<16xi32> to vector<16xi32>
    %swap3A_2447 = vector.shape_cast %select_n3A_2436 : vector<16xi32> to vector<16xi32>
    tpu.vector_store %arg19[%swap3A_2444], %swap3A_2447 {strides = array<i32>} : memref<128xi32, #tpu.memory_space<vmem>>, vector<16xi32>,
    %swap3A_2448 = arith.constant 96 : index
    %swap3A_2449 = tpu.vector_load %arg19[%swap3A_2448] {strides = array<i32>} : memref<128xi32, #tpu.memory_space<vmem>>, vector<16xi32>,
    %swap3A_2450 = vector.shape_cast %swap3A_2449 : vector<16xi32> to vector<16xi32>
    %swap3A_2451 = vector.shape_cast %select_n3A_2443 : vector<16xi32> to vector<16xi32>
    tpu.vector_store %arg19[%swap3A_2448], %swap3A_2451 {strides = array<i32>} : memref<128xi32, #tpu.memory_space<vmem>>, vector<16xi32>,
    %get3A_2452 = arith.constant 432 : index
    %get3A_2453 = tpu.vector_load %arg15[%get3A_2452] {strides = array<i32>} : memref<512xi32, #tpu.memory_space<vmem>>, vector<16xi32>,
    %get3A_2454 = vector.shape_cast %get3A_2453 : vector<16xi32> to vector<16xi32>
    %get3A_2455 = arith.constant 432 : index
    %get3A_2456 = tpu.vector_load %arg16[%get3A_2455] {strides = array<i32>} : memref<512xi32, #tpu.memory_space<vmem>>, vector<16xi32>,
    %get3A_2457 = vector.shape_cast %get3A_2456 : vector<16xi32> to vector<16xi32>
    %get3A_2458 = arith.constant 432 : index
    %get3A_2459 = tpu.vector_load %arg14[%get3A_2458] {strides = array<i32>} : memref<512xi32, #tpu.memory_space<vmem>>, vector<16xi32>,
    %get3A_2460 = vector.shape_cast %get3A_2459 : vector<16xi32> to vector<16xi32>
    %ge3A_2461 = arith.cmpi sge, %get3A_2457, %get3A_2454 : vector<16xi32>
    %mul3A_2462 = arith.constant 256 : i32
    %mul3A_2463 = vector.broadcast %mul3A_2462 : i32 to vector<16xi32>
    %mul3A_2464 = arith.muli %get3A_2460, %mul3A_2463 : vector<16xi32>
    %add3A_2465 = arith.addi %mul3A_2464, %get3A_2454 : vector<16xi32>
    %jit3A_2466 = arith.constant 1024 : i32
    %broadcast_in_dim3A_2467 = vector.broadcast %jit3A_2466 : i32 to vector<16xi32>
    %select_n3A_2468 = arith.select %ge3A_2461, %add3A_2465, %broadcast_in_dim3A_2467 : vector<16xi1>, vector<16xi32>
    %mul3A_2469 = arith.constant 256 : i32
    %mul3A_2470 = vector.broadcast %mul3A_2469 : i32 to vector<16xi32>
    %mul3A_2471 = arith.muli %get3A_2460, %mul3A_2470 : vector<16xi32>
    %add3A_2472 = arith.addi %mul3A_2471, %get3A_2457 : vector<16xi32>
    %jit3A_2473 = arith.constant 1024 : i32
    %broadcast_in_dim3A_2474 = vector.broadcast %jit3A_2473 : i32 to vector<16xi32>
    %select_n3A_2475 = arith.select %ge3A_2461, %add3A_2472, %broadcast_in_dim3A_2474 : vector<16xi1>, vector<16xi32>
    %swap3A_2476 = arith.constant 48 : index
    %swap3A_2477 = tpu.vector_load %arg19[%swap3A_2476] {strides = array<i32>} : memref<128xi32, #tpu.memory_space<vmem>>, vector<16xi32>,
    %swap3A_2478 = vector.shape_cast %swap3A_2477 : vector<16xi32> to vector<16xi32>
    %swap3A_2479 = vector.shape_cast %select_n3A_2468 : vector<16xi32> to vector<16xi32>
    tpu.vector_store %arg19[%swap3A_2476], %swap3A_2479 {strides = array<i32>} : memref<128xi32, #tpu.memory_space<vmem>>, vector<16xi32>,
    %swap3A_2480 = arith.constant 112 : index
    %swap3A_2481 = tpu.vector_load %arg19[%swap3A_2480] {strides = array<i32>} : memref<128xi32, #tpu.memory_space<vmem>>, vector<16xi32>,
    %swap3A_2482 = vector.shape_cast %swap3A_2481 : vector<16xi32> to vector<16xi32>
    %swap3A_2483 = vector.shape_cast %select_n3A_2475 : vector<16xi32> to vector<16xi32>
    tpu.vector_store %arg19[%swap3A_2480], %swap3A_2483 {strides = array<i32>} : memref<128xi32, #tpu.memory_space<vmem>>, vector<16xi32>,
    %dma_start3A_2484 = arith.constant 0 : i32
    %dma_start3A_2485 = arith.constant 0 : i32
    %dma_start3A_2486 = tpu.memref_slice %arg10[%dma_start3A_2484, %dma_start3A_2485] : memref<1032x128xf32, #tpu.memory_space<vmem_shared>> -> memref<1032x128xf32, #tpu.memory_space<vmem_shared>>
    tpu.enqueue_indirect_dma source(%dma_start3A_2486 : memref<1032x128xf32, #tpu.memory_space<vmem_shared>>) target(%arg25 : memref<128x128xf32, #tpu.memory_space<vmem>>) offsets(%arg19 : memref<128xi32, #tpu.memory_space<vmem>>) semaphore(%arg31 : memref<!tpu.dma_semaphore, #tpu.memory_space<semaphore_mem>>)
    %dma_wait3A_2487 = arith.constant 0 : i32
    %dma_wait3A_2488 = arith.constant 0 : i32
    %dma_wait3A_2489 = tpu.memref_slice %arg10[%dma_wait3A_2487, %dma_wait3A_2488] : memref<1032x128xf32, #tpu.memory_space<vmem_shared>> -> memref<1032x128xf32, #tpu.memory_space<vmem_shared>>
    tpu.wait_indirect_dma semaphore(%arg34 : memref<!tpu.dma_semaphore, #tpu.memory_space<semaphore_mem>>) src(%dma_wait3A_2489 : memref<1032x128xf32, #tpu.memory_space<vmem_shared>>) dst(%arg28 : memref<128x128xf32, #tpu.memory_space<vmem>>)
    %add3A_2490 = arith.constant 192 : i32
    %add3A_2491 = arith.addi %mul3A_2, %add3A_2490 : i32
    %dma_start3A_2492 = arith.constant 0 : i32
    %dma_start3A_2493 = arith.constant 0 : i32
    %dma_start3A_2494 = tpu.memref_slice %arg28[%dma_start3A_2492, %dma_start3A_2493] : memref<128x128xf32, #tpu.memory_space<vmem>> -> memref<64x128xf32, #tpu.memory_space<vmem>>
    %dma_start3A_2495 = arith.constant 0 : i32
    %dma_start3A_2496 = tpu.memref_slice %arg9[%add3A_2491, %dma_start3A_2495] : memref<16384x256xf32, #tpu.memory_space<hbm>> -> memref<64x128xf32, #tpu.memory_space<hbm>>
    %dma_start3A_2497 = arith.constant 0 : i32
    %dma_start3A_2498 = tpu.memref_slice %arg9[%add3A_2491, %dma_start3A_2497] : memref<16384x256xf32, #tpu.memory_space<hbm>> -> memref<64x128xf32, #tpu.memory_space<hbm>>
    %dma_start3A_2499 = arith.constant 0 : i32
    %dma_start3A_2500 = arith.constant 0 : i32
    %dma_start3A_2501 = tpu.memref_slice %arg28[%dma_start3A_2499, %dma_start3A_2500] : memref<128x128xf32, #tpu.memory_space<vmem>> -> memref<64x128xf32, #tpu.memory_space<vmem>>
    tpu.enqueue_dma source(%dma_start3A_2501 : memref<64x128xf32, #tpu.memory_space<vmem>>) target(%dma_start3A_2498 : memref<64x128xf32, #tpu.memory_space<hbm>>) target_semaphore(%arg40 : memref<!tpu.dma_semaphore, #tpu.memory_space<semaphore_mem>>)
    %dma_start3A_2502 = arith.constant 64 : i32
    %dma_start3A_2503 = arith.constant 0 : i32
    %dma_start3A_2504 = tpu.memref_slice %arg28[%dma_start3A_2502, %dma_start3A_2503] : memref<128x128xf32, #tpu.memory_space<vmem>> -> memref<64x128xf32, #tpu.memory_space<vmem>>
    %dma_start3A_2505 = arith.constant 128 : i32
    %dma_start3A_2506 = tpu.memref_slice %arg9[%add3A_2491, %dma_start3A_2505] : memref<16384x256xf32, #tpu.memory_space<hbm>> -> memref<64x128xf32, #tpu.memory_space<hbm>>
    %dma_start3A_2507 = arith.constant 128 : i32
    %dma_start3A_2508 = tpu.memref_slice %arg9[%add3A_2491, %dma_start3A_2507] : memref<16384x256xf32, #tpu.memory_space<hbm>> -> memref<64x128xf32, #tpu.memory_space<hbm>>
    %dma_start3A_2509 = arith.constant 64 : i32
    %dma_start3A_2510 = arith.constant 0 : i32
    %dma_start3A_2511 = tpu.memref_slice %arg28[%dma_start3A_2509, %dma_start3A_2510] : memref<128x128xf32, #tpu.memory_space<vmem>> -> memref<64x128xf32, #tpu.memory_space<vmem>>
    tpu.enqueue_dma source(%dma_start3A_2511 : memref<64x128xf32, #tpu.memory_space<vmem>>) target(%dma_start3A_2508 : memref<64x128xf32, #tpu.memory_space<hbm>>) target_semaphore(%arg40 : memref<!tpu.dma_semaphore, #tpu.memory_space<semaphore_mem>>)
    %dma_wait3A_2512 = arith.constant 0 : i32
    %dma_wait3A_2513 = arith.constant 0 : i32
    %dma_wait3A_2514 = tpu.memref_slice %arg26[%dma_wait3A_2512, %dma_wait3A_2513] : memref<128x128xf32, #tpu.memory_space<vmem>> -> memref<64x128xf32, #tpu.memory_space<vmem>>
    %dma_wait3A_2515 = arith.constant 0 : i32
    %dma_wait3A_2516 = tpu.memref_slice %arg9[%add3A_2139, %dma_wait3A_2515] : memref<16384x256xf32, #tpu.memory_space<hbm>> -> memref<64x128xf32, #tpu.memory_space<hbm>>
    %dma_wait3A_2517 = arith.constant 0 : i32
    %dma_wait3A_2518 = tpu.memref_slice %arg9[%add3A_2139, %dma_wait3A_2517] : memref<16384x256xf32, #tpu.memory_space<hbm>> -> memref<64x128xf32, #tpu.memory_space<hbm>>
    %dma_wait3A_2519 = arith.constant 0 : i32
    %dma_wait3A_2520 = arith.constant 0 : i32
    %dma_wait3A_2521 = tpu.memref_slice %arg26[%dma_wait3A_2519, %dma_wait3A_2520] : memref<128x128xf32, #tpu.memory_space<vmem>> -> memref<64x128xf32, #tpu.memory_space<vmem>>
    tpu.wait_dma2 semaphore(%arg38 : memref<!tpu.dma_semaphore, #tpu.memory_space<semaphore_mem>>) src(%dma_wait3A_2521 : memref<64x128xf32, #tpu.memory_space<vmem>>) dst(%dma_wait3A_2518 : memref<64x128xf32, #tpu.memory_space<hbm>>)
    %dma_wait3A_2522 = arith.constant 64 : i32
    %dma_wait3A_2523 = arith.constant 0 : i32
    %dma_wait3A_2524 = tpu.memref_slice %arg26[%dma_wait3A_2522, %dma_wait3A_2523] : memref<128x128xf32, #tpu.memory_space<vmem>> -> memref<64x128xf32, #tpu.memory_space<vmem>>
    %dma_wait3A_2525 = arith.constant 128 : i32
    %dma_wait3A_2526 = tpu.memref_slice %arg9[%add3A_2139, %dma_wait3A_2525] : memref<16384x256xf32, #tpu.memory_space<hbm>> -> memref<64x128xf32, #tpu.memory_space<hbm>>
    %dma_wait3A_2527 = arith.constant 128 : i32
    %dma_wait3A_2528 = tpu.memref_slice %arg9[%add3A_2139, %dma_wait3A_2527] : memref<16384x256xf32, #tpu.memory_space<hbm>> -> memref<64x128xf32, #tpu.memory_space<hbm>>
    %dma_wait3A_2529 = arith.constant 64 : i32
    %dma_wait3A_2530 = arith.constant 0 : i32
    %dma_wait3A_2531 = tpu.memref_slice %arg26[%dma_wait3A_2529, %dma_wait3A_2530] : memref<128x128xf32, #tpu.memory_space<vmem>> -> memref<64x128xf32, #tpu.memory_space<vmem>>
    tpu.wait_dma2 semaphore(%arg38 : memref<!tpu.dma_semaphore, #tpu.memory_space<semaphore_mem>>) src(%dma_wait3A_2531 : memref<64x128xf32, #tpu.memory_space<vmem>>) dst(%dma_wait3A_2528 : memref<64x128xf32, #tpu.memory_space<hbm>>)
    %get3A_2532 = arith.constant 448 : index
    %get3A_2533 = tpu.vector_load %arg15[%get3A_2532] {strides = array<i32>} : memref<512xi32, #tpu.memory_space<vmem>>, vector<16xi32>,
    %get3A_2534 = vector.shape_cast %get3A_2533 : vector<16xi32> to vector<16xi32>
    %get3A_2535 = arith.constant 448 : index
    %get3A_2536 = tpu.vector_load %arg16[%get3A_2535] {strides = array<i32>} : memref<512xi32, #tpu.memory_space<vmem>>, vector<16xi32>,
    %get3A_2537 = vector.shape_cast %get3A_2536 : vector<16xi32> to vector<16xi32>
    %get3A_2538 = arith.constant 448 : index
    %get3A_2539 = tpu.vector_load %arg14[%get3A_2538] {strides = array<i32>} : memref<512xi32, #tpu.memory_space<vmem>>, vector<16xi32>,
    %get3A_2540 = vector.shape_cast %get3A_2539 : vector<16xi32> to vector<16xi32>
    %ge3A_2541 = arith.cmpi sge, %get3A_2537, %get3A_2534 : vector<16xi32>
    %mul3A_2542 = arith.constant 256 : i32
    %mul3A_2543 = vector.broadcast %mul3A_2542 : i32 to vector<16xi32>
    %mul3A_2544 = arith.muli %get3A_2540, %mul3A_2543 : vector<16xi32>
    %add3A_2545 = arith.addi %mul3A_2544, %get3A_2534 : vector<16xi32>
    %jit3A_2546 = arith.constant 1024 : i32
    %broadcast_in_dim3A_2547 = vector.broadcast %jit3A_2546 : i32 to vector<16xi32>
    %select_n3A_2548 = arith.select %ge3A_2541, %add3A_2545, %broadcast_in_dim3A_2547 : vector<16xi1>, vector<16xi32>
    %mul3A_2549 = arith.constant 256 : i32
    %mul3A_2550 = vector.broadcast %mul3A_2549 : i32 to vector<16xi32>
    %mul3A_2551 = arith.muli %get3A_2540, %mul3A_2550 : vector<16xi32>
    %add3A_2552 = arith.addi %mul3A_2551, %get3A_2537 : vector<16xi32>
    %jit3A_2553 = arith.constant 1024 : i32
    %broadcast_in_dim3A_2554 = vector.broadcast %jit3A_2553 : i32 to vector<16xi32>
    %select_n3A_2555 = arith.select %ge3A_2541, %add3A_2552, %broadcast_in_dim3A_2554 : vector<16xi1>, vector<16xi32>
    %swap3A_2556 = arith.constant 0 : index
    %swap3A_2557 = tpu.vector_load %arg20[%swap3A_2556] {strides = array<i32>} : memref<128xi32, #tpu.memory_space<vmem>>, vector<16xi32>,
    %swap3A_2558 = vector.shape_cast %swap3A_2557 : vector<16xi32> to vector<16xi32>
    %swap3A_2559 = vector.shape_cast %select_n3A_2548 : vector<16xi32> to vector<16xi32>
    tpu.vector_store %arg20[%swap3A_2556], %swap3A_2559 {strides = array<i32>} : memref<128xi32, #tpu.memory_space<vmem>>, vector<16xi32>,
    %swap3A_2560 = arith.constant 64 : index
    %swap3A_2561 = tpu.vector_load %arg20[%swap3A_2560] {strides = array<i32>} : memref<128xi32, #tpu.memory_space<vmem>>, vector<16xi32>,
    %swap3A_2562 = vector.shape_cast %swap3A_2561 : vector<16xi32> to vector<16xi32>
    %swap3A_2563 = vector.shape_cast %select_n3A_2555 : vector<16xi32> to vector<16xi32>
    tpu.vector_store %arg20[%swap3A_2560], %swap3A_2563 {strides = array<i32>} : memref<128xi32, #tpu.memory_space<vmem>>, vector<16xi32>,
    %get3A_2564 = arith.constant 464 : index
    %get3A_2565 = tpu.vector_load %arg15[%get3A_2564] {strides = array<i32>} : memref<512xi32, #tpu.memory_space<vmem>>, vector<16xi32>,
    %get3A_2566 = vector.shape_cast %get3A_2565 : vector<16xi32> to vector<16xi32>
    %get3A_2567 = arith.constant 464 : index
    %get3A_2568 = tpu.vector_load %arg16[%get3A_2567] {strides = array<i32>} : memref<512xi32, #tpu.memory_space<vmem>>, vector<16xi32>,
    %get3A_2569 = vector.shape_cast %get3A_2568 : vector<16xi32> to vector<16xi32>
    %get3A_2570 = arith.constant 464 : index
    %get3A_2571 = tpu.vector_load %arg14[%get3A_2570] {strides = array<i32>} : memref<512xi32, #tpu.memory_space<vmem>>, vector<16xi32>,
    %get3A_2572 = vector.shape_cast %get3A_2571 : vector<16xi32> to vector<16xi32>
    %ge3A_2573 = arith.cmpi sge, %get3A_2569, %get3A_2566 : vector<16xi32>
    %mul3A_2574 = arith.constant 256 : i32
    %mul3A_2575 = vector.broadcast %mul3A_2574 : i32 to vector<16xi32>
    %mul3A_2576 = arith.muli %get3A_2572, %mul3A_2575 : vector<16xi32>
    %add3A_2577 = arith.addi %mul3A_2576, %get3A_2566 : vector<16xi32>
    %jit3A_2578 = arith.constant 1024 : i32
    %broadcast_in_dim3A_2579 = vector.broadcast %jit3A_2578 : i32 to vector<16xi32>
    %select_n3A_2580 = arith.select %ge3A_2573, %add3A_2577, %broadcast_in_dim3A_2579 : vector<16xi1>, vector<16xi32>
    %mul3A_2581 = arith.constant 256 : i32
    %mul3A_2582 = vector.broadcast %mul3A_2581 : i32 to vector<16xi32>
    %mul3A_2583 = arith.muli %get3A_2572, %mul3A_2582 : vector<16xi32>
    %add3A_2584 = arith.addi %mul3A_2583, %get3A_2569 : vector<16xi32>
    %jit3A_2585 = arith.constant 1024 : i32
    %broadcast_in_dim3A_2586 = vector.broadcast %jit3A_2585 : i32 to vector<16xi32>
    %select_n3A_2587 = arith.select %ge3A_2573, %add3A_2584, %broadcast_in_dim3A_2586 : vector<16xi1>, vector<16xi32>
    %swap3A_2588 = arith.constant 16 : index
    %swap3A_2589 = tpu.vector_load %arg20[%swap3A_2588] {strides = array<i32>} : memref<128xi32, #tpu.memory_space<vmem>>, vector<16xi32>,
    %swap3A_2590 = vector.shape_cast %swap3A_2589 : vector<16xi32> to vector<16xi32>
    %swap3A_2591 = vector.shape_cast %select_n3A_2580 : vector<16xi32> to vector<16xi32>
    tpu.vector_store %arg20[%swap3A_2588], %swap3A_2591 {strides = array<i32>} : memref<128xi32, #tpu.memory_space<vmem>>, vector<16xi32>,
    %swap3A_2592 = arith.constant 80 : index
    %swap3A_2593 = tpu.vector_load %arg20[%swap3A_2592] {strides = array<i32>} : memref<128xi32, #tpu.memory_space<vmem>>, vector<16xi32>,
    %swap3A_2594 = vector.shape_cast %swap3A_2593 : vector<16xi32> to vector<16xi32>
    %swap3A_2595 = vector.shape_cast %select_n3A_2587 : vector<16xi32> to vector<16xi32>
    tpu.vector_store %arg20[%swap3A_2592], %swap3A_2595 {strides = array<i32>} : memref<128xi32, #tpu.memory_space<vmem>>, vector<16xi32>,
    %get3A_2596 = arith.constant 480 : index
    %get3A_2597 = tpu.vector_load %arg15[%get3A_2596] {strides = array<i32>} : memref<512xi32, #tpu.memory_space<vmem>>, vector<16xi32>,
    %get3A_2598 = vector.shape_cast %get3A_2597 : vector<16xi32> to vector<16xi32>
    %get3A_2599 = arith.constant 480 : index
    %get3A_2600 = tpu.vector_load %arg16[%get3A_2599] {strides = array<i32>} : memref<512xi32, #tpu.memory_space<vmem>>, vector<16xi32>,
    %get3A_2601 = vector.shape_cast %get3A_2600 : vector<16xi32> to vector<16xi32>
    %get3A_2602 = arith.constant 480 : index
    %get3A_2603 = tpu.vector_load %arg14[%get3A_2602] {strides = array<i32>} : memref<512xi32, #tpu.memory_space<vmem>>, vector<16xi32>,
    %get3A_2604 = vector.shape_cast %get3A_2603 : vector<16xi32> to vector<16xi32>
    %ge3A_2605 = arith.cmpi sge, %get3A_2601, %get3A_2598 : vector<16xi32>
    %mul3A_2606 = arith.constant 256 : i32
    %mul3A_2607 = vector.broadcast %mul3A_2606 : i32 to vector<16xi32>
    %mul3A_2608 = arith.muli %get3A_2604, %mul3A_2607 : vector<16xi32>
    %add3A_2609 = arith.addi %mul3A_2608, %get3A_2598 : vector<16xi32>
    %jit3A_2610 = arith.constant 1024 : i32
    %broadcast_in_dim3A_2611 = vector.broadcast %jit3A_2610 : i32 to vector<16xi32>
    %select_n3A_2612 = arith.select %ge3A_2605, %add3A_2609, %broadcast_in_dim3A_2611 : vector<16xi1>, vector<16xi32>
    %mul3A_2613 = arith.constant 256 : i32
    %mul3A_2614 = vector.broadcast %mul3A_2613 : i32 to vector<16xi32>
    %mul3A_2615 = arith.muli %get3A_2604, %mul3A_2614 : vector<16xi32>
    %add3A_2616 = arith.addi %mul3A_2615, %get3A_2601 : vector<16xi32>
    %jit3A_2617 = arith.constant 1024 : i32
    %broadcast_in_dim3A_2618 = vector.broadcast %jit3A_2617 : i32 to vector<16xi32>
    %select_n3A_2619 = arith.select %ge3A_2605, %add3A_2616, %broadcast_in_dim3A_2618 : vector<16xi1>, vector<16xi32>
    %swap3A_2620 = arith.constant 32 : index
    %swap3A_2621 = tpu.vector_load %arg20[%swap3A_2620] {strides = array<i32>} : memref<128xi32, #tpu.memory_space<vmem>>, vector<16xi32>,
    %swap3A_2622 = vector.shape_cast %swap3A_2621 : vector<16xi32> to vector<16xi32>
    %swap3A_2623 = vector.shape_cast %select_n3A_2612 : vector<16xi32> to vector<16xi32>
    tpu.vector_store %arg20[%swap3A_2620], %swap3A_2623 {strides = array<i32>} : memref<128xi32, #tpu.memory_space<vmem>>, vector<16xi32>,
    %swap3A_2624 = arith.constant 96 : index
    %swap3A_2625 = tpu.vector_load %arg20[%swap3A_2624] {strides = array<i32>} : memref<128xi32, #tpu.memory_space<vmem>>, vector<16xi32>,
    %swap3A_2626 = vector.shape_cast %swap3A_2625 : vector<16xi32> to vector<16xi32>
    %swap3A_2627 = vector.shape_cast %select_n3A_2619 : vector<16xi32> to vector<16xi32>
    tpu.vector_store %arg20[%swap3A_2624], %swap3A_2627 {strides = array<i32>} : memref<128xi32, #tpu.memory_space<vmem>>, vector<16xi32>,
    %get3A_2628 = arith.constant 496 : index
    %get3A_2629 = tpu.vector_load %arg15[%get3A_2628] {strides = array<i32>} : memref<512xi32, #tpu.memory_space<vmem>>, vector<16xi32>,
    %get3A_2630 = vector.shape_cast %get3A_2629 : vector<16xi32> to vector<16xi32>
    %get3A_2631 = arith.constant 496 : index
    %get3A_2632 = tpu.vector_load %arg16[%get3A_2631] {strides = array<i32>} : memref<512xi32, #tpu.memory_space<vmem>>, vector<16xi32>,
    %get3A_2633 = vector.shape_cast %get3A_2632 : vector<16xi32> to vector<16xi32>
    %get3A_2634 = arith.constant 496 : index
    %get3A_2635 = tpu.vector_load %arg14[%get3A_2634] {strides = array<i32>} : memref<512xi32, #tpu.memory_space<vmem>>, vector<16xi32>,
    %get3A_2636 = vector.shape_cast %get3A_2635 : vector<16xi32> to vector<16xi32>
    %ge3A_2637 = arith.cmpi sge, %get3A_2633, %get3A_2630 : vector<16xi32>
    %mul3A_2638 = arith.constant 256 : i32
    %mul3A_2639 = vector.broadcast %mul3A_2638 : i32 to vector<16xi32>
    %mul3A_2640 = arith.muli %get3A_2636, %mul3A_2639 : vector<16xi32>
    %add3A_2641 = arith.addi %mul3A_2640, %get3A_2630 : vector<16xi32>
    %jit3A_2642 = arith.constant 1024 : i32
    %broadcast_in_dim3A_2643 = vector.broadcast %jit3A_2642 : i32 to vector<16xi32>
    %select_n3A_2644 = arith.select %ge3A_2637, %add3A_2641, %broadcast_in_dim3A_2643 : vector<16xi1>, vector<16xi32>
    %mul3A_2645 = arith.constant 256 : i32
    %mul3A_2646 = vector.broadcast %mul3A_2645 : i32 to vector<16xi32>
    %mul3A_2647 = arith.muli %get3A_2636, %mul3A_2646 : vector<16xi32>
    %add3A_2648 = arith.addi %mul3A_2647, %get3A_2633 : vector<16xi32>
    %jit3A_2649 = arith.constant 1024 : i32
    %broadcast_in_dim3A_2650 = vector.broadcast %jit3A_2649 : i32 to vector<16xi32>
    %select_n3A_2651 = arith.select %ge3A_2637, %add3A_2648, %broadcast_in_dim3A_2650 : vector<16xi1>, vector<16xi32>
    %swap3A_2652 = arith.constant 48 : index
    %swap3A_2653 = tpu.vector_load %arg20[%swap3A_2652] {strides = array<i32>} : memref<128xi32, #tpu.memory_space<vmem>>, vector<16xi32>,
    %swap3A_2654 = vector.shape_cast %swap3A_2653 : vector<16xi32> to vector<16xi32>
    %swap3A_2655 = vector.shape_cast %select_n3A_2644 : vector<16xi32> to vector<16xi32>
    tpu.vector_store %arg20[%swap3A_2652], %swap3A_2655 {strides = array<i32>} : memref<128xi32, #tpu.memory_space<vmem>>, vector<16xi32>,
    %swap3A_2656 = arith.constant 112 : index
    %swap3A_2657 = tpu.vector_load %arg20[%swap3A_2656] {strides = array<i32>} : memref<128xi32, #tpu.memory_space<vmem>>, vector<16xi32>,
    %swap3A_2658 = vector.shape_cast %swap3A_2657 : vector<16xi32> to vector<16xi32>
    %swap3A_2659 = vector.shape_cast %select_n3A_2651 : vector<16xi32> to vector<16xi32>
    tpu.vector_store %arg20[%swap3A_2656], %swap3A_2659 {strides = array<i32>} : memref<128xi32, #tpu.memory_space<vmem>>, vector<16xi32>,
    %dma_start3A_2660 = arith.constant 0 : i32
    %dma_start3A_2661 = arith.constant 0 : i32
    %dma_start3A_2662 = tpu.memref_slice %arg10[%dma_start3A_2660, %dma_start3A_2661] : memref<1032x128xf32, #tpu.memory_space<vmem_shared>> -> memref<1032x128xf32, #tpu.memory_space<vmem_shared>>
    tpu.enqueue_indirect_dma source(%dma_start3A_2662 : memref<1032x128xf32, #tpu.memory_space<vmem_shared>>) target(%arg26 : memref<128x128xf32, #tpu.memory_space<vmem>>) offsets(%arg20 : memref<128xi32, #tpu.memory_space<vmem>>) semaphore(%arg32 : memref<!tpu.dma_semaphore, #tpu.memory_space<semaphore_mem>>)
    %dma_wait3A_2663 = arith.constant 0 : i32
    %dma_wait3A_2664 = arith.constant 0 : i32
    %dma_wait3A_2665 = tpu.memref_slice %arg10[%dma_wait3A_2663, %dma_wait3A_2664] : memref<1032x128xf32, #tpu.memory_space<vmem_shared>> -> memref<1032x128xf32, #tpu.memory_space<vmem_shared>>
    tpu.wait_indirect_dma semaphore(%arg29 : memref<!tpu.dma_semaphore, #tpu.memory_space<semaphore_mem>>) src(%dma_wait3A_2665 : memref<1032x128xf32, #tpu.memory_space<vmem_shared>>) dst(%arg23 : memref<128x128xf32, #tpu.memory_space<vmem>>)
    %add3A_2666 = arith.constant 256 : i32
    %add3A_2667 = arith.addi %mul3A_2, %add3A_2666 : i32
    %dma_start3A_2668 = arith.constant 0 : i32
    %dma_start3A_2669 = arith.constant 0 : i32
    %dma_start3A_2670 = tpu.memref_slice %arg23[%dma_start3A_2668, %dma_start3A_2669] : memref<128x128xf32, #tpu.memory_space<vmem>> -> memref<64x128xf32, #tpu.memory_space<vmem>>
    %dma_start3A_2671 = arith.constant 0 : i32
    %dma_start3A_2672 = tpu.memref_slice %arg9[%add3A_2667, %dma_start3A_2671] : memref<16384x256xf32, #tpu.memory_space<hbm>> -> memref<64x128xf32, #tpu.memory_space<hbm>>
    %dma_start3A_2673 = arith.constant 0 : i32
    %dma_start3A_2674 = tpu.memref_slice %arg9[%add3A_2667, %dma_start3A_2673] : memref<16384x256xf32, #tpu.memory_space<hbm>> -> memref<64x128xf32, #tpu.memory_space<hbm>>
    %dma_start3A_2675 = arith.constant 0 : i32
    %dma_start3A_2676 = arith.constant 0 : i32
    %dma_start3A_2677 = tpu.memref_slice %arg23[%dma_start3A_2675, %dma_start3A_2676] : memref<128x128xf32, #tpu.memory_space<vmem>> -> memref<64x128xf32, #tpu.memory_space<vmem>>
    tpu.enqueue_dma source(%dma_start3A_2677 : memref<64x128xf32, #tpu.memory_space<vmem>>) target(%dma_start3A_2674 : memref<64x128xf32, #tpu.memory_space<hbm>>) target_semaphore(%arg35 : memref<!tpu.dma_semaphore, #tpu.memory_space<semaphore_mem>>)
    %dma_start3A_2678 = arith.constant 64 : i32
    %dma_start3A_2679 = arith.constant 0 : i32
    %dma_start3A_2680 = tpu.memref_slice %arg23[%dma_start3A_2678, %dma_start3A_2679] : memref<128x128xf32, #tpu.memory_space<vmem>> -> memref<64x128xf32, #tpu.memory_space<vmem>>
    %dma_start3A_2681 = arith.constant 128 : i32
    %dma_start3A_2682 = tpu.memref_slice %arg9[%add3A_2667, %dma_start3A_2681] : memref<16384x256xf32, #tpu.memory_space<hbm>> -> memref<64x128xf32, #tpu.memory_space<hbm>>
    %dma_start3A_2683 = arith.constant 128 : i32
    %dma_start3A_2684 = tpu.memref_slice %arg9[%add3A_2667, %dma_start3A_2683] : memref<16384x256xf32, #tpu.memory_space<hbm>> -> memref<64x128xf32, #tpu.memory_space<hbm>>
    %dma_start3A_2685 = arith.constant 64 : i32
    %dma_start3A_2686 = arith.constant 0 : i32
    %dma_start3A_2687 = tpu.memref_slice %arg23[%dma_start3A_2685, %dma_start3A_2686] : memref<128x128xf32, #tpu.memory_space<vmem>> -> memref<64x128xf32, #tpu.memory_space<vmem>>
    tpu.enqueue_dma source(%dma_start3A_2687 : memref<64x128xf32, #tpu.memory_space<vmem>>) target(%dma_start3A_2684 : memref<64x128xf32, #tpu.memory_space<hbm>>) target_semaphore(%arg35 : memref<!tpu.dma_semaphore, #tpu.memory_space<semaphore_mem>>)
    %dma_wait3A_2688 = arith.constant 0 : i32
    %dma_wait3A_2689 = arith.constant 0 : i32
    %dma_wait3A_2690 = tpu.memref_slice %arg10[%dma_wait3A_2688, %dma_wait3A_2689] : memref<1032x128xf32, #tpu.memory_space<vmem_shared>> -> memref<1032x128xf32, #tpu.memory_space<vmem_shared>>
    tpu.wait_indirect_dma semaphore(%arg30 : memref<!tpu.dma_semaphore, #tpu.memory_space<semaphore_mem>>) src(%dma_wait3A_2690 : memref<1032x128xf32, #tpu.memory_space<vmem_shared>>) dst(%arg24 : memref<128x128xf32, #tpu.memory_space<vmem>>)
    %add3A_2691 = arith.constant 320 : i32
    %add3A_2692 = arith.addi %mul3A_2, %add3A_2691 : i32
    %dma_start3A_2693 = arith.constant 0 : i32
    %dma_start3A_2694 = arith.constant 0 : i32
    %dma_start3A_2695 = tpu.memref_slice %arg24[%dma_start3A_2693, %dma_start3A_2694] : memref<128x128xf32, #tpu.memory_space<vmem>> -> memref<64x128xf32, #tpu.memory_space<vmem>>
    %dma_start3A_2696 = arith.constant 0 : i32
    %dma_start3A_2697 = tpu.memref_slice %arg9[%add3A_2692, %dma_start3A_2696] : memref<16384x256xf32, #tpu.memory_space<hbm>> -> memref<64x128xf32, #tpu.memory_space<hbm>>
    %dma_start3A_2698 = arith.constant 0 : i32
    %dma_start3A_2699 = tpu.memref_slice %arg9[%add3A_2692, %dma_start3A_2698] : memref<16384x256xf32, #tpu.memory_space<hbm>> -> memref<64x128xf32, #tpu.memory_space<hbm>>
    %dma_start3A_2700 = arith.constant 0 : i32
    %dma_start3A_2701 = arith.constant 0 : i32
    %dma_start3A_2702 = tpu.memref_slice %arg24[%dma_start3A_2700, %dma_start3A_2701] : memref<128x128xf32, #tpu.memory_space<vmem>> -> memref<64x128xf32, #tpu.memory_space<vmem>>
    tpu.enqueue_dma source(%dma_start3A_2702 : memref<64x128xf32, #tpu.memory_space<vmem>>) target(%dma_start3A_2699 : memref<64x128xf32, #tpu.memory_space<hbm>>) target_semaphore(%arg36 : memref<!tpu.dma_semaphore, #tpu.memory_space<semaphore_mem>>)
    %dma_start3A_2703 = arith.constant 64 : i32
    %dma_start3A_2704 = arith.constant 0 : i32
    %dma_start3A_2705 = tpu.memref_slice %arg24[%dma_start3A_2703, %dma_start3A_2704] : memref<128x128xf32, #tpu.memory_space<vmem>> -> memref<64x128xf32, #tpu.memory_space<vmem>>
    %dma_start3A_2706 = arith.constant 128 : i32
    %dma_start3A_2707 = tpu.memref_slice %arg9[%add3A_2692, %dma_start3A_2706] : memref<16384x256xf32, #tpu.memory_space<hbm>> -> memref<64x128xf32, #tpu.memory_space<hbm>>
    %dma_start3A_2708 = arith.constant 128 : i32
    %dma_start3A_2709 = tpu.memref_slice %arg9[%add3A_2692, %dma_start3A_2708] : memref<16384x256xf32, #tpu.memory_space<hbm>> -> memref<64x128xf32, #tpu.memory_space<hbm>>
    %dma_start3A_2710 = arith.constant 64 : i32
    %dma_start3A_2711 = arith.constant 0 : i32
    %dma_start3A_2712 = tpu.memref_slice %arg24[%dma_start3A_2710, %dma_start3A_2711] : memref<128x128xf32, #tpu.memory_space<vmem>> -> memref<64x128xf32, #tpu.memory_space<vmem>>
    tpu.enqueue_dma source(%dma_start3A_2712 : memref<64x128xf32, #tpu.memory_space<vmem>>) target(%dma_start3A_2709 : memref<64x128xf32, #tpu.memory_space<hbm>>) target_semaphore(%arg36 : memref<!tpu.dma_semaphore, #tpu.memory_space<semaphore_mem>>)
    %dma_wait3A_2713 = arith.constant 0 : i32
    %dma_wait3A_2714 = arith.constant 0 : i32
    %dma_wait3A_2715 = tpu.memref_slice %arg10[%dma_wait3A_2713, %dma_wait3A_2714] : memref<1032x128xf32, #tpu.memory_space<vmem_shared>> -> memref<1032x128xf32, #tpu.memory_space<vmem_shared>>
    tpu.wait_indirect_dma semaphore(%arg31 : memref<!tpu.dma_semaphore, #tpu.memory_space<semaphore_mem>>) src(%dma_wait3A_2715 : memref<1032x128xf32, #tpu.memory_space<vmem_shared>>) dst(%arg25 : memref<128x128xf32, #tpu.memory_space<vmem>>)
    %add3A_2716 = arith.constant 384 : i32
    %add3A_2717 = arith.addi %mul3A_2, %add3A_2716 : i32
    %dma_start3A_2718 = arith.constant 0 : i32
    %dma_start3A_2719 = arith.constant 0 : i32
    %dma_start3A_2720 = tpu.memref_slice %arg25[%dma_start3A_2718, %dma_start3A_2719] : memref<128x128xf32, #tpu.memory_space<vmem>> -> memref<64x128xf32, #tpu.memory_space<vmem>>
    %dma_start3A_2721 = arith.constant 0 : i32
    %dma_start3A_2722 = tpu.memref_slice %arg9[%add3A_2717, %dma_start3A_2721] : memref<16384x256xf32, #tpu.memory_space<hbm>> -> memref<64x128xf32, #tpu.memory_space<hbm>>
    %dma_start3A_2723 = arith.constant 0 : i32
    %dma_start3A_2724 = tpu.memref_slice %arg9[%add3A_2717, %dma_start3A_2723] : memref<16384x256xf32, #tpu.memory_space<hbm>> -> memref<64x128xf32, #tpu.memory_space<hbm>>
    %dma_start3A_2725 = arith.constant 0 : i32
    %dma_start3A_2726 = arith.constant 0 : i32
    %dma_start3A_2727 = tpu.memref_slice %arg25[%dma_start3A_2725, %dma_start3A_2726] : memref<128x128xf32, #tpu.memory_space<vmem>> -> memref<64x128xf32, #tpu.memory_space<vmem>>
    tpu.enqueue_dma source(%dma_start3A_2727 : memref<64x128xf32, #tpu.memory_space<vmem>>) target(%dma_start3A_2724 : memref<64x128xf32, #tpu.memory_space<hbm>>) target_semaphore(%arg37 : memref<!tpu.dma_semaphore, #tpu.memory_space<semaphore_mem>>)
    %dma_start3A_2728 = arith.constant 64 : i32
    %dma_start3A_2729 = arith.constant 0 : i32
    %dma_start3A_2730 = tpu.memref_slice %arg25[%dma_start3A_2728, %dma_start3A_2729] : memref<128x128xf32, #tpu.memory_space<vmem>> -> memref<64x128xf32, #tpu.memory_space<vmem>>
    %dma_start3A_2731 = arith.constant 128 : i32
    %dma_start3A_2732 = tpu.memref_slice %arg9[%add3A_2717, %dma_start3A_2731] : memref<16384x256xf32, #tpu.memory_space<hbm>> -> memref<64x128xf32, #tpu.memory_space<hbm>>
    %dma_start3A_2733 = arith.constant 128 : i32
    %dma_start3A_2734 = tpu.memref_slice %arg9[%add3A_2717, %dma_start3A_2733] : memref<16384x256xf32, #tpu.memory_space<hbm>> -> memref<64x128xf32, #tpu.memory_space<hbm>>
    %dma_start3A_2735 = arith.constant 64 : i32
    %dma_start3A_2736 = arith.constant 0 : i32
    %dma_start3A_2737 = tpu.memref_slice %arg25[%dma_start3A_2735, %dma_start3A_2736] : memref<128x128xf32, #tpu.memory_space<vmem>> -> memref<64x128xf32, #tpu.memory_space<vmem>>
    tpu.enqueue_dma source(%dma_start3A_2737 : memref<64x128xf32, #tpu.memory_space<vmem>>) target(%dma_start3A_2734 : memref<64x128xf32, #tpu.memory_space<hbm>>) target_semaphore(%arg37 : memref<!tpu.dma_semaphore, #tpu.memory_space<semaphore_mem>>)
    %dma_wait3A_2738 = arith.constant 0 : i32
    %dma_wait3A_2739 = arith.constant 0 : i32
    %dma_wait3A_2740 = tpu.memref_slice %arg10[%dma_wait3A_2738, %dma_wait3A_2739] : memref<1032x128xf32, #tpu.memory_space<vmem_shared>> -> memref<1032x128xf32, #tpu.memory_space<vmem_shared>>
    tpu.wait_indirect_dma semaphore(%arg32 : memref<!tpu.dma_semaphore, #tpu.memory_space<semaphore_mem>>) src(%dma_wait3A_2740 : memref<1032x128xf32, #tpu.memory_space<vmem_shared>>) dst(%arg26 : memref<128x128xf32, #tpu.memory_space<vmem>>)
    %add3A_2741 = arith.constant 448 : i32
    %add3A_2742 = arith.addi %mul3A_2, %add3A_2741 : i32
    %dma_start3A_2743 = arith.constant 0 : i32
    %dma_start3A_2744 = arith.constant 0 : i32
    %dma_start3A_2745 = tpu.memref_slice %arg26[%dma_start3A_2743, %dma_start3A_2744] : memref<128x128xf32, #tpu.memory_space<vmem>> -> memref<64x128xf32, #tpu.memory_space<vmem>>
    %dma_start3A_2746 = arith.constant 0 : i32
    %dma_start3A_2747 = tpu.memref_slice %arg9[%add3A_2742, %dma_start3A_2746] : memref<16384x256xf32, #tpu.memory_space<hbm>> -> memref<64x128xf32, #tpu.memory_space<hbm>>
    %dma_start3A_2748 = arith.constant 0 : i32
    %dma_start3A_2749 = tpu.memref_slice %arg9[%add3A_2742, %dma_start3A_2748] : memref<16384x256xf32, #tpu.memory_space<hbm>> -> memref<64x128xf32, #tpu.memory_space<hbm>>
    %dma_start3A_2750 = arith.constant 0 : i32
    %dma_start3A_2751 = arith.constant 0 : i32
    %dma_start3A_2752 = tpu.memref_slice %arg26[%dma_start3A_2750, %dma_start3A_2751] : memref<128x128xf32, #tpu.memory_space<vmem>> -> memref<64x128xf32, #tpu.memory_space<vmem>>
    tpu.enqueue_dma source(%dma_start3A_2752 : memref<64x128xf32, #tpu.memory_space<vmem>>) target(%dma_start3A_2749 : memref<64x128xf32, #tpu.memory_space<hbm>>) target_semaphore(%arg38 : memref<!tpu.dma_semaphore, #tpu.memory_space<semaphore_mem>>)
    %dma_start3A_2753 = arith.constant 64 : i32
    %dma_start3A_2754 = arith.constant 0 : i32
    %dma_start3A_2755 = tpu.memref_slice %arg26[%dma_start3A_2753, %dma_start3A_2754] : memref<128x128xf32, #tpu.memory_space<vmem>> -> memref<64x128xf32, #tpu.memory_space<vmem>>
    %dma_start3A_2756 = arith.constant 128 : i32
    %dma_start3A_2757 = tpu.memref_slice %arg9[%add3A_2742, %dma_start3A_2756] : memref<16384x256xf32, #tpu.memory_space<hbm>> -> memref<64x128xf32, #tpu.memory_space<hbm>>
    %dma_start3A_2758 = arith.constant 128 : i32
    %dma_start3A_2759 = tpu.memref_slice %arg9[%add3A_2742, %dma_start3A_2758] : memref<16384x256xf32, #tpu.memory_space<hbm>> -> memref<64x128xf32, #tpu.memory_space<hbm>>
    %dma_start3A_2760 = arith.constant 64 : i32
    %dma_start3A_2761 = arith.constant 0 : i32
    %dma_start3A_2762 = tpu.memref_slice %arg26[%dma_start3A_2760, %dma_start3A_2761] : memref<128x128xf32, #tpu.memory_space<vmem>> -> memref<64x128xf32, #tpu.memory_space<vmem>>
    tpu.enqueue_dma source(%dma_start3A_2762 : memref<64x128xf32, #tpu.memory_space<vmem>>) target(%dma_start3A_2759 : memref<64x128xf32, #tpu.memory_space<hbm>>) target_semaphore(%arg38 : memref<!tpu.dma_semaphore, #tpu.memory_space<semaphore_mem>>)
    %dma_wait3A_2763 = arith.constant 0 : i32
    %dma_wait3A_2764 = arith.constant 0 : i32
    %dma_wait3A_2765 = tpu.memref_slice %arg27[%dma_wait3A_2763, %dma_wait3A_2764] : memref<128x128xf32, #tpu.memory_space<vmem>> -> memref<64x128xf32, #tpu.memory_space<vmem>>
    %dma_wait3A_2766 = arith.constant 0 : i32
    %dma_wait3A_2767 = tpu.memref_slice %arg9[%add3A_2315, %dma_wait3A_2766] : memref<16384x256xf32, #tpu.memory_space<hbm>> -> memref<64x128xf32, #tpu.memory_space<hbm>>
    %dma_wait3A_2768 = arith.constant 0 : i32
    %dma_wait3A_2769 = tpu.memref_slice %arg9[%add3A_2315, %dma_wait3A_2768] : memref<16384x256xf32, #tpu.memory_space<hbm>> -> memref<64x128xf32, #tpu.memory_space<hbm>>
    %dma_wait3A_2770 = arith.constant 0 : i32
    %dma_wait3A_2771 = arith.constant 0 : i32
    %dma_wait3A_2772 = tpu.memref_slice %arg27[%dma_wait3A_2770, %dma_wait3A_2771] : memref<128x128xf32, #tpu.memory_space<vmem>> -> memref<64x128xf32, #tpu.memory_space<vmem>>
    tpu.wait_dma2 semaphore(%arg39 : memref<!tpu.dma_semaphore, #tpu.memory_space<semaphore_mem>>) src(%dma_wait3A_2772 : memref<64x128xf32, #tpu.memory_space<vmem>>) dst(%dma_wait3A_2769 : memref<64x128xf32, #tpu.memory_space<hbm>>)
    %dma_wait3A_2773 = arith.constant 64 : i32
    %dma_wait3A_2774 = arith.constant 0 : i32
    %dma_wait3A_2775 = tpu.memref_slice %arg27[%dma_wait3A_2773, %dma_wait3A_2774] : memref<128x128xf32, #tpu.memory_space<vmem>> -> memref<64x128xf32, #tpu.memory_space<vmem>>
    %dma_wait3A_2776 = arith.constant 128 : i32
    %dma_wait3A_2777 = tpu.memref_slice %arg9[%add3A_2315, %dma_wait3A_2776] : memref<16384x256xf32, #tpu.memory_space<hbm>> -> memref<64x128xf32, #tpu.memory_space<hbm>>
    %dma_wait3A_2778 = arith.constant 128 : i32
    %dma_wait3A_2779 = tpu.memref_slice %arg9[%add3A_2315, %dma_wait3A_2778] : memref<16384x256xf32, #tpu.memory_space<hbm>> -> memref<64x128xf32, #tpu.memory_space<hbm>>
    %dma_wait3A_2780 = arith.constant 64 : i32
    %dma_wait3A_2781 = arith.constant 0 : i32
    %dma_wait3A_2782 = tpu.memref_slice %arg27[%dma_wait3A_2780, %dma_wait3A_2781] : memref<128x128xf32, #tpu.memory_space<vmem>> -> memref<64x128xf32, #tpu.memory_space<vmem>>
    tpu.wait_dma2 semaphore(%arg39 : memref<!tpu.dma_semaphore, #tpu.memory_space<semaphore_mem>>) src(%dma_wait3A_2782 : memref<64x128xf32, #tpu.memory_space<vmem>>) dst(%dma_wait3A_2779 : memref<64x128xf32, #tpu.memory_space<hbm>>)
    %dma_wait3A_2783 = arith.constant 0 : i32
    %dma_wait3A_2784 = arith.constant 0 : i32
    %dma_wait3A_2785 = tpu.memref_slice %arg28[%dma_wait3A_2783, %dma_wait3A_2784] : memref<128x128xf32, #tpu.memory_space<vmem>> -> memref<64x128xf32, #tpu.memory_space<vmem>>
    %dma_wait3A_2786 = arith.constant 0 : i32
    %dma_wait3A_2787 = tpu.memref_slice %arg9[%add3A_2491, %dma_wait3A_2786] : memref<16384x256xf32, #tpu.memory_space<hbm>> -> memref<64x128xf32, #tpu.memory_space<hbm>>
    %dma_wait3A_2788 = arith.constant 0 : i32
    %dma_wait3A_2789 = tpu.memref_slice %arg9[%add3A_2491, %dma_wait3A_2788] : memref<16384x256xf32, #tpu.memory_space<hbm>> -> memref<64x128xf32, #tpu.memory_space<hbm>>
    %dma_wait3A_2790 = arith.constant 0 : i32
    %dma_wait3A_2791 = arith.constant 0 : i32
    %dma_wait3A_2792 = tpu.memref_slice %arg28[%dma_wait3A_2790, %dma_wait3A_2791] : memref<128x128xf32, #tpu.memory_space<vmem>> -> memref<64x128xf32, #tpu.memory_space<vmem>>
    tpu.wait_dma2 semaphore(%arg40 : memref<!tpu.dma_semaphore, #tpu.memory_space<semaphore_mem>>) src(%dma_wait3A_2792 : memref<64x128xf32, #tpu.memory_space<vmem>>) dst(%dma_wait3A_2789 : memref<64x128xf32, #tpu.memory_space<hbm>>)
    %dma_wait3A_2793 = arith.constant 64 : i32
    %dma_wait3A_2794 = arith.constant 0 : i32
    %dma_wait3A_2795 = tpu.memref_slice %arg28[%dma_wait3A_2793, %dma_wait3A_2794] : memref<128x128xf32, #tpu.memory_space<vmem>> -> memref<64x128xf32, #tpu.memory_space<vmem>>
    %dma_wait3A_2796 = arith.constant 128 : i32
    %dma_wait3A_2797 = tpu.memref_slice %arg9[%add3A_2491, %dma_wait3A_2796] : memref<16384x256xf32, #tpu.memory_space<hbm>> -> memref<64x128xf32, #tpu.memory_space<hbm>>
    %dma_wait3A_2798 = arith.constant 128 : i32
    %dma_wait3A_2799 = tpu.memref_slice %arg9[%add3A_2491, %dma_wait3A_2798] : memref<16384x256xf32, #tpu.memory_space<hbm>> -> memref<64x128xf32, #tpu.memory_space<hbm>>
    %dma_wait3A_2800 = arith.constant 64 : i32
    %dma_wait3A_2801 = arith.constant 0 : i32
    %dma_wait3A_2802 = tpu.memref_slice %arg28[%dma_wait3A_2800, %dma_wait3A_2801] : memref<128x128xf32, #tpu.memory_space<vmem>> -> memref<64x128xf32, #tpu.memory_space<vmem>>
    tpu.wait_dma2 semaphore(%arg40 : memref<!tpu.dma_semaphore, #tpu.memory_space<semaphore_mem>>) src(%dma_wait3A_2802 : memref<64x128xf32, #tpu.memory_space<vmem>>) dst(%dma_wait3A_2799 : memref<64x128xf32, #tpu.memory_space<hbm>>)
    %dma_wait3A_2803 = arith.constant 0 : i32
    %dma_wait3A_2804 = arith.constant 0 : i32
    %dma_wait3A_2805 = tpu.memref_slice %arg23[%dma_wait3A_2803, %dma_wait3A_2804] : memref<128x128xf32, #tpu.memory_space<vmem>> -> memref<64x128xf32, #tpu.memory_space<vmem>>
    %dma_wait3A_2806 = arith.constant 0 : i32
    %dma_wait3A_2807 = tpu.memref_slice %arg9[%add3A_2667, %dma_wait3A_2806] : memref<16384x256xf32, #tpu.memory_space<hbm>> -> memref<64x128xf32, #tpu.memory_space<hbm>>
    %dma_wait3A_2808 = arith.constant 0 : i32
    %dma_wait3A_2809 = tpu.memref_slice %arg9[%add3A_2667, %dma_wait3A_2808] : memref<16384x256xf32, #tpu.memory_space<hbm>> -> memref<64x128xf32, #tpu.memory_space<hbm>>
    %dma_wait3A_2810 = arith.constant 0 : i32
    %dma_wait3A_2811 = arith.constant 0 : i32
    %dma_wait3A_2812 = tpu.memref_slice %arg23[%dma_wait3A_2810, %dma_wait3A_2811] : memref<128x128xf32, #tpu.memory_space<vmem>> -> memref<64x128xf32, #tpu.memory_space<vmem>>
    tpu.wait_dma2 semaphore(%arg35 : memref<!tpu.dma_semaphore, #tpu.memory_space<semaphore_mem>>) src(%dma_wait3A_2812 : memref<64x128xf32, #tpu.memory_space<vmem>>) dst(%dma_wait3A_2809 : memref<64x128xf32, #tpu.memory_space<hbm>>)
    %dma_wait3A_2813 = arith.constant 64 : i32
    %dma_wait3A_2814 = arith.constant 0 : i32
    %dma_wait3A_2815 = tpu.memref_slice %arg23[%dma_wait3A_2813, %dma_wait3A_2814] : memref<128x128xf32, #tpu.memory_space<vmem>> -> memref<64x128xf32, #tpu.memory_space<vmem>>
    %dma_wait3A_2816 = arith.constant 128 : i32
    %dma_wait3A_2817 = tpu.memref_slice %arg9[%add3A_2667, %dma_wait3A_2816] : memref<16384x256xf32, #tpu.memory_space<hbm>> -> memref<64x128xf32, #tpu.memory_space<hbm>>
    %dma_wait3A_2818 = arith.constant 128 : i32
    %dma_wait3A_2819 = tpu.memref_slice %arg9[%add3A_2667, %dma_wait3A_2818] : memref<16384x256xf32, #tpu.memory_space<hbm>> -> memref<64x128xf32, #tpu.memory_space<hbm>>
    %dma_wait3A_2820 = arith.constant 64 : i32
    %dma_wait3A_2821 = arith.constant 0 : i32
    %dma_wait3A_2822 = tpu.memref_slice %arg23[%dma_wait3A_2820, %dma_wait3A_2821] : memref<128x128xf32, #tpu.memory_space<vmem>> -> memref<64x128xf32, #tpu.memory_space<vmem>>
    tpu.wait_dma2 semaphore(%arg35 : memref<!tpu.dma_semaphore, #tpu.memory_space<semaphore_mem>>) src(%dma_wait3A_2822 : memref<64x128xf32, #tpu.memory_space<vmem>>) dst(%dma_wait3A_2819 : memref<64x128xf32, #tpu.memory_space<hbm>>)
    %dma_wait3A_2823 = arith.constant 0 : i32
    %dma_wait3A_2824 = arith.constant 0 : i32
    %dma_wait3A_2825 = tpu.memref_slice %arg24[%dma_wait3A_2823, %dma_wait3A_2824] : memref<128x128xf32, #tpu.memory_space<vmem>> -> memref<64x128xf32, #tpu.memory_space<vmem>>
    %dma_wait3A_2826 = arith.constant 0 : i32
    %dma_wait3A_2827 = tpu.memref_slice %arg9[%add3A_2692, %dma_wait3A_2826] : memref<16384x256xf32, #tpu.memory_space<hbm>> -> memref<64x128xf32, #tpu.memory_space<hbm>>
    %dma_wait3A_2828 = arith.constant 0 : i32
    %dma_wait3A_2829 = tpu.memref_slice %arg9[%add3A_2692, %dma_wait3A_2828] : memref<16384x256xf32, #tpu.memory_space<hbm>> -> memref<64x128xf32, #tpu.memory_space<hbm>>
    %dma_wait3A_2830 = arith.constant 0 : i32
    %dma_wait3A_2831 = arith.constant 0 : i32
    %dma_wait3A_2832 = tpu.memref_slice %arg24[%dma_wait3A_2830, %dma_wait3A_2831] : memref<128x128xf32, #tpu.memory_space<vmem>> -> memref<64x128xf32, #tpu.memory_space<vmem>>
    tpu.wait_dma2 semaphore(%arg36 : memref<!tpu.dma_semaphore, #tpu.memory_space<semaphore_mem>>) src(%dma_wait3A_2832 : memref<64x128xf32, #tpu.memory_space<vmem>>) dst(%dma_wait3A_2829 : memref<64x128xf32, #tpu.memory_space<hbm>>)
    %dma_wait3A_2833 = arith.constant 64 : i32
    %dma_wait3A_2834 = arith.constant 0 : i32
    %dma_wait3A_2835 = tpu.memref_slice %arg24[%dma_wait3A_2833, %dma_wait3A_2834] : memref<128x128xf32, #tpu.memory_space<vmem>> -> memref<64x128xf32, #tpu.memory_space<vmem>>
    %dma_wait3A_2836 = arith.constant 128 : i32
    %dma_wait3A_2837 = tpu.memref_slice %arg9[%add3A_2692, %dma_wait3A_2836] : memref<16384x256xf32, #tpu.memory_space<hbm>> -> memref<64x128xf32, #tpu.memory_space<hbm>>
    %dma_wait3A_2838 = arith.constant 128 : i32
    %dma_wait3A_2839 = tpu.memref_slice %arg9[%add3A_2692, %dma_wait3A_2838] : memref<16384x256xf32, #tpu.memory_space<hbm>> -> memref<64x128xf32, #tpu.memory_space<hbm>>
    %dma_wait3A_2840 = arith.constant 64 : i32
    %dma_wait3A_2841 = arith.constant 0 : i32
    %dma_wait3A_2842 = tpu.memref_slice %arg24[%dma_wait3A_2840, %dma_wait3A_2841] : memref<128x128xf32, #tpu.memory_space<vmem>> -> memref<64x128xf32, #tpu.memory_space<vmem>>
    tpu.wait_dma2 semaphore(%arg36 : memref<!tpu.dma_semaphore, #tpu.memory_space<semaphore_mem>>) src(%dma_wait3A_2842 : memref<64x128xf32, #tpu.memory_space<vmem>>) dst(%dma_wait3A_2839 : memref<64x128xf32, #tpu.memory_space<hbm>>)
    %dma_wait3A_2843 = arith.constant 0 : i32
    %dma_wait3A_2844 = arith.constant 0 : i32
    %dma_wait3A_2845 = tpu.memref_slice %arg25[%dma_wait3A_2843, %dma_wait3A_2844] : memref<128x128xf32, #tpu.memory_space<vmem>> -> memref<64x128xf32, #tpu.memory_space<vmem>>
    %dma_wait3A_2846 = arith.constant 0 : i32
    %dma_wait3A_2847 = tpu.memref_slice %arg9[%add3A_2717, %dma_wait3A_2846] : memref<16384x256xf32, #tpu.memory_space<hbm>> -> memref<64x128xf32, #tpu.memory_space<hbm>>
    %dma_wait3A_2848 = arith.constant 0 : i32
    %dma_wait3A_2849 = tpu.memref_slice %arg9[%add3A_2717, %dma_wait3A_2848] : memref<16384x256xf32, #tpu.memory_space<hbm>> -> memref<64x128xf32, #tpu.memory_space<hbm>>
    %dma_wait3A_2850 = arith.constant 0 : i32
    %dma_wait3A_2851 = arith.constant 0 : i32
    %dma_wait3A_2852 = tpu.memref_slice %arg25[%dma_wait3A_2850, %dma_wait3A_2851] : memref<128x128xf32, #tpu.memory_space<vmem>> -> memref<64x128xf32, #tpu.memory_space<vmem>>
    tpu.wait_dma2 semaphore(%arg37 : memref<!tpu.dma_semaphore, #tpu.memory_space<semaphore_mem>>) src(%dma_wait3A_2852 : memref<64x128xf32, #tpu.memory_space<vmem>>) dst(%dma_wait3A_2849 : memref<64x128xf32, #tpu.memory_space<hbm>>)
    %dma_wait3A_2853 = arith.constant 64 : i32
    %dma_wait3A_2854 = arith.constant 0 : i32
    %dma_wait3A_2855 = tpu.memref_slice %arg25[%dma_wait3A_2853, %dma_wait3A_2854] : memref<128x128xf32, #tpu.memory_space<vmem>> -> memref<64x128xf32, #tpu.memory_space<vmem>>
    %dma_wait3A_2856 = arith.constant 128 : i32
    %dma_wait3A_2857 = tpu.memref_slice %arg9[%add3A_2717, %dma_wait3A_2856] : memref<16384x256xf32, #tpu.memory_space<hbm>> -> memref<64x128xf32, #tpu.memory_space<hbm>>
    %dma_wait3A_2858 = arith.constant 128 : i32
    %dma_wait3A_2859 = tpu.memref_slice %arg9[%add3A_2717, %dma_wait3A_2858] : memref<16384x256xf32, #tpu.memory_space<hbm>> -> memref<64x128xf32, #tpu.memory_space<hbm>>
    %dma_wait3A_2860 = arith.constant 64 : i32
    %dma_wait3A_2861 = arith.constant 0 : i32
    %dma_wait3A_2862 = tpu.memref_slice %arg25[%dma_wait3A_2860, %dma_wait3A_2861] : memref<128x128xf32, #tpu.memory_space<vmem>> -> memref<64x128xf32, #tpu.memory_space<vmem>>
    tpu.wait_dma2 semaphore(%arg37 : memref<!tpu.dma_semaphore, #tpu.memory_space<semaphore_mem>>) src(%dma_wait3A_2862 : memref<64x128xf32, #tpu.memory_space<vmem>>) dst(%dma_wait3A_2859 : memref<64x128xf32, #tpu.memory_space<hbm>>)
    %dma_wait3A_2863 = arith.constant 0 : i32
    %dma_wait3A_2864 = arith.constant 0 : i32
    %dma_wait3A_2865 = tpu.memref_slice %arg26[%dma_wait3A_2863, %dma_wait3A_2864] : memref<128x128xf32, #tpu.memory_space<vmem>> -> memref<64x128xf32, #tpu.memory_space<vmem>>
    %dma_wait3A_2866 = arith.constant 0 : i32
    %dma_wait3A_2867 = tpu.memref_slice %arg9[%add3A_2742, %dma_wait3A_2866] : memref<16384x256xf32, #tpu.memory_space<hbm>> -> memref<64x128xf32, #tpu.memory_space<hbm>>
    %dma_wait3A_2868 = arith.constant 0 : i32
    %dma_wait3A_2869 = tpu.memref_slice %arg9[%add3A_2742, %dma_wait3A_2868] : memref<16384x256xf32, #tpu.memory_space<hbm>> -> memref<64x128xf32, #tpu.memory_space<hbm>>
    %dma_wait3A_2870 = arith.constant 0 : i32
    %dma_wait3A_2871 = arith.constant 0 : i32
    %dma_wait3A_2872 = tpu.memref_slice %arg26[%dma_wait3A_2870, %dma_wait3A_2871] : memref<128x128xf32, #tpu.memory_space<vmem>> -> memref<64x128xf32, #tpu.memory_space<vmem>>
    tpu.wait_dma2 semaphore(%arg38 : memref<!tpu.dma_semaphore, #tpu.memory_space<semaphore_mem>>) src(%dma_wait3A_2872 : memref<64x128xf32, #tpu.memory_space<vmem>>) dst(%dma_wait3A_2869 : memref<64x128xf32, #tpu.memory_space<hbm>>)
    %dma_wait3A_2873 = arith.constant 64 : i32
    %dma_wait3A_2874 = arith.constant 0 : i32
    %dma_wait3A_2875 = tpu.memref_slice %arg26[%dma_wait3A_2873, %dma_wait3A_2874] : memref<128x128xf32, #tpu.memory_space<vmem>> -> memref<64x128xf32, #tpu.memory_space<vmem>>
    %dma_wait3A_2876 = arith.constant 128 : i32
    %dma_wait3A_2877 = tpu.memref_slice %arg9[%add3A_2742, %dma_wait3A_2876] : memref<16384x256xf32, #tpu.memory_space<hbm>> -> memref<64x128xf32, #tpu.memory_space<hbm>>
    %dma_wait3A_2878 = arith.constant 128 : i32
    %dma_wait3A_2879 = tpu.memref_slice %arg9[%add3A_2742, %dma_wait3A_2878] : memref<16384x256xf32, #tpu.memory_space<hbm>> -> memref<64x128xf32, #tpu.memory_space<hbm>>
    %dma_wait3A_2880 = arith.constant 64 : i32
    %dma_wait3A_2881 = arith.constant 0 : i32
    %dma_wait3A_2882 = tpu.memref_slice %arg26[%dma_wait3A_2880, %dma_wait3A_2881] : memref<128x128xf32, #tpu.memory_space<vmem>> -> memref<64x128xf32, #tpu.memory_space<vmem>>
    tpu.wait_dma2 semaphore(%arg38 : memref<!tpu.dma_semaphore, #tpu.memory_space<semaphore_mem>>) src(%dma_wait3A_2882 : memref<64x128xf32, #tpu.memory_space<vmem>>) dst(%dma_wait3A_2879 : memref<64x128xf32, #tpu.memory_space<hbm>>)
    return
  }
}

module attributes {stable_mosaic.version = 14 : i64} {
  func.func @_proj_body(%arg0: i32, %arg1: memref<512x768xf32, #tpu.memory_space<vmem>>, %arg2: memref<768x128xf32, #tpu.memory_space<vmem>>, %arg3: memref<1x128xf32, #tpu.memory_space<vmem>>, %arg4: memref<512x128xf32, #tpu.memory_space<vmem>>) attributes {dimension_semantics = [#tpu.dimension_semantics<arbitrary>], iteration_bounds = array<i64: 2>, scalar_prefetch = 0 : i64, scratch_operands = 0 : i64, tpu.core_type = #tpu.core_type<tc>, window_params = [{transform_indices = @transform_0, window_bounds = array<i64: 512, 768>}, {pipeline_mode = #tpu.pipeline_mode<synchronous>, transform_indices = @transform_1, window_bounds = array<i64: 768, 128>}, {pipeline_mode = #tpu.pipeline_mode<synchronous>, transform_indices = @transform_2, window_bounds = array<i64: 1, 128>}, {transform_indices = @transform_3, window_bounds = array<i64: 512, 128>}]} {
    %get3A = arith.constant 0 : index
    %get3A_0 = arith.constant 0 : index
    %get3A_1 = vector.load %arg1[%get3A, %get3A_0] : memref<512x768xf32, #tpu.memory_space<vmem>>, vector<512x768xf32>
    %get3A_2 = arith.constant 0 : index
    %get3A_3 = arith.constant 0 : index
    %get3A_4 = vector.load %arg2[%get3A_2, %get3A_3] : memref<768x128xf32, #tpu.memory_space<vmem>>, vector<768x128xf32>
    %dot_general3A = arith.constant dense<0.000000e+00> : vector<512x128xf32>
    %dot_general3A_5 = tpu.matmul %get3A_1, %get3A_4, %dot_general3A {dimension_numbers = #tpu.dot_dimension_numbers<[1], [0], [0], [1], [0, 0, 1, 1], [], []>, transpose_lhs_hint = false} : vector<512x768xf32>, vector<768x128xf32>, vector<512x128xf32> -> vector<512x128xf32>
    %get3A_6 = arith.constant 0 : index
    %get3A_7 = arith.constant 0 : index
    %get3A_8 = vector.load %arg3[%get3A_6, %get3A_7] : memref<1x128xf32, #tpu.memory_space<vmem>>, vector<1x128xf32>
    %add3A = vector.broadcast %get3A_8 : vector<1x128xf32> to vector<512x128xf32>
    %add3A_9 = arith.addf %dot_general3A_5, %add3A : vector<512x128xf32>
    %swap3A = arith.constant 0 : index
    %swap3A_10 = arith.constant 0 : index
    %swap3A_11 = vector.load %arg4[%swap3A, %swap3A_10] : memref<512x128xf32, #tpu.memory_space<vmem>>, vector<512x128xf32>
    tpu.vector_store %arg4[%swap3A, %swap3A_10], %add3A_9 {strides = array<i32>} : memref<512x128xf32, #tpu.memory_space<vmem>>, vector<512x128xf32>,
    return
  }
  func.func @transform_0(%arg0: i32) -> (i32, i32) {
    %c0_i32 = arith.constant 0 : i32
    %c0_i32_0 = arith.constant 0 : i32
    return %arg0, %c0_i32 : i32, i32
  }
  func.func @transform_1(%arg0: i32) -> (i32, i32) {
    %c0_i32 = arith.constant 0 : i32
    %c0_i32_0 = arith.constant 0 : i32
    %c0_i32_1 = arith.constant 0 : i32
    return %c0_i32, %c0_i32_0 : i32, i32
  }
  func.func @transform_2(%arg0: i32) -> (i32, i32) {
    %c0_i32 = arith.constant 0 : i32
    %c0_i32_0 = arith.constant 0 : i32
    %c0_i32_1 = arith.constant 0 : i32
    return %c0_i32, %c0_i32_0 : i32, i32
  }
  func.func @transform_3(%arg0: i32) -> (i32, i32) {
    %c0_i32 = arith.constant 0 : i32
    %c0_i32_0 = arith.constant 0 : i32
    return %arg0, %c0_i32 : i32, i32
  }
}

</mosaic_0001>

<sc_bundles>
// kernel: kernel.4.cloned.1.call-start
scs
__scs_entry_jumppad:
0x0: {  	(pc) =	sbr.rel $0x88, $3  }
0x1: {  	(tag) =	ssettag $0x0;
	lr =	simm.s32 $0x1  }
0x2: {  	[smem:$0x3F99] =	sst lr;
	_ =	strace $0xD0000000  }
0x3: {  	_ = 	snop  }
0x4: {  	_ = 	snop  }
0x5: {  	_ = 	snop  }
0x6: {  	_ = 	snop  }
0x7: {  	_ = 	snop  }
__scs_overlays_trampoline_lowered:
0x8: {  	[smem:$0x3FA8] =	sst s0  }
0x9: {  	[smem:$0x3FA9] =	sst s1  }
0xa: {  	[smem:$0x3FAA] =	sst s2  }
0xb: {  	[smem:$0x3FAB] =	sst s3  }
0xc: {  	[smem:$0x3FAC] =	sst s4  }
0xd: {  	[smem:$0x3FAD] =	sst s5  }
0xe: {  	[smem:$0x3FAE] =	sst s6  }
0xf: {  	[smem:$0x3FAF] =	sst s7  }
0x10: {  	[smem:$0x3FB0] =	sst s8  }
0x11: {  	[smem:$0x3FB1] =	sst s9;
	s0 =	simm.s32 @!p0 $0x0  }
0x12: {  	s1 =	sld [smem:$0x3F97];
	s0 =	simm.s32 @p0 $0x1  }
0x13: {  	[smem:$0x3FB2] =	sst s0;
	s0 =	simm.s32 @!p1 $0x0  }
0x14: {  	s2 =	sld [smem:$0x3F96];
	s0 =	simm.s32 @p1 $0x1  }
0x15: {  	[smem:$0x3FB3] =	sst s0;
	s0 =	simm.s32 @!p2 $0x0  }
0x16: {  	s3 =	sld [smem:$0x3FDB];
	s0 =	simm.s32 @p2 $0x1  }
0x17: {  	s4 =	simm.s32 $0x1BF5;
	[smem:$0x3FB5] =	sst s0  }
0x18: {  	s0 =	sld [smem:$0x3F98];
	_ =	swait.ge [sflag:s4], $0x0  }
0x19: {  	s7 =	sld [smem:$0x3F99]  }
0x1a: {  	s8 =	sadd.s32 $0xFFFFE003, lr  }
0x1b: {  	s9 =	sadd.s32 $0xFFFFFEF7, lr;
	s5 =	simm.s32 $0xFFFFFFFF;
	p2 =	slt.u32 s8, $0xFFFFF086  }
0x1c: {  	p1 =	slt.u32 s9, $0xF7A;
	s5 =	simm.s32 @!p2 $0x0  }
0x1d: {  	s5 =	simm.s32 @p1 $0x1;
	p0 =	seq.s32 s7, s2  }
0x1e: {  	s7 =	smul.u32 @!p0 $0xF7A, s2;
	p2 =	seq.s32 @!p0 s5, $0x0  }
0x1f: {  	s9 =	smul.u32 $0xF7A, s1;
	s8 =	simm.s32 @!p0 $0x1BF5;
	p2 =	por !p2, p0  }
0x20: {  	[sflag:s8] =	ssyncset.s32 @!p0 $0xFFFFF086;
	s6 =	sadd.s32 @!p0 s3, s7;
	s7 =	simm.s32 @!p0 $0x108  }
0x21: {  	s3 =	sadd.s32 s3, s9;
	s6 =	sadd.s32 @!p0 $0x88, s6;
	s7 =	simm.s32 @p2 $0x1082  }
0x22: {  	[simem:s7], [sflag:s8] =	dma.local @!p0 [hbm:s6], $0xF7A  }
0x23: {  	s9 =	sor.u32 $0xD0000000, s2;
	s6 =	simm.s32 $0x108;
	_ =	swait.ge @!p0 [sflag:s8], $0x0  }
0x24: {  	s3 =	sadd.s32 $0x88, s3;
	s6 =	simm.s32 @!p1 $0x1082;
	[sflag:s4] =	ssyncset.s32 $0xFFFFF086  }
0x25: {  	[simem:s6], [sflag:s4] =	dma.local [hbm:s3], $0xF7A  }
0x26: {  	[smem:$0x3F99] =	sst s1;
	(tag) =	ssettag s2;
	_ =	strace s9  }
0x27: {  	s1 =	sld [smem:$0x3FA9]  }
0x28: {  	s2 =	sld [smem:$0x3FAA]  }
0x29: {  	s4 =	sld [smem:$0x3FAC]  }
0x2a: {  	p0 =	seq.s32 s5, $0x0;
	s5 =	sld [smem:$0x3FAD]  }
0x2b: {  	s6 =	sld [smem:$0x3FAE]  }
0x2c: {  	s7 =	sld [smem:$0x3FAF]  }
0x2d: {  	s3 =	simm.s32 $0x108;
	s8 =	sld [smem:$0x3FB0]  }
0x2e: {  	s3 =	simm.s32 @!p0 $0x1082;
	s9 =	sld [smem:$0x3FB1]  }
0x2f: {  	lr =	sadd.s32 s0, s3;
	s0 =	sld [smem:$0x3FA8]  }
0x30: {  	s3 =	sld [smem:$0x3FAB]  }
0x31: {  	[smem:$0x3FB4] =	sst s10  }
0x32: {  	s10 =	sld [smem:$0x3FB2];
	_ =	sdelay $0x3  }
0x33: {  	p0 =	seq.s32 s10, $0x1;
	s10 =	sld [smem:$0x3FB4];
	_ =	sdelay $0x3  }
0x34: {  	[smem:$0x3FB4] =	sst s10  }
0x35: {  	s10 =	sld [smem:$0x3FB3];
	_ =	sdelay $0x3  }
0x36: {  	p1 =	seq.s32 s10, $0x1;
	s10 =	sld [smem:$0x3FB4];
	_ =	sdelay $0x3  }
0x37: {  	[smem:$0x3FB4] =	sst s10  }
0x38: {  	s10 =	sld [smem:$0x3FB5]  }
0x39: {  	_ = 	snop;
	(pc) =	sbr.ind lr, $3  }
0x3a: {  	_ = 	snop  }
0x3b: {  	_ = 	snop  }
0x3c: {  	p2 =	seq.s32 s10, $0x1;
	s10 =	sld [smem:$0x3FB4]  }
0x3d: {  	_ =	shalt  }
0x3e: {  	_ =	shalt  }
0x3f: {  	_ =	shalt  }
0x40: {  	_ =	shalt  }
0x41: {  	_ =	shalt  }
0x42: {  	_ =	shalt  }
0x43: {  	_ =	shalt  }
0x44: {  	_ =	shalt  }
0x45: {  	_ =	shalt  }
0x46: {  	_ =	shalt  }
0x47: {  	_ =	shalt  }
0x48: {  	_ =	shalt  }
0x49: {  	_ =	shalt  }
0x4a: {  	_ =	shalt  }
0x4b: {  	_ =	shalt  }
0x4c: {  	_ =	shalt  }
0x4d: {  	_ =	shalt  }
0x4e: {  	_ =	shalt  }
0x4f: {  	_ =	shalt  }
0x50: {  	_ =	shalt  }
0x51: {  	_ =	shalt  }
0x52: {  	_ =	shalt  }
0x53: {  	_ =	shalt  }
0x54: {  	_ =	shalt  }
0x55: {  	_ =	shalt  }
0x56: {  	_ =	shalt  }
0x57: {  	_ =	shalt  }
0x58: {  	_ =	shalt  }
0x59: {  	_ =	shalt  }
0x5a: {  	_ =	shalt  }
0x5b: {  	_ =	shalt  }
0x5c: {  	_ =	shalt  }
0x5d: {  	_ =	shalt  }
0x5e: {  	_ =	shalt  }
0x5f: {  	_ =	shalt  }
0x60: {  	_ =	shalt  }
0x61: {  	_ =	shalt  }
0x62: {  	_ =	shalt  }
0x63: {  	_ =	shalt  }
0x64: {  	_ =	shalt  }
0x65: {  	_ =	shalt  }
0x66: {  	_ =	shalt  }
0x67: {  	_ =	shalt  }
0x68: {  	_ =	shalt  }
0x69: {  	_ =	shalt  }
0x6a: {  	_ =	shalt  }
0x6b: {  	_ =	shalt  }
0x6c: {  	_ =	shalt  }
0x6d: {  	_ =	shalt  }
0x6e: {  	_ =	shalt  }
0x6f: {  	_ =	shalt  }
0x70: {  	_ =	shalt  }
0x71: {  	_ =	shalt  }
0x72: {  	_ =	shalt  }
0x73: {  	_ =	shalt  }
0x74: {  	_ =	shalt  }
0x75: {  	_ =	shalt  }
0x76: {  	_ =	shalt  }
0x77: {  	_ =	shalt  }
0x78: {  	_ =	shalt  }
0x79: {  	_ =	shalt  }
0x7a: {  	_ =	shalt  }
0x7b: {  	_ =	shalt  }
0x7c: {  	_ =	shalt  }
0x7d: {  	_ =	shalt  }
0x7e: {  	_ =	shalt  }
0x7f: {  	_ =	shalt  }
0x80: {  	_ =	shalt  }
0x81: {  	_ =	shalt  }
0x82: {  	_ =	shalt  }
0x83: {  	_ =	shalt  }
0x84: {  	_ =	shalt  }
0x85: {  	_ =	shalt  }
0x86: {  	_ =	shalt  }
0x87: {  	_ =	shalt  }
.Lfunc_end0:
.L_simem_size_0:
called_computation_lowered:
.L_overlay_start_0:
0x88: {  	s2 =	sld [smem:$0x3FD9]  }
0x89: {  	s3 =	sld [smem:$0x3FFE];
	_ =	sdelay $0x1  }
0x8a: {  	s1 =	srdreg.scid  }
0x8b: {  	s0 =	sand.u32 $0x1, s1  }
0x8c: {  	s14 =	sshll.u32 s0, $0xA;
	s2 =	sadd.s32 s3, s2  }
0x8d: {  	s2 =	sadd.s32 s2, s14  }
0x8e: {  	[smem:$0x3FC0] =	sst s2  }
0x8f: {  	_ = 	snop  }
0x90: {  	s2 =	sld [smem:$0x3FC8]  }
0x91: {  	s15 =	sld [smem:$0x3FC7]  }
0x92: {  	s4 =	sld [smem:$0x3FD0]  }
0x93: {  	s5 =	sld [smem:$0x3FC6]  }
0x94: {  	s6 =	sld [smem:$0x3FC5]  }
0x95: {  	s8 =	simm.s32 $0xA;
	s9 =	simm.s32 $0x10;
	s7 =	sld [smem:$0x3FC4]  }
0x96: {  	[smem:s9], [sflag:s8] =	dma.local [hbm:s4], $0x1  }
0x97: {  	_ =	swait.eq [sflag:s8], $0x1  }
0x98: {  	[sflag:s8] =	ssyncset.done $0x0  }
0x99: {  	s16 =	sld [smem:$0x10];
	[sflag:s8] =	ssyncadd.s32 $0xFFFFFFFF  }
0x9a: {  	s17 =	sld [smem:$0x11];
	(tm) =	ssettm $0x1  }
0x9b: {  	s18 =	sld [smem:$0x3FFB];
	_ =	sdelay $0x3  }
0x9c: {  	_ =	strace s18  }
0x9d: {  	s9 =	sld [smem:$0x3FFC];
	_ =	sdelay $0x3  }
0x9e: {  	_ =	strace s9  }
0x9f: {  	s9 =	sld [smem:$0x3FFD];
	_ =	sdelay $0x3  }
0xa0: {  	_ =	strace s9  }
0xa1: {  	_ =	strace $0x8FFFFFFF  }
0xa2: {  	s19 =	sld [smem:$0x3FDB];
	_ =	sdelay $0x1  }
0xa3: {  	s10 =	simm.s32 $_scs_section_size  }
0xa4: {  	s11 =	simm.s32 $_size__tile_overlayer_lowered;
	s12 =	simm.s32 $_tile_overlayer_lowered  }
0xa5: {  	s22 =	simm.s32 $0x1BFF;
	s21 =	sshll.u32 s12, $0x1;
	s9 =	sadd.s32 s10, s19  }
0xa6: {  	s13 =	simm.s32 $0x0;
	s20 =	sshll.u32 s11, $0x1;
	s11 =	sadd.s32 s21, s9  }
0xa7: {  	[timem:s13], [sflag:s22] =	dma.local [hbm:s11], s20  }
0xa8: {  	_ =	swait.ge [sflag:s22], s20  }
0xa9: {  	s10 =	ssub.s32 $0x0, s20;
	[sflag:s22] =	ssyncset.done $0x0  }
0xaa: {  	[sflag:s22] =	ssyncadd.s32 s10;
	_ =	sdelay $0x1  }
0xab: {  	s23 =	simm.s32 $0x1B8B  }
0xac: {  	_ =	swait.ge [sflag:s23], $0x1  }
0xad: {  	[sflag:s23] =	ssyncset.done $0x0  }
0xae: {  	s25 =	simm.s32 $0x1B8E;
	s24 =	sld [smem:$0x3FFE];
	[sflag:s23] =	ssyncadd.s32 $0xFFFFFFFF  }
0xaf: {  	s26 =	simm.s32 $execute0_lowered;
	[smem:$0x3FD2] =	sst s25  }
0xb0: {  	s11 =	sshll.u32 s26, $0x1;
	_ =	strace $0x80000046;
	[dreg:$0x1] =	wrdreg $0xFFFFFFFF  }
0xb1: {  	s28 =	simm.s32 $_size_execute0_lowered;
	s9 =	sadd.s32 s9, s11;
	[dreg:$0x0] =	wrdreg $0x0  }
0xb2: {  	s11 =	sshll.u32 s28, $0x1;
	[dreg:$0x2] =	wrdreg s9  }
0xb3: {  	[dreg:$0x3] =	wrdreg s11  }
0xb4: {  	[dreg:$0x4] =	wrdreg $0xC0  }
0xb5: {  	_ =	task [dreg:s13], $0x5FFFF  }
0xb6: {  	[dreg:$0x1] =	wrdreg $0xFFFFFFFF  }
0xb7: {  	[dreg:$0x0] =	wrdreg $0x60  }
0xb8: {  	[dreg:$0x2] =	wrdreg s24  }
0xb9: {  	[dreg:$0x3] =	wrdreg s2  }
0xba: {  	[dreg:$0x4] =	wrdreg s15  }
0xbb: {  	[dreg:$0x5] =	wrdreg s5  }
0xbc: {  	[dreg:$0x6] =	wrdreg s6  }
0xbd: {  	[dreg:$0x7] =	wrdreg s7  }
0xbe: {  	[dreg:$0x8] =	wrdreg s16  }
0xbf: {  	[dreg:$0x9] =	wrdreg s17  }
0xc0: {  	[dreg:$0xa] =	wrdreg $0x0  }
0xc1: {  	[dreg:$0xb] =	wrdreg $0x9  }
0xc2: {  	_ =	task.clear_ibuf [dreg:s13], $0xCFFFF;
	_ =	strace $0x90000046  }
0xc3: {  	s29 =	simm.s32 $0x9;
	_ =	strace $0x80000048  }
0xc4: {  	_ =	swait.ge [sflag:s29], $0x1  }
0xc5: {  	[sflag:s29] =	ssyncadd.s32 $0xFFFFFFFF  }
0xc6: {  	_ =	strace $0x90000048  }
0xc7: {  	_ =	sfence  }
0xc8: {  	s30 =	sld [smem:$0x0];
	_ =	sdelay $0x2  }
0xc9: {  	s31 =	sshll.u32 s1, $0xD;
	s1 =	sshrl.u32 s1, $0x2  }
0xca: {  	s3 =	sand.u32 $0x4000, s31;
	s1 =	sadd.s32 s1, s30  }
0xcb: {  	s0 =	sor.u32 s3, s0;
	s1 =	sshll.u32 s1, $0x11  }
0xcc: {  	s0 =	sor.u32 s1, s0  }
0xcd: {  	s0 =	sadd.s32 $0x8F2B, s0  }
0xce: {  	[sflag:s0] =	ssyncadd.remote.s32 $0x1  }
0xcf: {  	_ =	sfence.sel $0xFFFF  }
0xd0: {  	[dreg:$0x0] =	wrdreg $0xFFFFFFFF;
	(pc) =	sbr.abs _section_cstart, $3  }
0xd1: {  	[dreg:$0x1] =	wrdreg $0xFFFFFFFF  }
0xd2: {  	_ =	task.clear_ibuf [dreg:s13], $0x2FFFF;
	_ =	strace $0x9FFFFFFF  }
0xd3: {  	(tm) =	ssettm $0x7FFFFFFF  }
tec
execute0_lowered:
.L_overlay_start_1:
0x0: {  	(tag) =	ssettag $0x1  }
0x1: {  	s5 =	rddreg [dreg:$0x0]  }
0x2: {  	s6 =	rddreg [dreg:$0x1]  }
0x3: {  	s7 =	rddreg [dreg:$0x2]  }
0x4: {  	s8 =	rddreg [dreg:$0x3]  }
0x5: {  	s9 =	rddreg [dreg:$0x4]  }
0x6: {  	s10 =	rddreg [dreg:$0x5]  }
0x7: {  	s4 =	rddreg [dreg:$0x6]  }
0x8: {  	s0 =	srdreg.scid;
	s1 =	rddreg [dreg:$0x7]  }
0x9: {  	s22 =	stileid.u32;
	s2 =	rddreg [dreg:$0x8]  }
0xa: {  	s3 =	simm.s32 $0x0;
	s0 =	sand.u32 $0x1, s0;
	s11 =	sshll.u32 s22, $0xA  }
0xb: {  	[smem:$0x7FF] =	sst s3;
	s26 =	sshll.u32 s22, $0x6;
	s31 =	sadd.s32 $0x20000, s2  }
0xc: {  	s12 =	sshll.u32 s0, $0x9;
	_ =	strace $0x80000047;
	s5 =	sadd.s32 s11, s5  }
0xd: {  	s28 =	sor.u32 $0x1C0E, s26;
	[dreg:$0x11] =	wrdreg s31;
	s12 =	sor.u32 s12, s11  }
0xe: {  	s5 =	sadd.s32 $0xE00, s5;
	[dreg:$0x10] =	wrdreg s28;
	s13 =	sshrl.u32 s12, $0x3  }
0xf: {  	[dreg:$0xf] =	wrdreg s5;
	s6 =	sadd.s32 s6, s13  }
0x10: {  	s21 =	sadd.s32 s7, s13;
	[dreg:$0xa] =	wrdreg s6  }
0x11: {  	s23 =	sadd.s32 s8, s13;
	[dreg:$0xb] =	wrdreg s21  }
0x12: {  	s24 =	sadd.s32 s9, s13;
	[dreg:$0xc] =	wrdreg s23  }
0x13: {  	s3 =	sshll.u32 s12, $0x5;
	s25 =	sadd.s32 s10, s13;
	[dreg:$0xd] =	wrdreg s24  }
0x14: {  	s13 =	sadd.s32 s4, s3;
	s7 =	sor.u32 $0x80, s3;
	[dreg:$0xe] =	wrdreg s25  }
0x15: {  	s8 =	sor.u32 $0x800, s3;
	[dreg:$0x12] =	wrdreg s13;
	s14 =	sadd.s32 s4, s7  }
0x16: {  	s9 =	sor.u32 $0x880, s3;
	s15 =	sadd.s32 s4, s8;
	[dreg:$0x13] =	wrdreg s14  }
0x17: {  	s10 =	sor.u32 $0x1000, s3;
	s16 =	sadd.s32 s4, s9;
	[dreg:$0x14] =	wrdreg s15  }
0x18: {  	s11 =	sor.u32 $0x1080, s3;
	s17 =	sadd.s32 s4, s10;
	[dreg:$0x15] =	wrdreg s16  }
0x19: {  	s12 =	sor.u32 $0x1800, s3;
	s18 =	sadd.s32 s4, s11;
	[dreg:$0x16] =	wrdreg s17  }
0x1a: {  	s19 =	sadd.s32 s4, s12;
	[dreg:$0x17] =	wrdreg s18  }
0x1b: {  	s5 =	sadd.s32 s1, s7;
	[dreg:$0x18] =	wrdreg s19  }
0x1c: {  	s6 =	sadd.s32 s1, s8;
	[smem:$0x7E8] =	sst s5  }
0x1d: {  	s29 =	simm.s32 $0x7;
	s7 =	sadd.s32 s1, s9;
	[smem:$0x7E9] =	sst s6  }
0x1e: {  	s30 =	simm.s32 $0x4;
	s8 =	sadd.s32 s1, s10;
	[smem:$0x7EA] =	sst s7  }
0x1f: {  	s0 =	ssub.s32 $0x2, s0;
	s9 =	sadd.s32 s1, s11;
	[smem:$0x7EB] =	sst s8  }
0x20: {  	s13 =	sor.u32 $0x1880, s3;
	s10 =	sadd.s32 s1, s12;
	[smem:$0x7EC] =	sst s9  }
0x21: {  	s20 =	sadd.s32 s4, s13;
	s14 =	sor.u32 $0x2000, s3;
	[smem:$0x7ED] =	sst s10  }
0x22: {  	s15 =	sor.u32 $0x2080, s3;
	s11 =	sadd.s32 s1, s13;
	[dreg:$0x19] =	wrdreg s20  }
0x23: {  	s16 =	sor.u32 $0x2800, s3;
	s21 =	sadd.s32 s4, s14;
	[smem:$0x7EE] =	sst s11  }
0x24: {  	s17 =	sor.u32 $0x2880, s3;
	s23 =	sadd.s32 s4, s15;
	[dreg:$0x1a] =	wrdreg s21  }
0x25: {  	s18 =	sor.u32 $0x3000, s3;
	s24 =	sadd.s32 s4, s16;
	[dreg:$0x1b] =	wrdreg s23  }
0x26: {  	s19 =	sor.u32 $0x3080, s3;
	s25 =	sadd.s32 s4, s17;
	[dreg:$0x1c] =	wrdreg s24  }
0x27: {  	s6 =	simm.s32 $0xD;
	s26 =	sadd.s32 s4, s18;
	[dreg:$0x1d] =	wrdreg s25  }
0x28: {  	s7 =	simm.s32 $0x80;
	s28 =	sadd.s32 s4, s19;
	[dreg:$0x1e] =	wrdreg s26  }
0x29: {  	s8 =	simm.s32 $0xA;
	s12 =	sadd.s32 s1, s14;
	[dreg:$0x1f] =	wrdreg s28  }
0x2a: {  	s10 =	simm.s32 $0xB;
	s13 =	sadd.s32 s1, s15;
	[smem:$0x7EF] =	sst s12  }
0x2b: {  	s20 =	sor.u32 $0x3800, s3;
	s14 =	sadd.s32 s1, s16;
	[smem:$0x7F0] =	sst s13  }
0x2c: {  	s15 =	sadd.s32 s1, s17;
	s16 =	sadd.s32 s1, s18;
	[smem:$0x7F1] =	sst s14  }
0x2d: {  	s17 =	sadd.s32 s1, s19;
	s19 =	simm.s32 $0x20C0;
	[smem:$0x7F2] =	sst s15  }
0x2e: {  	s11 =	simm.s32 $0x2DC0;
	s31 =	sadd.s32 s4, s20;
	[smem:$0x7F3] =	sst s16  }
0x2f: {  	s21 =	sor.u32 $0x3880, s3;
	s3 =	sadd.s32 s1, s3;
	[smem:$0x7F4] =	sst s17  }
0x30: {  	s18 =	sadd.s32 s1, s20;
	[smem:$0x7F7] =	sst s19;
	s20 =	simm.s32 $0x22C0  }
0x31: {  	s23 =	simm.s32 $0x24C0;
	s24 =	sshll.u32 s22, $0xD;
	[smem:$0x7E5] =	sst s31  }
0x32: {  	s25 =	simm.s32 $0x26C0;
	s26 =	simm.s32 $0x28C0;
	[smem:$0x7E7] =	sst s3  }
0x33: {  	s17 =	simm.s32 $0x400;
	s22 =	simm.s32 $0x2;
	[smem:$0x7F5] =	sst s18  }
0x34: {  	s12 =	simm.s32 $0xC;
	s13 =	simm.s32 $0x6DC0;
	[smem:$0x7F8] =	sst s20  }
0x35: {  	s15 =	simm.s32 $0xADC0;
	s4 =	sadd.s32 s4, s21;
	[smem:$0x7F9] =	sst s23  }
0x36: {  	s1 =	sadd.s32 s1, s21;
	s21 =	sshrl.u32 s0, $0x1;
	[smem:$0x7FA] =	sst s25  }
0x37: {  	s5 =	sadd.s32 s24, s2;
	[smem:$0x7FB] =	sst s26;
	s31 =	simm.s32 $0x2040  }
0x38: {  	s20 =	simm.s32 $0x1;
	s18 =	simm.s32 $0x800;
	[smem:$0x7E6] =	sst s4  }
0x39: {  	s26 =	simm.s32 $0x3;
	s24 =	simm.s32 $0x9;
	[smem:$0x7F6] =	sst s1  }
0x3a: {  	s0 =	ssub.s32 s0, s21;
	s28 =	sshrl.u32 s5, $0x3;
	[smem:$0x7FD] =	sst s31  }
0x3b: {  	v0 =	vimm.f32 $0.0e+00;
	s1 =	simm.s32 $0x8;
	s4 =	smax.u32 s0, $0x1;
	[smem:$0x7FC] =	sst s28  }
.LBB2_1:
0x3c: {  	s14 =	rddreg [dreg:$0xa]  }
0x3d: {  	s19 =	sld [smem:$0x7F7]  }
0x3e: {  	s23 =	rddreg [dreg:$0xb]  }
0x3f: {  	s28 =	sld [smem:$0x7F8]  }
0x40: {  	s5 =	rddreg [dreg:$0xc]  }
0x41: {  	s9 =	sld [smem:$0x7F9]  }
0x42: {  	s16 =	rddreg [dreg:$0xd]  }
0x43: {  	s21 =	sld [smem:$0x7FA]  }
0x44: {  	s3 =	simm.s32 $0x0;
	s25 =	rddreg [dreg:$0xe]  }
0x45: {  	[tilespmem:s19], [sflag:$0xD] =	stream.linear.gather [hbm4b:s14+s3], $0x200, $0x38;
	[tilespmem:$0x1ADC0] =	vst v63  }
0x46: {  	s0 =	sld [smem:$0x7FB]  }
0x47: {  	[tilespmem:s28], [sflag:$0xD] =	stream.linear.gather [hbm4b:s23+s3], $0x200, $0x38;
	[tilespmem:$0x1ADC0] =	vst v63  }
0x48: {  	s31 =	sld [smem:$0x7FC]  }
0x49: {  	[tilespmem:s9], [sflag:$0xD] =	stream.linear.gather [hbm4b:s5+s3], $0x200, $0x38;
	[tilespmem:$0x1ADC0] =	vst v63  }
0x4a: {  	s5 =	rddreg [dreg:$0xf]  }
0x4b: {  	[tilespmem:s21], [sflag:$0xD] =	stream.linear.gather [hbm4b:s16+s3], $0x200, $0x38;
	[tilespmem:$0x1ADC0] =	vst v63  }
0x4c: {  	s9 =	rddreg [dreg:$0x10];
	s16 =	simm.s32 $0xE  }
0x4d: {  	[tilespmem:s0], [sflag:$0xD] =	stream.linear.gather [hbm4b:s25+s3], $0x200, $0x38;
	[tilespmem:$0x1ADC0] =	vst v63  }
0x4e: {  	[spmem:s31], [sflag:s9] =	dma.local [hbm:s5], $0x400  }
0x4f: {  	_ =	swait.ge [sflag:s16], $0x400  }
0x50: {  	[sflag:s16] =	ssyncset.done $0x0  }
0x51: {  	[sflag:s16] =	ssyncadd.s32 $0xFFFFFC00  }
0x52: {  	[tilespmem:$0x2040] =	vst v0  }
0x53: {  	[tilespmem:$0x2050] =	vst v0  }
0x54: {  	[tilespmem:$0x2060] =	vst v0  }
0x55: {  	[tilespmem:$0x2070] =	vst v0  }
0x56: {  	[tilespmem:$0x2080] =	vst v0  }
0x57: {  	s23 =	sld [smem:$0x7FD];
	[tilespmem:$0x2090] =	vst v0  }
0x58: {  	[tilespmem:$0x20A0] =	vst v0  }
0x59: {  	s21 =	rddreg [dreg:$0x11];
	[tilespmem:$0x20B0] =	vst v0  }
0x5a: {  	[spmem:s21] =	stream.linear.scatter [tilespmem:s23], [sflag:$0xE], $0x80, $0x38;
	[tilespmem:$0x1ADC0] =	vst v63  }
0x5b: {  	_ =	swait.ge [sflag:s16], $0x80  }
0x5c: {  	[sflag:s16] =	ssyncset.done $0x0  }
0x5d: {  	[sflag:s16] =	ssyncadd.s32 $0xFFFFFF80  }
0x5e: {  	[bflag:$0x0] =	sbarrier.arrive $0xFFFF  }
0x5f: {  	_ =	swait.ge [sflag:s6], $0x200  }
0x60: {  	[sflag:s6] =	ssyncset.done $0x0  }
0x61: {  	[sflag:s6] =	ssyncadd.s32 $0xFFFFFE00  }
0x62: {  	_ =	swait.ge [sflag:s6], $0x200  }
0x63: {  	[sflag:s6] =	ssyncset.done $0x0  }
0x64: {  	[sflag:s6] =	ssyncadd.s32 $0xFFFFFE00  }
0x65: {  	_ =	swait.ge [sflag:s6], $0x200  }
0x66: {  	[sflag:s6] =	ssyncset.done $0x0  }
0x67: {  	[sflag:s6] =	ssyncadd.s32 $0xFFFFFE00  }
0x68: {  	_ =	swait.ge [sflag:s6], $0x200  }
0x69: {  	[sflag:s6] =	ssyncset.done $0x0  }
0x6a: {  	[sflag:s6] =	ssyncadd.s32 $0xFFFFFE00  }
0x6b: {  	_ =	swait.ge [sflag:s6], $0x200  }
0x6c: {  	[sflag:s6] =	ssyncset.done $0x0  }
0x6d: {  	[sflag:s6] =	ssyncadd.s32 $0xFFFFFE00  }
0x6e: {  	v1 =	vld [tilespmem:$0x20C0]  }
0x6f: {  	v2 =	vld [tilespmem:$0x22C0]  }
0x70: {  	v3 =	vld [tilespmem:$0x24C0]  }
0x71: {  	v4 =	vld [tilespmem:$0x20D0]  }
0x72: {  	v5 =	vld [tilespmem:$0x22D0]  }
0x73: {  	v6 =	vld [tilespmem:$0x24D0]  }
0x74: {  	v7 =	vld [tilespmem:$0x20E0]  }
0x75: {  	v8 =	vld [tilespmem:$0x22E0]  }
0x76: {  	v9 =	vld [tilespmem:$0x24E0]  }
0x77: {  	v10 =	vld [tilespmem:$0x20F0];
	v3 =	vshll.u32 v3, $0x8  }
0x78: {  	v11 =	vld [tilespmem:$0x24F0];
	vm0 =	vlt.s32 v2, v1;
	v1 =	vadd.s32 v1, v3  }
0x79: {  	v32 =	vld [tilespmem:$0x22F0];
	v2 =	vadd.s32 v2, v3;
	v3 =	vshll.u32 v6, $0x8;
	v1 =	vsel vm0, $0x400, v1  }
0x7a: {  	vm13 =	vlt.s32 v5, v4;
	v2 =	vsel vm0, $0x400, v2;
	[tilespmem:$0x2AC0] =	vst v1;
	v1 =	vadd.s32 v4, v3  }
0x7b: {  	[tilespmem:$0x2B00] =	vst v2;
	v2 =	vadd.s32 v5, v3;
	v3 =	vshll.u32 v9, $0x8;
	v1 =	vsel vm13, $0x400, v1  }
0x7c: {  	vm14 =	vlt.s32 v8, v7;
	v2 =	vsel vm13, $0x400, v2;
	[tilespmem:$0x2AD0] =	vst v1;
	v1 =	vadd.s32 v7, v3  }
0x7d: {  	[tilespmem:$0x2B10] =	vst v2;
	v2 =	vadd.s32 v8, v3;
	v3 =	vshll.u32 v11, $0x8;
	v1 =	vsel vm14, $0x400, v1  }
0x7e: {  	vm15 =	vlt.s32 v32, v10;
	v2 =	vsel vm14, $0x400, v2;
	[tilespmem:$0x2AE0] =	vst v1;
	v1 =	vadd.s32 v10, v3  }
0x7f: {  	[tilespmem:$0x2B20] =	vst v2;
	v2 =	vadd.s32 v32, v3;
	v1 =	vsel vm15, $0x400, v1  }
0x80: {  	v2 =	vsel vm15, $0x400, v2;
	[tilespmem:$0x2AF0] =	vst v1  }
0x81: {  	s0 =	simm.s32 $0x2AC0;
	[tilespmem:$0x2B30] =	vst v2  }
0x82: {  	[tilespmem:s11], [sflag:$0x1] =	stream.indirect.gather [spmem:s2], $0x80, s0, s7, $0xb8;
	[tilespmem:$0x1ADC0] =	vst v63  }
0x83: {  	v1 =	vld [tilespmem:$0x2100]  }
0x84: {  	v2 =	vld [tilespmem:$0x2300]  }
0x85: {  	v3 =	vld [tilespmem:$0x2500]  }
0x86: {  	v33 =	vld [tilespmem:$0x2110]  }
0x87: {  	v34 =	vld [tilespmem:$0x2310]  }
0x88: {  	v35 =	vld [tilespmem:$0x2510]  }
0x89: {  	v36 =	vld [tilespmem:$0x2120]  }
0x8a: {  	v37 =	vld [tilespmem:$0x2320]  }
0x8b: {  	v38 =	vld [tilespmem:$0x2520]  }
0x8c: {  	v39 =	vld [tilespmem:$0x2130];
	v3 =	vshll.u32 v3, $0x8  }
0x8d: {  	v40 =	vld [tilespmem:$0x2530];
	vm4 =	vlt.s32 v2, v1;
	v1 =	vadd.s32 v1, v3  }
0x8e: {  	v41 =	vld [tilespmem:$0x2330];
	v2 =	vadd.s32 v2, v3;
	v3 =	vshll.u32 v35, $0x8;
	v1 =	vsel vm4, $0x400, v1  }
0x8f: {  	vm5 =	vlt.s32 v34, v33;
	v2 =	vsel vm4, $0x400, v2;
	[tilespmem:$0x2B40] =	vst v1;
	v1 =	vadd.s32 v33, v3  }
0x90: {  	[tilespmem:$0x2B80] =	vst v2;
	v2 =	vadd.s32 v34, v3;
	v3 =	vshll.u32 v38, $0x8;
	v1 =	vsel vm5, $0x400, v1  }
0x91: {  	vm6 =	vlt.s32 v37, v36;
	v2 =	vsel vm5, $0x400, v2;
	[tilespmem:$0x2B50] =	vst v1;
	v1 =	vadd.s32 v36, v3  }
0x92: {  	[tilespmem:$0x2B90] =	vst v2;
	v2 =	vadd.s32 v37, v3;
	v3 =	vshll.u32 v40, $0x8;
	v1 =	vsel vm6, $0x400, v1  }
0x93: {  	vm7 =	vlt.s32 v41, v39;
	v2 =	vsel vm6, $0x400, v2;
	[tilespmem:$0x2B60] =	vst v1;
	v1 =	vadd.s32 v39, v3  }
0x94: {  	[tilespmem:$0x2BA0] =	vst v2;
	v2 =	vadd.s32 v41, v3;
	v1 =	vsel vm7, $0x400, v1  }
0x95: {  	v2 =	vsel vm7, $0x400, v2;
	[tilespmem:$0x2B70] =	vst v1  }
0x96: {  	s25 =	simm.s32 $0x2B40;
	[tilespmem:$0x2BB0] =	vst v2  }
0x97: {  	[tilespmem:s13], [sflag:$0x2] =	stream.indirect.gather [spmem:s2], $0x80, s25, s7, $0xb8;
	[tilespmem:$0x1ADC0] =	vst v63  }
0x98: {  	v1 =	vld [tilespmem:$0x2140]  }
0x99: {  	v2 =	vld [tilespmem:$0x2340]  }
0x9a: {  	v3 =	vld [tilespmem:$0x2540]  }
0x9b: {  	v42 =	vld [tilespmem:$0x2150]  }
0x9c: {  	v43 =	vld [tilespmem:$0x2350]  }
0x9d: {  	v44 =	vld [tilespmem:$0x2550]  }
0x9e: {  	v45 =	vld [tilespmem:$0x2160]  }
0x9f: {  	v46 =	vld [tilespmem:$0x2360]  }
0xa0: {  	v47 =	vld [tilespmem:$0x2560]  }
0xa1: {  	v48 =	vld [tilespmem:$0x2170];
	v3 =	vshll.u32 v3, $0x8  }
0xa2: {  	v49 =	vld [tilespmem:$0x2570];
	vm8 =	vlt.s32 v2, v1;
	v1 =	vadd.s32 v1, v3  }
0xa3: {  	v50 =	vld [tilespmem:$0x2370];
	v2 =	vadd.s32 v2, v3;
	v3 =	vshll.u32 v44, $0x8;
	v1 =	vsel vm8, $0x400, v1  }
0xa4: {  	vm9 =	vlt.s32 v43, v42;
	v2 =	vsel vm8, $0x400, v2;
	[tilespmem:$0x2BC0] =	vst v1;
	v1 =	vadd.s32 v42, v3  }
0xa5: {  	[tilespmem:$0x2C00] =	vst v2;
	v2 =	vadd.s32 v43, v3;
	v3 =	vshll.u32 v47, $0x8;
	v1 =	vsel vm9, $0x400, v1  }
0xa6: {  	vm10 =	vlt.s32 v46, v45;
	v2 =	vsel vm9, $0x400, v2;
	[tilespmem:$0x2BD0] =	vst v1;
	v1 =	vadd.s32 v45, v3  }
0xa7: {  	[tilespmem:$0x2C10] =	vst v2;
	v2 =	vadd.s32 v46, v3;
	v3 =	vshll.u32 v49, $0x8;
	v1 =	vsel vm10, $0x400, v1  }
0xa8: {  	vm11 =	vlt.s32 v50, v48;
	v2 =	vsel vm10, $0x400, v2;
	[tilespmem:$0x2BE0] =	vst v1;
	v1 =	vadd.s32 v48, v3  }
0xa9: {  	[tilespmem:$0x2C20] =	vst v2;
	v2 =	vadd.s32 v50, v3;
	v1 =	vsel vm11, $0x400, v1  }
0xaa: {  	v2 =	vsel vm11, $0x400, v2;
	[tilespmem:$0x2BF0] =	vst v1  }
0xab: {  	s28 =	simm.s32 $0x2BC0;
	[tilespmem:$0x2C30] =	vst v2  }
0xac: {  	[tilespmem:s15], [sflag:$0x3] =	stream.indirect.gather [spmem:s2], $0x80, s28, s7, $0xb8;
	[tilespmem:$0x1ADC0] =	vst v63  }
0xad: {  	v1 =	vld [tilespmem:$0x2180]  }
0xae: {  	v2 =	vld [tilespmem:$0x2380]  }
0xaf: {  	v3 =	vld [tilespmem:$0x2580]  }
0xb0: {  	v51 =	vld [tilespmem:$0x2190]  }
0xb1: {  	v52 =	vld [tilespmem:$0x2390]  }
0xb2: {  	v53 =	vld [tilespmem:$0x2590]  }
0xb3: {  	v54 =	vld [tilespmem:$0x21A0]  }
0xb4: {  	v55 =	vld [tilespmem:$0x23A0]  }
0xb5: {  	v56 =	vld [tilespmem:$0x25A0]  }
0xb6: {  	v57 =	vld [tilespmem:$0x21B0];
	v3 =	vshll.u32 v3, $0x8  }
0xb7: {  	v58 =	vld [tilespmem:$0x25B0];
	vm12 =	vlt.s32 v2, v1;
	v1 =	vadd.s32 v1, v3  }
0xb8: {  	v59 =	vld [tilespmem:$0x23B0];
	v2 =	vadd.s32 v2, v3;
	v3 =	vshll.u32 v53, $0x8;
	v1 =	vsel vm12, $0x400, v1  }
0xb9: {  	vm13 =	vlt.s32 v52, v51;
	v2 =	vsel vm12, $0x400, v2;
	[tilespmem:$0x2C40] =	vst v1;
	v1 =	vadd.s32 v51, v3  }
0xba: {  	[tilespmem:$0x2C80] =	vst v2;
	v2 =	vadd.s32 v52, v3;
	v3 =	vshll.u32 v56, $0x8;
	v1 =	vsel vm13, $0x400, v1  }
0xbb: {  	vm14 =	vlt.s32 v55, v54;
	v2 =	vsel vm13, $0x400, v2;
	[tilespmem:$0x2C50] =	vst v1;
	v1 =	vadd.s32 v54, v3  }
0xbc: {  	[tilespmem:$0x2C90] =	vst v2;
	v2 =	vadd.s32 v55, v3;
	v3 =	vshll.u32 v58, $0x8;
	v1 =	vsel vm14, $0x400, v1  }
0xbd: {  	vm15 =	vlt.s32 v59, v57;
	v2 =	vsel vm14, $0x400, v2;
	[tilespmem:$0x2C60] =	vst v1;
	v1 =	vadd.s32 v57, v3  }
0xbe: {  	[tilespmem:$0x2CA0] =	vst v2;
	v2 =	vadd.s32 v59, v3;
	v1 =	vsel vm15, $0x400, v1  }
0xbf: {  	v2 =	vsel vm15, $0x400, v2;
	[tilespmem:$0x2C70] =	vst v1  }
0xc0: {  	s31 =	simm.s32 $0x2C40;
	s0 =	simm.s32 $0xEDC0;
	[tilespmem:$0x2CB0] =	vst v2  }
0xc1: {  	[tilespmem:s0], [sflag:$0x4] =	stream.indirect.gather [spmem:s2], $0x80, s31, s7, $0xb8;
	[tilespmem:$0x1ADC0] =	vst v63  }
0xc2: {  	_ =	swait.ge [sflag:s20], $0x4000  }
0xc3: {  	[sflag:s20] =	ssyncset.done $0x0  }
0xc4: {  	s5 =	rddreg [dreg:$0x12];
	[sflag:s20] =	ssyncadd.s32 $0xFFFFC000  }
0xc5: {  	[hbm4b:s5+s17] =	stream.strided.scatter [tilespmem:s11], [sflag:$0x7], $0x2000, s18, s17, $0x38;
	[tilespmem:$0x1ADC0] =	vst v63  }
0xc6: {  	s25 =	simm.s32 $0x4DC0;
	s9 =	rddreg [dreg:$0x13]  }
0xc7: {  	[hbm4b:s9+s17] =	stream.strided.scatter [tilespmem:s25], [sflag:$0x7], $0x2000, s18, s17, $0x38;
	[tilespmem:$0x1ADC0] =	vst v63  }
0xc8: {  	v1 =	vld [tilespmem:$0x21C0]  }
0xc9: {  	v2 =	vld [tilespmem:$0x23C0]  }
0xca: {  	v3 =	vld [tilespmem:$0x25C0]  }
0xcb: {  	v60 =	vld [tilespmem:$0x21D0]  }
0xcc: {  	v61 =	vld [tilespmem:$0x23D0]  }
0xcd: {  	v62 =	vld [tilespmem:$0x25D0]  }
0xce: {  	v63 =	vld [tilespmem:$0x21E0]  }
0xcf: {  	v12 =	vld [tilespmem:$0x23E0]  }
0xd0: {  	v13 =	vld [tilespmem:$0x25E0]  }
0xd1: {  	v14 =	vld [tilespmem:$0x21F0];
	v3 =	vshll.u32 v3, $0x8  }
0xd2: {  	v15 =	vld [tilespmem:$0x25F0];
	vm4 =	vlt.s32 v2, v1;
	v1 =	vadd.s32 v1, v3  }
0xd3: {  	v16 =	vld [tilespmem:$0x23F0];
	v2 =	vadd.s32 v2, v3;
	v3 =	vshll.u32 v62, $0x8;
	v1 =	vsel vm4, $0x400, v1  }
0xd4: {  	vm5 =	vlt.s32 v61, v60;
	v2 =	vsel vm4, $0x400, v2;
	[tilespmem:$0x2CC0] =	vst v1;
	v1 =	vadd.s32 v60, v3  }
0xd5: {  	[tilespmem:$0x2D00] =	vst v2;
	v2 =	vadd.s32 v61, v3;
	v3 =	vshll.u32 v13, $0x8;
	v1 =	vsel vm5, $0x400, v1  }
0xd6: {  	vm6 =	vlt.s32 v12, v63;
	v2 =	vsel vm5, $0x400, v2;
	[tilespmem:$0x2CD0] =	vst v1;
	v1 =	vadd.s32 v63, v3  }
0xd7: {  	[tilespmem:$0x2D10] =	vst v2;
	v2 =	vadd.s32 v12, v3;
	v3 =	vshll.u32 v15, $0x8;
	v1 =	vsel vm6, $0x400, v1  }
0xd8: {  	vm7 =	vlt.s32 v16, v14;
	v2 =	vsel vm6, $0x400, v2;
	[tilespmem:$0x2CE0] =	vst v1;
	v1 =	vadd.s32 v14, v3  }
0xd9: {  	[tilespmem:$0x2D20] =	vst v2;
	v2 =	vadd.s32 v16, v3;
	v1 =	vsel vm7, $0x400, v1  }
0xda: {  	v2 =	vsel vm7, $0x400, v2;
	[tilespmem:$0x2CF0] =	vst v1  }
0xdb: {  	s3 =	simm.s32 $0x2CC0;
	s5 =	simm.s32 $0x12DC0;
	[tilespmem:$0x2D30] =	vst v2  }
0xdc: {  	[tilespmem:s5], [sflag:$0x5] =	stream.indirect.gather [spmem:s2], $0x80, s3, s7, $0xb8;
	[tilespmem:$0x1ADC0] =	vst v63  }
0xdd: {  	_ =	swait.ge [sflag:s22], $0x4000  }
0xde: {  	[sflag:s22] =	ssyncset.done $0x0  }
0xdf: {  	s28 =	rddreg [dreg:$0x14];
	[sflag:s22] =	ssyncadd.s32 $0xFFFFC000  }
0xe0: {  	[hbm4b:s28+s17] =	stream.strided.scatter [tilespmem:s13], [sflag:$0x8], $0x2000, s18, s17, $0x38;
	[tilespmem:$0x1ADC0] =	vst v63  }
0xe1: {  	s9 =	simm.s32 $0x8DC0;
	s31 =	rddreg [dreg:$0x15]  }
0xe2: {  	[hbm4b:s31+s17] =	stream.strided.scatter [tilespmem:s9], [sflag:$0x8], $0x2000, s18, s17, $0x38;
	[tilespmem:$0x1ADC0] =	vst v63  }
0xe3: {  	v1 =	vld [tilespmem:$0x2200]  }
0xe4: {  	v2 =	vld [tilespmem:$0x2400]  }
0xe5: {  	v3 =	vld [tilespmem:$0x2600]  }
0xe6: {  	v17 =	vld [tilespmem:$0x2210]  }
0xe7: {  	v18 =	vld [tilespmem:$0x2410]  }
0xe8: {  	v19 =	vld [tilespmem:$0x2610]  }
0xe9: {  	v20 =	vld [tilespmem:$0x2220]  }
0xea: {  	v21 =	vld [tilespmem:$0x2420]  }
0xeb: {  	v22 =	vld [tilespmem:$0x2620]  }
0xec: {  	v23 =	vld [tilespmem:$0x2230];
	v3 =	vshll.u32 v3, $0x8  }
0xed: {  	v24 =	vld [tilespmem:$0x2630];
	vm8 =	vlt.s32 v2, v1;
	v1 =	vadd.s32 v1, v3  }
0xee: {  	v25 =	vld [tilespmem:$0x2430];
	v2 =	vadd.s32 v2, v3;
	v3 =	vshll.u32 v19, $0x8;
	v1 =	vsel vm8, $0x400, v1  }
0xef: {  	vm9 =	vlt.s32 v18, v17;
	v2 =	vsel vm8, $0x400, v2;
	[tilespmem:$0x2D40] =	vst v1;
	v1 =	vadd.s32 v17, v3  }
0xf0: {  	[tilespmem:$0x2D80] =	vst v2;
	v2 =	vadd.s32 v18, v3;
	v3 =	vshll.u32 v22, $0x8;
	v1 =	vsel vm9, $0x400, v1  }
0xf1: {  	vm10 =	vlt.s32 v21, v20;
	v2 =	vsel vm9, $0x400, v2;
	[tilespmem:$0x2D50] =	vst v1;
	v1 =	vadd.s32 v20, v3  }
0xf2: {  	[tilespmem:$0x2D90] =	vst v2;
	v2 =	vadd.s32 v21, v3;
	v3 =	vshll.u32 v24, $0x8;
	v1 =	vsel vm10, $0x400, v1  }
0xf3: {  	vm11 =	vlt.s32 v25, v23;
	v2 =	vsel vm10, $0x400, v2;
	[tilespmem:$0x2D60] =	vst v1;
	v1 =	vadd.s32 v23, v3  }
0xf4: {  	[tilespmem:$0x2DA0] =	vst v2;
	v2 =	vadd.s32 v25, v3;
	v1 =	vsel vm11, $0x400, v1  }
0xf5: {  	v2 =	vsel vm11, $0x400, v2;
	[tilespmem:$0x2D70] =	vst v1  }
0xf6: {  	s25 =	simm.s32 $0x2D40;
	s9 =	simm.s32 $0x16DC0;
	[tilespmem:$0x2DB0] =	vst v2  }
0xf7: {  	[tilespmem:s9], [sflag:$0x6] =	stream.indirect.gather [spmem:s2], $0x80, s25, s7, $0xb8;
	[tilespmem:$0x1ADC0] =	vst v63  }
0xf8: {  	_ =	swait.ge [sflag:s26], $0x4000  }
0xf9: {  	[sflag:s26] =	ssyncset.done $0x0  }
0xfa: {  	s19 =	rddreg [dreg:$0x16];
	[sflag:s26] =	ssyncadd.s32 $0xFFFFC000  }
0xfb: {  	[hbm4b:s19+s17] =	stream.strided.scatter [tilespmem:s15], [sflag:$0x9], $0x2000, s18, s17, $0x38;
	[tilespmem:$0x1ADC0] =	vst v63  }
0xfc: {  	s31 =	simm.s32 $0xCDC0;
	s28 =	rddreg [dreg:$0x17]  }
0xfd: {  	[hbm4b:s28+s17] =	stream.strided.scatter [tilespmem:s31], [sflag:$0x9], $0x2000, s18, s17, $0x38;
	[tilespmem:$0x1ADC0] =	vst v63  }
0xfe: {  	_ =	swait.ge [sflag:s29], $0x2000  }
0xff: {  	[sflag:s29] =	ssyncset.done $0x0  }
0x100: {  	[sflag:s29] =	ssyncadd.s32 $0xFFFFE000  }
0x101: {  	_ =	swait.ge [sflag:s29], $0x2000  }
0x102: {  	[sflag:s29] =	ssyncset.done $0x0  }
0x103: {  	[sflag:s29] =	ssyncadd.s32 $0xFFFFE000  }
0x104: {  	v1 =	vld [tilespmem:$0x2240]  }
0x105: {  	v2 =	vld [tilespmem:$0x2440]  }
0x106: {  	v3 =	vld [tilespmem:$0x2640]  }
0x107: {  	v26 =	vld [tilespmem:$0x2250]  }
0x108: {  	v27 =	vld [tilespmem:$0x2450]  }
0x109: {  	v28 =	vld [tilespmem:$0x2650]  }
0x10a: {  	v29 =	vld [tilespmem:$0x2260]  }
0x10b: {  	v30 =	vld [tilespmem:$0x2460]  }
0x10c: {  	v31 =	vld [tilespmem:$0x2660]  }
0x10d: {  	v32 =	vld [tilespmem:$0x2270];
	v3 =	vshll.u32 v3, $0x8  }
0x10e: {  	v33 =	vld [tilespmem:$0x2670];
	vm12 =	vlt.s32 v2, v1;
	v1 =	vadd.s32 v1, v3  }
0x10f: {  	v34 =	vld [tilespmem:$0x2470];
	v2 =	vadd.s32 v2, v3;
	v3 =	vshll.u32 v28, $0x8;
	v1 =	vsel vm12, $0x400, v1  }
0x110: {  	vm13 =	vlt.s32 v27, v26;
	v2 =	vsel vm12, $0x400, v2;
	[tilespmem:$0x2AC0] =	vst v1;
	v1 =	vadd.s32 v26, v3  }
0x111: {  	[tilespmem:$0x2B00] =	vst v2;
	v2 =	vadd.s32 v27, v3;
	v3 =	vshll.u32 v31, $0x8;
	v1 =	vsel vm13, $0x400, v1  }
0x112: {  	vm14 =	vlt.s32 v30, v29;
	v2 =	vsel vm13, $0x400, v2;
	[tilespmem:$0x2AD0] =	vst v1;
	v1 =	vadd.s32 v29, v3  }
0x113: {  	[tilespmem:$0x2B10] =	vst v2;
	v2 =	vadd.s32 v30, v3;
	v3 =	vshll.u32 v33, $0x8;
	v1 =	vsel vm14, $0x400, v1  }
0x114: {  	vm15 =	vlt.s32 v34, v32;
	v2 =	vsel vm14, $0x400, v2;
	[tilespmem:$0x2AE0] =	vst v1;
	v1 =	vadd.s32 v32, v3  }
0x115: {  	[tilespmem:$0x2B20] =	vst v2;
	v2 =	vadd.s32 v34, v3;
	v1 =	vsel vm15, $0x400, v1  }
0x116: {  	v2 =	vsel vm15, $0x400, v2;
	[tilespmem:$0x2AF0] =	vst v1  }
0x117: {  	s23 =	simm.s32 $0x2AC0;
	[tilespmem:$0x2B30] =	vst v2  }
0x118: {  	[tilespmem:s11], [sflag:$0x1] =	stream.indirect.gather [spmem:s2], $0x80, s23, s7, $0xb8;
	[tilespmem:$0x1ADC0] =	vst v63  }
0x119: {  	_ =	swait.ge [sflag:s30], $0x4000  }
0x11a: {  	[sflag:s30] =	ssyncset.done $0x0  }
0x11b: {  	s23 =	rddreg [dreg:$0x18];
	[sflag:s30] =	ssyncadd.s32 $0xFFFFC000  }
0x11c: {  	[hbm4b:s23+s17] =	stream.strided.scatter [tilespmem:s0], [sflag:$0xA], $0x2000, s18, s17, $0x38;
	[tilespmem:$0x1ADC0] =	vst v63  }
0x11d: {  	s31 =	simm.s32 $0x10DC0;
	s28 =	rddreg [dreg:$0x19]  }
0x11e: {  	[hbm4b:s28+s17] =	stream.strided.scatter [tilespmem:s31], [sflag:$0xA], $0x2000, s18, s17, $0x38;
	[tilespmem:$0x1ADC0] =	vst v63  }
0x11f: {  	_ =	swait.ge [sflag:s1], $0x2000  }
0x120: {  	[sflag:s1] =	ssyncset.done $0x0  }
0x121: {  	[sflag:s1] =	ssyncadd.s32 $0xFFFFE000  }
0x122: {  	_ =	swait.ge [sflag:s1], $0x2000  }
0x123: {  	[sflag:s1] =	ssyncset.done $0x0  }
0x124: {  	[sflag:s1] =	ssyncadd.s32 $0xFFFFE000  }
0x125: {  	v1 =	vld [tilespmem:$0x2280]  }
0x126: {  	v2 =	vld [tilespmem:$0x2480]  }
0x127: {  	v3 =	vld [tilespmem:$0x2680]  }
0x128: {  	v35 =	vld [tilespmem:$0x2290]  }
0x129: {  	v36 =	vld [tilespmem:$0x2490]  }
0x12a: {  	v37 =	vld [tilespmem:$0x2690]  }
0x12b: {  	v38 =	vld [tilespmem:$0x22A0]  }
0x12c: {  	v39 =	vld [tilespmem:$0x24A0]  }
0x12d: {  	v40 =	vld [tilespmem:$0x26A0]  }
0x12e: {  	v41 =	vld [tilespmem:$0x22B0];
	v3 =	vshll.u32 v3, $0x8  }
0x12f: {  	v42 =	vld [tilespmem:$0x26B0];
	vm4 =	vlt.s32 v2, v1;
	v1 =	vadd.s32 v1, v3  }
0x130: {  	v43 =	vld [tilespmem:$0x24B0];
	v2 =	vadd.s32 v2, v3;
	v3 =	vshll.u32 v37, $0x8;
	v1 =	vsel vm4, $0x400, v1  }
0x131: {  	vm5 =	vlt.s32 v36, v35;
	v2 =	vsel vm4, $0x400, v2;
	[tilespmem:$0x2B40] =	vst v1;
	v1 =	vadd.s32 v35, v3  }
0x132: {  	[tilespmem:$0x2B80] =	vst v2;
	v2 =	vadd.s32 v36, v3;
	v3 =	vshll.u32 v40, $0x8;
	v1 =	vsel vm5, $0x400, v1  }
0x133: {  	vm6 =	vlt.s32 v39, v38;
	v2 =	vsel vm5, $0x400, v2;
	[tilespmem:$0x2B50] =	vst v1;
	v1 =	vadd.s32 v38, v3  }
0x134: {  	[tilespmem:$0x2B90] =	vst v2;
	v2 =	vadd.s32 v39, v3;
	v3 =	vshll.u32 v42, $0x8;
	v1 =	vsel vm6, $0x400, v1  }
0x135: {  	vm7 =	vlt.s32 v43, v41;
	v2 =	vsel vm6, $0x400, v2;
	[tilespmem:$0x2B60] =	vst v1;
	v1 =	vadd.s32 v41, v3  }
0x136: {  	[tilespmem:$0x2BA0] =	vst v2;
	v2 =	vadd.s32 v43, v3;
	v1 =	vsel vm7, $0x400, v1  }
0x137: {  	v2 =	vsel vm7, $0x400, v2;
	[tilespmem:$0x2B70] =	vst v1  }
0x138: {  	s16 =	simm.s32 $0x2B40;
	[tilespmem:$0x2BB0] =	vst v2  }
0x139: {  	[tilespmem:s13], [sflag:$0x2] =	stream.indirect.gather [spmem:s2], $0x80, s16, s7, $0xb8;
	[tilespmem:$0x1ADC0] =	vst v63  }
0x13a: {  	s16 =	simm.s32 $0x5  }
0x13b: {  	_ =	swait.ge [sflag:s16], $0x4000  }
0x13c: {  	[sflag:s16] =	ssyncset.done $0x0  }
0x13d: {  	s23 =	rddreg [dreg:$0x1a];
	[sflag:s16] =	ssyncadd.s32 $0xFFFFC000  }
0x13e: {  	[hbm4b:s23+s17] =	stream.strided.scatter [tilespmem:s5], [sflag:$0xB], $0x2000, s18, s17, $0x38;
	[tilespmem:$0x1ADC0] =	vst v63  }
0x13f: {  	s28 =	rddreg [dreg:$0x1b];
	s23 =	simm.s32 $0x14DC0  }
0x140: {  	[hbm4b:s28+s17] =	stream.strided.scatter [tilespmem:s23], [sflag:$0xB], $0x2000, s18, s17, $0x38;
	[tilespmem:$0x1ADC0] =	vst v63  }
0x141: {  	_ =	swait.ge [sflag:s24], $0x2000  }
0x142: {  	[sflag:s24] =	ssyncset.done $0x0  }
0x143: {  	[sflag:s24] =	ssyncadd.s32 $0xFFFFE000  }
0x144: {  	_ =	swait.ge [sflag:s24], $0x2000  }
0x145: {  	[sflag:s24] =	ssyncset.done $0x0  }
0x146: {  	[sflag:s24] =	ssyncadd.s32 $0xFFFFE000  }
0x147: {  	v1 =	vld [tilespmem:$0x26C0]  }
0x148: {  	v2 =	vld [tilespmem:$0x28C0]  }
0x149: {  	v3 =	vld [tilespmem:$0x24C0]  }
0x14a: {  	v44 =	vld [tilespmem:$0x26D0]  }
0x14b: {  	v45 =	vld [tilespmem:$0x28D0]  }
0x14c: {  	v46 =	vld [tilespmem:$0x24D0]  }
0x14d: {  	v47 =	vld [tilespmem:$0x26E0]  }
0x14e: {  	v48 =	vld [tilespmem:$0x28E0]  }
0x14f: {  	v49 =	vld [tilespmem:$0x24E0]  }
0x150: {  	v50 =	vld [tilespmem:$0x26F0];
	v3 =	vshll.u32 v3, $0x8  }
0x151: {  	v51 =	vld [tilespmem:$0x24F0];
	vm8 =	vlt.s32 v2, v1;
	v1 =	vadd.s32 v1, v3  }
0x152: {  	v52 =	vld [tilespmem:$0x28F0];
	v2 =	vadd.s32 v2, v3;
	v3 =	vshll.u32 v46, $0x8;
	v1 =	vsel vm8, $0x400, v1  }
0x153: {  	vm9 =	vlt.s32 v45, v44;
	v2 =	vsel vm8, $0x400, v2;
	[tilespmem:$0x2BC0] =	vst v1;
	v1 =	vadd.s32 v44, v3  }
0x154: {  	[tilespmem:$0x2C00] =	vst v2;
	v2 =	vadd.s32 v45, v3;
	v3 =	vshll.u32 v49, $0x8;
	v1 =	vsel vm9, $0x400, v1  }
0x155: {  	vm10 =	vlt.s32 v48, v47;
	v2 =	vsel vm9, $0x400, v2;
	[tilespmem:$0x2BD0] =	vst v1;
	v1 =	vadd.s32 v47, v3  }
0x156: {  	[tilespmem:$0x2C10] =	vst v2;
	v2 =	vadd.s32 v48, v3;
	v3 =	vshll.u32 v51, $0x8;
	v1 =	vsel vm10, $0x400, v1  }
0x157: {  	vm11 =	vlt.s32 v52, v50;
	v2 =	vsel vm10, $0x400, v2;
	[tilespmem:$0x2BE0] =	vst v1;
	v1 =	vadd.s32 v50, v3  }
0x158: {  	[tilespmem:$0x2C20] =	vst v2;
	v2 =	vadd.s32 v52, v3;
	v1 =	vsel vm11, $0x400, v1  }
0x159: {  	v2 =	vsel vm11, $0x400, v2;
	[tilespmem:$0x2BF0] =	vst v1  }
0x15a: {  	s21 =	simm.s32 $0x2BC0;
	[tilespmem:$0x2C30] =	vst v2  }
0x15b: {  	[tilespmem:s15], [sflag:$0x3] =	stream.indirect.gather [spmem:s2], $0x80, s21, s7, $0xb8;
	[tilespmem:$0x1ADC0] =	vst v63  }
0x15c: {  	s21 =	simm.s32 $0x6  }
0x15d: {  	_ =	swait.ge [sflag:s21], $0x4000  }
0x15e: {  	[sflag:s21] =	ssyncset.done $0x0  }
0x15f: {  	s28 =	rddreg [dreg:$0x1c];
	[sflag:s21] =	ssyncadd.s32 $0xFFFFC000  }
0x160: {  	[hbm4b:s28+s17] =	stream.strided.scatter [tilespmem:s9], [sflag:$0xC], $0x2000, s18, s17, $0x38;
	[tilespmem:$0x1ADC0] =	vst v63  }
0x161: {  	s19 =	rddreg [dreg:$0x1d];
	s28 =	simm.s32 $0x18DC0  }
0x162: {  	[hbm4b:s19+s17] =	stream.strided.scatter [tilespmem:s28], [sflag:$0xC], $0x2000, s18, s17, $0x38;
	[tilespmem:$0x1ADC0] =	vst v63  }
0x163: {  	_ =	swait.ge [sflag:s8], $0x2000  }
0x164: {  	[sflag:s8] =	ssyncset.done $0x0  }
0x165: {  	[sflag:s8] =	ssyncadd.s32 $0xFFFFE000  }
0x166: {  	_ =	swait.ge [sflag:s8], $0x2000  }
0x167: {  	[sflag:s8] =	ssyncset.done $0x0  }
0x168: {  	[sflag:s8] =	ssyncadd.s32 $0xFFFFE000  }
0x169: {  	v1 =	vld [tilespmem:$0x2700]  }
0x16a: {  	v2 =	vld [tilespmem:$0x2900]  }
0x16b: {  	v3 =	vld [tilespmem:$0x2500]  }
0x16c: {  	v53 =	vld [tilespmem:$0x2710]  }
0x16d: {  	v54 =	vld [tilespmem:$0x2910]  }
0x16e: {  	v55 =	vld [tilespmem:$0x2510]  }
0x16f: {  	v56 =	vld [tilespmem:$0x2720]  }
0x170: {  	v57 =	vld [tilespmem:$0x2920]  }
0x171: {  	v58 =	vld [tilespmem:$0x2520]  }
0x172: {  	v59 =	vld [tilespmem:$0x2730];
	v3 =	vshll.u32 v3, $0x8  }
0x173: {  	v60 =	vld [tilespmem:$0x2530];
	vm12 =	vlt.s32 v2, v1;
	v1 =	vadd.s32 v1, v3  }
0x174: {  	v61 =	vld [tilespmem:$0x2930];
	v2 =	vadd.s32 v2, v3;
	v3 =	vshll.u32 v55, $0x8;
	v1 =	vsel vm12, $0x400, v1  }
0x175: {  	vm13 =	vlt.s32 v54, v53;
	v2 =	vsel vm12, $0x400, v2;
	[tilespmem:$0x2C40] =	vst v1;
	v1 =	vadd.s32 v53, v3  }
0x176: {  	[tilespmem:$0x2C80] =	vst v2;
	v2 =	vadd.s32 v54, v3;
	v3 =	vshll.u32 v58, $0x8;
	v1 =	vsel vm13, $0x400, v1  }
0x177: {  	vm14 =	vlt.s32 v57, v56;
	v2 =	vsel vm13, $0x400, v2;
	[tilespmem:$0x2C50] =	vst v1;
	v1 =	vadd.s32 v56, v3  }
0x178: {  	[tilespmem:$0x2C90] =	vst v2;
	v2 =	vadd.s32 v57, v3;
	v3 =	vshll.u32 v60, $0x8;
	v1 =	vsel vm14, $0x400, v1  }
0x179: {  	vm15 =	vlt.s32 v61, v59;
	v2 =	vsel vm14, $0x400, v2;
	[tilespmem:$0x2C60] =	vst v1;
	v1 =	vadd.s32 v59, v3  }
0x17a: {  	[tilespmem:$0x2CA0] =	vst v2;
	v2 =	vadd.s32 v61, v3;
	v1 =	vsel vm15, $0x400, v1  }
0x17b: {  	v2 =	vsel vm15, $0x400, v2;
	[tilespmem:$0x2C70] =	vst v1  }
0x17c: {  	s19 =	simm.s32 $0x2C40;
	[tilespmem:$0x2CB0] =	vst v2  }
0x17d: {  	[tilespmem:s0], [sflag:$0x4] =	stream.indirect.gather [spmem:s2], $0x80, s19, s7, $0xb8;
	[tilespmem:$0x1ADC0] =	vst v63  }
0x17e: {  	_ =	swait.ge [sflag:s20], $0x4000  }
0x17f: {  	[sflag:s20] =	ssyncset.done $0x0  }
0x180: {  	s14 =	rddreg [dreg:$0x1e];
	[sflag:s20] =	ssyncadd.s32 $0xFFFFC000  }
0x181: {  	[hbm4b:s14+s17] =	stream.strided.scatter [tilespmem:s11], [sflag:$0x7], $0x2000, s18, s17, $0x38;
	[tilespmem:$0x1ADC0] =	vst v63  }
0x182: {  	s19 =	rddreg [dreg:$0x1f];
	s14 =	simm.s32 $0x4DC0  }
0x183: {  	[hbm4b:s19+s17] =	stream.strided.scatter [tilespmem:s14], [sflag:$0x7], $0x2000, s18, s17, $0x38;
	[tilespmem:$0x1ADC0] =	vst v63  }
0x184: {  	_ =	swait.ge [sflag:s10], $0x2000  }
0x185: {  	[sflag:s10] =	ssyncset.done $0x0  }
0x186: {  	[sflag:s10] =	ssyncadd.s32 $0xFFFFE000  }
0x187: {  	_ =	swait.ge [sflag:s10], $0x2000  }
0x188: {  	[sflag:s10] =	ssyncset.done $0x0  }
0x189: {  	[sflag:s10] =	ssyncadd.s32 $0xFFFFE000  }
0x18a: {  	v1 =	vld [tilespmem:$0x2740]  }
0x18b: {  	v2 =	vld [tilespmem:$0x2940]  }
0x18c: {  	v3 =	vld [tilespmem:$0x2540]  }
0x18d: {  	v62 =	vld [tilespmem:$0x2750]  }
0x18e: {  	v63 =	vld [tilespmem:$0x2950]  }
0x18f: {  	v12 =	vld [tilespmem:$0x2550]  }
0x190: {  	v13 =	vld [tilespmem:$0x2760]  }
0x191: {  	v14 =	vld [tilespmem:$0x2960]  }
0x192: {  	v15 =	vld [tilespmem:$0x2560]  }
0x193: {  	v16 =	vld [tilespmem:$0x2770];
	v3 =	vshll.u32 v3, $0x8  }
0x194: {  	v17 =	vld [tilespmem:$0x2570];
	vm4 =	vlt.s32 v2, v1;
	v1 =	vadd.s32 v1, v3  }
0x195: {  	v18 =	vld [tilespmem:$0x2970];
	v2 =	vadd.s32 v2, v3;
	v3 =	vshll.u32 v12, $0x8;
	v1 =	vsel vm4, $0x400, v1  }
0x196: {  	vm5 =	vlt.s32 v63, v62;
	v2 =	vsel vm4, $0x400, v2;
	[tilespmem:$0x2CC0] =	vst v1;
	v1 =	vadd.s32 v62, v3  }
0x197: {  	[tilespmem:$0x2D00] =	vst v2;
	v2 =	vadd.s32 v63, v3;
	v3 =	vshll.u32 v15, $0x8;
	v1 =	vsel vm5, $0x400, v1  }
0x198: {  	vm6 =	vlt.s32 v14, v13;
	v2 =	vsel vm5, $0x400, v2;
	[tilespmem:$0x2CD0] =	vst v1;
	v1 =	vadd.s32 v13, v3  }
0x199: {  	[tilespmem:$0x2D10] =	vst v2;
	v2 =	vadd.s32 v14, v3;
	v3 =	vshll.u32 v17, $0x8;
	v1 =	vsel vm6, $0x400, v1  }
0x19a: {  	vm7 =	vlt.s32 v18, v16;
	v2 =	vsel vm6, $0x400, v2;
	[tilespmem:$0x2CE0] =	vst v1;
	v1 =	vadd.s32 v16, v3  }
0x19b: {  	[tilespmem:$0x2D20] =	vst v2;
	v2 =	vadd.s32 v18, v3;
	v1 =	vsel vm7, $0x400, v1  }
0x19c: {  	v2 =	vsel vm7, $0x400, v2;
	[tilespmem:$0x2CF0] =	vst v1  }
0x19d: {  	[tilespmem:$0x2D30] =	vst v2  }
0x19e: {  	[tilespmem:s5], [sflag:$0x5] =	stream.indirect.gather [spmem:s2], $0x80, s3, s7, $0xb8;
	[tilespmem:$0x1ADC0] =	vst v63  }
0x19f: {  	_ =	swait.ge [sflag:s22], $0x4000  }
0x1a0: {  	s19 =	sld [smem:$0x7E5]  }
0x1a1: {  	[sflag:s22] =	ssyncset.done $0x0  }
0x1a2: {  	s3 =	sld [smem:$0x7E6];
	[sflag:s22] =	ssyncadd.s32 $0xFFFFC000  }
0x1a3: {  	[hbm4b:s19+s17] =	stream.strided.scatter [tilespmem:s13], [sflag:$0x8], $0x2000, s18, s17, $0x38;
	[tilespmem:$0x1ADC0] =	vst v63  }
0x1a4: {  	s14 =	simm.s32 $0x8DC0  }
0x1a5: {  	[hbm4b:s3+s17] =	stream.strided.scatter [tilespmem:s14], [sflag:$0x8], $0x2000, s18, s17, $0x38;
	[tilespmem:$0x1ADC0] =	vst v63  }
0x1a6: {  	_ =	swait.ge [sflag:s12], $0x2000  }
0x1a7: {  	[sflag:s12] =	ssyncset.done $0x0  }
0x1a8: {  	[sflag:s12] =	ssyncadd.s32 $0xFFFFE000  }
0x1a9: {  	_ =	swait.ge [sflag:s12], $0x2000  }
0x1aa: {  	[sflag:s12] =	ssyncset.done $0x0  }
0x1ab: {  	[sflag:s12] =	ssyncadd.s32 $0xFFFFE000  }
0x1ac: {  	v1 =	vld [tilespmem:$0x2780]  }
0x1ad: {  	v2 =	vld [tilespmem:$0x2980]  }
0x1ae: {  	v3 =	vld [tilespmem:$0x2580]  }
0x1af: {  	v19 =	vld [tilespmem:$0x2790]  }
0x1b0: {  	v20 =	vld [tilespmem:$0x2990]  }
0x1b1: {  	v21 =	vld [tilespmem:$0x2590]  }
0x1b2: {  	v22 =	vld [tilespmem:$0x27A0]  }
0x1b3: {  	v23 =	vld [tilespmem:$0x29A0]  }
0x1b4: {  	v24 =	vld [tilespmem:$0x25A0]  }
0x1b5: {  	v25 =	vld [tilespmem:$0x27B0];
	v3 =	vshll.u32 v3, $0x8  }
0x1b6: {  	v26 =	vld [tilespmem:$0x25B0];
	vm8 =	vlt.s32 v2, v1;
	v1 =	vadd.s32 v1, v3  }
0x1b7: {  	v27 =	vld [tilespmem:$0x29B0];
	v2 =	vadd.s32 v2, v3;
	v3 =	vshll.u32 v21, $0x8;
	v1 =	vsel vm8, $0x400, v1  }
0x1b8: {  	vm9 =	vlt.s32 v20, v19;
	v2 =	vsel vm8, $0x400, v2;
	[tilespmem:$0x2D40] =	vst v1;
	v1 =	vadd.s32 v19, v3  }
0x1b9: {  	[tilespmem:$0x2D80] =	vst v2;
	v2 =	vadd.s32 v20, v3;
	v3 =	vshll.u32 v24, $0x8;
	v1 =	vsel vm9, $0x400, v1  }
0x1ba: {  	vm10 =	vlt.s32 v23, v22;
	v2 =	vsel vm9, $0x400, v2;
	[tilespmem:$0x2D50] =	vst v1;
	v1 =	vadd.s32 v22, v3  }
0x1bb: {  	[tilespmem:$0x2D90] =	vst v2;
	v2 =	vadd.s32 v23, v3;
	v3 =	vshll.u32 v26, $0x8;
	v1 =	vsel vm10, $0x400, v1  }
0x1bc: {  	vm11 =	vlt.s32 v27, v25;
	v2 =	vsel vm10, $0x400, v2;
	[tilespmem:$0x2D60] =	vst v1;
	v1 =	vadd.s32 v25, v3  }
0x1bd: {  	[tilespmem:$0x2DA0] =	vst v2;
	v2 =	vadd.s32 v27, v3;
	v1 =	vsel vm11, $0x400, v1  }
0x1be: {  	v2 =	vsel vm11, $0x400, v2;
	[tilespmem:$0x2D70] =	vst v1  }
0x1bf: {  	[tilespmem:$0x2DB0] =	vst v2  }
0x1c0: {  	[tilespmem:s9], [sflag:$0x6] =	stream.indirect.gather [spmem:s2], $0x80, s25, s7, $0xb8;
	[tilespmem:$0x1ADC0] =	vst v63  }
0x1c1: {  	_ =	swait.ge [sflag:s26], $0x4000  }
0x1c2: {  	s25 =	sld [smem:$0x7E7]  }
0x1c3: {  	[sflag:s26] =	ssyncset.done $0x0  }
0x1c4: {  	s19 =	sld [smem:$0x7E8];
	[sflag:s26] =	ssyncadd.s32 $0xFFFFC000  }
0x1c5: {  	[hbm4b:s25+s17] =	stream.strided.scatter [tilespmem:s15], [sflag:$0x9], $0x2000, s18, s17, $0x38;
	[tilespmem:$0x1ADC0] =	vst v63  }
0x1c6: {  	s25 =	simm.s32 $0xCDC0  }
0x1c7: {  	[hbm4b:s19+s17] =	stream.strided.scatter [tilespmem:s25], [sflag:$0x9], $0x2000, s18, s17, $0x38;
	[tilespmem:$0x1ADC0] =	vst v63  }
0x1c8: {  	_ =	swait.ge [sflag:s29], $0x2000  }
0x1c9: {  	[sflag:s29] =	ssyncset.done $0x0  }
0x1ca: {  	[sflag:s29] =	ssyncadd.s32 $0xFFFFE000  }
0x1cb: {  	_ =	swait.ge [sflag:s29], $0x2000  }
0x1cc: {  	[sflag:s29] =	ssyncset.done $0x0  }
0x1cd: {  	[sflag:s29] =	ssyncadd.s32 $0xFFFFE000  }
0x1ce: {  	v1 =	vld [tilespmem:$0x27C0]  }
0x1cf: {  	v2 =	vld [tilespmem:$0x29C0]  }
0x1d0: {  	v3 =	vld [tilespmem:$0x25C0]  }
0x1d1: {  	v28 =	vld [tilespmem:$0x27D0]  }
0x1d2: {  	v29 =	vld [tilespmem:$0x29D0]  }
0x1d3: {  	v30 =	vld [tilespmem:$0x25D0]  }
0x1d4: {  	v31 =	vld [tilespmem:$0x27E0]  }
0x1d5: {  	v32 =	vld [tilespmem:$0x29E0]  }
0x1d6: {  	v33 =	vld [tilespmem:$0x25E0]  }
0x1d7: {  	v34 =	vld [tilespmem:$0x27F0];
	v3 =	vshll.u32 v3, $0x8  }
0x1d8: {  	v35 =	vld [tilespmem:$0x25F0];
	vm12 =	vlt.s32 v2, v1;
	v1 =	vadd.s32 v1, v3  }
0x1d9: {  	v36 =	vld [tilespmem:$0x29F0];
	v2 =	vadd.s32 v2, v3;
	v3 =	vshll.u32 v30, $0x8;
	v1 =	vsel vm12, $0x400, v1  }
0x1da: {  	vm13 =	vlt.s32 v29, v28;
	v2 =	vsel vm12, $0x400, v2;
	[tilespmem:$0x2AC0] =	vst v1;
	v1 =	vadd.s32 v28, v3  }
0x1db: {  	[tilespmem:$0x2B00] =	vst v2;
	v2 =	vadd.s32 v29, v3;
	v3 =	vshll.u32 v33, $0x8;
	v1 =	vsel vm13, $0x400, v1  }
0x1dc: {  	vm14 =	vlt.s32 v32, v31;
	v2 =	vsel vm13, $0x400, v2;
	[tilespmem:$0x2AD0] =	vst v1;
	v1 =	vadd.s32 v31, v3  }
0x1dd: {  	[tilespmem:$0x2B10] =	vst v2;
	v2 =	vadd.s32 v32, v3;
	v3 =	vshll.u32 v35, $0x8;
	v1 =	vsel vm14, $0x400, v1  }
0x1de: {  	vm15 =	vlt.s32 v36, v34;
	v2 =	vsel vm14, $0x400, v2;
	[tilespmem:$0x2AE0] =	vst v1;
	v1 =	vadd.s32 v34, v3  }
0x1df: {  	[tilespmem:$0x2B20] =	vst v2;
	v2 =	vadd.s32 v36, v3;
	v1 =	vsel vm15, $0x400, v1  }
0x1e0: {  	v2 =	vsel vm15, $0x400, v2;
	[tilespmem:$0x2AF0] =	vst v1  }
0x1e1: {  	s19 =	simm.s32 $0x2AC0;
	[tilespmem:$0x2B30] =	vst v2  }
0x1e2: {  	[tilespmem:s11], [sflag:$0x1] =	stream.indirect.gather [spmem:s2], $0x80, s19, s7, $0xb8;
	[tilespmem:$0x1ADC0] =	vst v63  }
0x1e3: {  	_ =	swait.ge [sflag:s30], $0x4000  }
0x1e4: {  	s14 =	sld [smem:$0x7E9]  }
0x1e5: {  	[sflag:s30] =	ssyncset.done $0x0  }
0x1e6: {  	s19 =	sld [smem:$0x7EA];
	[sflag:s30] =	ssyncadd.s32 $0xFFFFC000  }
0x1e7: {  	[hbm4b:s14+s17] =	stream.strided.scatter [tilespmem:s0], [sflag:$0xA], $0x2000, s18, s17, $0x38;
	[tilespmem:$0x1ADC0] =	vst v63  }
0x1e8: {  	_ = 	snop  }
0x1e9: {  	[hbm4b:s19+s17] =	stream.strided.scatter [tilespmem:s31], [sflag:$0xA], $0x2000, s18, s17, $0x38;
	[tilespmem:$0x1ADC0] =	vst v63  }
0x1ea: {  	_ =	swait.ge [sflag:s1], $0x2000  }
0x1eb: {  	[sflag:s1] =	ssyncset.done $0x0  }
0x1ec: {  	[sflag:s1] =	ssyncadd.s32 $0xFFFFE000  }
0x1ed: {  	_ =	swait.ge [sflag:s1], $0x2000  }
0x1ee: {  	[sflag:s1] =	ssyncset.done $0x0  }
0x1ef: {  	[sflag:s1] =	ssyncadd.s32 $0xFFFFE000  }
0x1f0: {  	v1 =	vld [tilespmem:$0x2800]  }
0x1f1: {  	v2 =	vld [tilespmem:$0x2A00]  }
0x1f2: {  	v3 =	vld [tilespmem:$0x2600]  }
0x1f3: {  	v37 =	vld [tilespmem:$0x2810]  }
0x1f4: {  	v38 =	vld [tilespmem:$0x2A10]  }
0x1f5: {  	v39 =	vld [tilespmem:$0x2610]  }
0x1f6: {  	v40 =	vld [tilespmem:$0x2820]  }
0x1f7: {  	v41 =	vld [tilespmem:$0x2A20]  }
0x1f8: {  	v42 =	vld [tilespmem:$0x2620]  }
0x1f9: {  	v43 =	vld [tilespmem:$0x2830];
	v3 =	vshll.u32 v3, $0x8  }
0x1fa: {  	v44 =	vld [tilespmem:$0x2630];
	vm4 =	vlt.s32 v2, v1;
	v1 =	vadd.s32 v1, v3  }
0x1fb: {  	v45 =	vld [tilespmem:$0x2A30];
	v2 =	vadd.s32 v2, v3;
	v3 =	vshll.u32 v39, $0x8;
	v1 =	vsel vm4, $0x400, v1  }
0x1fc: {  	vm5 =	vlt.s32 v38, v37;
	v2 =	vsel vm4, $0x400, v2;
	[tilespmem:$0x2B40] =	vst v1;
	v1 =	vadd.s32 v37, v3  }
0x1fd: {  	[tilespmem:$0x2B80] =	vst v2;
	v2 =	vadd.s32 v38, v3;
	v3 =	vshll.u32 v42, $0x8;
	v1 =	vsel vm5, $0x400, v1  }
0x1fe: {  	vm6 =	vlt.s32 v41, v40;
	v2 =	vsel vm5, $0x400, v2;
	[tilespmem:$0x2B50] =	vst v1;
	v1 =	vadd.s32 v40, v3  }
0x1ff: {  	[tilespmem:$0x2B90] =	vst v2;
	v2 =	vadd.s32 v41, v3;
	v3 =	vshll.u32 v44, $0x8;
	v1 =	vsel vm6, $0x400, v1  }
0x200: {  	vm7 =	vlt.s32 v45, v43;
	v2 =	vsel vm6, $0x400, v2;
	[tilespmem:$0x2B60] =	vst v1;
	v1 =	vadd.s32 v43, v3  }
0x201: {  	[tilespmem:$0x2BA0] =	vst v2;
	v2 =	vadd.s32 v45, v3;
	v1 =	vsel vm7, $0x400, v1  }
0x202: {  	v2 =	vsel vm7, $0x400, v2;
	[tilespmem:$0x2B70] =	vst v1  }
0x203: {  	s19 =	simm.s32 $0x2B40;
	[tilespmem:$0x2BB0] =	vst v2  }
0x204: {  	[tilespmem:s13], [sflag:$0x2] =	stream.indirect.gather [spmem:s2], $0x80, s19, s7, $0xb8;
	[tilespmem:$0x1ADC0] =	vst v63  }
0x205: {  	_ =	swait.ge [sflag:s16], $0x4000  }
0x206: {  	s19 =	sld [smem:$0x7EB]  }
0x207: {  	[sflag:s16] =	ssyncset.done $0x0  }
0x208: {  	[sflag:s16] =	ssyncadd.s32 $0xFFFFC000;
	s16 =	sld [smem:$0x7EC]  }
0x209: {  	[hbm4b:s19+s17] =	stream.strided.scatter [tilespmem:s5], [sflag:$0xB], $0x2000, s18, s17, $0x38;
	[tilespmem:$0x1ADC0] =	vst v63  }
0x20a: {  	_ = 	snop  }
0x20b: {  	[hbm4b:s16+s17] =	stream.strided.scatter [tilespmem:s23], [sflag:$0xB], $0x2000, s18, s17, $0x38;
	[tilespmem:$0x1ADC0] =	vst v63  }
0x20c: {  	_ =	swait.ge [sflag:s24], $0x2000  }
0x20d: {  	[sflag:s24] =	ssyncset.done $0x0  }
0x20e: {  	[sflag:s24] =	ssyncadd.s32 $0xFFFFE000  }
0x20f: {  	_ =	swait.ge [sflag:s24], $0x2000  }
0x210: {  	[sflag:s24] =	ssyncset.done $0x0  }
0x211: {  	[sflag:s24] =	ssyncadd.s32 $0xFFFFE000  }
0x212: {  	v1 =	vld [tilespmem:$0x2840]  }
0x213: {  	v2 =	vld [tilespmem:$0x2A40]  }
0x214: {  	v3 =	vld [tilespmem:$0x2640]  }
0x215: {  	v46 =	vld [tilespmem:$0x2850]  }
0x216: {  	v47 =	vld [tilespmem:$0x2A50]  }
0x217: {  	v48 =	vld [tilespmem:$0x2650]  }
0x218: {  	v49 =	vld [tilespmem:$0x2860]  }
0x219: {  	v50 =	vld [tilespmem:$0x2A60]  }
0x21a: {  	v51 =	vld [tilespmem:$0x2660]  }
0x21b: {  	v52 =	vld [tilespmem:$0x2870];
	v3 =	vshll.u32 v3, $0x8  }
0x21c: {  	v53 =	vld [tilespmem:$0x2670];
	vm8 =	vlt.s32 v2, v1;
	v1 =	vadd.s32 v1, v3  }
0x21d: {  	v54 =	vld [tilespmem:$0x2A70];
	v2 =	vadd.s32 v2, v3;
	v3 =	vshll.u32 v48, $0x8;
	v1 =	vsel vm8, $0x400, v1  }
0x21e: {  	vm9 =	vlt.s32 v47, v46;
	v2 =	vsel vm8, $0x400, v2;
	[tilespmem:$0x2BC0] =	vst v1;
	v1 =	vadd.s32 v46, v3  }
0x21f: {  	[tilespmem:$0x2C00] =	vst v2;
	v2 =	vadd.s32 v47, v3;
	v3 =	vshll.u32 v51, $0x8;
	v1 =	vsel vm9, $0x400, v1  }
0x220: {  	vm10 =	vlt.s32 v50, v49;
	v2 =	vsel vm9, $0x400, v2;
	[tilespmem:$0x2BD0] =	vst v1;
	v1 =	vadd.s32 v49, v3  }
0x221: {  	[tilespmem:$0x2C10] =	vst v2;
	v2 =	vadd.s32 v50, v3;
	v3 =	vshll.u32 v53, $0x8;
	v1 =	vsel vm10, $0x400, v1  }
0x222: {  	vm11 =	vlt.s32 v54, v52;
	v2 =	vsel vm10, $0x400, v2;
	[tilespmem:$0x2BE0] =	vst v1;
	v1 =	vadd.s32 v52, v3  }
0x223: {  	[tilespmem:$0x2C20] =	vst v2;
	v2 =	vadd.s32 v54, v3;
	v1 =	vsel vm11, $0x400, v1  }
0x224: {  	v2 =	vsel vm11, $0x400, v2;
	[tilespmem:$0x2BF0] =	vst v1  }
0x225: {  	s23 =	simm.s32 $0x2BC0;
	[tilespmem:$0x2C30] =	vst v2  }
0x226: {  	[tilespmem:s15], [sflag:$0x3] =	stream.indirect.gather [spmem:s2], $0x80, s23, s7, $0xb8;
	[tilespmem:$0x1ADC0] =	vst v63  }
0x227: {  	_ =	swait.ge [sflag:s21], $0x4000  }
0x228: {  	s5 =	sld [smem:$0x7ED]  }
0x229: {  	[sflag:s21] =	ssyncset.done $0x0  }
0x22a: {  	s16 =	sld [smem:$0x7EE];
	[sflag:s21] =	ssyncadd.s32 $0xFFFFC000  }
0x22b: {  	[hbm4b:s5+s17] =	stream.strided.scatter [tilespmem:s9], [sflag:$0xC], $0x2000, s18, s17, $0x38;
	[tilespmem:$0x1ADC0] =	vst v63  }
0x22c: {  	_ = 	snop  }
0x22d: {  	[hbm4b:s16+s17] =	stream.strided.scatter [tilespmem:s28], [sflag:$0xC], $0x2000, s18, s17, $0x38;
	[tilespmem:$0x1ADC0] =	vst v63  }
0x22e: {  	_ =	swait.ge [sflag:s8], $0x2000  }
0x22f: {  	[sflag:s8] =	ssyncset.done $0x0  }
0x230: {  	[sflag:s8] =	ssyncadd.s32 $0xFFFFE000  }
0x231: {  	_ =	swait.ge [sflag:s8], $0x2000  }
0x232: {  	[sflag:s8] =	ssyncset.done $0x0  }
0x233: {  	[sflag:s8] =	ssyncadd.s32 $0xFFFFE000  }
0x234: {  	v1 =	vld [tilespmem:$0x2880]  }
0x235: {  	v2 =	vld [tilespmem:$0x2A80]  }
0x236: {  	v3 =	vld [tilespmem:$0x2680]  }
0x237: {  	v55 =	vld [tilespmem:$0x2890]  }
0x238: {  	v56 =	vld [tilespmem:$0x2A90]  }
0x239: {  	v57 =	vld [tilespmem:$0x2690]  }
0x23a: {  	v58 =	vld [tilespmem:$0x28A0]  }
0x23b: {  	v59 =	vld [tilespmem:$0x2AA0]  }
0x23c: {  	v60 =	vld [tilespmem:$0x26A0]  }
0x23d: {  	v61 =	vld [tilespmem:$0x28B0];
	v3 =	vshll.u32 v3, $0x8  }
0x23e: {  	v62 =	vld [tilespmem:$0x26B0];
	vm12 =	vlt.s32 v2, v1;
	v1 =	vadd.s32 v1, v3  }
0x23f: {  	v63 =	vld [tilespmem:$0x2AB0];
	v2 =	vadd.s32 v2, v3;
	v3 =	vshll.u32 v57, $0x8;
	v1 =	vsel vm12, $0x400, v1  }
0x240: {  	vm13 =	vlt.s32 v56, v55;
	[tilespmem:$0x2C40] =	vst v1;
	v1 =	vsel vm12, $0x400, v2;
	v2 =	vadd.s32 v55, v3  }
0x241: {  	[tilespmem:$0x2C80] =	vst v1;
	v1 =	vadd.s32 v56, v3;
	v2 =	vsel vm13, $0x400, v2;
	v3 =	vshll.u32 v60, $0x8  }
0x242: {  	vm14 =	vlt.s32 v59, v58;
	[tilespmem:$0x2C50] =	vst v2;
	v1 =	vsel vm13, $0x400, v1;
	v2 =	vadd.s32 v58, v3  }
0x243: {  	[tilespmem:$0x2C90] =	vst v1;
	v1 =	vadd.s32 v59, v3;
	v2 =	vsel vm14, $0x400, v2;
	v3 =	vshll.u32 v62, $0x8  }
0x244: {  	vm15 =	vlt.s32 v63, v61;
	[tilespmem:$0x2C60] =	vst v2;
	v1 =	vsel vm14, $0x400, v1;
	v2 =	vadd.s32 v61, v3  }
0x245: {  	[tilespmem:$0x2CA0] =	vst v1;
	v1 =	vsel vm15, $0x400, v2;
	v2 =	vadd.s32 v63, v3  }
0x246: {  	v2 =	vsel vm15, $0x400, v2;
	[tilespmem:$0x2C70] =	vst v1  }
0x247: {  	s19 =	simm.s32 $0x2C40;
	[tilespmem:$0x2CB0] =	vst v2  }
0x248: {  	[tilespmem:s0], [sflag:$0x4] =	stream.indirect.gather [spmem:s2], $0x80, s19, s7, $0xb8;
	[tilespmem:$0x1ADC0] =	vst v63  }
0x249: {  	_ =	swait.ge [sflag:s20], $0x4000  }
0x24a: {  	s21 =	sld [smem:$0x7EF]  }
0x24b: {  	[sflag:s20] =	ssyncset.done $0x0  }
0x24c: {  	s23 =	sld [smem:$0x7F0];
	[sflag:s20] =	ssyncadd.s32 $0xFFFFC000  }
0x24d: {  	[hbm4b:s21+s17] =	stream.strided.scatter [tilespmem:s11], [sflag:$0x7], $0x2000, s18, s17, $0x38;
	[tilespmem:$0x1ADC0] =	vst v63  }
0x24e: {  	s28 =	simm.s32 $0x4DC0  }
0x24f: {  	[hbm4b:s23+s17] =	stream.strided.scatter [tilespmem:s28], [sflag:$0x7], $0x2000, s18, s17, $0x38;
	[tilespmem:$0x1ADC0] =	vst v63  }
0x250: {  	_ =	swait.ge [sflag:s22], $0x4000  }
0x251: {  	s9 =	sld [smem:$0x7F1]  }
0x252: {  	[sflag:s22] =	ssyncset.done $0x0  }
0x253: {  	s16 =	sld [smem:$0x7F2];
	[sflag:s22] =	ssyncadd.s32 $0xFFFFC000  }
0x254: {  	[hbm4b:s9+s17] =	stream.strided.scatter [tilespmem:s13], [sflag:$0x8], $0x2000, s18, s17, $0x38;
	[tilespmem:$0x1ADC0] =	vst v63  }
0x255: {  	s3 =	simm.s32 $0x8DC0  }
0x256: {  	[hbm4b:s16+s17] =	stream.strided.scatter [tilespmem:s3], [sflag:$0x8], $0x2000, s18, s17, $0x38;
	[tilespmem:$0x1ADC0] =	vst v63  }
0x257: {  	_ =	swait.ge [sflag:s26], $0x4000  }
0x258: {  	s21 =	sld [smem:$0x7F3]  }
0x259: {  	[sflag:s26] =	ssyncset.done $0x0  }
0x25a: {  	s23 =	sld [smem:$0x7F4];
	[sflag:s26] =	ssyncadd.s32 $0xFFFFC000  }
0x25b: {  	[hbm4b:s21+s17] =	stream.strided.scatter [tilespmem:s15], [sflag:$0x9], $0x2000, s18, s17, $0x38;
	[tilespmem:$0x1ADC0] =	vst v63  }
0x25c: {  	_ = 	snop  }
0x25d: {  	[hbm4b:s23+s17] =	stream.strided.scatter [tilespmem:s25], [sflag:$0x9], $0x2000, s18, s17, $0x38;
	[tilespmem:$0x1ADC0] =	vst v63  }
0x25e: {  	_ =	swait.ge [sflag:s30], $0x4000  }
0x25f: {  	s25 =	sld [smem:$0x7F5]  }
0x260: {  	[sflag:s30] =	ssyncset.done $0x0  }
0x261: {  	s28 =	sld [smem:$0x7F6];
	[sflag:s30] =	ssyncadd.s32 $0xFFFFC000  }
0x262: {  	[hbm4b:s25+s17] =	stream.strided.scatter [tilespmem:s0], [sflag:$0xA], $0x2000, s18, s17, $0x38;
	[tilespmem:$0x1ADC0] =	vst v63  }
0x263: {  	_ = 	snop  }
0x264: {  	[hbm4b:s28+s17] =	stream.strided.scatter [tilespmem:s31], [sflag:$0xA], $0x2000, s18, s17, $0x38;
	[tilespmem:$0x1ADC0] =	vst v63  }
0x265: {  	_ =	swait.ge [sflag:s10], $0x2000  }
0x266: {  	[sflag:s10] =	ssyncset.done $0x0  }
0x267: {  	[sflag:s10] =	ssyncadd.s32 $0xFFFFE000  }
0x268: {  	_ =	swait.ge [sflag:s10], $0x2000  }
0x269: {  	[sflag:s10] =	ssyncset.done $0x0  }
0x26a: {  	[sflag:s10] =	ssyncadd.s32 $0xFFFFE000  }
0x26b: {  	_ =	swait.ge [sflag:s12], $0x2000  }
0x26c: {  	[sflag:s12] =	ssyncset.done $0x0  }
0x26d: {  	[sflag:s12] =	ssyncadd.s32 $0xFFFFE000  }
0x26e: {  	_ =	swait.ge [sflag:s12], $0x2000  }
0x26f: {  	[sflag:s12] =	ssyncset.done $0x0  }
0x270: {  	[sflag:s12] =	ssyncadd.s32 $0xFFFFE000  }
0x271: {  	_ =	swait.ge [sflag:s29], $0x2000  }
0x272: {  	[sflag:s29] =	ssyncset.done $0x0  }
0x273: {  	[sflag:s29] =	ssyncadd.s32 $0xFFFFE000  }
0x274: {  	_ =	swait.ge [sflag:s29], $0x2000  }
0x275: {  	[sflag:s29] =	ssyncset.done $0x0  }
0x276: {  	[sflag:s29] =	ssyncadd.s32 $0xFFFFE000  }
0x277: {  	_ =	swait.ge [sflag:s1], $0x2000  }
0x278: {  	[sflag:s1] =	ssyncset.done $0x0  }
0x279: {  	[sflag:s1] =	ssyncadd.s32 $0xFFFFE000  }
0x27a: {  	_ =	swait.ge [sflag:s1], $0x2000  }
0x27b: {  	[sflag:s1] =	ssyncset.done $0x0  }
0x27c: {  	[sflag:s1] =	ssyncadd.s32 $0xFFFFE000  }
0x27d: {  	_ =	swait.ge [sflag:s24], $0x2000  }
0x27e: {  	[sflag:s24] =	ssyncset.done $0x0  }
0x27f: {  	[sflag:s24] =	ssyncadd.s32 $0xFFFFE000  }
0x280: {  	_ =	swait.ge [sflag:s24], $0x2000  }
0x281: {  	[sflag:s24] =	ssyncset.done $0x0  }
0x282: {  	[sflag:s24] =	ssyncadd.s32 $0xFFFFE000  }
0x283: {  	p0 =	sne.s32 s4, $0x1;
	_ =	swait.ge [sflag:s8], $0x2000  }
.Ltmp0:
0x284: {  	[sflag:s8] =	ssyncset.done $0x0;
	(pc) =	sbr.rel @p0 .LBB2_1-.Ltmp0, $4  }
0x285: {  	[sflag:s8] =	ssyncadd.s32 $0xFFFFE000  }
0x286: {  	_ =	swait.ge [sflag:s8], $0x2000  }
0x287: {  	[sflag:s8] =	ssyncset.done $0x0  }
0x288: {  	s4 =	sadd.s32 $0xFFFFFFFF, s4;
	[sflag:s8] =	ssyncadd.s32 $0xFFFFE000  }
0x289: {  	_ =	sfence.sel $0x180000  }
0x28a: {  	[bflag:$0x0] =	sbarrier.arrive $0xFFFF  }
0x28b: {  	_ =	strace $0x90000047  }
0x28c: {  	s0 =	stileid.u32;
	[bflag:$0x2] =	sbarrier.arrive $0xFFFF  }
0x28d: {  	p0 =	sne.s32 s0, $0x0;
	s0 =	rddreg [dreg:$0x9]  }
0x28e: {  	s0 =	sadd.s32 @!p0 $0x100000, s0  }
0x28f: {  	[sflag:s0] =	ssyncadd.tile.s32 @!p0 $0x1;
	_ =	shalt  }
.Lfunc_end2:
_tile_overlayer_lowered:
.L_overlay_start_2:
0x290: {  	(tag) =	ssettag $0x2  }
0x291: {  	s0 =	rddreg [dreg:$0x0];
	s2 =	stileid.u32  }
0x292: {  	s1 =	rddreg [dreg:$0x1];
	p0 =	sne.s32 s2, $0x0  }
0x293: {  	s3 =	rddreg [dreg:$0x2];
	[bflag:$0x3] =	sbarrier.arrive $0xFFFF;
	s2 =	simm.s32 @!p0 $0x1C0E  }
0x294: {  	[timem:s3], [sflag:s2] =	dma.local @!p0 [hbm:s0], s1  }
0x295: {  	s0 =	simm.s32 @!p0 $0xE  }
0x296: {  	_ =	swait.ge @!p0 [sflag:s0], s1  }
0x297: {  	s1 =	ssub.s32 @!p0 $0x0, s1;
	[sflag:s0] =	ssyncset.done @!p0 $0x0  }
0x298: {  	[sflag:s0] =	ssyncadd.s32 @!p0 s1  }
0x299: {  	[bflag:$0x3] =	sbarrier.arrive $0xFFFF  }
0x29a: {  	_ =	shalt  }

</sc_bundles>
